<compile_context>
chip_gen: v7x
topology: tpu7x:2x2x1
jax: 0.10.2.dev20260603
libtpu: 0.0.44.dev20260713+nightly
codegen_flags: <defaults>
</compile_context>

<pallas_src>
import functools

import jax
import jax.numpy as jnp
import numpy as np
from jax import lax
from jax.experimental import pallas as pl
from jax.experimental.pallas import tpu as pltpu
from jax.experimental.pallas import tpu_sc as plsc

N = 4096
D_CHL = 64
D_MODEL = 128
D_FFN = 256
N_HEADS = 4
DH = D_MODEL // N_HEADS
M = 16
DIST = 20.0
GRID = 128
PAD = 128
BR = 256
NBLK = N // BR
BIG = 1e9


def _topk_kernel(cr_ref, cc_ref, feat_ref, ci_ref, win_ref, bin_ref,
                 wp1_ref, bp1_ref, wp2_ref, bp2_ref, idx_ref, src_ref):
    @pl.when(pl.program_id(0) == 0)
    def _():
        src = jnp.dot(feat_ref[...], win_ref[...],
                      preferred_element_type=jnp.float32) + bin_ref[...]
        vc = ci_ref[...] * (1.0 / (GRID - 1))
        hh = jnp.maximum(
            jnp.dot(vc, wp1_ref[...], preferred_element_type=jnp.float32)
            + bp1_ref[...], 0.0)
        pe = jnp.dot(hh, wp2_ref[...],
                     preferred_element_type=jnp.float32) + bp2_ref[...]
        src_ref[0:N, :] = src + pe
        src_ref[N:N + PAD, :] = jnp.zeros((PAD, D_MODEL), jnp.float32)

    xr = cr_ref[:, 0:1]
    yr = cr_ref[:, 1:2]
    zr = cr_ref[:, 2:3]
    xc = cc_ref[0:1, :]
    yc = cc_ref[1:2, :]
    zc = cc_ref[2:3, :]
    manh = jnp.abs(xr - xc) + jnp.abs(yr - yc) + jnp.abs(zr - zc)
    col = lax.broadcasted_iota(jnp.int32, (BR, N), 1).astype(jnp.float32)
    key = jnp.where(manh <= DIST, manh * 4096.0 + col, BIG)
    p = jnp.minimum(key[:, :N // 2], key[:, N // 2:])
    l = jnp.maximum(key[:, :N // 2], key[:, N // 2:])
    cols = []
    for _ in range(M):
        m = jnp.min(p, axis=1, keepdims=True)
        eq = p == m
        p = jnp.where(eq, l, p)
        l = jnp.where(eq, BIG, l)
        mi = m.astype(jnp.int32)
        sel = jnp.where(m < BIG, jnp.bitwise_and(mi, 4095), N)
        cols.append(sel)
    idx_ref[...] = jnp.concatenate(cols, axis=1).T


def _topk(ci_pad, ci_colsT, features, W_in, b_in, Wp1p, bp1, Wp2, bp2):
    full = lambda r, c: pl.BlockSpec((r, c), lambda i: (0, 0))
    return pl.pallas_call(
        _topk_kernel,
        grid=(NBLK,),
        in_specs=[
            pl.BlockSpec((BR, 8), lambda i: (i, 0)),
            pl.BlockSpec((8, N), lambda i: (0, 0)),
            full(N, D_CHL), full(N, 8),
            full(D_CHL, D_MODEL), full(1, D_MODEL),
            full(8, D_MODEL // 2), full(1, D_MODEL // 2),
            full(D_MODEL // 2, D_MODEL), full(1, D_MODEL),
        ],
        out_specs=[
            pl.BlockSpec((M, BR), lambda i: (0, i)),
            pl.BlockSpec((N + PAD, D_MODEL), lambda i: (0, 0)),
        ],
        out_shape=[
            jax.ShapeDtypeStruct((M, N), jnp.int32),
            jax.ShapeDtypeStruct((N + PAD, D_MODEL), jnp.float32),
        ],
        compiler_params=pltpu.CompilerParams(
            dimension_semantics=("arbitrary",)),
    )(ci_pad, ci_colsT, features, ci_pad, W_in, b_in, Wp1p, bp1, Wp2, bp2)


_NW = 32
_B_TOT = N * M
_B_PER_W = _B_TOT // _NW
_CHUNK = 64
_N_CHUNKS = _B_PER_W // _CHUNK


_NBUF = 4


def _gather(table, idx2d):
    mesh = plsc.VectorSubcoreMesh(core_axis_name="c", subcore_axis_name="s")

    @functools.partial(
        pl.kernel,
        mesh=mesh,
        out_type=jax.ShapeDtypeStruct((_B_TOT, D_MODEL), jnp.float32),
        scratch_types=[
            pltpu.VMEM((_N_CHUNKS, _CHUNK), jnp.int32),
            pltpu.VMEM((2 * _NBUF, _CHUNK, D_MODEL), jnp.float32),
            pltpu.VMEM_SHARED((N + PAD, D_MODEL), jnp.float32),
            pltpu.SemaphoreType.DMA,
            pltpu.SemaphoreType.DMA,
        ],
    )
    def gk(table_hbm, idx_hbm, out_hbm, idx_v, rb, shared, gsem, ssem):
        cid = lax.axis_index("c")
        sid = lax.axis_index("s")
        wid = sid * 2 + cid
        base = wid * _B_PER_W
        rows_per_sub = (N + PAD) // 16
        pltpu.sync_copy(table_hbm.at[pl.ds(sid * rows_per_sub, rows_per_sub)],
                        shared.at[pl.ds(sid * rows_per_sub, rows_per_sub)])
        pltpu.sync_copy(idx_hbm.at[pl.ds(wid * _N_CHUNKS, _N_CHUNKS)], idx_v)
        plsc.subcore_barrier()
        pending = {0: [], 1: []}
        for g in range(_N_CHUNKS // _NBUF):
            s = g % 2
            for st in pending[s]:
                st.wait()
            gets = []
            for t in range(_NBUF):
                gets.append(pltpu.async_copy(
                    shared.at[idx_v.at[g * _NBUF + t]],
                    rb.at[s * _NBUF + t], gsem))
            pending[s] = []
            for t in range(_NBUF):
                gets[t].wait()
                off = base + (g * _NBUF + t) * _CHUNK
                pending[s].append(pltpu.async_copy(
                    rb.at[s * _NBUF + t], out_hbm.at[pl.ds(off, _CHUNK)],
                    ssem))
        for s in (0, 1):
            for st in pending[s]:
                st.wait()

    return gk(table, idx2d)


def _ln(x, g, b):
    mu = jnp.mean(x, axis=-1, keepdims=True)
    var = jnp.mean((x - mu) * (x - mu), axis=-1, keepdims=True)
    return (x - mu) * jax.lax.rsqrt(var + 1e-5) * g + b


BA = 512
NBLK_A = N // BA


def _attn_kernel(nf_ref, src_ref, feat_ref, wq_ref, bq_ref, wk_ref, bk_ref,
                 wv_ref, bv_ref, wo_ref, bo_ref, g1_ref, b1_ref, wl1_ref,
                 bl1_ref, wl2_ref, bl2_ref, g3_ref, b3_ref, wf_ref, bf_ref,
                 gbn_ref, bbn_ref, out_ref):
    nfj = [nf_ref[j] for j in range(M)]
    nfall = jnp.concatenate(nfj, axis=0)
    q = jnp.dot(nfj[0], wq_ref[...],
                preferred_element_type=jnp.float32) + bq_ref[...]
    kk2 = (jnp.dot(nfall, wk_ref[...], preferred_element_type=jnp.float32)
           + bk_ref[...])
    vv2 = (jnp.dot(nfall, wv_ref[...], preferred_element_type=jnp.float32)
           + bv_ref[...])
    scale = 1.0 / np.sqrt(D_MODEL)
    qs = q * scale
    qtiles = [jnp.concatenate([qs[:, h * DH:(h + 1) * DH]] * 4, axis=1)
              for h in range(N_HEADS)]
    p = jnp.concatenate(
        [kk2[j * BA:(j + 1) * BA, :] * qtiles[j // 4] for j in range(M)],
        axis=0)
    ri = lax.broadcasted_iota(jnp.int32, (D_MODEL, D_MODEL), 0)
    cj = lax.broadcasted_iota(jnp.int32, (D_MODEL, D_MODEL), 1)
    eb = (jnp.right_shift(ri, 5) == jnp.right_shift(cj, 5)).astype(jnp.float32)
    lb = jnp.dot(p, eb, preferred_element_type=jnp.float32)
    lbj = [lb[j * BA:(j + 1) * BA, :] for j in range(M)]
    c4 = lambda x: jnp.concatenate([x] * 4, axis=1)
    sum4 = lambda x: (x[:, 0:DH] + x[:, DH:2 * DH]
                      + x[:, 2 * DH:3 * DH] + x[:, 3 * DH:4 * DH])
    hos = []
    for h in range(N_HEADS):
        l4 = lbj[4 * h:4 * h + 4]
        mp = jnp.maximum(jnp.maximum(l4[0], l4[1]),
                         jnp.maximum(l4[2], l4[3]))
        m32 = jnp.maximum(jnp.maximum(mp[:, 0:DH], mp[:, DH:2 * DH]),
                          jnp.maximum(mp[:, 2 * DH:3 * DH],
                                      mp[:, 3 * DH:4 * DH]))
        mfull = c4(m32)
        e4 = [jnp.exp(x - mfull) for x in l4]
        sp = (e4[0] + e4[1]) + (e4[2] + e4[3])
        rinv = c4(1.0 / sum4(sp))
        cs = None
        for a in range(4):
            t = (e4[a] * rinv) * vv2[(4 * h + a) * BA:(4 * h + a + 1) * BA, :]
            cs = t if cs is None else cs + t
        hos.append(sum4(cs))
    ho = jnp.concatenate(hos, axis=1)
    out = jnp.dot(ho, wo_ref[...],
                  preferred_element_type=jnp.float32) + bo_ref[...]
    tgt = _ln(src_ref[...] + out, g1_ref[...], b1_ref[...])
    t2 = jnp.dot(
        jnp.maximum(jnp.dot(tgt, wl1_ref[...],
                            preferred_element_type=jnp.float32)
                    + bl1_ref[...], 0.0),
        wl2_ref[...], preferred_element_type=jnp.float32) + bl2_ref[...]
    tgt = _ln(tgt + t2, g3_ref[...], b3_ref[...])
    fused = (jnp.dot(feat_ref[...], wf_ref[0:D_CHL, :],
                     preferred_element_type=jnp.float32)
             + jnp.dot(tgt, wf_ref[D_CHL:D_CHL + D_MODEL, :],
                       preferred_element_type=jnp.float32)
             + bf_ref[...])
    i = pl.program_id(0)
    out_ref[pl.ds(i * BA, BA), :] = fused
    @pl.when(i == NBLK_A - 1)
    def _():
        f = out_ref[...]
        mu = jnp.mean(f, axis=0, keepdims=True)
        var = jnp.mean((f - mu) * (f - mu), axis=0, keepdims=True)
        y = (f - mu) * jax.lax.rsqrt(var + 1e-5) * gbn_ref[...] + bbn_ref[...]
        out_ref[...] = jnp.maximum(y, 0.0)


def _attn(nf3, src_pad, features, Wq, bq, Wk, bk, Wv, bv, Wo, bo, g1, b1,
          Wl1, bl1, Wl2, bl2, g3, b3, Wf, bf, gbn, bbn):
    full = lambda r, c: pl.BlockSpec((r, c), lambda i: (0, 0))
    return pl.pallas_call(
        _attn_kernel,
        grid=(NBLK_A,),
        in_specs=[
            pl.BlockSpec((M, BA, D_MODEL), lambda i: (0, i, 0)),
            pl.BlockSpec((BA, D_MODEL), lambda i: (i, 0)),
            pl.BlockSpec((BA, D_CHL), lambda i: (i, 0)),
            full(D_MODEL, D_MODEL), full(1, D_MODEL),
            full(D_MODEL, D_MODEL), full(1, D_MODEL),
            full(D_MODEL, D_MODEL), full(1, D_MODEL),
            full(D_MODEL, D_MODEL), full(1, D_MODEL),
            full(1, D_MODEL), full(1, D_MODEL),
            full(D_MODEL, D_FFN), full(1, D_FFN),
            full(D_FFN, D_MODEL), full(1, D_MODEL),
            full(1, D_MODEL), full(1, D_MODEL),
            full(D_CHL + D_MODEL, D_CHL), full(1, D_CHL),
            full(1, D_CHL), full(1, D_CHL),
        ],
        out_specs=pl.BlockSpec((N, D_CHL), lambda i: (0, 0)),
        out_shape=jax.ShapeDtypeStruct((N, D_CHL), jnp.float32),
        compiler_params=pltpu.CompilerParams(
            dimension_semantics=("arbitrary",)),
    )(nf3, src_pad, features, Wq, bq, Wk, bk, Wv, bv, Wo, bo, g1, b1,
      Wl1, bl1, Wl2, bl2, g3, b3, Wf, bf, gbn, bbn)


def kernel(features, crt_indice, W_in, b_in, Wp1, bp1, Wp2, bp2, Wq, bq,
           Wk, bk, Wv, bv, Wo, bo, ln1_g, ln1_b, Wl1, bl1, Wl2, bl2,
           ln3_g, ln3_b, Wf, bf, bn_g, bn_b):
    ci_f = crt_indice.astype(jnp.float32)
    ci_pad = jnp.pad(ci_f, ((0, 0), (0, 5)))
    ci_colsT = ci_pad.T
    Wp1p = jnp.pad(Wp1, ((0, 5), (0, 0)))

    r1 = lambda x: x.reshape(1, -1)
    idx_t, src_pad = _topk(ci_pad, ci_colsT, features, W_in, r1(b_in),
                           Wp1p, r1(bp1), Wp2, r1(bp2))
    nf_flat = _gather(src_pad,
                      idx_t.reshape(-1, _CHUNK))
    nf3 = nf_flat.reshape(M, N, D_MODEL)
    return _attn(nf3, src_pad, features, Wq, r1(bq), Wk, r1(bk), Wv,
                 r1(bv), Wo, r1(bo), r1(ln1_g), r1(ln1_b), Wl1, r1(bl1),
                 Wl2, r1(bl2), r1(ln3_g), r1(ln3_b), Wf, r1(bf),
                 r1(bn_g), r1(bn_b))

# --- scband reference (transcript-rebuilt; emitter-appended) ---
"""Pipeline reference for scband-cross-scale-trans-49323404427936 (READ-ONLY COPY).

The authoritative reference and input builder live on the scoring server;
editing this copy changes nothing except your own understanding.
"""

import jax, jax.numpy as jnp
import numpy as np

N = 4096
D_CHL = 64
D_MODEL = 128
D_FFN = 256
N_HEADS = 4
M = 16
DIST = 20.0
GRID = 128


def _lin(key, fan_in, fan_out):
    return jax.random.normal(key, (fan_in, fan_out), dtype=jnp.float32) * np.sqrt(2.0 / (fan_in + fan_out))


def setup_inputs(seed: int = 0) -> dict:
    key = jax.random.key(seed)
    k = jax.random.split(key, 16)
    inp = {}
    inp['features'] = jax.random.normal(k[0], (N, D_CHL), dtype=jnp.float32)
    inp['crt_indice'] = jax.random.randint(k[1], (N, 3), 0, GRID)
    inp['W_in'] = _lin(k[2], D_CHL, D_MODEL); inp['b_in'] = jnp.zeros((D_MODEL,), jnp.float32)
    inp['Wp1'] = _lin(k[3], 3, D_MODEL // 2); inp['bp1'] = jnp.zeros((D_MODEL // 2,), jnp.float32)
    inp['Wp2'] = _lin(k[4], D_MODEL // 2, D_MODEL); inp['bp2'] = jnp.zeros((D_MODEL,), jnp.float32)
    inp['Wq'] = _lin(k[5], D_MODEL, D_MODEL); inp['bq'] = jnp.zeros((D_MODEL,), jnp.float32)
    inp['Wk'] = _lin(k[6], D_MODEL, D_MODEL); inp['bk'] = jnp.zeros((D_MODEL,), jnp.float32)
    inp['Wv'] = _lin(k[7], D_MODEL, D_MODEL); inp['bv'] = jnp.zeros((D_MODEL,), jnp.float32)
    inp['Wo'] = _lin(k[8], D_MODEL, D_MODEL); inp['bo'] = jnp.zeros((D_MODEL,), jnp.float32)
    inp['ln1_g'] = jnp.ones((D_MODEL,), jnp.float32); inp['ln1_b'] = jnp.zeros((D_MODEL,), jnp.float32)
    inp['Wl1'] = _lin(k[9], D_MODEL, D_FFN); inp['bl1'] = jnp.zeros((D_FFN,), jnp.float32)
    inp['Wl2'] = _lin(k[10], D_FFN, D_MODEL); inp['bl2'] = jnp.zeros((D_MODEL,), jnp.float32)
    inp['ln3_g'] = jnp.ones((D_MODEL,), jnp.float32); inp['ln3_b'] = jnp.zeros((D_MODEL,), jnp.float32)
    inp['Wf'] = _lin(k[11], D_MODEL + D_CHL, D_CHL); inp['bf'] = jnp.zeros((D_CHL,), jnp.float32)
    inp['bn_g'] = jnp.ones((D_CHL,), jnp.float32); inp['bn_b'] = jnp.zeros((D_CHL,), jnp.float32)
    return inp


def _layernorm(x, g, b):
    mu = x.mean(-1, keepdims=True)
    var = ((x - mu) ** 2).mean(-1, keepdims=True)
    return (x - mu) / jnp.sqrt(var + 1e-5) * g + b


def reference(features, crt_indice, W_in, b_in, Wp1, bp1, Wp2, bp2, Wq, bq, Wk, bk, Wv, bv, Wo, bo, ln1_g, ln1_b, Wl1, bl1, Wl2, bl2, ln3_g, ln3_b, Wf, bf, bn_g, bn_b):
    # input projection + dynamic learnable positional encoding
    src = features @ W_in + b_in
    vc = crt_indice.astype(jnp.float32) / (GRID - 1)
    pe = jax.nn.relu(vc @ Wp1 + bp1) @ Wp2 + bp2
    src = src + pe
    # find_neighboring_voxels: pairwise Manhattan distance + masked top-k (KNN retrieval)
    ci = crt_indice.astype(jnp.float32)
    manh = jnp.abs(ci[:, None, :] - ci[None, :, :]).sum(-1)
    manh = jnp.where(manh <= DIST, manh, jnp.inf)
    vals, idx = jax.lax.top_k(-manh, M)
    valid = vals != -jnp.inf
    safe_idx = jnp.where(valid, idx, 0)
    nf = src[safe_idx] * valid[..., None].astype(src.dtype)  # [N, M, D_MODEL]
    # cross-scale attention (query is the self voxel, keys/values are neighbors)
    dh = D_MODEL // N_HEADS
    q = (nf[:, 0:1, :] @ Wq + bq).reshape(-1, N_HEADS, 1, dh)
    kk = (nf @ Wk + bk).reshape(-1, N_HEADS, M, dh)
    v = (nf @ Wv + bv).reshape(-1, N_HEADS, M, dh)
    att = jnp.matmul(q, jnp.swapaxes(kk, -2, -1)) / (D_MODEL ** 0.5)
    aw = jax.nn.softmax(att, axis=-1)
    ho = jnp.matmul(aw, v).squeeze(2).reshape(-1, D_MODEL)
    out = ho @ Wo + bo
    tgt = _layernorm(src + out, ln1_g, ln1_b)
    # FFN
    tgt2 = jax.nn.relu(tgt @ Wl1 + bl1) @ Wl2 + bl2
    tgt = _layernorm(tgt + tgt2, ln3_g, ln3_b)
    # EnhancedFusion: concat + linear + batchnorm (training-mode batch stats) + relu
    fused = jnp.concatenate([features, tgt], axis=1) @ Wf + bf
    mu = fused.mean(0)
    var = fused.var(0)
    fused = (fused - mu) / jnp.sqrt(var + 1e-5) * bn_g + bn_b
    return jax.nn.relu(fused)

if __name__ == "__main__":
    import jax
    _d = setup_inputs()
    print(jax.jit(kernel)(*tuple(_d.values())))

</pallas_src>

<mosaic_0001>
#map = affine_map<(d0, d1) -> (0, 0)>
module attributes {stable_mosaic.version = 14 : i64} {
  func.func @gk(%arg0: i32, %arg1: i32, %arg2: memref<4224x128xf32, #tpu.memory_space<hbm>>, %arg3: memref<1024x64xi32, #tpu.memory_space<hbm>>, %arg4: memref<65536x128xf32, #tpu.memory_space<hbm>>, %arg5: memref<32x64xi32, #tpu.memory_space<vmem>>, %arg6: memref<8x64x128xf32, #tpu.memory_space<vmem>>, %arg7: memref<4224x128xf32, #tpu.memory_space<vmem_shared>>, %arg8: memref<!tpu.dma_semaphore, #tpu.memory_space<semaphore_mem>>, %arg9: memref<!tpu.dma_semaphore, #tpu.memory_space<semaphore_mem>>) attributes {dimension_semantics = [#tpu.dimension_semantics<core_parallel>, #tpu.dimension_semantics<subcore_parallel>], iteration_bounds = array<i64: 2, 16>, scalar_prefetch = 0 : i64, scratch_operands = 5 : i64, tpu.core_type = #tpu.core_type<sc_vector_subcore>, window_params = [{transform_indices = #map}, {transform_indices = #map}, {transform_indices = #map}]} {
    %mul3A = arith.constant 2 : i32
    %mul3A_0 = arith.muli %arg1, %mul3A : i32
    %add3A = arith.addi %mul3A_0, %arg0 : i32
    %mul3A_1 = arith.constant 2048 : i32
    %mul3A_2 = arith.muli %add3A, %mul3A_1 : i32
    %mul3A_3 = arith.constant 264 : i32
    %mul3A_4 = arith.muli %arg1, %mul3A_3 : i32
    %mul3A_5 = arith.constant 264 : i32
    %mul3A_6 = arith.muli %arg1, %mul3A_5 : i32
    "tpu.region"() ({
      %run_scoped3A = tpu.sem_alloc : memref<!tpu.dma_semaphore, #tpu.memory_space<semaphore_mem>>
      %dma_start3A_1671 = arith.constant 0 : i32
      %dma_start3A_1672 = tpu.memref_slice %arg7[%mul3A_6, %dma_start3A_1671] : memref<4224x128xf32, #tpu.memory_space<vmem_shared>> -> memref<264x128xf32, #tpu.memory_space<vmem_shared>>
      %dma_start3A_1673 = arith.constant 0 : i32
      %dma_start3A_1674 = tpu.memref_slice %arg2[%mul3A_4, %dma_start3A_1673] : memref<4224x128xf32, #tpu.memory_space<hbm>> -> memref<264x128xf32, #tpu.memory_space<hbm>>
      tpu.enqueue_dma source(%dma_start3A_1674 : memref<264x128xf32, #tpu.memory_space<hbm>>) target(%dma_start3A_1672 : memref<264x128xf32, #tpu.memory_space<vmem_shared>>) target_semaphore(%run_scoped3A : memref<!tpu.dma_semaphore, #tpu.memory_space<semaphore_mem>>)
      %dma_wait3A_1675 = arith.constant 0 : i32
      %dma_wait3A_1676 = tpu.memref_slice %arg7[%mul3A_6, %dma_wait3A_1675] : memref<4224x128xf32, #tpu.memory_space<vmem_shared>> -> memref<264x128xf32, #tpu.memory_space<vmem_shared>>
      %dma_wait3A_1677 = arith.constant 0 : i32
      %dma_wait3A_1678 = tpu.memref_slice %arg2[%mul3A_4, %dma_wait3A_1677] : memref<4224x128xf32, #tpu.memory_space<hbm>> -> memref<264x128xf32, #tpu.memory_space<hbm>>
      tpu.wait_dma2 semaphore(%run_scoped3A : memref<!tpu.dma_semaphore, #tpu.memory_space<semaphore_mem>>) src(%dma_wait3A_1678 : memref<264x128xf32, #tpu.memory_space<hbm>>) dst(%dma_wait3A_1676 : memref<264x128xf32, #tpu.memory_space<vmem_shared>>)
      tpu.yield
    }) : () -> ()
    %mul3A_7 = arith.constant 32 : i32
    %mul3A_8 = arith.muli %add3A, %mul3A_7 : i32
    "tpu.region"() ({
      %run_scoped3A = tpu.sem_alloc : memref<!tpu.dma_semaphore, #tpu.memory_space<semaphore_mem>>
      %dma_start3A_1671 = arith.constant 0 : i32
      %dma_start3A_1672 = tpu.memref_slice %arg3[%mul3A_8, %dma_start3A_1671] : memref<1024x64xi32, #tpu.memory_space<hbm>> -> memref<32x64xi32, #tpu.memory_space<hbm>>
      %dma_start3A_1673 = arith.constant 0 : i32
      %dma_start3A_1674 = tpu.memref_slice %arg3[%mul3A_8, %dma_start3A_1673] : memref<1024x64xi32, #tpu.memory_space<hbm>> -> memref<32x64xi32, #tpu.memory_space<hbm>>
      tpu.enqueue_dma source(%dma_start3A_1674 : memref<32x64xi32, #tpu.memory_space<hbm>>) target(%arg5 : memref<32x64xi32, #tpu.memory_space<vmem>>) target_semaphore(%run_scoped3A : memref<!tpu.dma_semaphore, #tpu.memory_space<semaphore_mem>>)
      %dma_wait3A_1675 = arith.constant 0 : i32
      %dma_wait3A_1676 = tpu.memref_slice %arg3[%mul3A_8, %dma_wait3A_1675] : memref<1024x64xi32, #tpu.memory_space<hbm>> -> memref<32x64xi32, #tpu.memory_space<hbm>>
      %dma_wait3A_1677 = arith.constant 0 : i32
      %dma_wait3A_1678 = tpu.memref_slice %arg3[%mul3A_8, %dma_wait3A_1677] : memref<1024x64xi32, #tpu.memory_space<hbm>> -> memref<32x64xi32, #tpu.memory_space<hbm>>
      tpu.wait_dma2 semaphore(%run_scoped3A : memref<!tpu.dma_semaphore, #tpu.memory_space<semaphore_mem>>) src(%dma_wait3A_1678 : memref<32x64xi32, #tpu.memory_space<hbm>>) dst(%arg5 : memref<32x64xi32, #tpu.memory_space<vmem>>)
      tpu.yield
    }) : () -> ()
    %barrier3A = arith.constant 0 : index
    tpu.barrier barrier_id(%barrier3A)
    %dma_start3A = arith.constant 0 : i32
    %dma_start3A_9 = arith.constant 0 : i32
    %dma_start3A_10 = arith.constant 0 : i32
    %dma_start3A_11 = arith.constant 0 : i32
    %dma_start3A_12 = tpu.memref_slice %arg6[%dma_start3A_9, %dma_start3A_10, %dma_start3A_11] : memref<8x64x128xf32, #tpu.memory_space<vmem>> -> memref<1x64x128xf32, #tpu.memory_space<vmem>>
    %dma_start3A_13 = tpu.memref_squeeze %dma_start3A_12 : memref<1x64x128xf32, #tpu.memory_space<vmem>> -> memref<64x128xf32, #tpu.memory_space<vmem>>
    %dma_start3A_14 = arith.constant 0 : i32
    %dma_start3A_15 = tpu.memref_slice %arg5[%dma_start3A, %dma_start3A_14] : memref<32x64xi32, #tpu.memory_space<vmem>> -> memref<1x64xi32, #tpu.memory_space<vmem>>
    %dma_start3A_16 = tpu.memref_squeeze %dma_start3A_15 : memref<1x64xi32, #tpu.memory_space<vmem>> -> memref<64xi32, #tpu.memory_space<vmem>>
    %dma_start3A_17 = arith.constant 0 : i32
    %dma_start3A_18 = arith.constant 0 : i32
    %dma_start3A_19 = tpu.memref_slice %arg7[%dma_start3A_17, %dma_start3A_18] : memref<4224x128xf32, #tpu.memory_space<vmem_shared>> -> memref<4224x128xf32, #tpu.memory_space<vmem_shared>>
    tpu.enqueue_indirect_dma source(%dma_start3A_19 : memref<4224x128xf32, #tpu.memory_space<vmem_shared>>) target(%dma_start3A_13 : memref<64x128xf32, #tpu.memory_space<vmem>>) offsets(%dma_start3A_16 : memref<64xi32, #tpu.memory_space<vmem>>) semaphore(%arg8 : memref<!tpu.dma_semaphore, #tpu.memory_space<semaphore_mem>>)
    %dma_start3A_20 = arith.constant 1 : i32
    %dma_start3A_21 = arith.constant 1 : i32
    %dma_start3A_22 = arith.constant 0 : i32
    %dma_start3A_23 = arith.constant 0 : i32
    %dma_start3A_24 = tpu.memref_slice %arg6[%dma_start3A_21, %dma_start3A_22, %dma_start3A_23] : memref<8x64x128xf32, #tpu.memory_space<vmem>> -> memref<1x64x128xf32, #tpu.memory_space<vmem>>
    %dma_start3A_25 = tpu.memref_squeeze %dma_start3A_24 : memref<1x64x128xf32, #tpu.memory_space<vmem>> -> memref<64x128xf32, #tpu.memory_space<vmem>>
    %dma_start3A_26 = arith.constant 0 : i32
    %dma_start3A_27 = tpu.memref_slice %arg5[%dma_start3A_20, %dma_start3A_26] : memref<32x64xi32, #tpu.memory_space<vmem>> -> memref<1x64xi32, #tpu.memory_space<vmem>>
    %dma_start3A_28 = tpu.memref_squeeze %dma_start3A_27 : memref<1x64xi32, #tpu.memory_space<vmem>> -> memref<64xi32, #tpu.memory_space<vmem>>
    %dma_start3A_29 = arith.constant 0 : i32
    %dma_start3A_30 = arith.constant 0 : i32
    %dma_start3A_31 = tpu.memref_slice %arg7[%dma_start3A_29, %dma_start3A_30] : memref<4224x128xf32, #tpu.memory_space<vmem_shared>> -> memref<4224x128xf32, #tpu.memory_space<vmem_shared>>
    tpu.enqueue_indirect_dma source(%dma_start3A_31 : memref<4224x128xf32, #tpu.memory_space<vmem_shared>>) target(%dma_start3A_25 : memref<64x128xf32, #tpu.memory_space<vmem>>) offsets(%dma_start3A_28 : memref<64xi32, #tpu.memory_space<vmem>>) semaphore(%arg8 : memref<!tpu.dma_semaphore, #tpu.memory_space<semaphore_mem>>)
    %dma_start3A_32 = arith.constant 2 : i32
    %dma_start3A_33 = arith.constant 2 : i32
    %dma_start3A_34 = arith.constant 0 : i32
    %dma_start3A_35 = arith.constant 0 : i32
    %dma_start3A_36 = tpu.memref_slice %arg6[%dma_start3A_33, %dma_start3A_34, %dma_start3A_35] : memref<8x64x128xf32, #tpu.memory_space<vmem>> -> memref<1x64x128xf32, #tpu.memory_space<vmem>>
    %dma_start3A_37 = tpu.memref_squeeze %dma_start3A_36 : memref<1x64x128xf32, #tpu.memory_space<vmem>> -> memref<64x128xf32, #tpu.memory_space<vmem>>
    %dma_start3A_38 = arith.constant 0 : i32
    %dma_start3A_39 = tpu.memref_slice %arg5[%dma_start3A_32, %dma_start3A_38] : memref<32x64xi32, #tpu.memory_space<vmem>> -> memref<1x64xi32, #tpu.memory_space<vmem>>
    %dma_start3A_40 = tpu.memref_squeeze %dma_start3A_39 : memref<1x64xi32, #tpu.memory_space<vmem>> -> memref<64xi32, #tpu.memory_space<vmem>>
    %dma_start3A_41 = arith.constant 0 : i32
    %dma_start3A_42 = arith.constant 0 : i32
    %dma_start3A_43 = tpu.memref_slice %arg7[%dma_start3A_41, %dma_start3A_42] : memref<4224x128xf32, #tpu.memory_space<vmem_shared>> -> memref<4224x128xf32, #tpu.memory_space<vmem_shared>>
    tpu.enqueue_indirect_dma source(%dma_start3A_43 : memref<4224x128xf32, #tpu.memory_space<vmem_shared>>) target(%dma_start3A_37 : memref<64x128xf32, #tpu.memory_space<vmem>>) offsets(%dma_start3A_40 : memref<64xi32, #tpu.memory_space<vmem>>) semaphore(%arg8 : memref<!tpu.dma_semaphore, #tpu.memory_space<semaphore_mem>>)
    %dma_start3A_44 = arith.constant 3 : i32
    %dma_start3A_45 = arith.constant 3 : i32
    %dma_start3A_46 = arith.constant 0 : i32
    %dma_start3A_47 = arith.constant 0 : i32
    %dma_start3A_48 = tpu.memref_slice %arg6[%dma_start3A_45, %dma_start3A_46, %dma_start3A_47] : memref<8x64x128xf32, #tpu.memory_space<vmem>> -> memref<1x64x128xf32, #tpu.memory_space<vmem>>
    %dma_start3A_49 = tpu.memref_squeeze %dma_start3A_48 : memref<1x64x128xf32, #tpu.memory_space<vmem>> -> memref<64x128xf32, #tpu.memory_space<vmem>>
    %dma_start3A_50 = arith.constant 0 : i32
    %dma_start3A_51 = tpu.memref_slice %arg5[%dma_start3A_44, %dma_start3A_50] : memref<32x64xi32, #tpu.memory_space<vmem>> -> memref<1x64xi32, #tpu.memory_space<vmem>>
    %dma_start3A_52 = tpu.memref_squeeze %dma_start3A_51 : memref<1x64xi32, #tpu.memory_space<vmem>> -> memref<64xi32, #tpu.memory_space<vmem>>
    %dma_start3A_53 = arith.constant 0 : i32
    %dma_start3A_54 = arith.constant 0 : i32
    %dma_start3A_55 = tpu.memref_slice %arg7[%dma_start3A_53, %dma_start3A_54] : memref<4224x128xf32, #tpu.memory_space<vmem_shared>> -> memref<4224x128xf32, #tpu.memory_space<vmem_shared>>
    tpu.enqueue_indirect_dma source(%dma_start3A_55 : memref<4224x128xf32, #tpu.memory_space<vmem_shared>>) target(%dma_start3A_49 : memref<64x128xf32, #tpu.memory_space<vmem>>) offsets(%dma_start3A_52 : memref<64xi32, #tpu.memory_space<vmem>>) semaphore(%arg8 : memref<!tpu.dma_semaphore, #tpu.memory_space<semaphore_mem>>)
    %dma_wait3A = arith.constant 0 : i32
    %dma_wait3A_56 = arith.constant 0 : i32
    %dma_wait3A_57 = arith.constant 0 : i32
    %dma_wait3A_58 = arith.constant 0 : i32
    %dma_wait3A_59 = tpu.memref_slice %arg6[%dma_wait3A_56, %dma_wait3A_57, %dma_wait3A_58] : memref<8x64x128xf32, #tpu.memory_space<vmem>> -> memref<1x64x128xf32, #tpu.memory_space<vmem>>
    %dma_wait3A_60 = tpu.memref_squeeze %dma_wait3A_59 : memref<1x64x128xf32, #tpu.memory_space<vmem>> -> memref<64x128xf32, #tpu.memory_space<vmem>>
    %dma_wait3A_61 = arith.constant 0 : i32
    %dma_wait3A_62 = tpu.memref_slice %arg5[%dma_wait3A, %dma_wait3A_61] : memref<32x64xi32, #tpu.memory_space<vmem>> -> memref<1x64xi32, #tpu.memory_space<vmem>>
    %dma_wait3A_63 = tpu.memref_squeeze %dma_wait3A_62 : memref<1x64xi32, #tpu.memory_space<vmem>> -> memref<64xi32, #tpu.memory_space<vmem>>
    %dma_wait3A_64 = arith.constant 0 : i32
    %dma_wait3A_65 = arith.constant 0 : i32
    %dma_wait3A_66 = tpu.memref_slice %arg7[%dma_wait3A_64, %dma_wait3A_65] : memref<4224x128xf32, #tpu.memory_space<vmem_shared>> -> memref<4224x128xf32, #tpu.memory_space<vmem_shared>>
    tpu.wait_indirect_dma semaphore(%arg8 : memref<!tpu.dma_semaphore, #tpu.memory_space<semaphore_mem>>) src(%dma_wait3A_66 : memref<4224x128xf32, #tpu.memory_space<vmem_shared>>) dst(%dma_wait3A_60 : memref<64x128xf32, #tpu.memory_space<vmem>>)
    %add3A_67 = arith.constant 0 : i32
    %add3A_68 = arith.addi %mul3A_2, %add3A_67 : i32
    %dma_start3A_69 = arith.constant 0 : i32
    %dma_start3A_70 = arith.constant 0 : i32
    %dma_start3A_71 = arith.constant 0 : i32
    %dma_start3A_72 = tpu.memref_slice %arg6[%dma_start3A_69, %dma_start3A_70, %dma_start3A_71] : memref<8x64x128xf32, #tpu.memory_space<vmem>> -> memref<1x64x128xf32, #tpu.memory_space<vmem>>
    %dma_start3A_73 = tpu.memref_squeeze %dma_start3A_72 : memref<1x64x128xf32, #tpu.memory_space<vmem>> -> memref<64x128xf32, #tpu.memory_space<vmem>>
    %dma_start3A_74 = arith.constant 0 : i32
    %dma_start3A_75 = tpu.memref_slice %arg4[%add3A_68, %dma_start3A_74] : memref<65536x128xf32, #tpu.memory_space<hbm>> -> memref<64x128xf32, #tpu.memory_space<hbm>>
    %dma_start3A_76 = arith.constant 0 : i32
    %dma_start3A_77 = tpu.memref_slice %arg4[%add3A_68, %dma_start3A_76] : memref<65536x128xf32, #tpu.memory_space<hbm>> -> memref<64x128xf32, #tpu.memory_space<hbm>>
    %dma_start3A_78 = arith.constant 0 : i32
    %dma_start3A_79 = arith.constant 0 : i32
    %dma_start3A_80 = tpu.memref_slice %arg6[%dma_start3A_69, %dma_start3A_78, %dma_start3A_79] : memref<8x64x128xf32, #tpu.memory_space<vmem>> -> memref<1x64x128xf32, #tpu.memory_space<vmem>>
    %dma_start3A_81 = tpu.memref_squeeze %dma_start3A_80 : memref<1x64x128xf32, #tpu.memory_space<vmem>> -> memref<64x128xf32, #tpu.memory_space<vmem>>
    tpu.enqueue_dma source(%dma_start3A_81 : memref<64x128xf32, #tpu.memory_space<vmem>>) target(%dma_start3A_77 : memref<64x128xf32, #tpu.memory_space<hbm>>) target_semaphore(%arg9 : memref<!tpu.dma_semaphore, #tpu.memory_space<semaphore_mem>>)
    %dma_wait3A_82 = arith.constant 1 : i32
    %dma_wait3A_83 = arith.constant 1 : i32
    %dma_wait3A_84 = arith.constant 0 : i32
    %dma_wait3A_85 = arith.constant 0 : i32
    %dma_wait3A_86 = tpu.memref_slice %arg6[%dma_wait3A_83, %dma_wait3A_84, %dma_wait3A_85] : memref<8x64x128xf32, #tpu.memory_space<vmem>> -> memref<1x64x128xf32, #tpu.memory_space<vmem>>
    %dma_wait3A_87 = tpu.memref_squeeze %dma_wait3A_86 : memref<1x64x128xf32, #tpu.memory_space<vmem>> -> memref<64x128xf32, #tpu.memory_space<vmem>>
    %dma_wait3A_88 = arith.constant 0 : i32
    %dma_wait3A_89 = tpu.memref_slice %arg5[%dma_wait3A_82, %dma_wait3A_88] : memref<32x64xi32, #tpu.memory_space<vmem>> -> memref<1x64xi32, #tpu.memory_space<vmem>>
    %dma_wait3A_90 = tpu.memref_squeeze %dma_wait3A_89 : memref<1x64xi32, #tpu.memory_space<vmem>> -> memref<64xi32, #tpu.memory_space<vmem>>
    %dma_wait3A_91 = arith.constant 0 : i32
    %dma_wait3A_92 = arith.constant 0 : i32
    %dma_wait3A_93 = tpu.memref_slice %arg7[%dma_wait3A_91, %dma_wait3A_92] : memref<4224x128xf32, #tpu.memory_space<vmem_shared>> -> memref<4224x128xf32, #tpu.memory_space<vmem_shared>>
    tpu.wait_indirect_dma semaphore(%arg8 : memref<!tpu.dma_semaphore, #tpu.memory_space<semaphore_mem>>) src(%dma_wait3A_93 : memref<4224x128xf32, #tpu.memory_space<vmem_shared>>) dst(%dma_wait3A_87 : memref<64x128xf32, #tpu.memory_space<vmem>>)
    %add3A_94 = arith.constant 64 : i32
    %add3A_95 = arith.addi %mul3A_2, %add3A_94 : i32
    %dma_start3A_96 = arith.constant 1 : i32
    %dma_start3A_97 = arith.constant 0 : i32
    %dma_start3A_98 = arith.constant 0 : i32
    %dma_start3A_99 = tpu.memref_slice %arg6[%dma_start3A_96, %dma_start3A_97, %dma_start3A_98] : memref<8x64x128xf32, #tpu.memory_space<vmem>> -> memref<1x64x128xf32, #tpu.memory_space<vmem>>
    %dma_start3A_100 = tpu.memref_squeeze %dma_start3A_99 : memref<1x64x128xf32, #tpu.memory_space<vmem>> -> memref<64x128xf32, #tpu.memory_space<vmem>>
    %dma_start3A_101 = arith.constant 0 : i32
    %dma_start3A_102 = tpu.memref_slice %arg4[%add3A_95, %dma_start3A_101] : memref<65536x128xf32, #tpu.memory_space<hbm>> -> memref<64x128xf32, #tpu.memory_space<hbm>>
    %dma_start3A_103 = arith.constant 0 : i32
    %dma_start3A_104 = tpu.memref_slice %arg4[%add3A_95, %dma_start3A_103] : memref<65536x128xf32, #tpu.memory_space<hbm>> -> memref<64x128xf32, #tpu.memory_space<hbm>>
    %dma_start3A_105 = arith.constant 0 : i32
    %dma_start3A_106 = arith.constant 0 : i32
    %dma_start3A_107 = tpu.memref_slice %arg6[%dma_start3A_96, %dma_start3A_105, %dma_start3A_106] : memref<8x64x128xf32, #tpu.memory_space<vmem>> -> memref<1x64x128xf32, #tpu.memory_space<vmem>>
    %dma_start3A_108 = tpu.memref_squeeze %dma_start3A_107 : memref<1x64x128xf32, #tpu.memory_space<vmem>> -> memref<64x128xf32, #tpu.memory_space<vmem>>
    tpu.enqueue_dma source(%dma_start3A_108 : memref<64x128xf32, #tpu.memory_space<vmem>>) target(%dma_start3A_104 : memref<64x128xf32, #tpu.memory_space<hbm>>) target_semaphore(%arg9 : memref<!tpu.dma_semaphore, #tpu.memory_space<semaphore_mem>>)
    %dma_wait3A_109 = arith.constant 2 : i32
    %dma_wait3A_110 = arith.constant 2 : i32
    %dma_wait3A_111 = arith.constant 0 : i32
    %dma_wait3A_112 = arith.constant 0 : i32
    %dma_wait3A_113 = tpu.memref_slice %arg6[%dma_wait3A_110, %dma_wait3A_111, %dma_wait3A_112] : memref<8x64x128xf32, #tpu.memory_space<vmem>> -> memref<1x64x128xf32, #tpu.memory_space<vmem>>
    %dma_wait3A_114 = tpu.memref_squeeze %dma_wait3A_113 : memref<1x64x128xf32, #tpu.memory_space<vmem>> -> memref<64x128xf32, #tpu.memory_space<vmem>>
    %dma_wait3A_115 = arith.constant 0 : i32
    %dma_wait3A_116 = tpu.memref_slice %arg5[%dma_wait3A_109, %dma_wait3A_115] : memref<32x64xi32, #tpu.memory_space<vmem>> -> memref<1x64xi32, #tpu.memory_space<vmem>>
    %dma_wait3A_117 = tpu.memref_squeeze %dma_wait3A_116 : memref<1x64xi32, #tpu.memory_space<vmem>> -> memref<64xi32, #tpu.memory_space<vmem>>
    %dma_wait3A_118 = arith.constant 0 : i32
    %dma_wait3A_119 = arith.constant 0 : i32
    %dma_wait3A_120 = tpu.memref_slice %arg7[%dma_wait3A_118, %dma_wait3A_119] : memref<4224x128xf32, #tpu.memory_space<vmem_shared>> -> memref<4224x128xf32, #tpu.memory_space<vmem_shared>>
    tpu.wait_indirect_dma semaphore(%arg8 : memref<!tpu.dma_semaphore, #tpu.memory_space<semaphore_mem>>) src(%dma_wait3A_120 : memref<4224x128xf32, #tpu.memory_space<vmem_shared>>) dst(%dma_wait3A_114 : memref<64x128xf32, #tpu.memory_space<vmem>>)
    %add3A_121 = arith.constant 128 : i32
    %add3A_122 = arith.addi %mul3A_2, %add3A_121 : i32
    %dma_start3A_123 = arith.constant 2 : i32
    %dma_start3A_124 = arith.constant 0 : i32
    %dma_start3A_125 = arith.constant 0 : i32
    %dma_start3A_126 = tpu.memref_slice %arg6[%dma_start3A_123, %dma_start3A_124, %dma_start3A_125] : memref<8x64x128xf32, #tpu.memory_space<vmem>> -> memref<1x64x128xf32, #tpu.memory_space<vmem>>
    %dma_start3A_127 = tpu.memref_squeeze %dma_start3A_126 : memref<1x64x128xf32, #tpu.memory_space<vmem>> -> memref<64x128xf32, #tpu.memory_space<vmem>>
    %dma_start3A_128 = arith.constant 0 : i32
    %dma_start3A_129 = tpu.memref_slice %arg4[%add3A_122, %dma_start3A_128] : memref<65536x128xf32, #tpu.memory_space<hbm>> -> memref<64x128xf32, #tpu.memory_space<hbm>>
    %dma_start3A_130 = arith.constant 0 : i32
    %dma_start3A_131 = tpu.memref_slice %arg4[%add3A_122, %dma_start3A_130] : memref<65536x128xf32, #tpu.memory_space<hbm>> -> memref<64x128xf32, #tpu.memory_space<hbm>>
    %dma_start3A_132 = arith.constant 0 : i32
    %dma_start3A_133 = arith.constant 0 : i32
    %dma_start3A_134 = tpu.memref_slice %arg6[%dma_start3A_123, %dma_start3A_132, %dma_start3A_133] : memref<8x64x128xf32, #tpu.memory_space<vmem>> -> memref<1x64x128xf32, #tpu.memory_space<vmem>>
    %dma_start3A_135 = tpu.memref_squeeze %dma_start3A_134 : memref<1x64x128xf32, #tpu.memory_space<vmem>> -> memref<64x128xf32, #tpu.memory_space<vmem>>
    tpu.enqueue_dma source(%dma_start3A_135 : memref<64x128xf32, #tpu.memory_space<vmem>>) target(%dma_start3A_131 : memref<64x128xf32, #tpu.memory_space<hbm>>) target_semaphore(%arg9 : memref<!tpu.dma_semaphore, #tpu.memory_space<semaphore_mem>>)
    %dma_wait3A_136 = arith.constant 3 : i32
    %dma_wait3A_137 = arith.constant 3 : i32
    %dma_wait3A_138 = arith.constant 0 : i32
    %dma_wait3A_139 = arith.constant 0 : i32
    %dma_wait3A_140 = tpu.memref_slice %arg6[%dma_wait3A_137, %dma_wait3A_138, %dma_wait3A_139] : memref<8x64x128xf32, #tpu.memory_space<vmem>> -> memref<1x64x128xf32, #tpu.memory_space<vmem>>
    %dma_wait3A_141 = tpu.memref_squeeze %dma_wait3A_140 : memref<1x64x128xf32, #tpu.memory_space<vmem>> -> memref<64x128xf32, #tpu.memory_space<vmem>>
    %dma_wait3A_142 = arith.constant 0 : i32
    %dma_wait3A_143 = tpu.memref_slice %arg5[%dma_wait3A_136, %dma_wait3A_142] : memref<32x64xi32, #tpu.memory_space<vmem>> -> memref<1x64xi32, #tpu.memory_space<vmem>>
    %dma_wait3A_144 = tpu.memref_squeeze %dma_wait3A_143 : memref<1x64xi32, #tpu.memory_space<vmem>> -> memref<64xi32, #tpu.memory_space<vmem>>
    %dma_wait3A_145 = arith.constant 0 : i32
    %dma_wait3A_146 = arith.constant 0 : i32
    %dma_wait3A_147 = tpu.memref_slice %arg7[%dma_wait3A_145, %dma_wait3A_146] : memref<4224x128xf32, #tpu.memory_space<vmem_shared>> -> memref<4224x128xf32, #tpu.memory_space<vmem_shared>>
    tpu.wait_indirect_dma semaphore(%arg8 : memref<!tpu.dma_semaphore, #tpu.memory_space<semaphore_mem>>) src(%dma_wait3A_147 : memref<4224x128xf32, #tpu.memory_space<vmem_shared>>) dst(%dma_wait3A_141 : memref<64x128xf32, #tpu.memory_space<vmem>>)
    %add3A_148 = arith.constant 192 : i32
    %add3A_149 = arith.addi %mul3A_2, %add3A_148 : i32
    %dma_start3A_150 = arith.constant 3 : i32
    %dma_start3A_151 = arith.constant 0 : i32
    %dma_start3A_152 = arith.constant 0 : i32
    %dma_start3A_153 = tpu.memref_slice %arg6[%dma_start3A_150, %dma_start3A_151, %dma_start3A_152] : memref<8x64x128xf32, #tpu.memory_space<vmem>> -> memref<1x64x128xf32, #tpu.memory_space<vmem>>
    %dma_start3A_154 = tpu.memref_squeeze %dma_start3A_153 : memref<1x64x128xf32, #tpu.memory_space<vmem>> -> memref<64x128xf32, #tpu.memory_space<vmem>>
    %dma_start3A_155 = arith.constant 0 : i32
    %dma_start3A_156 = tpu.memref_slice %arg4[%add3A_149, %dma_start3A_155] : memref<65536x128xf32, #tpu.memory_space<hbm>> -> memref<64x128xf32, #tpu.memory_space<hbm>>
    %dma_start3A_157 = arith.constant 0 : i32
    %dma_start3A_158 = tpu.memref_slice %arg4[%add3A_149, %dma_start3A_157] : memref<65536x128xf32, #tpu.memory_space<hbm>> -> memref<64x128xf32, #tpu.memory_space<hbm>>
    %dma_start3A_159 = arith.constant 0 : i32
    %dma_start3A_160 = arith.constant 0 : i32
    %dma_start3A_161 = tpu.memref_slice %arg6[%dma_start3A_150, %dma_start3A_159, %dma_start3A_160] : memref<8x64x128xf32, #tpu.memory_space<vmem>> -> memref<1x64x128xf32, #tpu.memory_space<vmem>>
    %dma_start3A_162 = tpu.memref_squeeze %dma_start3A_161 : memref<1x64x128xf32, #tpu.memory_space<vmem>> -> memref<64x128xf32, #tpu.memory_space<vmem>>
    tpu.enqueue_dma source(%dma_start3A_162 : memref<64x128xf32, #tpu.memory_space<vmem>>) target(%dma_start3A_158 : memref<64x128xf32, #tpu.memory_space<hbm>>) target_semaphore(%arg9 : memref<!tpu.dma_semaphore, #tpu.memory_space<semaphore_mem>>)
    %dma_start3A_163 = arith.constant 4 : i32
    %dma_start3A_164 = arith.constant 4 : i32
    %dma_start3A_165 = arith.constant 0 : i32
    %dma_start3A_166 = arith.constant 0 : i32
    %dma_start3A_167 = tpu.memref_slice %arg6[%dma_start3A_164, %dma_start3A_165, %dma_start3A_166] : memref<8x64x128xf32, #tpu.memory_space<vmem>> -> memref<1x64x128xf32, #tpu.memory_space<vmem>>
    %dma_start3A_168 = tpu.memref_squeeze %dma_start3A_167 : memref<1x64x128xf32, #tpu.memory_space<vmem>> -> memref<64x128xf32, #tpu.memory_space<vmem>>
    %dma_start3A_169 = arith.constant 0 : i32
    %dma_start3A_170 = tpu.memref_slice %arg5[%dma_start3A_163, %dma_start3A_169] : memref<32x64xi32, #tpu.memory_space<vmem>> -> memref<1x64xi32, #tpu.memory_space<vmem>>
    %dma_start3A_171 = tpu.memref_squeeze %dma_start3A_170 : memref<1x64xi32, #tpu.memory_space<vmem>> -> memref<64xi32, #tpu.memory_space<vmem>>
    %dma_start3A_172 = arith.constant 0 : i32
    %dma_start3A_173 = arith.constant 0 : i32
    %dma_start3A_174 = tpu.memref_slice %arg7[%dma_start3A_172, %dma_start3A_173] : memref<4224x128xf32, #tpu.memory_space<vmem_shared>> -> memref<4224x128xf32, #tpu.memory_space<vmem_shared>>
    tpu.enqueue_indirect_dma source(%dma_start3A_174 : memref<4224x128xf32, #tpu.memory_space<vmem_shared>>) target(%dma_start3A_168 : memref<64x128xf32, #tpu.memory_space<vmem>>) offsets(%dma_start3A_171 : memref<64xi32, #tpu.memory_space<vmem>>) semaphore(%arg8 : memref<!tpu.dma_semaphore, #tpu.memory_space<semaphore_mem>>)
    %dma_start3A_175 = arith.constant 5 : i32
    %dma_start3A_176 = arith.constant 5 : i32
    %dma_start3A_177 = arith.constant 0 : i32
    %dma_start3A_178 = arith.constant 0 : i32
    %dma_start3A_179 = tpu.memref_slice %arg6[%dma_start3A_176, %dma_start3A_177, %dma_start3A_178] : memref<8x64x128xf32, #tpu.memory_space<vmem>> -> memref<1x64x128xf32, #tpu.memory_space<vmem>>
    %dma_start3A_180 = tpu.memref_squeeze %dma_start3A_179 : memref<1x64x128xf32, #tpu.memory_space<vmem>> -> memref<64x128xf32, #tpu.memory_space<vmem>>
    %dma_start3A_181 = arith.constant 0 : i32
    %dma_start3A_182 = tpu.memref_slice %arg5[%dma_start3A_175, %dma_start3A_181] : memref<32x64xi32, #tpu.memory_space<vmem>> -> memref<1x64xi32, #tpu.memory_space<vmem>>
    %dma_start3A_183 = tpu.memref_squeeze %dma_start3A_182 : memref<1x64xi32, #tpu.memory_space<vmem>> -> memref<64xi32, #tpu.memory_space<vmem>>
    %dma_start3A_184 = arith.constant 0 : i32
    %dma_start3A_185 = arith.constant 0 : i32
    %dma_start3A_186 = tpu.memref_slice %arg7[%dma_start3A_184, %dma_start3A_185] : memref<4224x128xf32, #tpu.memory_space<vmem_shared>> -> memref<4224x128xf32, #tpu.memory_space<vmem_shared>>
    tpu.enqueue_indirect_dma source(%dma_start3A_186 : memref<4224x128xf32, #tpu.memory_space<vmem_shared>>) target(%dma_start3A_180 : memref<64x128xf32, #tpu.memory_space<vmem>>) offsets(%dma_start3A_183 : memref<64xi32, #tpu.memory_space<vmem>>) semaphore(%arg8 : memref<!tpu.dma_semaphore, #tpu.memory_space<semaphore_mem>>)
    %dma_start3A_187 = arith.constant 6 : i32
    %dma_start3A_188 = arith.constant 6 : i32
    %dma_start3A_189 = arith.constant 0 : i32
    %dma_start3A_190 = arith.constant 0 : i32
    %dma_start3A_191 = tpu.memref_slice %arg6[%dma_start3A_188, %dma_start3A_189, %dma_start3A_190] : memref<8x64x128xf32, #tpu.memory_space<vmem>> -> memref<1x64x128xf32, #tpu.memory_space<vmem>>
    %dma_start3A_192 = tpu.memref_squeeze %dma_start3A_191 : memref<1x64x128xf32, #tpu.memory_space<vmem>> -> memref<64x128xf32, #tpu.memory_space<vmem>>
    %dma_start3A_193 = arith.constant 0 : i32
    %dma_start3A_194 = tpu.memref_slice %arg5[%dma_start3A_187, %dma_start3A_193] : memref<32x64xi32, #tpu.memory_space<vmem>> -> memref<1x64xi32, #tpu.memory_space<vmem>>
    %dma_start3A_195 = tpu.memref_squeeze %dma_start3A_194 : memref<1x64xi32, #tpu.memory_space<vmem>> -> memref<64xi32, #tpu.memory_space<vmem>>
    %dma_start3A_196 = arith.constant 0 : i32
    %dma_start3A_197 = arith.constant 0 : i32
    %dma_start3A_198 = tpu.memref_slice %arg7[%dma_start3A_196, %dma_start3A_197] : memref<4224x128xf32, #tpu.memory_space<vmem_shared>> -> memref<4224x128xf32, #tpu.memory_space<vmem_shared>>
    tpu.enqueue_indirect_dma source(%dma_start3A_198 : memref<4224x128xf32, #tpu.memory_space<vmem_shared>>) target(%dma_start3A_192 : memref<64x128xf32, #tpu.memory_space<vmem>>) offsets(%dma_start3A_195 : memref<64xi32, #tpu.memory_space<vmem>>) semaphore(%arg8 : memref<!tpu.dma_semaphore, #tpu.memory_space<semaphore_mem>>)
    %dma_start3A_199 = arith.constant 7 : i32
    %dma_start3A_200 = arith.constant 7 : i32
    %dma_start3A_201 = arith.constant 0 : i32
    %dma_start3A_202 = arith.constant 0 : i32
    %dma_start3A_203 = tpu.memref_slice %arg6[%dma_start3A_200, %dma_start3A_201, %dma_start3A_202] : memref<8x64x128xf32, #tpu.memory_space<vmem>> -> memref<1x64x128xf32, #tpu.memory_space<vmem>>
    %dma_start3A_204 = tpu.memref_squeeze %dma_start3A_203 : memref<1x64x128xf32, #tpu.memory_space<vmem>> -> memref<64x128xf32, #tpu.memory_space<vmem>>
    %dma_start3A_205 = arith.constant 0 : i32
    %dma_start3A_206 = tpu.memref_slice %arg5[%dma_start3A_199, %dma_start3A_205] : memref<32x64xi32, #tpu.memory_space<vmem>> -> memref<1x64xi32, #tpu.memory_space<vmem>>
    %dma_start3A_207 = tpu.memref_squeeze %dma_start3A_206 : memref<1x64xi32, #tpu.memory_space<vmem>> -> memref<64xi32, #tpu.memory_space<vmem>>
    %dma_start3A_208 = arith.constant 0 : i32
    %dma_start3A_209 = arith.constant 0 : i32
    %dma_start3A_210 = tpu.memref_slice %arg7[%dma_start3A_208, %dma_start3A_209] : memref<4224x128xf32, #tpu.memory_space<vmem_shared>> -> memref<4224x128xf32, #tpu.memory_space<vmem_shared>>
    tpu.enqueue_indirect_dma source(%dma_start3A_210 : memref<4224x128xf32, #tpu.memory_space<vmem_shared>>) target(%dma_start3A_204 : memref<64x128xf32, #tpu.memory_space<vmem>>) offsets(%dma_start3A_207 : memref<64xi32, #tpu.memory_space<vmem>>) semaphore(%arg8 : memref<!tpu.dma_semaphore, #tpu.memory_space<semaphore_mem>>)
    %dma_wait3A_211 = arith.constant 4 : i32
    %dma_wait3A_212 = arith.constant 4 : i32
    %dma_wait3A_213 = arith.constant 0 : i32
    %dma_wait3A_214 = arith.constant 0 : i32
    %dma_wait3A_215 = tpu.memref_slice %arg6[%dma_wait3A_212, %dma_wait3A_213, %dma_wait3A_214] : memref<8x64x128xf32, #tpu.memory_space<vmem>> -> memref<1x64x128xf32, #tpu.memory_space<vmem>>
    %dma_wait3A_216 = tpu.memref_squeeze %dma_wait3A_215 : memref<1x64x128xf32, #tpu.memory_space<vmem>> -> memref<64x128xf32, #tpu.memory_space<vmem>>
    %dma_wait3A_217 = arith.constant 0 : i32
    %dma_wait3A_218 = tpu.memref_slice %arg5[%dma_wait3A_211, %dma_wait3A_217] : memref<32x64xi32, #tpu.memory_space<vmem>> -> memref<1x64xi32, #tpu.memory_space<vmem>>
    %dma_wait3A_219 = tpu.memref_squeeze %dma_wait3A_218 : memref<1x64xi32, #tpu.memory_space<vmem>> -> memref<64xi32, #tpu.memory_space<vmem>>
    %dma_wait3A_220 = arith.constant 0 : i32
    %dma_wait3A_221 = arith.constant 0 : i32
    %dma_wait3A_222 = tpu.memref_slice %arg7[%dma_wait3A_220, %dma_wait3A_221] : memref<4224x128xf32, #tpu.memory_space<vmem_shared>> -> memref<4224x128xf32, #tpu.memory_space<vmem_shared>>
    tpu.wait_indirect_dma semaphore(%arg8 : memref<!tpu.dma_semaphore, #tpu.memory_space<semaphore_mem>>) src(%dma_wait3A_222 : memref<4224x128xf32, #tpu.memory_space<vmem_shared>>) dst(%dma_wait3A_216 : memref<64x128xf32, #tpu.memory_space<vmem>>)
    %add3A_223 = arith.constant 256 : i32
    %add3A_224 = arith.addi %mul3A_2, %add3A_223 : i32
    %dma_start3A_225 = arith.constant 4 : i32
    %dma_start3A_226 = arith.constant 0 : i32
    %dma_start3A_227 = arith.constant 0 : i32
    %dma_start3A_228 = tpu.memref_slice %arg6[%dma_start3A_225, %dma_start3A_226, %dma_start3A_227] : memref<8x64x128xf32, #tpu.memory_space<vmem>> -> memref<1x64x128xf32, #tpu.memory_space<vmem>>
    %dma_start3A_229 = tpu.memref_squeeze %dma_start3A_228 : memref<1x64x128xf32, #tpu.memory_space<vmem>> -> memref<64x128xf32, #tpu.memory_space<vmem>>
    %dma_start3A_230 = arith.constant 0 : i32
    %dma_start3A_231 = tpu.memref_slice %arg4[%add3A_224, %dma_start3A_230] : memref<65536x128xf32, #tpu.memory_space<hbm>> -> memref<64x128xf32, #tpu.memory_space<hbm>>
    %dma_start3A_232 = arith.constant 0 : i32
    %dma_start3A_233 = tpu.memref_slice %arg4[%add3A_224, %dma_start3A_232] : memref<65536x128xf32, #tpu.memory_space<hbm>> -> memref<64x128xf32, #tpu.memory_space<hbm>>
    %dma_start3A_234 = arith.constant 0 : i32
    %dma_start3A_235 = arith.constant 0 : i32
    %dma_start3A_236 = tpu.memref_slice %arg6[%dma_start3A_225, %dma_start3A_234, %dma_start3A_235] : memref<8x64x128xf32, #tpu.memory_space<vmem>> -> memref<1x64x128xf32, #tpu.memory_space<vmem>>
    %dma_start3A_237 = tpu.memref_squeeze %dma_start3A_236 : memref<1x64x128xf32, #tpu.memory_space<vmem>> -> memref<64x128xf32, #tpu.memory_space<vmem>>
    tpu.enqueue_dma source(%dma_start3A_237 : memref<64x128xf32, #tpu.memory_space<vmem>>) target(%dma_start3A_233 : memref<64x128xf32, #tpu.memory_space<hbm>>) target_semaphore(%arg9 : memref<!tpu.dma_semaphore, #tpu.memory_space<semaphore_mem>>)
    %dma_wait3A_238 = arith.constant 5 : i32
    %dma_wait3A_239 = arith.constant 5 : i32
    %dma_wait3A_240 = arith.constant 0 : i32
    %dma_wait3A_241 = arith.constant 0 : i32
    %dma_wait3A_242 = tpu.memref_slice %arg6[%dma_wait3A_239, %dma_wait3A_240, %dma_wait3A_241] : memref<8x64x128xf32, #tpu.memory_space<vmem>> -> memref<1x64x128xf32, #tpu.memory_space<vmem>>
    %dma_wait3A_243 = tpu.memref_squeeze %dma_wait3A_242 : memref<1x64x128xf32, #tpu.memory_space<vmem>> -> memref<64x128xf32, #tpu.memory_space<vmem>>
    %dma_wait3A_244 = arith.constant 0 : i32
    %dma_wait3A_245 = tpu.memref_slice %arg5[%dma_wait3A_238, %dma_wait3A_244] : memref<32x64xi32, #tpu.memory_space<vmem>> -> memref<1x64xi32, #tpu.memory_space<vmem>>
    %dma_wait3A_246 = tpu.memref_squeeze %dma_wait3A_245 : memref<1x64xi32, #tpu.memory_space<vmem>> -> memref<64xi32, #tpu.memory_space<vmem>>
    %dma_wait3A_247 = arith.constant 0 : i32
    %dma_wait3A_248 = arith.constant 0 : i32
    %dma_wait3A_249 = tpu.memref_slice %arg7[%dma_wait3A_247, %dma_wait3A_248] : memref<4224x128xf32, #tpu.memory_space<vmem_shared>> -> memref<4224x128xf32, #tpu.memory_space<vmem_shared>>
    tpu.wait_indirect_dma semaphore(%arg8 : memref<!tpu.dma_semaphore, #tpu.memory_space<semaphore_mem>>) src(%dma_wait3A_249 : memref<4224x128xf32, #tpu.memory_space<vmem_shared>>) dst(%dma_wait3A_243 : memref<64x128xf32, #tpu.memory_space<vmem>>)
    %add3A_250 = arith.constant 320 : i32
    %add3A_251 = arith.addi %mul3A_2, %add3A_250 : i32
    %dma_start3A_252 = arith.constant 5 : i32
    %dma_start3A_253 = arith.constant 0 : i32
    %dma_start3A_254 = arith.constant 0 : i32
    %dma_start3A_255 = tpu.memref_slice %arg6[%dma_start3A_252, %dma_start3A_253, %dma_start3A_254] : memref<8x64x128xf32, #tpu.memory_space<vmem>> -> memref<1x64x128xf32, #tpu.memory_space<vmem>>
    %dma_start3A_256 = tpu.memref_squeeze %dma_start3A_255 : memref<1x64x128xf32, #tpu.memory_space<vmem>> -> memref<64x128xf32, #tpu.memory_space<vmem>>
    %dma_start3A_257 = arith.constant 0 : i32
    %dma_start3A_258 = tpu.memref_slice %arg4[%add3A_251, %dma_start3A_257] : memref<65536x128xf32, #tpu.memory_space<hbm>> -> memref<64x128xf32, #tpu.memory_space<hbm>>
    %dma_start3A_259 = arith.constant 0 : i32
    %dma_start3A_260 = tpu.memref_slice %arg4[%add3A_251, %dma_start3A_259] : memref<65536x128xf32, #tpu.memory_space<hbm>> -> memref<64x128xf32, #tpu.memory_space<hbm>>
    %dma_start3A_261 = arith.constant 0 : i32
    %dma_start3A_262 = arith.constant 0 : i32
    %dma_start3A_263 = tpu.memref_slice %arg6[%dma_start3A_252, %dma_start3A_261, %dma_start3A_262] : memref<8x64x128xf32, #tpu.memory_space<vmem>> -> memref<1x64x128xf32, #tpu.memory_space<vmem>>
    %dma_start3A_264 = tpu.memref_squeeze %dma_start3A_263 : memref<1x64x128xf32, #tpu.memory_space<vmem>> -> memref<64x128xf32, #tpu.memory_space<vmem>>
    tpu.enqueue_dma source(%dma_start3A_264 : memref<64x128xf32, #tpu.memory_space<vmem>>) target(%dma_start3A_260 : memref<64x128xf32, #tpu.memory_space<hbm>>) target_semaphore(%arg9 : memref<!tpu.dma_semaphore, #tpu.memory_space<semaphore_mem>>)
    %dma_wait3A_265 = arith.constant 6 : i32
    %dma_wait3A_266 = arith.constant 6 : i32
    %dma_wait3A_267 = arith.constant 0 : i32
    %dma_wait3A_268 = arith.constant 0 : i32
    %dma_wait3A_269 = tpu.memref_slice %arg6[%dma_wait3A_266, %dma_wait3A_267, %dma_wait3A_268] : memref<8x64x128xf32, #tpu.memory_space<vmem>> -> memref<1x64x128xf32, #tpu.memory_space<vmem>>
    %dma_wait3A_270 = tpu.memref_squeeze %dma_wait3A_269 : memref<1x64x128xf32, #tpu.memory_space<vmem>> -> memref<64x128xf32, #tpu.memory_space<vmem>>
    %dma_wait3A_271 = arith.constant 0 : i32
    %dma_wait3A_272 = tpu.memref_slice %arg5[%dma_wait3A_265, %dma_wait3A_271] : memref<32x64xi32, #tpu.memory_space<vmem>> -> memref<1x64xi32, #tpu.memory_space<vmem>>
    %dma_wait3A_273 = tpu.memref_squeeze %dma_wait3A_272 : memref<1x64xi32, #tpu.memory_space<vmem>> -> memref<64xi32, #tpu.memory_space<vmem>>
    %dma_wait3A_274 = arith.constant 0 : i32
    %dma_wait3A_275 = arith.constant 0 : i32
    %dma_wait3A_276 = tpu.memref_slice %arg7[%dma_wait3A_274, %dma_wait3A_275] : memref<4224x128xf32, #tpu.memory_space<vmem_shared>> -> memref<4224x128xf32, #tpu.memory_space<vmem_shared>>
    tpu.wait_indirect_dma semaphore(%arg8 : memref<!tpu.dma_semaphore, #tpu.memory_space<semaphore_mem>>) src(%dma_wait3A_276 : memref<4224x128xf32, #tpu.memory_space<vmem_shared>>) dst(%dma_wait3A_270 : memref<64x128xf32, #tpu.memory_space<vmem>>)
    %add3A_277 = arith.constant 384 : i32
    %add3A_278 = arith.addi %mul3A_2, %add3A_277 : i32
    %dma_start3A_279 = arith.constant 6 : i32
    %dma_start3A_280 = arith.constant 0 : i32
    %dma_start3A_281 = arith.constant 0 : i32
    %dma_start3A_282 = tpu.memref_slice %arg6[%dma_start3A_279, %dma_start3A_280, %dma_start3A_281] : memref<8x64x128xf32, #tpu.memory_space<vmem>> -> memref<1x64x128xf32, #tpu.memory_space<vmem>>
    %dma_start3A_283 = tpu.memref_squeeze %dma_start3A_282 : memref<1x64x128xf32, #tpu.memory_space<vmem>> -> memref<64x128xf32, #tpu.memory_space<vmem>>
    %dma_start3A_284 = arith.constant 0 : i32
    %dma_start3A_285 = tpu.memref_slice %arg4[%add3A_278, %dma_start3A_284] : memref<65536x128xf32, #tpu.memory_space<hbm>> -> memref<64x128xf32, #tpu.memory_space<hbm>>
    %dma_start3A_286 = arith.constant 0 : i32
    %dma_start3A_287 = tpu.memref_slice %arg4[%add3A_278, %dma_start3A_286] : memref<65536x128xf32, #tpu.memory_space<hbm>> -> memref<64x128xf32, #tpu.memory_space<hbm>>
    %dma_start3A_288 = arith.constant 0 : i32
    %dma_start3A_289 = arith.constant 0 : i32
    %dma_start3A_290 = tpu.memref_slice %arg6[%dma_start3A_279, %dma_start3A_288, %dma_start3A_289] : memref<8x64x128xf32, #tpu.memory_space<vmem>> -> memref<1x64x128xf32, #tpu.memory_space<vmem>>
    %dma_start3A_291 = tpu.memref_squeeze %dma_start3A_290 : memref<1x64x128xf32, #tpu.memory_space<vmem>> -> memref<64x128xf32, #tpu.memory_space<vmem>>
    tpu.enqueue_dma source(%dma_start3A_291 : memref<64x128xf32, #tpu.memory_space<vmem>>) target(%dma_start3A_287 : memref<64x128xf32, #tpu.memory_space<hbm>>) target_semaphore(%arg9 : memref<!tpu.dma_semaphore, #tpu.memory_space<semaphore_mem>>)
    %dma_wait3A_292 = arith.constant 7 : i32
    %dma_wait3A_293 = arith.constant 7 : i32
    %dma_wait3A_294 = arith.constant 0 : i32
    %dma_wait3A_295 = arith.constant 0 : i32
    %dma_wait3A_296 = tpu.memref_slice %arg6[%dma_wait3A_293, %dma_wait3A_294, %dma_wait3A_295] : memref<8x64x128xf32, #tpu.memory_space<vmem>> -> memref<1x64x128xf32, #tpu.memory_space<vmem>>
    %dma_wait3A_297 = tpu.memref_squeeze %dma_wait3A_296 : memref<1x64x128xf32, #tpu.memory_space<vmem>> -> memref<64x128xf32, #tpu.memory_space<vmem>>
    %dma_wait3A_298 = arith.constant 0 : i32
    %dma_wait3A_299 = tpu.memref_slice %arg5[%dma_wait3A_292, %dma_wait3A_298] : memref<32x64xi32, #tpu.memory_space<vmem>> -> memref<1x64xi32, #tpu.memory_space<vmem>>
    %dma_wait3A_300 = tpu.memref_squeeze %dma_wait3A_299 : memref<1x64xi32, #tpu.memory_space<vmem>> -> memref<64xi32, #tpu.memory_space<vmem>>
    %dma_wait3A_301 = arith.constant 0 : i32
    %dma_wait3A_302 = arith.constant 0 : i32
    %dma_wait3A_303 = tpu.memref_slice %arg7[%dma_wait3A_301, %dma_wait3A_302] : memref<4224x128xf32, #tpu.memory_space<vmem_shared>> -> memref<4224x128xf32, #tpu.memory_space<vmem_shared>>
    tpu.wait_indirect_dma semaphore(%arg8 : memref<!tpu.dma_semaphore, #tpu.memory_space<semaphore_mem>>) src(%dma_wait3A_303 : memref<4224x128xf32, #tpu.memory_space<vmem_shared>>) dst(%dma_wait3A_297 : memref<64x128xf32, #tpu.memory_space<vmem>>)
    %add3A_304 = arith.constant 448 : i32
    %add3A_305 = arith.addi %mul3A_2, %add3A_304 : i32
    %dma_start3A_306 = arith.constant 7 : i32
    %dma_start3A_307 = arith.constant 0 : i32
    %dma_start3A_308 = arith.constant 0 : i32
    %dma_start3A_309 = tpu.memref_slice %arg6[%dma_start3A_306, %dma_start3A_307, %dma_start3A_308] : memref<8x64x128xf32, #tpu.memory_space<vmem>> -> memref<1x64x128xf32, #tpu.memory_space<vmem>>
    %dma_start3A_310 = tpu.memref_squeeze %dma_start3A_309 : memref<1x64x128xf32, #tpu.memory_space<vmem>> -> memref<64x128xf32, #tpu.memory_space<vmem>>
    %dma_start3A_311 = arith.constant 0 : i32
    %dma_start3A_312 = tpu.memref_slice %arg4[%add3A_305, %dma_start3A_311] : memref<65536x128xf32, #tpu.memory_space<hbm>> -> memref<64x128xf32, #tpu.memory_space<hbm>>
    %dma_start3A_313 = arith.constant 0 : i32
    %dma_start3A_314 = tpu.memref_slice %arg4[%add3A_305, %dma_start3A_313] : memref<65536x128xf32, #tpu.memory_space<hbm>> -> memref<64x128xf32, #tpu.memory_space<hbm>>
    %dma_start3A_315 = arith.constant 0 : i32
    %dma_start3A_316 = arith.constant 0 : i32
    %dma_start3A_317 = tpu.memref_slice %arg6[%dma_start3A_306, %dma_start3A_315, %dma_start3A_316] : memref<8x64x128xf32, #tpu.memory_space<vmem>> -> memref<1x64x128xf32, #tpu.memory_space<vmem>>
    %dma_start3A_318 = tpu.memref_squeeze %dma_start3A_317 : memref<1x64x128xf32, #tpu.memory_space<vmem>> -> memref<64x128xf32, #tpu.memory_space<vmem>>
    tpu.enqueue_dma source(%dma_start3A_318 : memref<64x128xf32, #tpu.memory_space<vmem>>) target(%dma_start3A_314 : memref<64x128xf32, #tpu.memory_space<hbm>>) target_semaphore(%arg9 : memref<!tpu.dma_semaphore, #tpu.memory_space<semaphore_mem>>)
    %dma_wait3A_319 = arith.constant 0 : i32
    %dma_wait3A_320 = arith.constant 0 : i32
    %dma_wait3A_321 = arith.constant 0 : i32
    %dma_wait3A_322 = tpu.memref_slice %arg6[%dma_wait3A_319, %dma_wait3A_320, %dma_wait3A_321] : memref<8x64x128xf32, #tpu.memory_space<vmem>> -> memref<1x64x128xf32, #tpu.memory_space<vmem>>
    %dma_wait3A_323 = tpu.memref_squeeze %dma_wait3A_322 : memref<1x64x128xf32, #tpu.memory_space<vmem>> -> memref<64x128xf32, #tpu.memory_space<vmem>>
    %dma_wait3A_324 = arith.constant 0 : i32
    %dma_wait3A_325 = tpu.memref_slice %arg4[%add3A_68, %dma_wait3A_324] : memref<65536x128xf32, #tpu.memory_space<hbm>> -> memref<64x128xf32, #tpu.memory_space<hbm>>
    %dma_wait3A_326 = arith.constant 0 : i32
    %dma_wait3A_327 = tpu.memref_slice %arg4[%add3A_68, %dma_wait3A_326] : memref<65536x128xf32, #tpu.memory_space<hbm>> -> memref<64x128xf32, #tpu.memory_space<hbm>>
    %dma_wait3A_328 = arith.constant 0 : i32
    %dma_wait3A_329 = arith.constant 0 : i32
    %dma_wait3A_330 = tpu.memref_slice %arg6[%dma_wait3A_319, %dma_wait3A_328, %dma_wait3A_329] : memref<8x64x128xf32, #tpu.memory_space<vmem>> -> memref<1x64x128xf32, #tpu.memory_space<vmem>>
    %dma_wait3A_331 = tpu.memref_squeeze %dma_wait3A_330 : memref<1x64x128xf32, #tpu.memory_space<vmem>> -> memref<64x128xf32, #tpu.memory_space<vmem>>
    tpu.wait_dma2 semaphore(%arg9 : memref<!tpu.dma_semaphore, #tpu.memory_space<semaphore_mem>>) src(%dma_wait3A_331 : memref<64x128xf32, #tpu.memory_space<vmem>>) dst(%dma_wait3A_327 : memref<64x128xf32, #tpu.memory_space<hbm>>)
    %dma_wait3A_332 = arith.constant 1 : i32
    %dma_wait3A_333 = arith.constant 0 : i32
    %dma_wait3A_334 = arith.constant 0 : i32
    %dma_wait3A_335 = tpu.memref_slice %arg6[%dma_wait3A_332, %dma_wait3A_333, %dma_wait3A_334] : memref<8x64x128xf32, #tpu.memory_space<vmem>> -> memref<1x64x128xf32, #tpu.memory_space<vmem>>
    %dma_wait3A_336 = tpu.memref_squeeze %dma_wait3A_335 : memref<1x64x128xf32, #tpu.memory_space<vmem>> -> memref<64x128xf32, #tpu.memory_space<vmem>>
    %dma_wait3A_337 = arith.constant 0 : i32
    %dma_wait3A_338 = tpu.memref_slice %arg4[%add3A_95, %dma_wait3A_337] : memref<65536x128xf32, #tpu.memory_space<hbm>> -> memref<64x128xf32, #tpu.memory_space<hbm>>
    %dma_wait3A_339 = arith.constant 0 : i32
    %dma_wait3A_340 = tpu.memref_slice %arg4[%add3A_95, %dma_wait3A_339] : memref<65536x128xf32, #tpu.memory_space<hbm>> -> memref<64x128xf32, #tpu.memory_space<hbm>>
    %dma_wait3A_341 = arith.constant 0 : i32
    %dma_wait3A_342 = arith.constant 0 : i32
    %dma_wait3A_343 = tpu.memref_slice %arg6[%dma_wait3A_332, %dma_wait3A_341, %dma_wait3A_342] : memref<8x64x128xf32, #tpu.memory_space<vmem>> -> memref<1x64x128xf32, #tpu.memory_space<vmem>>
    %dma_wait3A_344 = tpu.memref_squeeze %dma_wait3A_343 : memref<1x64x128xf32, #tpu.memory_space<vmem>> -> memref<64x128xf32, #tpu.memory_space<vmem>>
    tpu.wait_dma2 semaphore(%arg9 : memref<!tpu.dma_semaphore, #tpu.memory_space<semaphore_mem>>) src(%dma_wait3A_344 : memref<64x128xf32, #tpu.memory_space<vmem>>) dst(%dma_wait3A_340 : memref<64x128xf32, #tpu.memory_space<hbm>>)
    %dma_wait3A_345 = arith.constant 2 : i32
    %dma_wait3A_346 = arith.constant 0 : i32
    %dma_wait3A_347 = arith.constant 0 : i32
    %dma_wait3A_348 = tpu.memref_slice %arg6[%dma_wait3A_345, %dma_wait3A_346, %dma_wait3A_347] : memref<8x64x128xf32, #tpu.memory_space<vmem>> -> memref<1x64x128xf32, #tpu.memory_space<vmem>>
    %dma_wait3A_349 = tpu.memref_squeeze %dma_wait3A_348 : memref<1x64x128xf32, #tpu.memory_space<vmem>> -> memref<64x128xf32, #tpu.memory_space<vmem>>
    %dma_wait3A_350 = arith.constant 0 : i32
    %dma_wait3A_351 = tpu.memref_slice %arg4[%add3A_122, %dma_wait3A_350] : memref<65536x128xf32, #tpu.memory_space<hbm>> -> memref<64x128xf32, #tpu.memory_space<hbm>>
    %dma_wait3A_352 = arith.constant 0 : i32
    %dma_wait3A_353 = tpu.memref_slice %arg4[%add3A_122, %dma_wait3A_352] : memref<65536x128xf32, #tpu.memory_space<hbm>> -> memref<64x128xf32, #tpu.memory_space<hbm>>
    %dma_wait3A_354 = arith.constant 0 : i32
    %dma_wait3A_355 = arith.constant 0 : i32
    %dma_wait3A_356 = tpu.memref_slice %arg6[%dma_wait3A_345, %dma_wait3A_354, %dma_wait3A_355] : memref<8x64x128xf32, #tpu.memory_space<vmem>> -> memref<1x64x128xf32, #tpu.memory_space<vmem>>
    %dma_wait3A_357 = tpu.memref_squeeze %dma_wait3A_356 : memref<1x64x128xf32, #tpu.memory_space<vmem>> -> memref<64x128xf32, #tpu.memory_space<vmem>>
    tpu.wait_dma2 semaphore(%arg9 : memref<!tpu.dma_semaphore, #tpu.memory_space<semaphore_mem>>) src(%dma_wait3A_357 : memref<64x128xf32, #tpu.memory_space<vmem>>) dst(%dma_wait3A_353 : memref<64x128xf32, #tpu.memory_space<hbm>>)
    %dma_wait3A_358 = arith.constant 3 : i32
    %dma_wait3A_359 = arith.constant 0 : i32
    %dma_wait3A_360 = arith.constant 0 : i32
    %dma_wait3A_361 = tpu.memref_slice %arg6[%dma_wait3A_358, %dma_wait3A_359, %dma_wait3A_360] : memref<8x64x128xf32, #tpu.memory_space<vmem>> -> memref<1x64x128xf32, #tpu.memory_space<vmem>>
    %dma_wait3A_362 = tpu.memref_squeeze %dma_wait3A_361 : memref<1x64x128xf32, #tpu.memory_space<vmem>> -> memref<64x128xf32, #tpu.memory_space<vmem>>
    %dma_wait3A_363 = arith.constant 0 : i32
    %dma_wait3A_364 = tpu.memref_slice %arg4[%add3A_149, %dma_wait3A_363] : memref<65536x128xf32, #tpu.memory_space<hbm>> -> memref<64x128xf32, #tpu.memory_space<hbm>>
    %dma_wait3A_365 = arith.constant 0 : i32
    %dma_wait3A_366 = tpu.memref_slice %arg4[%add3A_149, %dma_wait3A_365] : memref<65536x128xf32, #tpu.memory_space<hbm>> -> memref<64x128xf32, #tpu.memory_space<hbm>>
    %dma_wait3A_367 = arith.constant 0 : i32
    %dma_wait3A_368 = arith.constant 0 : i32
    %dma_wait3A_369 = tpu.memref_slice %arg6[%dma_wait3A_358, %dma_wait3A_367, %dma_wait3A_368] : memref<8x64x128xf32, #tpu.memory_space<vmem>> -> memref<1x64x128xf32, #tpu.memory_space<vmem>>
    %dma_wait3A_370 = tpu.memref_squeeze %dma_wait3A_369 : memref<1x64x128xf32, #tpu.memory_space<vmem>> -> memref<64x128xf32, #tpu.memory_space<vmem>>
    tpu.wait_dma2 semaphore(%arg9 : memref<!tpu.dma_semaphore, #tpu.memory_space<semaphore_mem>>) src(%dma_wait3A_370 : memref<64x128xf32, #tpu.memory_space<vmem>>) dst(%dma_wait3A_366 : memref<64x128xf32, #tpu.memory_space<hbm>>)
    %dma_start3A_371 = arith.constant 8 : i32
    %dma_start3A_372 = arith.constant 0 : i32
    %dma_start3A_373 = arith.constant 0 : i32
    %dma_start3A_374 = arith.constant 0 : i32
    %dma_start3A_375 = tpu.memref_slice %arg6[%dma_start3A_372, %dma_start3A_373, %dma_start3A_374] : memref<8x64x128xf32, #tpu.memory_space<vmem>> -> memref<1x64x128xf32, #tpu.memory_space<vmem>>
    %dma_start3A_376 = tpu.memref_squeeze %dma_start3A_375 : memref<1x64x128xf32, #tpu.memory_space<vmem>> -> memref<64x128xf32, #tpu.memory_space<vmem>>
    %dma_start3A_377 = arith.constant 0 : i32
    %dma_start3A_378 = tpu.memref_slice %arg5[%dma_start3A_371, %dma_start3A_377] : memref<32x64xi32, #tpu.memory_space<vmem>> -> memref<1x64xi32, #tpu.memory_space<vmem>>
    %dma_start3A_379 = tpu.memref_squeeze %dma_start3A_378 : memref<1x64xi32, #tpu.memory_space<vmem>> -> memref<64xi32, #tpu.memory_space<vmem>>
    %dma_start3A_380 = arith.constant 0 : i32
    %dma_start3A_381 = arith.constant 0 : i32
    %dma_start3A_382 = tpu.memref_slice %arg7[%dma_start3A_380, %dma_start3A_381] : memref<4224x128xf32, #tpu.memory_space<vmem_shared>> -> memref<4224x128xf32, #tpu.memory_space<vmem_shared>>
    tpu.enqueue_indirect_dma source(%dma_start3A_382 : memref<4224x128xf32, #tpu.memory_space<vmem_shared>>) target(%dma_start3A_376 : memref<64x128xf32, #tpu.memory_space<vmem>>) offsets(%dma_start3A_379 : memref<64xi32, #tpu.memory_space<vmem>>) semaphore(%arg8 : memref<!tpu.dma_semaphore, #tpu.memory_space<semaphore_mem>>)
    %dma_start3A_383 = arith.constant 9 : i32
    %dma_start3A_384 = arith.constant 1 : i32
    %dma_start3A_385 = arith.constant 0 : i32
    %dma_start3A_386 = arith.constant 0 : i32
    %dma_start3A_387 = tpu.memref_slice %arg6[%dma_start3A_384, %dma_start3A_385, %dma_start3A_386] : memref<8x64x128xf32, #tpu.memory_space<vmem>> -> memref<1x64x128xf32, #tpu.memory_space<vmem>>
    %dma_start3A_388 = tpu.memref_squeeze %dma_start3A_387 : memref<1x64x128xf32, #tpu.memory_space<vmem>> -> memref<64x128xf32, #tpu.memory_space<vmem>>
    %dma_start3A_389 = arith.constant 0 : i32
    %dma_start3A_390 = tpu.memref_slice %arg5[%dma_start3A_383, %dma_start3A_389] : memref<32x64xi32, #tpu.memory_space<vmem>> -> memref<1x64xi32, #tpu.memory_space<vmem>>
    %dma_start3A_391 = tpu.memref_squeeze %dma_start3A_390 : memref<1x64xi32, #tpu.memory_space<vmem>> -> memref<64xi32, #tpu.memory_space<vmem>>
    %dma_start3A_392 = arith.constant 0 : i32
    %dma_start3A_393 = arith.constant 0 : i32
    %dma_start3A_394 = tpu.memref_slice %arg7[%dma_start3A_392, %dma_start3A_393] : memref<4224x128xf32, #tpu.memory_space<vmem_shared>> -> memref<4224x128xf32, #tpu.memory_space<vmem_shared>>
    tpu.enqueue_indirect_dma source(%dma_start3A_394 : memref<4224x128xf32, #tpu.memory_space<vmem_shared>>) target(%dma_start3A_388 : memref<64x128xf32, #tpu.memory_space<vmem>>) offsets(%dma_start3A_391 : memref<64xi32, #tpu.memory_space<vmem>>) semaphore(%arg8 : memref<!tpu.dma_semaphore, #tpu.memory_space<semaphore_mem>>)
    %dma_start3A_395 = arith.constant 10 : i32
    %dma_start3A_396 = arith.constant 2 : i32
    %dma_start3A_397 = arith.constant 0 : i32
    %dma_start3A_398 = arith.constant 0 : i32
    %dma_start3A_399 = tpu.memref_slice %arg6[%dma_start3A_396, %dma_start3A_397, %dma_start3A_398] : memref<8x64x128xf32, #tpu.memory_space<vmem>> -> memref<1x64x128xf32, #tpu.memory_space<vmem>>
    %dma_start3A_400 = tpu.memref_squeeze %dma_start3A_399 : memref<1x64x128xf32, #tpu.memory_space<vmem>> -> memref<64x128xf32, #tpu.memory_space<vmem>>
    %dma_start3A_401 = arith.constant 0 : i32
    %dma_start3A_402 = tpu.memref_slice %arg5[%dma_start3A_395, %dma_start3A_401] : memref<32x64xi32, #tpu.memory_space<vmem>> -> memref<1x64xi32, #tpu.memory_space<vmem>>
    %dma_start3A_403 = tpu.memref_squeeze %dma_start3A_402 : memref<1x64xi32, #tpu.memory_space<vmem>> -> memref<64xi32, #tpu.memory_space<vmem>>
    %dma_start3A_404 = arith.constant 0 : i32
    %dma_start3A_405 = arith.constant 0 : i32
    %dma_start3A_406 = tpu.memref_slice %arg7[%dma_start3A_404, %dma_start3A_405] : memref<4224x128xf32, #tpu.memory_space<vmem_shared>> -> memref<4224x128xf32, #tpu.memory_space<vmem_shared>>
    tpu.enqueue_indirect_dma source(%dma_start3A_406 : memref<4224x128xf32, #tpu.memory_space<vmem_shared>>) target(%dma_start3A_400 : memref<64x128xf32, #tpu.memory_space<vmem>>) offsets(%dma_start3A_403 : memref<64xi32, #tpu.memory_space<vmem>>) semaphore(%arg8 : memref<!tpu.dma_semaphore, #tpu.memory_space<semaphore_mem>>)
    %dma_start3A_407 = arith.constant 11 : i32
    %dma_start3A_408 = arith.constant 3 : i32
    %dma_start3A_409 = arith.constant 0 : i32
    %dma_start3A_410 = arith.constant 0 : i32
    %dma_start3A_411 = tpu.memref_slice %arg6[%dma_start3A_408, %dma_start3A_409, %dma_start3A_410] : memref<8x64x128xf32, #tpu.memory_space<vmem>> -> memref<1x64x128xf32, #tpu.memory_space<vmem>>
    %dma_start3A_412 = tpu.memref_squeeze %dma_start3A_411 : memref<1x64x128xf32, #tpu.memory_space<vmem>> -> memref<64x128xf32, #tpu.memory_space<vmem>>
    %dma_start3A_413 = arith.constant 0 : i32
    %dma_start3A_414 = tpu.memref_slice %arg5[%dma_start3A_407, %dma_start3A_413] : memref<32x64xi32, #tpu.memory_space<vmem>> -> memref<1x64xi32, #tpu.memory_space<vmem>>
    %dma_start3A_415 = tpu.memref_squeeze %dma_start3A_414 : memref<1x64xi32, #tpu.memory_space<vmem>> -> memref<64xi32, #tpu.memory_space<vmem>>
    %dma_start3A_416 = arith.constant 0 : i32
    %dma_start3A_417 = arith.constant 0 : i32
    %dma_start3A_418 = tpu.memref_slice %arg7[%dma_start3A_416, %dma_start3A_417] : memref<4224x128xf32, #tpu.memory_space<vmem_shared>> -> memref<4224x128xf32, #tpu.memory_space<vmem_shared>>
    tpu.enqueue_indirect_dma source(%dma_start3A_418 : memref<4224x128xf32, #tpu.memory_space<vmem_shared>>) target(%dma_start3A_412 : memref<64x128xf32, #tpu.memory_space<vmem>>) offsets(%dma_start3A_415 : memref<64xi32, #tpu.memory_space<vmem>>) semaphore(%arg8 : memref<!tpu.dma_semaphore, #tpu.memory_space<semaphore_mem>>)
    %dma_wait3A_419 = arith.constant 8 : i32
    %dma_wait3A_420 = arith.constant 0 : i32
    %dma_wait3A_421 = arith.constant 0 : i32
    %dma_wait3A_422 = arith.constant 0 : i32
    %dma_wait3A_423 = tpu.memref_slice %arg6[%dma_wait3A_420, %dma_wait3A_421, %dma_wait3A_422] : memref<8x64x128xf32, #tpu.memory_space<vmem>> -> memref<1x64x128xf32, #tpu.memory_space<vmem>>
    %dma_wait3A_424 = tpu.memref_squeeze %dma_wait3A_423 : memref<1x64x128xf32, #tpu.memory_space<vmem>> -> memref<64x128xf32, #tpu.memory_space<vmem>>
    %dma_wait3A_425 = arith.constant 0 : i32
    %dma_wait3A_426 = tpu.memref_slice %arg5[%dma_wait3A_419, %dma_wait3A_425] : memref<32x64xi32, #tpu.memory_space<vmem>> -> memref<1x64xi32, #tpu.memory_space<vmem>>
    %dma_wait3A_427 = tpu.memref_squeeze %dma_wait3A_426 : memref<1x64xi32, #tpu.memory_space<vmem>> -> memref<64xi32, #tpu.memory_space<vmem>>
    %dma_wait3A_428 = arith.constant 0 : i32
    %dma_wait3A_429 = arith.constant 0 : i32
    %dma_wait3A_430 = tpu.memref_slice %arg7[%dma_wait3A_428, %dma_wait3A_429] : memref<4224x128xf32, #tpu.memory_space<vmem_shared>> -> memref<4224x128xf32, #tpu.memory_space<vmem_shared>>
    tpu.wait_indirect_dma semaphore(%arg8 : memref<!tpu.dma_semaphore, #tpu.memory_space<semaphore_mem>>) src(%dma_wait3A_430 : memref<4224x128xf32, #tpu.memory_space<vmem_shared>>) dst(%dma_wait3A_424 : memref<64x128xf32, #tpu.memory_space<vmem>>)
    %add3A_431 = arith.constant 512 : i32
    %add3A_432 = arith.addi %mul3A_2, %add3A_431 : i32
    %dma_start3A_433 = arith.constant 0 : i32
    %dma_start3A_434 = arith.constant 0 : i32
    %dma_start3A_435 = arith.constant 0 : i32
    %dma_start3A_436 = tpu.memref_slice %arg6[%dma_start3A_433, %dma_start3A_434, %dma_start3A_435] : memref<8x64x128xf32, #tpu.memory_space<vmem>> -> memref<1x64x128xf32, #tpu.memory_space<vmem>>
    %dma_start3A_437 = tpu.memref_squeeze %dma_start3A_436 : memref<1x64x128xf32, #tpu.memory_space<vmem>> -> memref<64x128xf32, #tpu.memory_space<vmem>>
    %dma_start3A_438 = arith.constant 0 : i32
    %dma_start3A_439 = tpu.memref_slice %arg4[%add3A_432, %dma_start3A_438] : memref<65536x128xf32, #tpu.memory_space<hbm>> -> memref<64x128xf32, #tpu.memory_space<hbm>>
    %dma_start3A_440 = arith.constant 0 : i32
    %dma_start3A_441 = tpu.memref_slice %arg4[%add3A_432, %dma_start3A_440] : memref<65536x128xf32, #tpu.memory_space<hbm>> -> memref<64x128xf32, #tpu.memory_space<hbm>>
    %dma_start3A_442 = arith.constant 0 : i32
    %dma_start3A_443 = arith.constant 0 : i32
    %dma_start3A_444 = tpu.memref_slice %arg6[%dma_start3A_433, %dma_start3A_442, %dma_start3A_443] : memref<8x64x128xf32, #tpu.memory_space<vmem>> -> memref<1x64x128xf32, #tpu.memory_space<vmem>>
    %dma_start3A_445 = tpu.memref_squeeze %dma_start3A_444 : memref<1x64x128xf32, #tpu.memory_space<vmem>> -> memref<64x128xf32, #tpu.memory_space<vmem>>
    tpu.enqueue_dma source(%dma_start3A_445 : memref<64x128xf32, #tpu.memory_space<vmem>>) target(%dma_start3A_441 : memref<64x128xf32, #tpu.memory_space<hbm>>) target_semaphore(%arg9 : memref<!tpu.dma_semaphore, #tpu.memory_space<semaphore_mem>>)
    %dma_wait3A_446 = arith.constant 9 : i32
    %dma_wait3A_447 = arith.constant 1 : i32
    %dma_wait3A_448 = arith.constant 0 : i32
    %dma_wait3A_449 = arith.constant 0 : i32
    %dma_wait3A_450 = tpu.memref_slice %arg6[%dma_wait3A_447, %dma_wait3A_448, %dma_wait3A_449] : memref<8x64x128xf32, #tpu.memory_space<vmem>> -> memref<1x64x128xf32, #tpu.memory_space<vmem>>
    %dma_wait3A_451 = tpu.memref_squeeze %dma_wait3A_450 : memref<1x64x128xf32, #tpu.memory_space<vmem>> -> memref<64x128xf32, #tpu.memory_space<vmem>>
    %dma_wait3A_452 = arith.constant 0 : i32
    %dma_wait3A_453 = tpu.memref_slice %arg5[%dma_wait3A_446, %dma_wait3A_452] : memref<32x64xi32, #tpu.memory_space<vmem>> -> memref<1x64xi32, #tpu.memory_space<vmem>>
    %dma_wait3A_454 = tpu.memref_squeeze %dma_wait3A_453 : memref<1x64xi32, #tpu.memory_space<vmem>> -> memref<64xi32, #tpu.memory_space<vmem>>
    %dma_wait3A_455 = arith.constant 0 : i32
    %dma_wait3A_456 = arith.constant 0 : i32
    %dma_wait3A_457 = tpu.memref_slice %arg7[%dma_wait3A_455, %dma_wait3A_456] : memref<4224x128xf32, #tpu.memory_space<vmem_shared>> -> memref<4224x128xf32, #tpu.memory_space<vmem_shared>>
    tpu.wait_indirect_dma semaphore(%arg8 : memref<!tpu.dma_semaphore, #tpu.memory_space<semaphore_mem>>) src(%dma_wait3A_457 : memref<4224x128xf32, #tpu.memory_space<vmem_shared>>) dst(%dma_wait3A_451 : memref<64x128xf32, #tpu.memory_space<vmem>>)
    %add3A_458 = arith.constant 576 : i32
    %add3A_459 = arith.addi %mul3A_2, %add3A_458 : i32
    %dma_start3A_460 = arith.constant 1 : i32
    %dma_start3A_461 = arith.constant 0 : i32
    %dma_start3A_462 = arith.constant 0 : i32
    %dma_start3A_463 = tpu.memref_slice %arg6[%dma_start3A_460, %dma_start3A_461, %dma_start3A_462] : memref<8x64x128xf32, #tpu.memory_space<vmem>> -> memref<1x64x128xf32, #tpu.memory_space<vmem>>
    %dma_start3A_464 = tpu.memref_squeeze %dma_start3A_463 : memref<1x64x128xf32, #tpu.memory_space<vmem>> -> memref<64x128xf32, #tpu.memory_space<vmem>>
    %dma_start3A_465 = arith.constant 0 : i32
    %dma_start3A_466 = tpu.memref_slice %arg4[%add3A_459, %dma_start3A_465] : memref<65536x128xf32, #tpu.memory_space<hbm>> -> memref<64x128xf32, #tpu.memory_space<hbm>>
    %dma_start3A_467 = arith.constant 0 : i32
    %dma_start3A_468 = tpu.memref_slice %arg4[%add3A_459, %dma_start3A_467] : memref<65536x128xf32, #tpu.memory_space<hbm>> -> memref<64x128xf32, #tpu.memory_space<hbm>>
    %dma_start3A_469 = arith.constant 0 : i32
    %dma_start3A_470 = arith.constant 0 : i32
    %dma_start3A_471 = tpu.memref_slice %arg6[%dma_start3A_460, %dma_start3A_469, %dma_start3A_470] : memref<8x64x128xf32, #tpu.memory_space<vmem>> -> memref<1x64x128xf32, #tpu.memory_space<vmem>>
    %dma_start3A_472 = tpu.memref_squeeze %dma_start3A_471 : memref<1x64x128xf32, #tpu.memory_space<vmem>> -> memref<64x128xf32, #tpu.memory_space<vmem>>
    tpu.enqueue_dma source(%dma_start3A_472 : memref<64x128xf32, #tpu.memory_space<vmem>>) target(%dma_start3A_468 : memref<64x128xf32, #tpu.memory_space<hbm>>) target_semaphore(%arg9 : memref<!tpu.dma_semaphore, #tpu.memory_space<semaphore_mem>>)
    %dma_wait3A_473 = arith.constant 10 : i32
    %dma_wait3A_474 = arith.constant 2 : i32
    %dma_wait3A_475 = arith.constant 0 : i32
    %dma_wait3A_476 = arith.constant 0 : i32
    %dma_wait3A_477 = tpu.memref_slice %arg6[%dma_wait3A_474, %dma_wait3A_475, %dma_wait3A_476] : memref<8x64x128xf32, #tpu.memory_space<vmem>> -> memref<1x64x128xf32, #tpu.memory_space<vmem>>
    %dma_wait3A_478 = tpu.memref_squeeze %dma_wait3A_477 : memref<1x64x128xf32, #tpu.memory_space<vmem>> -> memref<64x128xf32, #tpu.memory_space<vmem>>
    %dma_wait3A_479 = arith.constant 0 : i32
    %dma_wait3A_480 = tpu.memref_slice %arg5[%dma_wait3A_473, %dma_wait3A_479] : memref<32x64xi32, #tpu.memory_space<vmem>> -> memref<1x64xi32, #tpu.memory_space<vmem>>
    %dma_wait3A_481 = tpu.memref_squeeze %dma_wait3A_480 : memref<1x64xi32, #tpu.memory_space<vmem>> -> memref<64xi32, #tpu.memory_space<vmem>>
    %dma_wait3A_482 = arith.constant 0 : i32
    %dma_wait3A_483 = arith.constant 0 : i32
    %dma_wait3A_484 = tpu.memref_slice %arg7[%dma_wait3A_482, %dma_wait3A_483] : memref<4224x128xf32, #tpu.memory_space<vmem_shared>> -> memref<4224x128xf32, #tpu.memory_space<vmem_shared>>
    tpu.wait_indirect_dma semaphore(%arg8 : memref<!tpu.dma_semaphore, #tpu.memory_space<semaphore_mem>>) src(%dma_wait3A_484 : memref<4224x128xf32, #tpu.memory_space<vmem_shared>>) dst(%dma_wait3A_478 : memref<64x128xf32, #tpu.memory_space<vmem>>)
    %add3A_485 = arith.constant 640 : i32
    %add3A_486 = arith.addi %mul3A_2, %add3A_485 : i32
    %dma_start3A_487 = arith.constant 2 : i32
    %dma_start3A_488 = arith.constant 0 : i32
    %dma_start3A_489 = arith.constant 0 : i32
    %dma_start3A_490 = tpu.memref_slice %arg6[%dma_start3A_487, %dma_start3A_488, %dma_start3A_489] : memref<8x64x128xf32, #tpu.memory_space<vmem>> -> memref<1x64x128xf32, #tpu.memory_space<vmem>>
    %dma_start3A_491 = tpu.memref_squeeze %dma_start3A_490 : memref<1x64x128xf32, #tpu.memory_space<vmem>> -> memref<64x128xf32, #tpu.memory_space<vmem>>
    %dma_start3A_492 = arith.constant 0 : i32
    %dma_start3A_493 = tpu.memref_slice %arg4[%add3A_486, %dma_start3A_492] : memref<65536x128xf32, #tpu.memory_space<hbm>> -> memref<64x128xf32, #tpu.memory_space<hbm>>
    %dma_start3A_494 = arith.constant 0 : i32
    %dma_start3A_495 = tpu.memref_slice %arg4[%add3A_486, %dma_start3A_494] : memref<65536x128xf32, #tpu.memory_space<hbm>> -> memref<64x128xf32, #tpu.memory_space<hbm>>
    %dma_start3A_496 = arith.constant 0 : i32
    %dma_start3A_497 = arith.constant 0 : i32
    %dma_start3A_498 = tpu.memref_slice %arg6[%dma_start3A_487, %dma_start3A_496, %dma_start3A_497] : memref<8x64x128xf32, #tpu.memory_space<vmem>> -> memref<1x64x128xf32, #tpu.memory_space<vmem>>
    %dma_start3A_499 = tpu.memref_squeeze %dma_start3A_498 : memref<1x64x128xf32, #tpu.memory_space<vmem>> -> memref<64x128xf32, #tpu.memory_space<vmem>>
    tpu.enqueue_dma source(%dma_start3A_499 : memref<64x128xf32, #tpu.memory_space<vmem>>) target(%dma_start3A_495 : memref<64x128xf32, #tpu.memory_space<hbm>>) target_semaphore(%arg9 : memref<!tpu.dma_semaphore, #tpu.memory_space<semaphore_mem>>)
    %dma_wait3A_500 = arith.constant 11 : i32
    %dma_wait3A_501 = arith.constant 3 : i32
    %dma_wait3A_502 = arith.constant 0 : i32
    %dma_wait3A_503 = arith.constant 0 : i32
    %dma_wait3A_504 = tpu.memref_slice %arg6[%dma_wait3A_501, %dma_wait3A_502, %dma_wait3A_503] : memref<8x64x128xf32, #tpu.memory_space<vmem>> -> memref<1x64x128xf32, #tpu.memory_space<vmem>>
    %dma_wait3A_505 = tpu.memref_squeeze %dma_wait3A_504 : memref<1x64x128xf32, #tpu.memory_space<vmem>> -> memref<64x128xf32, #tpu.memory_space<vmem>>
    %dma_wait3A_506 = arith.constant 0 : i32
    %dma_wait3A_507 = tpu.memref_slice %arg5[%dma_wait3A_500, %dma_wait3A_506] : memref<32x64xi32, #tpu.memory_space<vmem>> -> memref<1x64xi32, #tpu.memory_space<vmem>>
    %dma_wait3A_508 = tpu.memref_squeeze %dma_wait3A_507 : memref<1x64xi32, #tpu.memory_space<vmem>> -> memref<64xi32, #tpu.memory_space<vmem>>
    %dma_wait3A_509 = arith.constant 0 : i32
    %dma_wait3A_510 = arith.constant 0 : i32
    %dma_wait3A_511 = tpu.memref_slice %arg7[%dma_wait3A_509, %dma_wait3A_510] : memref<4224x128xf32, #tpu.memory_space<vmem_shared>> -> memref<4224x128xf32, #tpu.memory_space<vmem_shared>>
    tpu.wait_indirect_dma semaphore(%arg8 : memref<!tpu.dma_semaphore, #tpu.memory_space<semaphore_mem>>) src(%dma_wait3A_511 : memref<4224x128xf32, #tpu.memory_space<vmem_shared>>) dst(%dma_wait3A_505 : memref<64x128xf32, #tpu.memory_space<vmem>>)
    %add3A_512 = arith.constant 704 : i32
    %add3A_513 = arith.addi %mul3A_2, %add3A_512 : i32
    %dma_start3A_514 = arith.constant 3 : i32
    %dma_start3A_515 = arith.constant 0 : i32
    %dma_start3A_516 = arith.constant 0 : i32
    %dma_start3A_517 = tpu.memref_slice %arg6[%dma_start3A_514, %dma_start3A_515, %dma_start3A_516] : memref<8x64x128xf32, #tpu.memory_space<vmem>> -> memref<1x64x128xf32, #tpu.memory_space<vmem>>
    %dma_start3A_518 = tpu.memref_squeeze %dma_start3A_517 : memref<1x64x128xf32, #tpu.memory_space<vmem>> -> memref<64x128xf32, #tpu.memory_space<vmem>>
    %dma_start3A_519 = arith.constant 0 : i32
    %dma_start3A_520 = tpu.memref_slice %arg4[%add3A_513, %dma_start3A_519] : memref<65536x128xf32, #tpu.memory_space<hbm>> -> memref<64x128xf32, #tpu.memory_space<hbm>>
    %dma_start3A_521 = arith.constant 0 : i32
    %dma_start3A_522 = tpu.memref_slice %arg4[%add3A_513, %dma_start3A_521] : memref<65536x128xf32, #tpu.memory_space<hbm>> -> memref<64x128xf32, #tpu.memory_space<hbm>>
    %dma_start3A_523 = arith.constant 0 : i32
    %dma_start3A_524 = arith.constant 0 : i32
    %dma_start3A_525 = tpu.memref_slice %arg6[%dma_start3A_514, %dma_start3A_523, %dma_start3A_524] : memref<8x64x128xf32, #tpu.memory_space<vmem>> -> memref<1x64x128xf32, #tpu.memory_space<vmem>>
    %dma_start3A_526 = tpu.memref_squeeze %dma_start3A_525 : memref<1x64x128xf32, #tpu.memory_space<vmem>> -> memref<64x128xf32, #tpu.memory_space<vmem>>
    tpu.enqueue_dma source(%dma_start3A_526 : memref<64x128xf32, #tpu.memory_space<vmem>>) target(%dma_start3A_522 : memref<64x128xf32, #tpu.memory_space<hbm>>) target_semaphore(%arg9 : memref<!tpu.dma_semaphore, #tpu.memory_space<semaphore_mem>>)
    %dma_wait3A_527 = arith.constant 4 : i32
    %dma_wait3A_528 = arith.constant 0 : i32
    %dma_wait3A_529 = arith.constant 0 : i32
    %dma_wait3A_530 = tpu.memref_slice %arg6[%dma_wait3A_527, %dma_wait3A_528, %dma_wait3A_529] : memref<8x64x128xf32, #tpu.memory_space<vmem>> -> memref<1x64x128xf32, #tpu.memory_space<vmem>>
    %dma_wait3A_531 = tpu.memref_squeeze %dma_wait3A_530 : memref<1x64x128xf32, #tpu.memory_space<vmem>> -> memref<64x128xf32, #tpu.memory_space<vmem>>
    %dma_wait3A_532 = arith.constant 0 : i32
    %dma_wait3A_533 = tpu.memref_slice %arg4[%add3A_224, %dma_wait3A_532] : memref<65536x128xf32, #tpu.memory_space<hbm>> -> memref<64x128xf32, #tpu.memory_space<hbm>>
    %dma_wait3A_534 = arith.constant 0 : i32
    %dma_wait3A_535 = tpu.memref_slice %arg4[%add3A_224, %dma_wait3A_534] : memref<65536x128xf32, #tpu.memory_space<hbm>> -> memref<64x128xf32, #tpu.memory_space<hbm>>
    %dma_wait3A_536 = arith.constant 0 : i32
    %dma_wait3A_537 = arith.constant 0 : i32
    %dma_wait3A_538 = tpu.memref_slice %arg6[%dma_wait3A_527, %dma_wait3A_536, %dma_wait3A_537] : memref<8x64x128xf32, #tpu.memory_space<vmem>> -> memref<1x64x128xf32, #tpu.memory_space<vmem>>
    %dma_wait3A_539 = tpu.memref_squeeze %dma_wait3A_538 : memref<1x64x128xf32, #tpu.memory_space<vmem>> -> memref<64x128xf32, #tpu.memory_space<vmem>>
    tpu.wait_dma2 semaphore(%arg9 : memref<!tpu.dma_semaphore, #tpu.memory_space<semaphore_mem>>) src(%dma_wait3A_539 : memref<64x128xf32, #tpu.memory_space<vmem>>) dst(%dma_wait3A_535 : memref<64x128xf32, #tpu.memory_space<hbm>>)
    %dma_wait3A_540 = arith.constant 5 : i32
    %dma_wait3A_541 = arith.constant 0 : i32
    %dma_wait3A_542 = arith.constant 0 : i32
    %dma_wait3A_543 = tpu.memref_slice %arg6[%dma_wait3A_540, %dma_wait3A_541, %dma_wait3A_542] : memref<8x64x128xf32, #tpu.memory_space<vmem>> -> memref<1x64x128xf32, #tpu.memory_space<vmem>>
    %dma_wait3A_544 = tpu.memref_squeeze %dma_wait3A_543 : memref<1x64x128xf32, #tpu.memory_space<vmem>> -> memref<64x128xf32, #tpu.memory_space<vmem>>
    %dma_wait3A_545 = arith.constant 0 : i32
    %dma_wait3A_546 = tpu.memref_slice %arg4[%add3A_251, %dma_wait3A_545] : memref<65536x128xf32, #tpu.memory_space<hbm>> -> memref<64x128xf32, #tpu.memory_space<hbm>>
    %dma_wait3A_547 = arith.constant 0 : i32
    %dma_wait3A_548 = tpu.memref_slice %arg4[%add3A_251, %dma_wait3A_547] : memref<65536x128xf32, #tpu.memory_space<hbm>> -> memref<64x128xf32, #tpu.memory_space<hbm>>
    %dma_wait3A_549 = arith.constant 0 : i32
    %dma_wait3A_550 = arith.constant 0 : i32
    %dma_wait3A_551 = tpu.memref_slice %arg6[%dma_wait3A_540, %dma_wait3A_549, %dma_wait3A_550] : memref<8x64x128xf32, #tpu.memory_space<vmem>> -> memref<1x64x128xf32, #tpu.memory_space<vmem>>
    %dma_wait3A_552 = tpu.memref_squeeze %dma_wait3A_551 : memref<1x64x128xf32, #tpu.memory_space<vmem>> -> memref<64x128xf32, #tpu.memory_space<vmem>>
    tpu.wait_dma2 semaphore(%arg9 : memref<!tpu.dma_semaphore, #tpu.memory_space<semaphore_mem>>) src(%dma_wait3A_552 : memref<64x128xf32, #tpu.memory_space<vmem>>) dst(%dma_wait3A_548 : memref<64x128xf32, #tpu.memory_space<hbm>>)
    %dma_wait3A_553 = arith.constant 6 : i32
    %dma_wait3A_554 = arith.constant 0 : i32
    %dma_wait3A_555 = arith.constant 0 : i32
    %dma_wait3A_556 = tpu.memref_slice %arg6[%dma_wait3A_553, %dma_wait3A_554, %dma_wait3A_555] : memref<8x64x128xf32, #tpu.memory_space<vmem>> -> memref<1x64x128xf32, #tpu.memory_space<vmem>>
    %dma_wait3A_557 = tpu.memref_squeeze %dma_wait3A_556 : memref<1x64x128xf32, #tpu.memory_space<vmem>> -> memref<64x128xf32, #tpu.memory_space<vmem>>
    %dma_wait3A_558 = arith.constant 0 : i32
    %dma_wait3A_559 = tpu.memref_slice %arg4[%add3A_278, %dma_wait3A_558] : memref<65536x128xf32, #tpu.memory_space<hbm>> -> memref<64x128xf32, #tpu.memory_space<hbm>>
    %dma_wait3A_560 = arith.constant 0 : i32
    %dma_wait3A_561 = tpu.memref_slice %arg4[%add3A_278, %dma_wait3A_560] : memref<65536x128xf32, #tpu.memory_space<hbm>> -> memref<64x128xf32, #tpu.memory_space<hbm>>
    %dma_wait3A_562 = arith.constant 0 : i32
    %dma_wait3A_563 = arith.constant 0 : i32
    %dma_wait3A_564 = tpu.memref_slice %arg6[%dma_wait3A_553, %dma_wait3A_562, %dma_wait3A_563] : memref<8x64x128xf32, #tpu.memory_space<vmem>> -> memref<1x64x128xf32, #tpu.memory_space<vmem>>
    %dma_wait3A_565 = tpu.memref_squeeze %dma_wait3A_564 : memref<1x64x128xf32, #tpu.memory_space<vmem>> -> memref<64x128xf32, #tpu.memory_space<vmem>>
    tpu.wait_dma2 semaphore(%arg9 : memref<!tpu.dma_semaphore, #tpu.memory_space<semaphore_mem>>) src(%dma_wait3A_565 : memref<64x128xf32, #tpu.memory_space<vmem>>) dst(%dma_wait3A_561 : memref<64x128xf32, #tpu.memory_space<hbm>>)
    %dma_wait3A_566 = arith.constant 7 : i32
    %dma_wait3A_567 = arith.constant 0 : i32
    %dma_wait3A_568 = arith.constant 0 : i32
    %dma_wait3A_569 = tpu.memref_slice %arg6[%dma_wait3A_566, %dma_wait3A_567, %dma_wait3A_568] : memref<8x64x128xf32, #tpu.memory_space<vmem>> -> memref<1x64x128xf32, #tpu.memory_space<vmem>>
    %dma_wait3A_570 = tpu.memref_squeeze %dma_wait3A_569 : memref<1x64x128xf32, #tpu.memory_space<vmem>> -> memref<64x128xf32, #tpu.memory_space<vmem>>
    %dma_wait3A_571 = arith.constant 0 : i32
    %dma_wait3A_572 = tpu.memref_slice %arg4[%add3A_305, %dma_wait3A_571] : memref<65536x128xf32, #tpu.memory_space<hbm>> -> memref<64x128xf32, #tpu.memory_space<hbm>>
    %dma_wait3A_573 = arith.constant 0 : i32
    %dma_wait3A_574 = tpu.memref_slice %arg4[%add3A_305, %dma_wait3A_573] : memref<65536x128xf32, #tpu.memory_space<hbm>> -> memref<64x128xf32, #tpu.memory_space<hbm>>
    %dma_wait3A_575 = arith.constant 0 : i32
    %dma_wait3A_576 = arith.constant 0 : i32
    %dma_wait3A_577 = tpu.memref_slice %arg6[%dma_wait3A_566, %dma_wait3A_575, %dma_wait3A_576] : memref<8x64x128xf32, #tpu.memory_space<vmem>> -> memref<1x64x128xf32, #tpu.memory_space<vmem>>
    %dma_wait3A_578 = tpu.memref_squeeze %dma_wait3A_577 : memref<1x64x128xf32, #tpu.memory_space<vmem>> -> memref<64x128xf32, #tpu.memory_space<vmem>>
    tpu.wait_dma2 semaphore(%arg9 : memref<!tpu.dma_semaphore, #tpu.memory_space<semaphore_mem>>) src(%dma_wait3A_578 : memref<64x128xf32, #tpu.memory_space<vmem>>) dst(%dma_wait3A_574 : memref<64x128xf32, #tpu.memory_space<hbm>>)
    %dma_start3A_579 = arith.constant 12 : i32
    %dma_start3A_580 = arith.constant 4 : i32
    %dma_start3A_581 = arith.constant 0 : i32
    %dma_start3A_582 = arith.constant 0 : i32
    %dma_start3A_583 = tpu.memref_slice %arg6[%dma_start3A_580, %dma_start3A_581, %dma_start3A_582] : memref<8x64x128xf32, #tpu.memory_space<vmem>> -> memref<1x64x128xf32, #tpu.memory_space<vmem>>
    %dma_start3A_584 = tpu.memref_squeeze %dma_start3A_583 : memref<1x64x128xf32, #tpu.memory_space<vmem>> -> memref<64x128xf32, #tpu.memory_space<vmem>>
    %dma_start3A_585 = arith.constant 0 : i32
    %dma_start3A_586 = tpu.memref_slice %arg5[%dma_start3A_579, %dma_start3A_585] : memref<32x64xi32, #tpu.memory_space<vmem>> -> memref<1x64xi32, #tpu.memory_space<vmem>>
    %dma_start3A_587 = tpu.memref_squeeze %dma_start3A_586 : memref<1x64xi32, #tpu.memory_space<vmem>> -> memref<64xi32, #tpu.memory_space<vmem>>
    %dma_start3A_588 = arith.constant 0 : i32
    %dma_start3A_589 = arith.constant 0 : i32
    %dma_start3A_590 = tpu.memref_slice %arg7[%dma_start3A_588, %dma_start3A_589] : memref<4224x128xf32, #tpu.memory_space<vmem_shared>> -> memref<4224x128xf32, #tpu.memory_space<vmem_shared>>
    tpu.enqueue_indirect_dma source(%dma_start3A_590 : memref<4224x128xf32, #tpu.memory_space<vmem_shared>>) target(%dma_start3A_584 : memref<64x128xf32, #tpu.memory_space<vmem>>) offsets(%dma_start3A_587 : memref<64xi32, #tpu.memory_space<vmem>>) semaphore(%arg8 : memref<!tpu.dma_semaphore, #tpu.memory_space<semaphore_mem>>)
    %dma_start3A_591 = arith.constant 13 : i32
    %dma_start3A_592 = arith.constant 5 : i32
    %dma_start3A_593 = arith.constant 0 : i32
    %dma_start3A_594 = arith.constant 0 : i32
    %dma_start3A_595 = tpu.memref_slice %arg6[%dma_start3A_592, %dma_start3A_593, %dma_start3A_594] : memref<8x64x128xf32, #tpu.memory_space<vmem>> -> memref<1x64x128xf32, #tpu.memory_space<vmem>>
    %dma_start3A_596 = tpu.memref_squeeze %dma_start3A_595 : memref<1x64x128xf32, #tpu.memory_space<vmem>> -> memref<64x128xf32, #tpu.memory_space<vmem>>
    %dma_start3A_597 = arith.constant 0 : i32
    %dma_start3A_598 = tpu.memref_slice %arg5[%dma_start3A_591, %dma_start3A_597] : memref<32x64xi32, #tpu.memory_space<vmem>> -> memref<1x64xi32, #tpu.memory_space<vmem>>
    %dma_start3A_599 = tpu.memref_squeeze %dma_start3A_598 : memref<1x64xi32, #tpu.memory_space<vmem>> -> memref<64xi32, #tpu.memory_space<vmem>>
    %dma_start3A_600 = arith.constant 0 : i32
    %dma_start3A_601 = arith.constant 0 : i32
    %dma_start3A_602 = tpu.memref_slice %arg7[%dma_start3A_600, %dma_start3A_601] : memref<4224x128xf32, #tpu.memory_space<vmem_shared>> -> memref<4224x128xf32, #tpu.memory_space<vmem_shared>>
    tpu.enqueue_indirect_dma source(%dma_start3A_602 : memref<4224x128xf32, #tpu.memory_space<vmem_shared>>) target(%dma_start3A_596 : memref<64x128xf32, #tpu.memory_space<vmem>>) offsets(%dma_start3A_599 : memref<64xi32, #tpu.memory_space<vmem>>) semaphore(%arg8 : memref<!tpu.dma_semaphore, #tpu.memory_space<semaphore_mem>>)
    %dma_start3A_603 = arith.constant 14 : i32
    %dma_start3A_604 = arith.constant 6 : i32
    %dma_start3A_605 = arith.constant 0 : i32
    %dma_start3A_606 = arith.constant 0 : i32
    %dma_start3A_607 = tpu.memref_slice %arg6[%dma_start3A_604, %dma_start3A_605, %dma_start3A_606] : memref<8x64x128xf32, #tpu.memory_space<vmem>> -> memref<1x64x128xf32, #tpu.memory_space<vmem>>
    %dma_start3A_608 = tpu.memref_squeeze %dma_start3A_607 : memref<1x64x128xf32, #tpu.memory_space<vmem>> -> memref<64x128xf32, #tpu.memory_space<vmem>>
    %dma_start3A_609 = arith.constant 0 : i32
    %dma_start3A_610 = tpu.memref_slice %arg5[%dma_start3A_603, %dma_start3A_609] : memref<32x64xi32, #tpu.memory_space<vmem>> -> memref<1x64xi32, #tpu.memory_space<vmem>>
    %dma_start3A_611 = tpu.memref_squeeze %dma_start3A_610 : memref<1x64xi32, #tpu.memory_space<vmem>> -> memref<64xi32, #tpu.memory_space<vmem>>
    %dma_start3A_612 = arith.constant 0 : i32
    %dma_start3A_613 = arith.constant 0 : i32
    %dma_start3A_614 = tpu.memref_slice %arg7[%dma_start3A_612, %dma_start3A_613] : memref<4224x128xf32, #tpu.memory_space<vmem_shared>> -> memref<4224x128xf32, #tpu.memory_space<vmem_shared>>
    tpu.enqueue_indirect_dma source(%dma_start3A_614 : memref<4224x128xf32, #tpu.memory_space<vmem_shared>>) target(%dma_start3A_608 : memref<64x128xf32, #tpu.memory_space<vmem>>) offsets(%dma_start3A_611 : memref<64xi32, #tpu.memory_space<vmem>>) semaphore(%arg8 : memref<!tpu.dma_semaphore, #tpu.memory_space<semaphore_mem>>)
    %dma_start3A_615 = arith.constant 15 : i32
    %dma_start3A_616 = arith.constant 7 : i32
    %dma_start3A_617 = arith.constant 0 : i32
    %dma_start3A_618 = arith.constant 0 : i32
    %dma_start3A_619 = tpu.memref_slice %arg6[%dma_start3A_616, %dma_start3A_617, %dma_start3A_618] : memref<8x64x128xf32, #tpu.memory_space<vmem>> -> memref<1x64x128xf32, #tpu.memory_space<vmem>>
    %dma_start3A_620 = tpu.memref_squeeze %dma_start3A_619 : memref<1x64x128xf32, #tpu.memory_space<vmem>> -> memref<64x128xf32, #tpu.memory_space<vmem>>
    %dma_start3A_621 = arith.constant 0 : i32
    %dma_start3A_622 = tpu.memref_slice %arg5[%dma_start3A_615, %dma_start3A_621] : memref<32x64xi32, #tpu.memory_space<vmem>> -> memref<1x64xi32, #tpu.memory_space<vmem>>
    %dma_start3A_623 = tpu.memref_squeeze %dma_start3A_622 : memref<1x64xi32, #tpu.memory_space<vmem>> -> memref<64xi32, #tpu.memory_space<vmem>>
    %dma_start3A_624 = arith.constant 0 : i32
    %dma_start3A_625 = arith.constant 0 : i32
    %dma_start3A_626 = tpu.memref_slice %arg7[%dma_start3A_624, %dma_start3A_625] : memref<4224x128xf32, #tpu.memory_space<vmem_shared>> -> memref<4224x128xf32, #tpu.memory_space<vmem_shared>>
    tpu.enqueue_indirect_dma source(%dma_start3A_626 : memref<4224x128xf32, #tpu.memory_space<vmem_shared>>) target(%dma_start3A_620 : memref<64x128xf32, #tpu.memory_space<vmem>>) offsets(%dma_start3A_623 : memref<64xi32, #tpu.memory_space<vmem>>) semaphore(%arg8 : memref<!tpu.dma_semaphore, #tpu.memory_space<semaphore_mem>>)
    %dma_wait3A_627 = arith.constant 12 : i32
    %dma_wait3A_628 = arith.constant 4 : i32
    %dma_wait3A_629 = arith.constant 0 : i32
    %dma_wait3A_630 = arith.constant 0 : i32
    %dma_wait3A_631 = tpu.memref_slice %arg6[%dma_wait3A_628, %dma_wait3A_629, %dma_wait3A_630] : memref<8x64x128xf32, #tpu.memory_space<vmem>> -> memref<1x64x128xf32, #tpu.memory_space<vmem>>
    %dma_wait3A_632 = tpu.memref_squeeze %dma_wait3A_631 : memref<1x64x128xf32, #tpu.memory_space<vmem>> -> memref<64x128xf32, #tpu.memory_space<vmem>>
    %dma_wait3A_633 = arith.constant 0 : i32
    %dma_wait3A_634 = tpu.memref_slice %arg5[%dma_wait3A_627, %dma_wait3A_633] : memref<32x64xi32, #tpu.memory_space<vmem>> -> memref<1x64xi32, #tpu.memory_space<vmem>>
    %dma_wait3A_635 = tpu.memref_squeeze %dma_wait3A_634 : memref<1x64xi32, #tpu.memory_space<vmem>> -> memref<64xi32, #tpu.memory_space<vmem>>
    %dma_wait3A_636 = arith.constant 0 : i32
    %dma_wait3A_637 = arith.constant 0 : i32
    %dma_wait3A_638 = tpu.memref_slice %arg7[%dma_wait3A_636, %dma_wait3A_637] : memref<4224x128xf32, #tpu.memory_space<vmem_shared>> -> memref<4224x128xf32, #tpu.memory_space<vmem_shared>>
    tpu.wait_indirect_dma semaphore(%arg8 : memref<!tpu.dma_semaphore, #tpu.memory_space<semaphore_mem>>) src(%dma_wait3A_638 : memref<4224x128xf32, #tpu.memory_space<vmem_shared>>) dst(%dma_wait3A_632 : memref<64x128xf32, #tpu.memory_space<vmem>>)
    %add3A_639 = arith.constant 768 : i32
    %add3A_640 = arith.addi %mul3A_2, %add3A_639 : i32
    %dma_start3A_641 = arith.constant 4 : i32
    %dma_start3A_642 = arith.constant 0 : i32
    %dma_start3A_643 = arith.constant 0 : i32
    %dma_start3A_644 = tpu.memref_slice %arg6[%dma_start3A_641, %dma_start3A_642, %dma_start3A_643] : memref<8x64x128xf32, #tpu.memory_space<vmem>> -> memref<1x64x128xf32, #tpu.memory_space<vmem>>
    %dma_start3A_645 = tpu.memref_squeeze %dma_start3A_644 : memref<1x64x128xf32, #tpu.memory_space<vmem>> -> memref<64x128xf32, #tpu.memory_space<vmem>>
    %dma_start3A_646 = arith.constant 0 : i32
    %dma_start3A_647 = tpu.memref_slice %arg4[%add3A_640, %dma_start3A_646] : memref<65536x128xf32, #tpu.memory_space<hbm>> -> memref<64x128xf32, #tpu.memory_space<hbm>>
    %dma_start3A_648 = arith.constant 0 : i32
    %dma_start3A_649 = tpu.memref_slice %arg4[%add3A_640, %dma_start3A_648] : memref<65536x128xf32, #tpu.memory_space<hbm>> -> memref<64x128xf32, #tpu.memory_space<hbm>>
    %dma_start3A_650 = arith.constant 0 : i32
    %dma_start3A_651 = arith.constant 0 : i32
    %dma_start3A_652 = tpu.memref_slice %arg6[%dma_start3A_641, %dma_start3A_650, %dma_start3A_651] : memref<8x64x128xf32, #tpu.memory_space<vmem>> -> memref<1x64x128xf32, #tpu.memory_space<vmem>>
    %dma_start3A_653 = tpu.memref_squeeze %dma_start3A_652 : memref<1x64x128xf32, #tpu.memory_space<vmem>> -> memref<64x128xf32, #tpu.memory_space<vmem>>
    tpu.enqueue_dma source(%dma_start3A_653 : memref<64x128xf32, #tpu.memory_space<vmem>>) target(%dma_start3A_649 : memref<64x128xf32, #tpu.memory_space<hbm>>) target_semaphore(%arg9 : memref<!tpu.dma_semaphore, #tpu.memory_space<semaphore_mem>>)
    %dma_wait3A_654 = arith.constant 13 : i32
    %dma_wait3A_655 = arith.constant 5 : i32
    %dma_wait3A_656 = arith.constant 0 : i32
    %dma_wait3A_657 = arith.constant 0 : i32
    %dma_wait3A_658 = tpu.memref_slice %arg6[%dma_wait3A_655, %dma_wait3A_656, %dma_wait3A_657] : memref<8x64x128xf32, #tpu.memory_space<vmem>> -> memref<1x64x128xf32, #tpu.memory_space<vmem>>
    %dma_wait3A_659 = tpu.memref_squeeze %dma_wait3A_658 : memref<1x64x128xf32, #tpu.memory_space<vmem>> -> memref<64x128xf32, #tpu.memory_space<vmem>>
    %dma_wait3A_660 = arith.constant 0 : i32
    %dma_wait3A_661 = tpu.memref_slice %arg5[%dma_wait3A_654, %dma_wait3A_660] : memref<32x64xi32, #tpu.memory_space<vmem>> -> memref<1x64xi32, #tpu.memory_space<vmem>>
    %dma_wait3A_662 = tpu.memref_squeeze %dma_wait3A_661 : memref<1x64xi32, #tpu.memory_space<vmem>> -> memref<64xi32, #tpu.memory_space<vmem>>
    %dma_wait3A_663 = arith.constant 0 : i32
    %dma_wait3A_664 = arith.constant 0 : i32
    %dma_wait3A_665 = tpu.memref_slice %arg7[%dma_wait3A_663, %dma_wait3A_664] : memref<4224x128xf32, #tpu.memory_space<vmem_shared>> -> memref<4224x128xf32, #tpu.memory_space<vmem_shared>>
    tpu.wait_indirect_dma semaphore(%arg8 : memref<!tpu.dma_semaphore, #tpu.memory_space<semaphore_mem>>) src(%dma_wait3A_665 : memref<4224x128xf32, #tpu.memory_space<vmem_shared>>) dst(%dma_wait3A_659 : memref<64x128xf32, #tpu.memory_space<vmem>>)
    %add3A_666 = arith.constant 832 : i32
    %add3A_667 = arith.addi %mul3A_2, %add3A_666 : i32
    %dma_start3A_668 = arith.constant 5 : i32
    %dma_start3A_669 = arith.constant 0 : i32
    %dma_start3A_670 = arith.constant 0 : i32
    %dma_start3A_671 = tpu.memref_slice %arg6[%dma_start3A_668, %dma_start3A_669, %dma_start3A_670] : memref<8x64x128xf32, #tpu.memory_space<vmem>> -> memref<1x64x128xf32, #tpu.memory_space<vmem>>
    %dma_start3A_672 = tpu.memref_squeeze %dma_start3A_671 : memref<1x64x128xf32, #tpu.memory_space<vmem>> -> memref<64x128xf32, #tpu.memory_space<vmem>>
    %dma_start3A_673 = arith.constant 0 : i32
    %dma_start3A_674 = tpu.memref_slice %arg4[%add3A_667, %dma_start3A_673] : memref<65536x128xf32, #tpu.memory_space<hbm>> -> memref<64x128xf32, #tpu.memory_space<hbm>>
    %dma_start3A_675 = arith.constant 0 : i32
    %dma_start3A_676 = tpu.memref_slice %arg4[%add3A_667, %dma_start3A_675] : memref<65536x128xf32, #tpu.memory_space<hbm>> -> memref<64x128xf32, #tpu.memory_space<hbm>>
    %dma_start3A_677 = arith.constant 0 : i32
    %dma_start3A_678 = arith.constant 0 : i32
    %dma_start3A_679 = tpu.memref_slice %arg6[%dma_start3A_668, %dma_start3A_677, %dma_start3A_678] : memref<8x64x128xf32, #tpu.memory_space<vmem>> -> memref<1x64x128xf32, #tpu.memory_space<vmem>>
    %dma_start3A_680 = tpu.memref_squeeze %dma_start3A_679 : memref<1x64x128xf32, #tpu.memory_space<vmem>> -> memref<64x128xf32, #tpu.memory_space<vmem>>
    tpu.enqueue_dma source(%dma_start3A_680 : memref<64x128xf32, #tpu.memory_space<vmem>>) target(%dma_start3A_676 : memref<64x128xf32, #tpu.memory_space<hbm>>) target_semaphore(%arg9 : memref<!tpu.dma_semaphore, #tpu.memory_space<semaphore_mem>>)
    %dma_wait3A_681 = arith.constant 14 : i32
    %dma_wait3A_682 = arith.constant 6 : i32
    %dma_wait3A_683 = arith.constant 0 : i32
    %dma_wait3A_684 = arith.constant 0 : i32
    %dma_wait3A_685 = tpu.memref_slice %arg6[%dma_wait3A_682, %dma_wait3A_683, %dma_wait3A_684] : memref<8x64x128xf32, #tpu.memory_space<vmem>> -> memref<1x64x128xf32, #tpu.memory_space<vmem>>
    %dma_wait3A_686 = tpu.memref_squeeze %dma_wait3A_685 : memref<1x64x128xf32, #tpu.memory_space<vmem>> -> memref<64x128xf32, #tpu.memory_space<vmem>>
    %dma_wait3A_687 = arith.constant 0 : i32
    %dma_wait3A_688 = tpu.memref_slice %arg5[%dma_wait3A_681, %dma_wait3A_687] : memref<32x64xi32, #tpu.memory_space<vmem>> -> memref<1x64xi32, #tpu.memory_space<vmem>>
    %dma_wait3A_689 = tpu.memref_squeeze %dma_wait3A_688 : memref<1x64xi32, #tpu.memory_space<vmem>> -> memref<64xi32, #tpu.memory_space<vmem>>
    %dma_wait3A_690 = arith.constant 0 : i32
    %dma_wait3A_691 = arith.constant 0 : i32
    %dma_wait3A_692 = tpu.memref_slice %arg7[%dma_wait3A_690, %dma_wait3A_691] : memref<4224x128xf32, #tpu.memory_space<vmem_shared>> -> memref<4224x128xf32, #tpu.memory_space<vmem_shared>>
    tpu.wait_indirect_dma semaphore(%arg8 : memref<!tpu.dma_semaphore, #tpu.memory_space<semaphore_mem>>) src(%dma_wait3A_692 : memref<4224x128xf32, #tpu.memory_space<vmem_shared>>) dst(%dma_wait3A_686 : memref<64x128xf32, #tpu.memory_space<vmem>>)
    %add3A_693 = arith.constant 896 : i32
    %add3A_694 = arith.addi %mul3A_2, %add3A_693 : i32
    %dma_start3A_695 = arith.constant 6 : i32
    %dma_start3A_696 = arith.constant 0 : i32
    %dma_start3A_697 = arith.constant 0 : i32
    %dma_start3A_698 = tpu.memref_slice %arg6[%dma_start3A_695, %dma_start3A_696, %dma_start3A_697] : memref<8x64x128xf32, #tpu.memory_space<vmem>> -> memref<1x64x128xf32, #tpu.memory_space<vmem>>
    %dma_start3A_699 = tpu.memref_squeeze %dma_start3A_698 : memref<1x64x128xf32, #tpu.memory_space<vmem>> -> memref<64x128xf32, #tpu.memory_space<vmem>>
    %dma_start3A_700 = arith.constant 0 : i32
    %dma_start3A_701 = tpu.memref_slice %arg4[%add3A_694, %dma_start3A_700] : memref<65536x128xf32, #tpu.memory_space<hbm>> -> memref<64x128xf32, #tpu.memory_space<hbm>>
    %dma_start3A_702 = arith.constant 0 : i32
    %dma_start3A_703 = tpu.memref_slice %arg4[%add3A_694, %dma_start3A_702] : memref<65536x128xf32, #tpu.memory_space<hbm>> -> memref<64x128xf32, #tpu.memory_space<hbm>>
    %dma_start3A_704 = arith.constant 0 : i32
    %dma_start3A_705 = arith.constant 0 : i32
    %dma_start3A_706 = tpu.memref_slice %arg6[%dma_start3A_695, %dma_start3A_704, %dma_start3A_705] : memref<8x64x128xf32, #tpu.memory_space<vmem>> -> memref<1x64x128xf32, #tpu.memory_space<vmem>>
    %dma_start3A_707 = tpu.memref_squeeze %dma_start3A_706 : memref<1x64x128xf32, #tpu.memory_space<vmem>> -> memref<64x128xf32, #tpu.memory_space<vmem>>
    tpu.enqueue_dma source(%dma_start3A_707 : memref<64x128xf32, #tpu.memory_space<vmem>>) target(%dma_start3A_703 : memref<64x128xf32, #tpu.memory_space<hbm>>) target_semaphore(%arg9 : memref<!tpu.dma_semaphore, #tpu.memory_space<semaphore_mem>>)
    %dma_wait3A_708 = arith.constant 15 : i32
    %dma_wait3A_709 = arith.constant 7 : i32
    %dma_wait3A_710 = arith.constant 0 : i32
    %dma_wait3A_711 = arith.constant 0 : i32
    %dma_wait3A_712 = tpu.memref_slice %arg6[%dma_wait3A_709, %dma_wait3A_710, %dma_wait3A_711] : memref<8x64x128xf32, #tpu.memory_space<vmem>> -> memref<1x64x128xf32, #tpu.memory_space<vmem>>
    %dma_wait3A_713 = tpu.memref_squeeze %dma_wait3A_712 : memref<1x64x128xf32, #tpu.memory_space<vmem>> -> memref<64x128xf32, #tpu.memory_space<vmem>>
    %dma_wait3A_714 = arith.constant 0 : i32
    %dma_wait3A_715 = tpu.memref_slice %arg5[%dma_wait3A_708, %dma_wait3A_714] : memref<32x64xi32, #tpu.memory_space<vmem>> -> memref<1x64xi32, #tpu.memory_space<vmem>>
    %dma_wait3A_716 = tpu.memref_squeeze %dma_wait3A_715 : memref<1x64xi32, #tpu.memory_space<vmem>> -> memref<64xi32, #tpu.memory_space<vmem>>
    %dma_wait3A_717 = arith.constant 0 : i32
    %dma_wait3A_718 = arith.constant 0 : i32
    %dma_wait3A_719 = tpu.memref_slice %arg7[%dma_wait3A_717, %dma_wait3A_718] : memref<4224x128xf32, #tpu.memory_space<vmem_shared>> -> memref<4224x128xf32, #tpu.memory_space<vmem_shared>>
    tpu.wait_indirect_dma semaphore(%arg8 : memref<!tpu.dma_semaphore, #tpu.memory_space<semaphore_mem>>) src(%dma_wait3A_719 : memref<4224x128xf32, #tpu.memory_space<vmem_shared>>) dst(%dma_wait3A_713 : memref<64x128xf32, #tpu.memory_space<vmem>>)
    %add3A_720 = arith.constant 960 : i32
    %add3A_721 = arith.addi %mul3A_2, %add3A_720 : i32
    %dma_start3A_722 = arith.constant 7 : i32
    %dma_start3A_723 = arith.constant 0 : i32
    %dma_start3A_724 = arith.constant 0 : i32
    %dma_start3A_725 = tpu.memref_slice %arg6[%dma_start3A_722, %dma_start3A_723, %dma_start3A_724] : memref<8x64x128xf32, #tpu.memory_space<vmem>> -> memref<1x64x128xf32, #tpu.memory_space<vmem>>
    %dma_start3A_726 = tpu.memref_squeeze %dma_start3A_725 : memref<1x64x128xf32, #tpu.memory_space<vmem>> -> memref<64x128xf32, #tpu.memory_space<vmem>>
    %dma_start3A_727 = arith.constant 0 : i32
    %dma_start3A_728 = tpu.memref_slice %arg4[%add3A_721, %dma_start3A_727] : memref<65536x128xf32, #tpu.memory_space<hbm>> -> memref<64x128xf32, #tpu.memory_space<hbm>>
    %dma_start3A_729 = arith.constant 0 : i32
    %dma_start3A_730 = tpu.memref_slice %arg4[%add3A_721, %dma_start3A_729] : memref<65536x128xf32, #tpu.memory_space<hbm>> -> memref<64x128xf32, #tpu.memory_space<hbm>>
    %dma_start3A_731 = arith.constant 0 : i32
    %dma_start3A_732 = arith.constant 0 : i32
    %dma_start3A_733 = tpu.memref_slice %arg6[%dma_start3A_722, %dma_start3A_731, %dma_start3A_732] : memref<8x64x128xf32, #tpu.memory_space<vmem>> -> memref<1x64x128xf32, #tpu.memory_space<vmem>>
    %dma_start3A_734 = tpu.memref_squeeze %dma_start3A_733 : memref<1x64x128xf32, #tpu.memory_space<vmem>> -> memref<64x128xf32, #tpu.memory_space<vmem>>
    tpu.enqueue_dma source(%dma_start3A_734 : memref<64x128xf32, #tpu.memory_space<vmem>>) target(%dma_start3A_730 : memref<64x128xf32, #tpu.memory_space<hbm>>) target_semaphore(%arg9 : memref<!tpu.dma_semaphore, #tpu.memory_space<semaphore_mem>>)
    %dma_wait3A_735 = arith.constant 0 : i32
    %dma_wait3A_736 = arith.constant 0 : i32
    %dma_wait3A_737 = arith.constant 0 : i32
    %dma_wait3A_738 = tpu.memref_slice %arg6[%dma_wait3A_735, %dma_wait3A_736, %dma_wait3A_737] : memref<8x64x128xf32, #tpu.memory_space<vmem>> -> memref<1x64x128xf32, #tpu.memory_space<vmem>>
    %dma_wait3A_739 = tpu.memref_squeeze %dma_wait3A_738 : memref<1x64x128xf32, #tpu.memory_space<vmem>> -> memref<64x128xf32, #tpu.memory_space<vmem>>
    %dma_wait3A_740 = arith.constant 0 : i32
    %dma_wait3A_741 = tpu.memref_slice %arg4[%add3A_432, %dma_wait3A_740] : memref<65536x128xf32, #tpu.memory_space<hbm>> -> memref<64x128xf32, #tpu.memory_space<hbm>>
    %dma_wait3A_742 = arith.constant 0 : i32
    %dma_wait3A_743 = tpu.memref_slice %arg4[%add3A_432, %dma_wait3A_742] : memref<65536x128xf32, #tpu.memory_space<hbm>> -> memref<64x128xf32, #tpu.memory_space<hbm>>
    %dma_wait3A_744 = arith.constant 0 : i32
    %dma_wait3A_745 = arith.constant 0 : i32
    %dma_wait3A_746 = tpu.memref_slice %arg6[%dma_wait3A_735, %dma_wait3A_744, %dma_wait3A_745] : memref<8x64x128xf32, #tpu.memory_space<vmem>> -> memref<1x64x128xf32, #tpu.memory_space<vmem>>
    %dma_wait3A_747 = tpu.memref_squeeze %dma_wait3A_746 : memref<1x64x128xf32, #tpu.memory_space<vmem>> -> memref<64x128xf32, #tpu.memory_space<vmem>>
    tpu.wait_dma2 semaphore(%arg9 : memref<!tpu.dma_semaphore, #tpu.memory_space<semaphore_mem>>) src(%dma_wait3A_747 : memref<64x128xf32, #tpu.memory_space<vmem>>) dst(%dma_wait3A_743 : memref<64x128xf32, #tpu.memory_space<hbm>>)
    %dma_wait3A_748 = arith.constant 1 : i32
    %dma_wait3A_749 = arith.constant 0 : i32
    %dma_wait3A_750 = arith.constant 0 : i32
    %dma_wait3A_751 = tpu.memref_slice %arg6[%dma_wait3A_748, %dma_wait3A_749, %dma_wait3A_750] : memref<8x64x128xf32, #tpu.memory_space<vmem>> -> memref<1x64x128xf32, #tpu.memory_space<vmem>>
    %dma_wait3A_752 = tpu.memref_squeeze %dma_wait3A_751 : memref<1x64x128xf32, #tpu.memory_space<vmem>> -> memref<64x128xf32, #tpu.memory_space<vmem>>
    %dma_wait3A_753 = arith.constant 0 : i32
    %dma_wait3A_754 = tpu.memref_slice %arg4[%add3A_459, %dma_wait3A_753] : memref<65536x128xf32, #tpu.memory_space<hbm>> -> memref<64x128xf32, #tpu.memory_space<hbm>>
    %dma_wait3A_755 = arith.constant 0 : i32
    %dma_wait3A_756 = tpu.memref_slice %arg4[%add3A_459, %dma_wait3A_755] : memref<65536x128xf32, #tpu.memory_space<hbm>> -> memref<64x128xf32, #tpu.memory_space<hbm>>
    %dma_wait3A_757 = arith.constant 0 : i32
    %dma_wait3A_758 = arith.constant 0 : i32
    %dma_wait3A_759 = tpu.memref_slice %arg6[%dma_wait3A_748, %dma_wait3A_757, %dma_wait3A_758] : memref<8x64x128xf32, #tpu.memory_space<vmem>> -> memref<1x64x128xf32, #tpu.memory_space<vmem>>
    %dma_wait3A_760 = tpu.memref_squeeze %dma_wait3A_759 : memref<1x64x128xf32, #tpu.memory_space<vmem>> -> memref<64x128xf32, #tpu.memory_space<vmem>>
    tpu.wait_dma2 semaphore(%arg9 : memref<!tpu.dma_semaphore, #tpu.memory_space<semaphore_mem>>) src(%dma_wait3A_760 : memref<64x128xf32, #tpu.memory_space<vmem>>) dst(%dma_wait3A_756 : memref<64x128xf32, #tpu.memory_space<hbm>>)
    %dma_wait3A_761 = arith.constant 2 : i32
    %dma_wait3A_762 = arith.constant 0 : i32
    %dma_wait3A_763 = arith.constant 0 : i32
    %dma_wait3A_764 = tpu.memref_slice %arg6[%dma_wait3A_761, %dma_wait3A_762, %dma_wait3A_763] : memref<8x64x128xf32, #tpu.memory_space<vmem>> -> memref<1x64x128xf32, #tpu.memory_space<vmem>>
    %dma_wait3A_765 = tpu.memref_squeeze %dma_wait3A_764 : memref<1x64x128xf32, #tpu.memory_space<vmem>> -> memref<64x128xf32, #tpu.memory_space<vmem>>
    %dma_wait3A_766 = arith.constant 0 : i32
    %dma_wait3A_767 = tpu.memref_slice %arg4[%add3A_486, %dma_wait3A_766] : memref<65536x128xf32, #tpu.memory_space<hbm>> -> memref<64x128xf32, #tpu.memory_space<hbm>>
    %dma_wait3A_768 = arith.constant 0 : i32
    %dma_wait3A_769 = tpu.memref_slice %arg4[%add3A_486, %dma_wait3A_768] : memref<65536x128xf32, #tpu.memory_space<hbm>> -> memref<64x128xf32, #tpu.memory_space<hbm>>
    %dma_wait3A_770 = arith.constant 0 : i32
    %dma_wait3A_771 = arith.constant 0 : i32
    %dma_wait3A_772 = tpu.memref_slice %arg6[%dma_wait3A_761, %dma_wait3A_770, %dma_wait3A_771] : memref<8x64x128xf32, #tpu.memory_space<vmem>> -> memref<1x64x128xf32, #tpu.memory_space<vmem>>
    %dma_wait3A_773 = tpu.memref_squeeze %dma_wait3A_772 : memref<1x64x128xf32, #tpu.memory_space<vmem>> -> memref<64x128xf32, #tpu.memory_space<vmem>>
    tpu.wait_dma2 semaphore(%arg9 : memref<!tpu.dma_semaphore, #tpu.memory_space<semaphore_mem>>) src(%dma_wait3A_773 : memref<64x128xf32, #tpu.memory_space<vmem>>) dst(%dma_wait3A_769 : memref<64x128xf32, #tpu.memory_space<hbm>>)
    %dma_wait3A_774 = arith.constant 3 : i32
    %dma_wait3A_775 = arith.constant 0 : i32
    %dma_wait3A_776 = arith.constant 0 : i32
    %dma_wait3A_777 = tpu.memref_slice %arg6[%dma_wait3A_774, %dma_wait3A_775, %dma_wait3A_776] : memref<8x64x128xf32, #tpu.memory_space<vmem>> -> memref<1x64x128xf32, #tpu.memory_space<vmem>>
    %dma_wait3A_778 = tpu.memref_squeeze %dma_wait3A_777 : memref<1x64x128xf32, #tpu.memory_space<vmem>> -> memref<64x128xf32, #tpu.memory_space<vmem>>
    %dma_wait3A_779 = arith.constant 0 : i32
    %dma_wait3A_780 = tpu.memref_slice %arg4[%add3A_513, %dma_wait3A_779] : memref<65536x128xf32, #tpu.memory_space<hbm>> -> memref<64x128xf32, #tpu.memory_space<hbm>>
    %dma_wait3A_781 = arith.constant 0 : i32
    %dma_wait3A_782 = tpu.memref_slice %arg4[%add3A_513, %dma_wait3A_781] : memref<65536x128xf32, #tpu.memory_space<hbm>> -> memref<64x128xf32, #tpu.memory_space<hbm>>
    %dma_wait3A_783 = arith.constant 0 : i32
    %dma_wait3A_784 = arith.constant 0 : i32
    %dma_wait3A_785 = tpu.memref_slice %arg6[%dma_wait3A_774, %dma_wait3A_783, %dma_wait3A_784] : memref<8x64x128xf32, #tpu.memory_space<vmem>> -> memref<1x64x128xf32, #tpu.memory_space<vmem>>
    %dma_wait3A_786 = tpu.memref_squeeze %dma_wait3A_785 : memref<1x64x128xf32, #tpu.memory_space<vmem>> -> memref<64x128xf32, #tpu.memory_space<vmem>>
    tpu.wait_dma2 semaphore(%arg9 : memref<!tpu.dma_semaphore, #tpu.memory_space<semaphore_mem>>) src(%dma_wait3A_786 : memref<64x128xf32, #tpu.memory_space<vmem>>) dst(%dma_wait3A_782 : memref<64x128xf32, #tpu.memory_space<hbm>>)
    %dma_start3A_787 = arith.constant 16 : i32
    %dma_start3A_788 = arith.constant 0 : i32
    %dma_start3A_789 = arith.constant 0 : i32
    %dma_start3A_790 = arith.constant 0 : i32
    %dma_start3A_791 = tpu.memref_slice %arg6[%dma_start3A_788, %dma_start3A_789, %dma_start3A_790] : memref<8x64x128xf32, #tpu.memory_space<vmem>> -> memref<1x64x128xf32, #tpu.memory_space<vmem>>
    %dma_start3A_792 = tpu.memref_squeeze %dma_start3A_791 : memref<1x64x128xf32, #tpu.memory_space<vmem>> -> memref<64x128xf32, #tpu.memory_space<vmem>>
    %dma_start3A_793 = arith.constant 0 : i32
    %dma_start3A_794 = tpu.memref_slice %arg5[%dma_start3A_787, %dma_start3A_793] : memref<32x64xi32, #tpu.memory_space<vmem>> -> memref<1x64xi32, #tpu.memory_space<vmem>>
    %dma_start3A_795 = tpu.memref_squeeze %dma_start3A_794 : memref<1x64xi32, #tpu.memory_space<vmem>> -> memref<64xi32, #tpu.memory_space<vmem>>
    %dma_start3A_796 = arith.constant 0 : i32
    %dma_start3A_797 = arith.constant 0 : i32
    %dma_start3A_798 = tpu.memref_slice %arg7[%dma_start3A_796, %dma_start3A_797] : memref<4224x128xf32, #tpu.memory_space<vmem_shared>> -> memref<4224x128xf32, #tpu.memory_space<vmem_shared>>
    tpu.enqueue_indirect_dma source(%dma_start3A_798 : memref<4224x128xf32, #tpu.memory_space<vmem_shared>>) target(%dma_start3A_792 : memref<64x128xf32, #tpu.memory_space<vmem>>) offsets(%dma_start3A_795 : memref<64xi32, #tpu.memory_space<vmem>>) semaphore(%arg8 : memref<!tpu.dma_semaphore, #tpu.memory_space<semaphore_mem>>)
    %dma_start3A_799 = arith.constant 17 : i32
    %dma_start3A_800 = arith.constant 1 : i32
    %dma_start3A_801 = arith.constant 0 : i32
    %dma_start3A_802 = arith.constant 0 : i32
    %dma_start3A_803 = tpu.memref_slice %arg6[%dma_start3A_800, %dma_start3A_801, %dma_start3A_802] : memref<8x64x128xf32, #tpu.memory_space<vmem>> -> memref<1x64x128xf32, #tpu.memory_space<vmem>>
    %dma_start3A_804 = tpu.memref_squeeze %dma_start3A_803 : memref<1x64x128xf32, #tpu.memory_space<vmem>> -> memref<64x128xf32, #tpu.memory_space<vmem>>
    %dma_start3A_805 = arith.constant 0 : i32
    %dma_start3A_806 = tpu.memref_slice %arg5[%dma_start3A_799, %dma_start3A_805] : memref<32x64xi32, #tpu.memory_space<vmem>> -> memref<1x64xi32, #tpu.memory_space<vmem>>
    %dma_start3A_807 = tpu.memref_squeeze %dma_start3A_806 : memref<1x64xi32, #tpu.memory_space<vmem>> -> memref<64xi32, #tpu.memory_space<vmem>>
    %dma_start3A_808 = arith.constant 0 : i32
    %dma_start3A_809 = arith.constant 0 : i32
    %dma_start3A_810 = tpu.memref_slice %arg7[%dma_start3A_808, %dma_start3A_809] : memref<4224x128xf32, #tpu.memory_space<vmem_shared>> -> memref<4224x128xf32, #tpu.memory_space<vmem_shared>>
    tpu.enqueue_indirect_dma source(%dma_start3A_810 : memref<4224x128xf32, #tpu.memory_space<vmem_shared>>) target(%dma_start3A_804 : memref<64x128xf32, #tpu.memory_space<vmem>>) offsets(%dma_start3A_807 : memref<64xi32, #tpu.memory_space<vmem>>) semaphore(%arg8 : memref<!tpu.dma_semaphore, #tpu.memory_space<semaphore_mem>>)
    %dma_start3A_811 = arith.constant 18 : i32
    %dma_start3A_812 = arith.constant 2 : i32
    %dma_start3A_813 = arith.constant 0 : i32
    %dma_start3A_814 = arith.constant 0 : i32
    %dma_start3A_815 = tpu.memref_slice %arg6[%dma_start3A_812, %dma_start3A_813, %dma_start3A_814] : memref<8x64x128xf32, #tpu.memory_space<vmem>> -> memref<1x64x128xf32, #tpu.memory_space<vmem>>
    %dma_start3A_816 = tpu.memref_squeeze %dma_start3A_815 : memref<1x64x128xf32, #tpu.memory_space<vmem>> -> memref<64x128xf32, #tpu.memory_space<vmem>>
    %dma_start3A_817 = arith.constant 0 : i32
    %dma_start3A_818 = tpu.memref_slice %arg5[%dma_start3A_811, %dma_start3A_817] : memref<32x64xi32, #tpu.memory_space<vmem>> -> memref<1x64xi32, #tpu.memory_space<vmem>>
    %dma_start3A_819 = tpu.memref_squeeze %dma_start3A_818 : memref<1x64xi32, #tpu.memory_space<vmem>> -> memref<64xi32, #tpu.memory_space<vmem>>
    %dma_start3A_820 = arith.constant 0 : i32
    %dma_start3A_821 = arith.constant 0 : i32
    %dma_start3A_822 = tpu.memref_slice %arg7[%dma_start3A_820, %dma_start3A_821] : memref<4224x128xf32, #tpu.memory_space<vmem_shared>> -> memref<4224x128xf32, #tpu.memory_space<vmem_shared>>
    tpu.enqueue_indirect_dma source(%dma_start3A_822 : memref<4224x128xf32, #tpu.memory_space<vmem_shared>>) target(%dma_start3A_816 : memref<64x128xf32, #tpu.memory_space<vmem>>) offsets(%dma_start3A_819 : memref<64xi32, #tpu.memory_space<vmem>>) semaphore(%arg8 : memref<!tpu.dma_semaphore, #tpu.memory_space<semaphore_mem>>)
    %dma_start3A_823 = arith.constant 19 : i32
    %dma_start3A_824 = arith.constant 3 : i32
    %dma_start3A_825 = arith.constant 0 : i32
    %dma_start3A_826 = arith.constant 0 : i32
    %dma_start3A_827 = tpu.memref_slice %arg6[%dma_start3A_824, %dma_start3A_825, %dma_start3A_826] : memref<8x64x128xf32, #tpu.memory_space<vmem>> -> memref<1x64x128xf32, #tpu.memory_space<vmem>>
    %dma_start3A_828 = tpu.memref_squeeze %dma_start3A_827 : memref<1x64x128xf32, #tpu.memory_space<vmem>> -> memref<64x128xf32, #tpu.memory_space<vmem>>
    %dma_start3A_829 = arith.constant 0 : i32
    %dma_start3A_830 = tpu.memref_slice %arg5[%dma_start3A_823, %dma_start3A_829] : memref<32x64xi32, #tpu.memory_space<vmem>> -> memref<1x64xi32, #tpu.memory_space<vmem>>
    %dma_start3A_831 = tpu.memref_squeeze %dma_start3A_830 : memref<1x64xi32, #tpu.memory_space<vmem>> -> memref<64xi32, #tpu.memory_space<vmem>>
    %dma_start3A_832 = arith.constant 0 : i32
    %dma_start3A_833 = arith.constant 0 : i32
    %dma_start3A_834 = tpu.memref_slice %arg7[%dma_start3A_832, %dma_start3A_833] : memref<4224x128xf32, #tpu.memory_space<vmem_shared>> -> memref<4224x128xf32, #tpu.memory_space<vmem_shared>>
    tpu.enqueue_indirect_dma source(%dma_start3A_834 : memref<4224x128xf32, #tpu.memory_space<vmem_shared>>) target(%dma_start3A_828 : memref<64x128xf32, #tpu.memory_space<vmem>>) offsets(%dma_start3A_831 : memref<64xi32, #tpu.memory_space<vmem>>) semaphore(%arg8 : memref<!tpu.dma_semaphore, #tpu.memory_space<semaphore_mem>>)
    %dma_wait3A_835 = arith.constant 16 : i32
    %dma_wait3A_836 = arith.constant 0 : i32
    %dma_wait3A_837 = arith.constant 0 : i32
    %dma_wait3A_838 = arith.constant 0 : i32
    %dma_wait3A_839 = tpu.memref_slice %arg6[%dma_wait3A_836, %dma_wait3A_837, %dma_wait3A_838] : memref<8x64x128xf32, #tpu.memory_space<vmem>> -> memref<1x64x128xf32, #tpu.memory_space<vmem>>
    %dma_wait3A_840 = tpu.memref_squeeze %dma_wait3A_839 : memref<1x64x128xf32, #tpu.memory_space<vmem>> -> memref<64x128xf32, #tpu.memory_space<vmem>>
    %dma_wait3A_841 = arith.constant 0 : i32
    %dma_wait3A_842 = tpu.memref_slice %arg5[%dma_wait3A_835, %dma_wait3A_841] : memref<32x64xi32, #tpu.memory_space<vmem>> -> memref<1x64xi32, #tpu.memory_space<vmem>>
    %dma_wait3A_843 = tpu.memref_squeeze %dma_wait3A_842 : memref<1x64xi32, #tpu.memory_space<vmem>> -> memref<64xi32, #tpu.memory_space<vmem>>
    %dma_wait3A_844 = arith.constant 0 : i32
    %dma_wait3A_845 = arith.constant 0 : i32
    %dma_wait3A_846 = tpu.memref_slice %arg7[%dma_wait3A_844, %dma_wait3A_845] : memref<4224x128xf32, #tpu.memory_space<vmem_shared>> -> memref<4224x128xf32, #tpu.memory_space<vmem_shared>>
    tpu.wait_indirect_dma semaphore(%arg8 : memref<!tpu.dma_semaphore, #tpu.memory_space<semaphore_mem>>) src(%dma_wait3A_846 : memref<4224x128xf32, #tpu.memory_space<vmem_shared>>) dst(%dma_wait3A_840 : memref<64x128xf32, #tpu.memory_space<vmem>>)
    %add3A_847 = arith.constant 1024 : i32
    %add3A_848 = arith.addi %mul3A_2, %add3A_847 : i32
    %dma_start3A_849 = arith.constant 0 : i32
    %dma_start3A_850 = arith.constant 0 : i32
    %dma_start3A_851 = arith.constant 0 : i32
    %dma_start3A_852 = tpu.memref_slice %arg6[%dma_start3A_849, %dma_start3A_850, %dma_start3A_851] : memref<8x64x128xf32, #tpu.memory_space<vmem>> -> memref<1x64x128xf32, #tpu.memory_space<vmem>>
    %dma_start3A_853 = tpu.memref_squeeze %dma_start3A_852 : memref<1x64x128xf32, #tpu.memory_space<vmem>> -> memref<64x128xf32, #tpu.memory_space<vmem>>
    %dma_start3A_854 = arith.constant 0 : i32
    %dma_start3A_855 = tpu.memref_slice %arg4[%add3A_848, %dma_start3A_854] : memref<65536x128xf32, #tpu.memory_space<hbm>> -> memref<64x128xf32, #tpu.memory_space<hbm>>
    %dma_start3A_856 = arith.constant 0 : i32
    %dma_start3A_857 = tpu.memref_slice %arg4[%add3A_848, %dma_start3A_856] : memref<65536x128xf32, #tpu.memory_space<hbm>> -> memref<64x128xf32, #tpu.memory_space<hbm>>
    %dma_start3A_858 = arith.constant 0 : i32
    %dma_start3A_859 = arith.constant 0 : i32
    %dma_start3A_860 = tpu.memref_slice %arg6[%dma_start3A_849, %dma_start3A_858, %dma_start3A_859] : memref<8x64x128xf32, #tpu.memory_space<vmem>> -> memref<1x64x128xf32, #tpu.memory_space<vmem>>
    %dma_start3A_861 = tpu.memref_squeeze %dma_start3A_860 : memref<1x64x128xf32, #tpu.memory_space<vmem>> -> memref<64x128xf32, #tpu.memory_space<vmem>>
    tpu.enqueue_dma source(%dma_start3A_861 : memref<64x128xf32, #tpu.memory_space<vmem>>) target(%dma_start3A_857 : memref<64x128xf32, #tpu.memory_space<hbm>>) target_semaphore(%arg9 : memref<!tpu.dma_semaphore, #tpu.memory_space<semaphore_mem>>)
    %dma_wait3A_862 = arith.constant 17 : i32
    %dma_wait3A_863 = arith.constant 1 : i32
    %dma_wait3A_864 = arith.constant 0 : i32
    %dma_wait3A_865 = arith.constant 0 : i32
    %dma_wait3A_866 = tpu.memref_slice %arg6[%dma_wait3A_863, %dma_wait3A_864, %dma_wait3A_865] : memref<8x64x128xf32, #tpu.memory_space<vmem>> -> memref<1x64x128xf32, #tpu.memory_space<vmem>>
    %dma_wait3A_867 = tpu.memref_squeeze %dma_wait3A_866 : memref<1x64x128xf32, #tpu.memory_space<vmem>> -> memref<64x128xf32, #tpu.memory_space<vmem>>
    %dma_wait3A_868 = arith.constant 0 : i32
    %dma_wait3A_869 = tpu.memref_slice %arg5[%dma_wait3A_862, %dma_wait3A_868] : memref<32x64xi32, #tpu.memory_space<vmem>> -> memref<1x64xi32, #tpu.memory_space<vmem>>
    %dma_wait3A_870 = tpu.memref_squeeze %dma_wait3A_869 : memref<1x64xi32, #tpu.memory_space<vmem>> -> memref<64xi32, #tpu.memory_space<vmem>>
    %dma_wait3A_871 = arith.constant 0 : i32
    %dma_wait3A_872 = arith.constant 0 : i32
    %dma_wait3A_873 = tpu.memref_slice %arg7[%dma_wait3A_871, %dma_wait3A_872] : memref<4224x128xf32, #tpu.memory_space<vmem_shared>> -> memref<4224x128xf32, #tpu.memory_space<vmem_shared>>
    tpu.wait_indirect_dma semaphore(%arg8 : memref<!tpu.dma_semaphore, #tpu.memory_space<semaphore_mem>>) src(%dma_wait3A_873 : memref<4224x128xf32, #tpu.memory_space<vmem_shared>>) dst(%dma_wait3A_867 : memref<64x128xf32, #tpu.memory_space<vmem>>)
    %add3A_874 = arith.constant 1088 : i32
    %add3A_875 = arith.addi %mul3A_2, %add3A_874 : i32
    %dma_start3A_876 = arith.constant 1 : i32
    %dma_start3A_877 = arith.constant 0 : i32
    %dma_start3A_878 = arith.constant 0 : i32
    %dma_start3A_879 = tpu.memref_slice %arg6[%dma_start3A_876, %dma_start3A_877, %dma_start3A_878] : memref<8x64x128xf32, #tpu.memory_space<vmem>> -> memref<1x64x128xf32, #tpu.memory_space<vmem>>
    %dma_start3A_880 = tpu.memref_squeeze %dma_start3A_879 : memref<1x64x128xf32, #tpu.memory_space<vmem>> -> memref<64x128xf32, #tpu.memory_space<vmem>>
    %dma_start3A_881 = arith.constant 0 : i32
    %dma_start3A_882 = tpu.memref_slice %arg4[%add3A_875, %dma_start3A_881] : memref<65536x128xf32, #tpu.memory_space<hbm>> -> memref<64x128xf32, #tpu.memory_space<hbm>>
    %dma_start3A_883 = arith.constant 0 : i32
    %dma_start3A_884 = tpu.memref_slice %arg4[%add3A_875, %dma_start3A_883] : memref<65536x128xf32, #tpu.memory_space<hbm>> -> memref<64x128xf32, #tpu.memory_space<hbm>>
    %dma_start3A_885 = arith.constant 0 : i32
    %dma_start3A_886 = arith.constant 0 : i32
    %dma_start3A_887 = tpu.memref_slice %arg6[%dma_start3A_876, %dma_start3A_885, %dma_start3A_886] : memref<8x64x128xf32, #tpu.memory_space<vmem>> -> memref<1x64x128xf32, #tpu.memory_space<vmem>>
    %dma_start3A_888 = tpu.memref_squeeze %dma_start3A_887 : memref<1x64x128xf32, #tpu.memory_space<vmem>> -> memref<64x128xf32, #tpu.memory_space<vmem>>
    tpu.enqueue_dma source(%dma_start3A_888 : memref<64x128xf32, #tpu.memory_space<vmem>>) target(%dma_start3A_884 : memref<64x128xf32, #tpu.memory_space<hbm>>) target_semaphore(%arg9 : memref<!tpu.dma_semaphore, #tpu.memory_space<semaphore_mem>>)
    %dma_wait3A_889 = arith.constant 18 : i32
    %dma_wait3A_890 = arith.constant 2 : i32
    %dma_wait3A_891 = arith.constant 0 : i32
    %dma_wait3A_892 = arith.constant 0 : i32
    %dma_wait3A_893 = tpu.memref_slice %arg6[%dma_wait3A_890, %dma_wait3A_891, %dma_wait3A_892] : memref<8x64x128xf32, #tpu.memory_space<vmem>> -> memref<1x64x128xf32, #tpu.memory_space<vmem>>
    %dma_wait3A_894 = tpu.memref_squeeze %dma_wait3A_893 : memref<1x64x128xf32, #tpu.memory_space<vmem>> -> memref<64x128xf32, #tpu.memory_space<vmem>>
    %dma_wait3A_895 = arith.constant 0 : i32
    %dma_wait3A_896 = tpu.memref_slice %arg5[%dma_wait3A_889, %dma_wait3A_895] : memref<32x64xi32, #tpu.memory_space<vmem>> -> memref<1x64xi32, #tpu.memory_space<vmem>>
    %dma_wait3A_897 = tpu.memref_squeeze %dma_wait3A_896 : memref<1x64xi32, #tpu.memory_space<vmem>> -> memref<64xi32, #tpu.memory_space<vmem>>
    %dma_wait3A_898 = arith.constant 0 : i32
    %dma_wait3A_899 = arith.constant 0 : i32
    %dma_wait3A_900 = tpu.memref_slice %arg7[%dma_wait3A_898, %dma_wait3A_899] : memref<4224x128xf32, #tpu.memory_space<vmem_shared>> -> memref<4224x128xf32, #tpu.memory_space<vmem_shared>>
    tpu.wait_indirect_dma semaphore(%arg8 : memref<!tpu.dma_semaphore, #tpu.memory_space<semaphore_mem>>) src(%dma_wait3A_900 : memref<4224x128xf32, #tpu.memory_space<vmem_shared>>) dst(%dma_wait3A_894 : memref<64x128xf32, #tpu.memory_space<vmem>>)
    %add3A_901 = arith.constant 1152 : i32
    %add3A_902 = arith.addi %mul3A_2, %add3A_901 : i32
    %dma_start3A_903 = arith.constant 2 : i32
    %dma_start3A_904 = arith.constant 0 : i32
    %dma_start3A_905 = arith.constant 0 : i32
    %dma_start3A_906 = tpu.memref_slice %arg6[%dma_start3A_903, %dma_start3A_904, %dma_start3A_905] : memref<8x64x128xf32, #tpu.memory_space<vmem>> -> memref<1x64x128xf32, #tpu.memory_space<vmem>>
    %dma_start3A_907 = tpu.memref_squeeze %dma_start3A_906 : memref<1x64x128xf32, #tpu.memory_space<vmem>> -> memref<64x128xf32, #tpu.memory_space<vmem>>
    %dma_start3A_908 = arith.constant 0 : i32
    %dma_start3A_909 = tpu.memref_slice %arg4[%add3A_902, %dma_start3A_908] : memref<65536x128xf32, #tpu.memory_space<hbm>> -> memref<64x128xf32, #tpu.memory_space<hbm>>
    %dma_start3A_910 = arith.constant 0 : i32
    %dma_start3A_911 = tpu.memref_slice %arg4[%add3A_902, %dma_start3A_910] : memref<65536x128xf32, #tpu.memory_space<hbm>> -> memref<64x128xf32, #tpu.memory_space<hbm>>
    %dma_start3A_912 = arith.constant 0 : i32
    %dma_start3A_913 = arith.constant 0 : i32
    %dma_start3A_914 = tpu.memref_slice %arg6[%dma_start3A_903, %dma_start3A_912, %dma_start3A_913] : memref<8x64x128xf32, #tpu.memory_space<vmem>> -> memref<1x64x128xf32, #tpu.memory_space<vmem>>
    %dma_start3A_915 = tpu.memref_squeeze %dma_start3A_914 : memref<1x64x128xf32, #tpu.memory_space<vmem>> -> memref<64x128xf32, #tpu.memory_space<vmem>>
    tpu.enqueue_dma source(%dma_start3A_915 : memref<64x128xf32, #tpu.memory_space<vmem>>) target(%dma_start3A_911 : memref<64x128xf32, #tpu.memory_space<hbm>>) target_semaphore(%arg9 : memref<!tpu.dma_semaphore, #tpu.memory_space<semaphore_mem>>)
    %dma_wait3A_916 = arith.constant 19 : i32
    %dma_wait3A_917 = arith.constant 3 : i32
    %dma_wait3A_918 = arith.constant 0 : i32
    %dma_wait3A_919 = arith.constant 0 : i32
    %dma_wait3A_920 = tpu.memref_slice %arg6[%dma_wait3A_917, %dma_wait3A_918, %dma_wait3A_919] : memref<8x64x128xf32, #tpu.memory_space<vmem>> -> memref<1x64x128xf32, #tpu.memory_space<vmem>>
    %dma_wait3A_921 = tpu.memref_squeeze %dma_wait3A_920 : memref<1x64x128xf32, #tpu.memory_space<vmem>> -> memref<64x128xf32, #tpu.memory_space<vmem>>
    %dma_wait3A_922 = arith.constant 0 : i32
    %dma_wait3A_923 = tpu.memref_slice %arg5[%dma_wait3A_916, %dma_wait3A_922] : memref<32x64xi32, #tpu.memory_space<vmem>> -> memref<1x64xi32, #tpu.memory_space<vmem>>
    %dma_wait3A_924 = tpu.memref_squeeze %dma_wait3A_923 : memref<1x64xi32, #tpu.memory_space<vmem>> -> memref<64xi32, #tpu.memory_space<vmem>>
    %dma_wait3A_925 = arith.constant 0 : i32
    %dma_wait3A_926 = arith.constant 0 : i32
    %dma_wait3A_927 = tpu.memref_slice %arg7[%dma_wait3A_925, %dma_wait3A_926] : memref<4224x128xf32, #tpu.memory_space<vmem_shared>> -> memref<4224x128xf32, #tpu.memory_space<vmem_shared>>
    tpu.wait_indirect_dma semaphore(%arg8 : memref<!tpu.dma_semaphore, #tpu.memory_space<semaphore_mem>>) src(%dma_wait3A_927 : memref<4224x128xf32, #tpu.memory_space<vmem_shared>>) dst(%dma_wait3A_921 : memref<64x128xf32, #tpu.memory_space<vmem>>)
    %add3A_928 = arith.constant 1216 : i32
    %add3A_929 = arith.addi %mul3A_2, %add3A_928 : i32
    %dma_start3A_930 = arith.constant 3 : i32
    %dma_start3A_931 = arith.constant 0 : i32
    %dma_start3A_932 = arith.constant 0 : i32
    %dma_start3A_933 = tpu.memref_slice %arg6[%dma_start3A_930, %dma_start3A_931, %dma_start3A_932] : memref<8x64x128xf32, #tpu.memory_space<vmem>> -> memref<1x64x128xf32, #tpu.memory_space<vmem>>
    %dma_start3A_934 = tpu.memref_squeeze %dma_start3A_933 : memref<1x64x128xf32, #tpu.memory_space<vmem>> -> memref<64x128xf32, #tpu.memory_space<vmem>>
    %dma_start3A_935 = arith.constant 0 : i32
    %dma_start3A_936 = tpu.memref_slice %arg4[%add3A_929, %dma_start3A_935] : memref<65536x128xf32, #tpu.memory_space<hbm>> -> memref<64x128xf32, #tpu.memory_space<hbm>>
    %dma_start3A_937 = arith.constant 0 : i32
    %dma_start3A_938 = tpu.memref_slice %arg4[%add3A_929, %dma_start3A_937] : memref<65536x128xf32, #tpu.memory_space<hbm>> -> memref<64x128xf32, #tpu.memory_space<hbm>>
    %dma_start3A_939 = arith.constant 0 : i32
    %dma_start3A_940 = arith.constant 0 : i32
    %dma_start3A_941 = tpu.memref_slice %arg6[%dma_start3A_930, %dma_start3A_939, %dma_start3A_940] : memref<8x64x128xf32, #tpu.memory_space<vmem>> -> memref<1x64x128xf32, #tpu.memory_space<vmem>>
    %dma_start3A_942 = tpu.memref_squeeze %dma_start3A_941 : memref<1x64x128xf32, #tpu.memory_space<vmem>> -> memref<64x128xf32, #tpu.memory_space<vmem>>
    tpu.enqueue_dma source(%dma_start3A_942 : memref<64x128xf32, #tpu.memory_space<vmem>>) target(%dma_start3A_938 : memref<64x128xf32, #tpu.memory_space<hbm>>) target_semaphore(%arg9 : memref<!tpu.dma_semaphore, #tpu.memory_space<semaphore_mem>>)
    %dma_wait3A_943 = arith.constant 4 : i32
    %dma_wait3A_944 = arith.constant 0 : i32
    %dma_wait3A_945 = arith.constant 0 : i32
    %dma_wait3A_946 = tpu.memref_slice %arg6[%dma_wait3A_943, %dma_wait3A_944, %dma_wait3A_945] : memref<8x64x128xf32, #tpu.memory_space<vmem>> -> memref<1x64x128xf32, #tpu.memory_space<vmem>>
    %dma_wait3A_947 = tpu.memref_squeeze %dma_wait3A_946 : memref<1x64x128xf32, #tpu.memory_space<vmem>> -> memref<64x128xf32, #tpu.memory_space<vmem>>
    %dma_wait3A_948 = arith.constant 0 : i32
    %dma_wait3A_949 = tpu.memref_slice %arg4[%add3A_640, %dma_wait3A_948] : memref<65536x128xf32, #tpu.memory_space<hbm>> -> memref<64x128xf32, #tpu.memory_space<hbm>>
    %dma_wait3A_950 = arith.constant 0 : i32
    %dma_wait3A_951 = tpu.memref_slice %arg4[%add3A_640, %dma_wait3A_950] : memref<65536x128xf32, #tpu.memory_space<hbm>> -> memref<64x128xf32, #tpu.memory_space<hbm>>
    %dma_wait3A_952 = arith.constant 0 : i32
    %dma_wait3A_953 = arith.constant 0 : i32
    %dma_wait3A_954 = tpu.memref_slice %arg6[%dma_wait3A_943, %dma_wait3A_952, %dma_wait3A_953] : memref<8x64x128xf32, #tpu.memory_space<vmem>> -> memref<1x64x128xf32, #tpu.memory_space<vmem>>
    %dma_wait3A_955 = tpu.memref_squeeze %dma_wait3A_954 : memref<1x64x128xf32, #tpu.memory_space<vmem>> -> memref<64x128xf32, #tpu.memory_space<vmem>>
    tpu.wait_dma2 semaphore(%arg9 : memref<!tpu.dma_semaphore, #tpu.memory_space<semaphore_mem>>) src(%dma_wait3A_955 : memref<64x128xf32, #tpu.memory_space<vmem>>) dst(%dma_wait3A_951 : memref<64x128xf32, #tpu.memory_space<hbm>>)
    %dma_wait3A_956 = arith.constant 5 : i32
    %dma_wait3A_957 = arith.constant 0 : i32
    %dma_wait3A_958 = arith.constant 0 : i32
    %dma_wait3A_959 = tpu.memref_slice %arg6[%dma_wait3A_956, %dma_wait3A_957, %dma_wait3A_958] : memref<8x64x128xf32, #tpu.memory_space<vmem>> -> memref<1x64x128xf32, #tpu.memory_space<vmem>>
    %dma_wait3A_960 = tpu.memref_squeeze %dma_wait3A_959 : memref<1x64x128xf32, #tpu.memory_space<vmem>> -> memref<64x128xf32, #tpu.memory_space<vmem>>
    %dma_wait3A_961 = arith.constant 0 : i32
    %dma_wait3A_962 = tpu.memref_slice %arg4[%add3A_667, %dma_wait3A_961] : memref<65536x128xf32, #tpu.memory_space<hbm>> -> memref<64x128xf32, #tpu.memory_space<hbm>>
    %dma_wait3A_963 = arith.constant 0 : i32
    %dma_wait3A_964 = tpu.memref_slice %arg4[%add3A_667, %dma_wait3A_963] : memref<65536x128xf32, #tpu.memory_space<hbm>> -> memref<64x128xf32, #tpu.memory_space<hbm>>
    %dma_wait3A_965 = arith.constant 0 : i32
    %dma_wait3A_966 = arith.constant 0 : i32
    %dma_wait3A_967 = tpu.memref_slice %arg6[%dma_wait3A_956, %dma_wait3A_965, %dma_wait3A_966] : memref<8x64x128xf32, #tpu.memory_space<vmem>> -> memref<1x64x128xf32, #tpu.memory_space<vmem>>
    %dma_wait3A_968 = tpu.memref_squeeze %dma_wait3A_967 : memref<1x64x128xf32, #tpu.memory_space<vmem>> -> memref<64x128xf32, #tpu.memory_space<vmem>>
    tpu.wait_dma2 semaphore(%arg9 : memref<!tpu.dma_semaphore, #tpu.memory_space<semaphore_mem>>) src(%dma_wait3A_968 : memref<64x128xf32, #tpu.memory_space<vmem>>) dst(%dma_wait3A_964 : memref<64x128xf32, #tpu.memory_space<hbm>>)
    %dma_wait3A_969 = arith.constant 6 : i32
    %dma_wait3A_970 = arith.constant 0 : i32
    %dma_wait3A_971 = arith.constant 0 : i32
    %dma_wait3A_972 = tpu.memref_slice %arg6[%dma_wait3A_969, %dma_wait3A_970, %dma_wait3A_971] : memref<8x64x128xf32, #tpu.memory_space<vmem>> -> memref<1x64x128xf32, #tpu.memory_space<vmem>>
    %dma_wait3A_973 = tpu.memref_squeeze %dma_wait3A_972 : memref<1x64x128xf32, #tpu.memory_space<vmem>> -> memref<64x128xf32, #tpu.memory_space<vmem>>
    %dma_wait3A_974 = arith.constant 0 : i32
    %dma_wait3A_975 = tpu.memref_slice %arg4[%add3A_694, %dma_wait3A_974] : memref<65536x128xf32, #tpu.memory_space<hbm>> -> memref<64x128xf32, #tpu.memory_space<hbm>>
    %dma_wait3A_976 = arith.constant 0 : i32
    %dma_wait3A_977 = tpu.memref_slice %arg4[%add3A_694, %dma_wait3A_976] : memref<65536x128xf32, #tpu.memory_space<hbm>> -> memref<64x128xf32, #tpu.memory_space<hbm>>
    %dma_wait3A_978 = arith.constant 0 : i32
    %dma_wait3A_979 = arith.constant 0 : i32
    %dma_wait3A_980 = tpu.memref_slice %arg6[%dma_wait3A_969, %dma_wait3A_978, %dma_wait3A_979] : memref<8x64x128xf32, #tpu.memory_space<vmem>> -> memref<1x64x128xf32, #tpu.memory_space<vmem>>
    %dma_wait3A_981 = tpu.memref_squeeze %dma_wait3A_980 : memref<1x64x128xf32, #tpu.memory_space<vmem>> -> memref<64x128xf32, #tpu.memory_space<vmem>>
    tpu.wait_dma2 semaphore(%arg9 : memref<!tpu.dma_semaphore, #tpu.memory_space<semaphore_mem>>) src(%dma_wait3A_981 : memref<64x128xf32, #tpu.memory_space<vmem>>) dst(%dma_wait3A_977 : memref<64x128xf32, #tpu.memory_space<hbm>>)
    %dma_wait3A_982 = arith.constant 7 : i32
    %dma_wait3A_983 = arith.constant 0 : i32
    %dma_wait3A_984 = arith.constant 0 : i32
    %dma_wait3A_985 = tpu.memref_slice %arg6[%dma_wait3A_982, %dma_wait3A_983, %dma_wait3A_984] : memref<8x64x128xf32, #tpu.memory_space<vmem>> -> memref<1x64x128xf32, #tpu.memory_space<vmem>>
    %dma_wait3A_986 = tpu.memref_squeeze %dma_wait3A_985 : memref<1x64x128xf32, #tpu.memory_space<vmem>> -> memref<64x128xf32, #tpu.memory_space<vmem>>
    %dma_wait3A_987 = arith.constant 0 : i32
    %dma_wait3A_988 = tpu.memref_slice %arg4[%add3A_721, %dma_wait3A_987] : memref<65536x128xf32, #tpu.memory_space<hbm>> -> memref<64x128xf32, #tpu.memory_space<hbm>>
    %dma_wait3A_989 = arith.constant 0 : i32
    %dma_wait3A_990 = tpu.memref_slice %arg4[%add3A_721, %dma_wait3A_989] : memref<65536x128xf32, #tpu.memory_space<hbm>> -> memref<64x128xf32, #tpu.memory_space<hbm>>
    %dma_wait3A_991 = arith.constant 0 : i32
    %dma_wait3A_992 = arith.constant 0 : i32
    %dma_wait3A_993 = tpu.memref_slice %arg6[%dma_wait3A_982, %dma_wait3A_991, %dma_wait3A_992] : memref<8x64x128xf32, #tpu.memory_space<vmem>> -> memref<1x64x128xf32, #tpu.memory_space<vmem>>
    %dma_wait3A_994 = tpu.memref_squeeze %dma_wait3A_993 : memref<1x64x128xf32, #tpu.memory_space<vmem>> -> memref<64x128xf32, #tpu.memory_space<vmem>>
    tpu.wait_dma2 semaphore(%arg9 : memref<!tpu.dma_semaphore, #tpu.memory_space<semaphore_mem>>) src(%dma_wait3A_994 : memref<64x128xf32, #tpu.memory_space<vmem>>) dst(%dma_wait3A_990 : memref<64x128xf32, #tpu.memory_space<hbm>>)
    %dma_start3A_995 = arith.constant 20 : i32
    %dma_start3A_996 = arith.constant 4 : i32
    %dma_start3A_997 = arith.constant 0 : i32
    %dma_start3A_998 = arith.constant 0 : i32
    %dma_start3A_999 = tpu.memref_slice %arg6[%dma_start3A_996, %dma_start3A_997, %dma_start3A_998] : memref<8x64x128xf32, #tpu.memory_space<vmem>> -> memref<1x64x128xf32, #tpu.memory_space<vmem>>
    %dma_start3A_1000 = tpu.memref_squeeze %dma_start3A_999 : memref<1x64x128xf32, #tpu.memory_space<vmem>> -> memref<64x128xf32, #tpu.memory_space<vmem>>
    %dma_start3A_1001 = arith.constant 0 : i32
    %dma_start3A_1002 = tpu.memref_slice %arg5[%dma_start3A_995, %dma_start3A_1001] : memref<32x64xi32, #tpu.memory_space<vmem>> -> memref<1x64xi32, #tpu.memory_space<vmem>>
    %dma_start3A_1003 = tpu.memref_squeeze %dma_start3A_1002 : memref<1x64xi32, #tpu.memory_space<vmem>> -> memref<64xi32, #tpu.memory_space<vmem>>
    %dma_start3A_1004 = arith.constant 0 : i32
    %dma_start3A_1005 = arith.constant 0 : i32
    %dma_start3A_1006 = tpu.memref_slice %arg7[%dma_start3A_1004, %dma_start3A_1005] : memref<4224x128xf32, #tpu.memory_space<vmem_shared>> -> memref<4224x128xf32, #tpu.memory_space<vmem_shared>>
    tpu.enqueue_indirect_dma source(%dma_start3A_1006 : memref<4224x128xf32, #tpu.memory_space<vmem_shared>>) target(%dma_start3A_1000 : memref<64x128xf32, #tpu.memory_space<vmem>>) offsets(%dma_start3A_1003 : memref<64xi32, #tpu.memory_space<vmem>>) semaphore(%arg8 : memref<!tpu.dma_semaphore, #tpu.memory_space<semaphore_mem>>)
    %dma_start3A_1007 = arith.constant 21 : i32
    %dma_start3A_1008 = arith.constant 5 : i32
    %dma_start3A_1009 = arith.constant 0 : i32
    %dma_start3A_1010 = arith.constant 0 : i32
    %dma_start3A_1011 = tpu.memref_slice %arg6[%dma_start3A_1008, %dma_start3A_1009, %dma_start3A_1010] : memref<8x64x128xf32, #tpu.memory_space<vmem>> -> memref<1x64x128xf32, #tpu.memory_space<vmem>>
    %dma_start3A_1012 = tpu.memref_squeeze %dma_start3A_1011 : memref<1x64x128xf32, #tpu.memory_space<vmem>> -> memref<64x128xf32, #tpu.memory_space<vmem>>
    %dma_start3A_1013 = arith.constant 0 : i32
    %dma_start3A_1014 = tpu.memref_slice %arg5[%dma_start3A_1007, %dma_start3A_1013] : memref<32x64xi32, #tpu.memory_space<vmem>> -> memref<1x64xi32, #tpu.memory_space<vmem>>
    %dma_start3A_1015 = tpu.memref_squeeze %dma_start3A_1014 : memref<1x64xi32, #tpu.memory_space<vmem>> -> memref<64xi32, #tpu.memory_space<vmem>>
    %dma_start3A_1016 = arith.constant 0 : i32
    %dma_start3A_1017 = arith.constant 0 : i32
    %dma_start3A_1018 = tpu.memref_slice %arg7[%dma_start3A_1016, %dma_start3A_1017] : memref<4224x128xf32, #tpu.memory_space<vmem_shared>> -> memref<4224x128xf32, #tpu.memory_space<vmem_shared>>
    tpu.enqueue_indirect_dma source(%dma_start3A_1018 : memref<4224x128xf32, #tpu.memory_space<vmem_shared>>) target(%dma_start3A_1012 : memref<64x128xf32, #tpu.memory_space<vmem>>) offsets(%dma_start3A_1015 : memref<64xi32, #tpu.memory_space<vmem>>) semaphore(%arg8 : memref<!tpu.dma_semaphore, #tpu.memory_space<semaphore_mem>>)
    %dma_start3A_1019 = arith.constant 22 : i32
    %dma_start3A_1020 = arith.constant 6 : i32
    %dma_start3A_1021 = arith.constant 0 : i32
    %dma_start3A_1022 = arith.constant 0 : i32
    %dma_start3A_1023 = tpu.memref_slice %arg6[%dma_start3A_1020, %dma_start3A_1021, %dma_start3A_1022] : memref<8x64x128xf32, #tpu.memory_space<vmem>> -> memref<1x64x128xf32, #tpu.memory_space<vmem>>
    %dma_start3A_1024 = tpu.memref_squeeze %dma_start3A_1023 : memref<1x64x128xf32, #tpu.memory_space<vmem>> -> memref<64x128xf32, #tpu.memory_space<vmem>>
    %dma_start3A_1025 = arith.constant 0 : i32
    %dma_start3A_1026 = tpu.memref_slice %arg5[%dma_start3A_1019, %dma_start3A_1025] : memref<32x64xi32, #tpu.memory_space<vmem>> -> memref<1x64xi32, #tpu.memory_space<vmem>>
    %dma_start3A_1027 = tpu.memref_squeeze %dma_start3A_1026 : memref<1x64xi32, #tpu.memory_space<vmem>> -> memref<64xi32, #tpu.memory_space<vmem>>
    %dma_start3A_1028 = arith.constant 0 : i32
    %dma_start3A_1029 = arith.constant 0 : i32
    %dma_start3A_1030 = tpu.memref_slice %arg7[%dma_start3A_1028, %dma_start3A_1029] : memref<4224x128xf32, #tpu.memory_space<vmem_shared>> -> memref<4224x128xf32, #tpu.memory_space<vmem_shared>>
    tpu.enqueue_indirect_dma source(%dma_start3A_1030 : memref<4224x128xf32, #tpu.memory_space<vmem_shared>>) target(%dma_start3A_1024 : memref<64x128xf32, #tpu.memory_space<vmem>>) offsets(%dma_start3A_1027 : memref<64xi32, #tpu.memory_space<vmem>>) semaphore(%arg8 : memref<!tpu.dma_semaphore, #tpu.memory_space<semaphore_mem>>)
    %dma_start3A_1031 = arith.constant 23 : i32
    %dma_start3A_1032 = arith.constant 7 : i32
    %dma_start3A_1033 = arith.constant 0 : i32
    %dma_start3A_1034 = arith.constant 0 : i32
    %dma_start3A_1035 = tpu.memref_slice %arg6[%dma_start3A_1032, %dma_start3A_1033, %dma_start3A_1034] : memref<8x64x128xf32, #tpu.memory_space<vmem>> -> memref<1x64x128xf32, #tpu.memory_space<vmem>>
    %dma_start3A_1036 = tpu.memref_squeeze %dma_start3A_1035 : memref<1x64x128xf32, #tpu.memory_space<vmem>> -> memref<64x128xf32, #tpu.memory_space<vmem>>
    %dma_start3A_1037 = arith.constant 0 : i32
    %dma_start3A_1038 = tpu.memref_slice %arg5[%dma_start3A_1031, %dma_start3A_1037] : memref<32x64xi32, #tpu.memory_space<vmem>> -> memref<1x64xi32, #tpu.memory_space<vmem>>
    %dma_start3A_1039 = tpu.memref_squeeze %dma_start3A_1038 : memref<1x64xi32, #tpu.memory_space<vmem>> -> memref<64xi32, #tpu.memory_space<vmem>>
    %dma_start3A_1040 = arith.constant 0 : i32
    %dma_start3A_1041 = arith.constant 0 : i32
    %dma_start3A_1042 = tpu.memref_slice %arg7[%dma_start3A_1040, %dma_start3A_1041] : memref<4224x128xf32, #tpu.memory_space<vmem_shared>> -> memref<4224x128xf32, #tpu.memory_space<vmem_shared>>
    tpu.enqueue_indirect_dma source(%dma_start3A_1042 : memref<4224x128xf32, #tpu.memory_space<vmem_shared>>) target(%dma_start3A_1036 : memref<64x128xf32, #tpu.memory_space<vmem>>) offsets(%dma_start3A_1039 : memref<64xi32, #tpu.memory_space<vmem>>) semaphore(%arg8 : memref<!tpu.dma_semaphore, #tpu.memory_space<semaphore_mem>>)
    %dma_wait3A_1043 = arith.constant 20 : i32
    %dma_wait3A_1044 = arith.constant 4 : i32
    %dma_wait3A_1045 = arith.constant 0 : i32
    %dma_wait3A_1046 = arith.constant 0 : i32
    %dma_wait3A_1047 = tpu.memref_slice %arg6[%dma_wait3A_1044, %dma_wait3A_1045, %dma_wait3A_1046] : memref<8x64x128xf32, #tpu.memory_space<vmem>> -> memref<1x64x128xf32, #tpu.memory_space<vmem>>
    %dma_wait3A_1048 = tpu.memref_squeeze %dma_wait3A_1047 : memref<1x64x128xf32, #tpu.memory_space<vmem>> -> memref<64x128xf32, #tpu.memory_space<vmem>>
    %dma_wait3A_1049 = arith.constant 0 : i32
    %dma_wait3A_1050 = tpu.memref_slice %arg5[%dma_wait3A_1043, %dma_wait3A_1049] : memref<32x64xi32, #tpu.memory_space<vmem>> -> memref<1x64xi32, #tpu.memory_space<vmem>>
    %dma_wait3A_1051 = tpu.memref_squeeze %dma_wait3A_1050 : memref<1x64xi32, #tpu.memory_space<vmem>> -> memref<64xi32, #tpu.memory_space<vmem>>
    %dma_wait3A_1052 = arith.constant 0 : i32
    %dma_wait3A_1053 = arith.constant 0 : i32
    %dma_wait3A_1054 = tpu.memref_slice %arg7[%dma_wait3A_1052, %dma_wait3A_1053] : memref<4224x128xf32, #tpu.memory_space<vmem_shared>> -> memref<4224x128xf32, #tpu.memory_space<vmem_shared>>
    tpu.wait_indirect_dma semaphore(%arg8 : memref<!tpu.dma_semaphore, #tpu.memory_space<semaphore_mem>>) src(%dma_wait3A_1054 : memref<4224x128xf32, #tpu.memory_space<vmem_shared>>) dst(%dma_wait3A_1048 : memref<64x128xf32, #tpu.memory_space<vmem>>)
    %add3A_1055 = arith.constant 1280 : i32
    %add3A_1056 = arith.addi %mul3A_2, %add3A_1055 : i32
    %dma_start3A_1057 = arith.constant 4 : i32
    %dma_start3A_1058 = arith.constant 0 : i32
    %dma_start3A_1059 = arith.constant 0 : i32
    %dma_start3A_1060 = tpu.memref_slice %arg6[%dma_start3A_1057, %dma_start3A_1058, %dma_start3A_1059] : memref<8x64x128xf32, #tpu.memory_space<vmem>> -> memref<1x64x128xf32, #tpu.memory_space<vmem>>
    %dma_start3A_1061 = tpu.memref_squeeze %dma_start3A_1060 : memref<1x64x128xf32, #tpu.memory_space<vmem>> -> memref<64x128xf32, #tpu.memory_space<vmem>>
    %dma_start3A_1062 = arith.constant 0 : i32
    %dma_start3A_1063 = tpu.memref_slice %arg4[%add3A_1056, %dma_start3A_1062] : memref<65536x128xf32, #tpu.memory_space<hbm>> -> memref<64x128xf32, #tpu.memory_space<hbm>>
    %dma_start3A_1064 = arith.constant 0 : i32
    %dma_start3A_1065 = tpu.memref_slice %arg4[%add3A_1056, %dma_start3A_1064] : memref<65536x128xf32, #tpu.memory_space<hbm>> -> memref<64x128xf32, #tpu.memory_space<hbm>>
    %dma_start3A_1066 = arith.constant 0 : i32
    %dma_start3A_1067 = arith.constant 0 : i32
    %dma_start3A_1068 = tpu.memref_slice %arg6[%dma_start3A_1057, %dma_start3A_1066, %dma_start3A_1067] : memref<8x64x128xf32, #tpu.memory_space<vmem>> -> memref<1x64x128xf32, #tpu.memory_space<vmem>>
    %dma_start3A_1069 = tpu.memref_squeeze %dma_start3A_1068 : memref<1x64x128xf32, #tpu.memory_space<vmem>> -> memref<64x128xf32, #tpu.memory_space<vmem>>
    tpu.enqueue_dma source(%dma_start3A_1069 : memref<64x128xf32, #tpu.memory_space<vmem>>) target(%dma_start3A_1065 : memref<64x128xf32, #tpu.memory_space<hbm>>) target_semaphore(%arg9 : memref<!tpu.dma_semaphore, #tpu.memory_space<semaphore_mem>>)
    %dma_wait3A_1070 = arith.constant 21 : i32
    %dma_wait3A_1071 = arith.constant 5 : i32
    %dma_wait3A_1072 = arith.constant 0 : i32
    %dma_wait3A_1073 = arith.constant 0 : i32
    %dma_wait3A_1074 = tpu.memref_slice %arg6[%dma_wait3A_1071, %dma_wait3A_1072, %dma_wait3A_1073] : memref<8x64x128xf32, #tpu.memory_space<vmem>> -> memref<1x64x128xf32, #tpu.memory_space<vmem>>
    %dma_wait3A_1075 = tpu.memref_squeeze %dma_wait3A_1074 : memref<1x64x128xf32, #tpu.memory_space<vmem>> -> memref<64x128xf32, #tpu.memory_space<vmem>>
    %dma_wait3A_1076 = arith.constant 0 : i32
    %dma_wait3A_1077 = tpu.memref_slice %arg5[%dma_wait3A_1070, %dma_wait3A_1076] : memref<32x64xi32, #tpu.memory_space<vmem>> -> memref<1x64xi32, #tpu.memory_space<vmem>>
    %dma_wait3A_1078 = tpu.memref_squeeze %dma_wait3A_1077 : memref<1x64xi32, #tpu.memory_space<vmem>> -> memref<64xi32, #tpu.memory_space<vmem>>
    %dma_wait3A_1079 = arith.constant 0 : i32
    %dma_wait3A_1080 = arith.constant 0 : i32
    %dma_wait3A_1081 = tpu.memref_slice %arg7[%dma_wait3A_1079, %dma_wait3A_1080] : memref<4224x128xf32, #tpu.memory_space<vmem_shared>> -> memref<4224x128xf32, #tpu.memory_space<vmem_shared>>
    tpu.wait_indirect_dma semaphore(%arg8 : memref<!tpu.dma_semaphore, #tpu.memory_space<semaphore_mem>>) src(%dma_wait3A_1081 : memref<4224x128xf32, #tpu.memory_space<vmem_shared>>) dst(%dma_wait3A_1075 : memref<64x128xf32, #tpu.memory_space<vmem>>)
    %add3A_1082 = arith.constant 1344 : i32
    %add3A_1083 = arith.addi %mul3A_2, %add3A_1082 : i32
    %dma_start3A_1084 = arith.constant 5 : i32
    %dma_start3A_1085 = arith.constant 0 : i32
    %dma_start3A_1086 = arith.constant 0 : i32
    %dma_start3A_1087 = tpu.memref_slice %arg6[%dma_start3A_1084, %dma_start3A_1085, %dma_start3A_1086] : memref<8x64x128xf32, #tpu.memory_space<vmem>> -> memref<1x64x128xf32, #tpu.memory_space<vmem>>
    %dma_start3A_1088 = tpu.memref_squeeze %dma_start3A_1087 : memref<1x64x128xf32, #tpu.memory_space<vmem>> -> memref<64x128xf32, #tpu.memory_space<vmem>>
    %dma_start3A_1089 = arith.constant 0 : i32
    %dma_start3A_1090 = tpu.memref_slice %arg4[%add3A_1083, %dma_start3A_1089] : memref<65536x128xf32, #tpu.memory_space<hbm>> -> memref<64x128xf32, #tpu.memory_space<hbm>>
    %dma_start3A_1091 = arith.constant 0 : i32
    %dma_start3A_1092 = tpu.memref_slice %arg4[%add3A_1083, %dma_start3A_1091] : memref<65536x128xf32, #tpu.memory_space<hbm>> -> memref<64x128xf32, #tpu.memory_space<hbm>>
    %dma_start3A_1093 = arith.constant 0 : i32
    %dma_start3A_1094 = arith.constant 0 : i32
    %dma_start3A_1095 = tpu.memref_slice %arg6[%dma_start3A_1084, %dma_start3A_1093, %dma_start3A_1094] : memref<8x64x128xf32, #tpu.memory_space<vmem>> -> memref<1x64x128xf32, #tpu.memory_space<vmem>>
    %dma_start3A_1096 = tpu.memref_squeeze %dma_start3A_1095 : memref<1x64x128xf32, #tpu.memory_space<vmem>> -> memref<64x128xf32, #tpu.memory_space<vmem>>
    tpu.enqueue_dma source(%dma_start3A_1096 : memref<64x128xf32, #tpu.memory_space<vmem>>) target(%dma_start3A_1092 : memref<64x128xf32, #tpu.memory_space<hbm>>) target_semaphore(%arg9 : memref<!tpu.dma_semaphore, #tpu.memory_space<semaphore_mem>>)
    %dma_wait3A_1097 = arith.constant 22 : i32
    %dma_wait3A_1098 = arith.constant 6 : i32
    %dma_wait3A_1099 = arith.constant 0 : i32
    %dma_wait3A_1100 = arith.constant 0 : i32
    %dma_wait3A_1101 = tpu.memref_slice %arg6[%dma_wait3A_1098, %dma_wait3A_1099, %dma_wait3A_1100] : memref<8x64x128xf32, #tpu.memory_space<vmem>> -> memref<1x64x128xf32, #tpu.memory_space<vmem>>
    %dma_wait3A_1102 = tpu.memref_squeeze %dma_wait3A_1101 : memref<1x64x128xf32, #tpu.memory_space<vmem>> -> memref<64x128xf32, #tpu.memory_space<vmem>>
    %dma_wait3A_1103 = arith.constant 0 : i32
    %dma_wait3A_1104 = tpu.memref_slice %arg5[%dma_wait3A_1097, %dma_wait3A_1103] : memref<32x64xi32, #tpu.memory_space<vmem>> -> memref<1x64xi32, #tpu.memory_space<vmem>>
    %dma_wait3A_1105 = tpu.memref_squeeze %dma_wait3A_1104 : memref<1x64xi32, #tpu.memory_space<vmem>> -> memref<64xi32, #tpu.memory_space<vmem>>
    %dma_wait3A_1106 = arith.constant 0 : i32
    %dma_wait3A_1107 = arith.constant 0 : i32
    %dma_wait3A_1108 = tpu.memref_slice %arg7[%dma_wait3A_1106, %dma_wait3A_1107] : memref<4224x128xf32, #tpu.memory_space<vmem_shared>> -> memref<4224x128xf32, #tpu.memory_space<vmem_shared>>
    tpu.wait_indirect_dma semaphore(%arg8 : memref<!tpu.dma_semaphore, #tpu.memory_space<semaphore_mem>>) src(%dma_wait3A_1108 : memref<4224x128xf32, #tpu.memory_space<vmem_shared>>) dst(%dma_wait3A_1102 : memref<64x128xf32, #tpu.memory_space<vmem>>)
    %add3A_1109 = arith.constant 1408 : i32
    %add3A_1110 = arith.addi %mul3A_2, %add3A_1109 : i32
    %dma_start3A_1111 = arith.constant 6 : i32
    %dma_start3A_1112 = arith.constant 0 : i32
    %dma_start3A_1113 = arith.constant 0 : i32
    %dma_start3A_1114 = tpu.memref_slice %arg6[%dma_start3A_1111, %dma_start3A_1112, %dma_start3A_1113] : memref<8x64x128xf32, #tpu.memory_space<vmem>> -> memref<1x64x128xf32, #tpu.memory_space<vmem>>
    %dma_start3A_1115 = tpu.memref_squeeze %dma_start3A_1114 : memref<1x64x128xf32, #tpu.memory_space<vmem>> -> memref<64x128xf32, #tpu.memory_space<vmem>>
    %dma_start3A_1116 = arith.constant 0 : i32
    %dma_start3A_1117 = tpu.memref_slice %arg4[%add3A_1110, %dma_start3A_1116] : memref<65536x128xf32, #tpu.memory_space<hbm>> -> memref<64x128xf32, #tpu.memory_space<hbm>>
    %dma_start3A_1118 = arith.constant 0 : i32
    %dma_start3A_1119 = tpu.memref_slice %arg4[%add3A_1110, %dma_start3A_1118] : memref<65536x128xf32, #tpu.memory_space<hbm>> -> memref<64x128xf32, #tpu.memory_space<hbm>>
    %dma_start3A_1120 = arith.constant 0 : i32
    %dma_start3A_1121 = arith.constant 0 : i32
    %dma_start3A_1122 = tpu.memref_slice %arg6[%dma_start3A_1111, %dma_start3A_1120, %dma_start3A_1121] : memref<8x64x128xf32, #tpu.memory_space<vmem>> -> memref<1x64x128xf32, #tpu.memory_space<vmem>>
    %dma_start3A_1123 = tpu.memref_squeeze %dma_start3A_1122 : memref<1x64x128xf32, #tpu.memory_space<vmem>> -> memref<64x128xf32, #tpu.memory_space<vmem>>
    tpu.enqueue_dma source(%dma_start3A_1123 : memref<64x128xf32, #tpu.memory_space<vmem>>) target(%dma_start3A_1119 : memref<64x128xf32, #tpu.memory_space<hbm>>) target_semaphore(%arg9 : memref<!tpu.dma_semaphore, #tpu.memory_space<semaphore_mem>>)
    %dma_wait3A_1124 = arith.constant 23 : i32
    %dma_wait3A_1125 = arith.constant 7 : i32
    %dma_wait3A_1126 = arith.constant 0 : i32
    %dma_wait3A_1127 = arith.constant 0 : i32
    %dma_wait3A_1128 = tpu.memref_slice %arg6[%dma_wait3A_1125, %dma_wait3A_1126, %dma_wait3A_1127] : memref<8x64x128xf32, #tpu.memory_space<vmem>> -> memref<1x64x128xf32, #tpu.memory_space<vmem>>
    %dma_wait3A_1129 = tpu.memref_squeeze %dma_wait3A_1128 : memref<1x64x128xf32, #tpu.memory_space<vmem>> -> memref<64x128xf32, #tpu.memory_space<vmem>>
    %dma_wait3A_1130 = arith.constant 0 : i32
    %dma_wait3A_1131 = tpu.memref_slice %arg5[%dma_wait3A_1124, %dma_wait3A_1130] : memref<32x64xi32, #tpu.memory_space<vmem>> -> memref<1x64xi32, #tpu.memory_space<vmem>>
    %dma_wait3A_1132 = tpu.memref_squeeze %dma_wait3A_1131 : memref<1x64xi32, #tpu.memory_space<vmem>> -> memref<64xi32, #tpu.memory_space<vmem>>
    %dma_wait3A_1133 = arith.constant 0 : i32
    %dma_wait3A_1134 = arith.constant 0 : i32
    %dma_wait3A_1135 = tpu.memref_slice %arg7[%dma_wait3A_1133, %dma_wait3A_1134] : memref<4224x128xf32, #tpu.memory_space<vmem_shared>> -> memref<4224x128xf32, #tpu.memory_space<vmem_shared>>
    tpu.wait_indirect_dma semaphore(%arg8 : memref<!tpu.dma_semaphore, #tpu.memory_space<semaphore_mem>>) src(%dma_wait3A_1135 : memref<4224x128xf32, #tpu.memory_space<vmem_shared>>) dst(%dma_wait3A_1129 : memref<64x128xf32, #tpu.memory_space<vmem>>)
    %add3A_1136 = arith.constant 1472 : i32
    %add3A_1137 = arith.addi %mul3A_2, %add3A_1136 : i32
    %dma_start3A_1138 = arith.constant 7 : i32
    %dma_start3A_1139 = arith.constant 0 : i32
    %dma_start3A_1140 = arith.constant 0 : i32
    %dma_start3A_1141 = tpu.memref_slice %arg6[%dma_start3A_1138, %dma_start3A_1139, %dma_start3A_1140] : memref<8x64x128xf32, #tpu.memory_space<vmem>> -> memref<1x64x128xf32, #tpu.memory_space<vmem>>
    %dma_start3A_1142 = tpu.memref_squeeze %dma_start3A_1141 : memref<1x64x128xf32, #tpu.memory_space<vmem>> -> memref<64x128xf32, #tpu.memory_space<vmem>>
    %dma_start3A_1143 = arith.constant 0 : i32
    %dma_start3A_1144 = tpu.memref_slice %arg4[%add3A_1137, %dma_start3A_1143] : memref<65536x128xf32, #tpu.memory_space<hbm>> -> memref<64x128xf32, #tpu.memory_space<hbm>>
    %dma_start3A_1145 = arith.constant 0 : i32
    %dma_start3A_1146 = tpu.memref_slice %arg4[%add3A_1137, %dma_start3A_1145] : memref<65536x128xf32, #tpu.memory_space<hbm>> -> memref<64x128xf32, #tpu.memory_space<hbm>>
    %dma_start3A_1147 = arith.constant 0 : i32
    %dma_start3A_1148 = arith.constant 0 : i32
    %dma_start3A_1149 = tpu.memref_slice %arg6[%dma_start3A_1138, %dma_start3A_1147, %dma_start3A_1148] : memref<8x64x128xf32, #tpu.memory_space<vmem>> -> memref<1x64x128xf32, #tpu.memory_space<vmem>>
    %dma_start3A_1150 = tpu.memref_squeeze %dma_start3A_1149 : memref<1x64x128xf32, #tpu.memory_space<vmem>> -> memref<64x128xf32, #tpu.memory_space<vmem>>
    tpu.enqueue_dma source(%dma_start3A_1150 : memref<64x128xf32, #tpu.memory_space<vmem>>) target(%dma_start3A_1146 : memref<64x128xf32, #tpu.memory_space<hbm>>) target_semaphore(%arg9 : memref<!tpu.dma_semaphore, #tpu.memory_space<semaphore_mem>>)
    %dma_wait3A_1151 = arith.constant 0 : i32
    %dma_wait3A_1152 = arith.constant 0 : i32
    %dma_wait3A_1153 = arith.constant 0 : i32
    %dma_wait3A_1154 = tpu.memref_slice %arg6[%dma_wait3A_1151, %dma_wait3A_1152, %dma_wait3A_1153] : memref<8x64x128xf32, #tpu.memory_space<vmem>> -> memref<1x64x128xf32, #tpu.memory_space<vmem>>
    %dma_wait3A_1155 = tpu.memref_squeeze %dma_wait3A_1154 : memref<1x64x128xf32, #tpu.memory_space<vmem>> -> memref<64x128xf32, #tpu.memory_space<vmem>>
    %dma_wait3A_1156 = arith.constant 0 : i32
    %dma_wait3A_1157 = tpu.memref_slice %arg4[%add3A_848, %dma_wait3A_1156] : memref<65536x128xf32, #tpu.memory_space<hbm>> -> memref<64x128xf32, #tpu.memory_space<hbm>>
    %dma_wait3A_1158 = arith.constant 0 : i32
    %dma_wait3A_1159 = tpu.memref_slice %arg4[%add3A_848, %dma_wait3A_1158] : memref<65536x128xf32, #tpu.memory_space<hbm>> -> memref<64x128xf32, #tpu.memory_space<hbm>>
    %dma_wait3A_1160 = arith.constant 0 : i32
    %dma_wait3A_1161 = arith.constant 0 : i32
    %dma_wait3A_1162 = tpu.memref_slice %arg6[%dma_wait3A_1151, %dma_wait3A_1160, %dma_wait3A_1161] : memref<8x64x128xf32, #tpu.memory_space<vmem>> -> memref<1x64x128xf32, #tpu.memory_space<vmem>>
    %dma_wait3A_1163 = tpu.memref_squeeze %dma_wait3A_1162 : memref<1x64x128xf32, #tpu.memory_space<vmem>> -> memref<64x128xf32, #tpu.memory_space<vmem>>
    tpu.wait_dma2 semaphore(%arg9 : memref<!tpu.dma_semaphore, #tpu.memory_space<semaphore_mem>>) src(%dma_wait3A_1163 : memref<64x128xf32, #tpu.memory_space<vmem>>) dst(%dma_wait3A_1159 : memref<64x128xf32, #tpu.memory_space<hbm>>)
    %dma_wait3A_1164 = arith.constant 1 : i32
    %dma_wait3A_1165 = arith.constant 0 : i32
    %dma_wait3A_1166 = arith.constant 0 : i32
    %dma_wait3A_1167 = tpu.memref_slice %arg6[%dma_wait3A_1164, %dma_wait3A_1165, %dma_wait3A_1166] : memref<8x64x128xf32, #tpu.memory_space<vmem>> -> memref<1x64x128xf32, #tpu.memory_space<vmem>>
    %dma_wait3A_1168 = tpu.memref_squeeze %dma_wait3A_1167 : memref<1x64x128xf32, #tpu.memory_space<vmem>> -> memref<64x128xf32, #tpu.memory_space<vmem>>
    %dma_wait3A_1169 = arith.constant 0 : i32
    %dma_wait3A_1170 = tpu.memref_slice %arg4[%add3A_875, %dma_wait3A_1169] : memref<65536x128xf32, #tpu.memory_space<hbm>> -> memref<64x128xf32, #tpu.memory_space<hbm>>
    %dma_wait3A_1171 = arith.constant 0 : i32
    %dma_wait3A_1172 = tpu.memref_slice %arg4[%add3A_875, %dma_wait3A_1171] : memref<65536x128xf32, #tpu.memory_space<hbm>> -> memref<64x128xf32, #tpu.memory_space<hbm>>
    %dma_wait3A_1173 = arith.constant 0 : i32
    %dma_wait3A_1174 = arith.constant 0 : i32
    %dma_wait3A_1175 = tpu.memref_slice %arg6[%dma_wait3A_1164, %dma_wait3A_1173, %dma_wait3A_1174] : memref<8x64x128xf32, #tpu.memory_space<vmem>> -> memref<1x64x128xf32, #tpu.memory_space<vmem>>
    %dma_wait3A_1176 = tpu.memref_squeeze %dma_wait3A_1175 : memref<1x64x128xf32, #tpu.memory_space<vmem>> -> memref<64x128xf32, #tpu.memory_space<vmem>>
    tpu.wait_dma2 semaphore(%arg9 : memref<!tpu.dma_semaphore, #tpu.memory_space<semaphore_mem>>) src(%dma_wait3A_1176 : memref<64x128xf32, #tpu.memory_space<vmem>>) dst(%dma_wait3A_1172 : memref<64x128xf32, #tpu.memory_space<hbm>>)
    %dma_wait3A_1177 = arith.constant 2 : i32
    %dma_wait3A_1178 = arith.constant 0 : i32
    %dma_wait3A_1179 = arith.constant 0 : i32
    %dma_wait3A_1180 = tpu.memref_slice %arg6[%dma_wait3A_1177, %dma_wait3A_1178, %dma_wait3A_1179] : memref<8x64x128xf32, #tpu.memory_space<vmem>> -> memref<1x64x128xf32, #tpu.memory_space<vmem>>
    %dma_wait3A_1181 = tpu.memref_squeeze %dma_wait3A_1180 : memref<1x64x128xf32, #tpu.memory_space<vmem>> -> memref<64x128xf32, #tpu.memory_space<vmem>>
    %dma_wait3A_1182 = arith.constant 0 : i32
    %dma_wait3A_1183 = tpu.memref_slice %arg4[%add3A_902, %dma_wait3A_1182] : memref<65536x128xf32, #tpu.memory_space<hbm>> -> memref<64x128xf32, #tpu.memory_space<hbm>>
    %dma_wait3A_1184 = arith.constant 0 : i32
    %dma_wait3A_1185 = tpu.memref_slice %arg4[%add3A_902, %dma_wait3A_1184] : memref<65536x128xf32, #tpu.memory_space<hbm>> -> memref<64x128xf32, #tpu.memory_space<hbm>>
    %dma_wait3A_1186 = arith.constant 0 : i32
    %dma_wait3A_1187 = arith.constant 0 : i32
    %dma_wait3A_1188 = tpu.memref_slice %arg6[%dma_wait3A_1177, %dma_wait3A_1186, %dma_wait3A_1187] : memref<8x64x128xf32, #tpu.memory_space<vmem>> -> memref<1x64x128xf32, #tpu.memory_space<vmem>>
    %dma_wait3A_1189 = tpu.memref_squeeze %dma_wait3A_1188 : memref<1x64x128xf32, #tpu.memory_space<vmem>> -> memref<64x128xf32, #tpu.memory_space<vmem>>
    tpu.wait_dma2 semaphore(%arg9 : memref<!tpu.dma_semaphore, #tpu.memory_space<semaphore_mem>>) src(%dma_wait3A_1189 : memref<64x128xf32, #tpu.memory_space<vmem>>) dst(%dma_wait3A_1185 : memref<64x128xf32, #tpu.memory_space<hbm>>)
    %dma_wait3A_1190 = arith.constant 3 : i32
    %dma_wait3A_1191 = arith.constant 0 : i32
    %dma_wait3A_1192 = arith.constant 0 : i32
    %dma_wait3A_1193 = tpu.memref_slice %arg6[%dma_wait3A_1190, %dma_wait3A_1191, %dma_wait3A_1192] : memref<8x64x128xf32, #tpu.memory_space<vmem>> -> memref<1x64x128xf32, #tpu.memory_space<vmem>>
    %dma_wait3A_1194 = tpu.memref_squeeze %dma_wait3A_1193 : memref<1x64x128xf32, #tpu.memory_space<vmem>> -> memref<64x128xf32, #tpu.memory_space<vmem>>
    %dma_wait3A_1195 = arith.constant 0 : i32
    %dma_wait3A_1196 = tpu.memref_slice %arg4[%add3A_929, %dma_wait3A_1195] : memref<65536x128xf32, #tpu.memory_space<hbm>> -> memref<64x128xf32, #tpu.memory_space<hbm>>
    %dma_wait3A_1197 = arith.constant 0 : i32
    %dma_wait3A_1198 = tpu.memref_slice %arg4[%add3A_929, %dma_wait3A_1197] : memref<65536x128xf32, #tpu.memory_space<hbm>> -> memref<64x128xf32, #tpu.memory_space<hbm>>
    %dma_wait3A_1199 = arith.constant 0 : i32
    %dma_wait3A_1200 = arith.constant 0 : i32
    %dma_wait3A_1201 = tpu.memref_slice %arg6[%dma_wait3A_1190, %dma_wait3A_1199, %dma_wait3A_1200] : memref<8x64x128xf32, #tpu.memory_space<vmem>> -> memref<1x64x128xf32, #tpu.memory_space<vmem>>
    %dma_wait3A_1202 = tpu.memref_squeeze %dma_wait3A_1201 : memref<1x64x128xf32, #tpu.memory_space<vmem>> -> memref<64x128xf32, #tpu.memory_space<vmem>>
    tpu.wait_dma2 semaphore(%arg9 : memref<!tpu.dma_semaphore, #tpu.memory_space<semaphore_mem>>) src(%dma_wait3A_1202 : memref<64x128xf32, #tpu.memory_space<vmem>>) dst(%dma_wait3A_1198 : memref<64x128xf32, #tpu.memory_space<hbm>>)
    %dma_start3A_1203 = arith.constant 24 : i32
    %dma_start3A_1204 = arith.constant 0 : i32
    %dma_start3A_1205 = arith.constant 0 : i32
    %dma_start3A_1206 = arith.constant 0 : i32
    %dma_start3A_1207 = tpu.memref_slice %arg6[%dma_start3A_1204, %dma_start3A_1205, %dma_start3A_1206] : memref<8x64x128xf32, #tpu.memory_space<vmem>> -> memref<1x64x128xf32, #tpu.memory_space<vmem>>
    %dma_start3A_1208 = tpu.memref_squeeze %dma_start3A_1207 : memref<1x64x128xf32, #tpu.memory_space<vmem>> -> memref<64x128xf32, #tpu.memory_space<vmem>>
    %dma_start3A_1209 = arith.constant 0 : i32
    %dma_start3A_1210 = tpu.memref_slice %arg5[%dma_start3A_1203, %dma_start3A_1209] : memref<32x64xi32, #tpu.memory_space<vmem>> -> memref<1x64xi32, #tpu.memory_space<vmem>>
    %dma_start3A_1211 = tpu.memref_squeeze %dma_start3A_1210 : memref<1x64xi32, #tpu.memory_space<vmem>> -> memref<64xi32, #tpu.memory_space<vmem>>
    %dma_start3A_1212 = arith.constant 0 : i32
    %dma_start3A_1213 = arith.constant 0 : i32
    %dma_start3A_1214 = tpu.memref_slice %arg7[%dma_start3A_1212, %dma_start3A_1213] : memref<4224x128xf32, #tpu.memory_space<vmem_shared>> -> memref<4224x128xf32, #tpu.memory_space<vmem_shared>>
    tpu.enqueue_indirect_dma source(%dma_start3A_1214 : memref<4224x128xf32, #tpu.memory_space<vmem_shared>>) target(%dma_start3A_1208 : memref<64x128xf32, #tpu.memory_space<vmem>>) offsets(%dma_start3A_1211 : memref<64xi32, #tpu.memory_space<vmem>>) semaphore(%arg8 : memref<!tpu.dma_semaphore, #tpu.memory_space<semaphore_mem>>)
    %dma_start3A_1215 = arith.constant 25 : i32
    %dma_start3A_1216 = arith.constant 1 : i32
    %dma_start3A_1217 = arith.constant 0 : i32
    %dma_start3A_1218 = arith.constant 0 : i32
    %dma_start3A_1219 = tpu.memref_slice %arg6[%dma_start3A_1216, %dma_start3A_1217, %dma_start3A_1218] : memref<8x64x128xf32, #tpu.memory_space<vmem>> -> memref<1x64x128xf32, #tpu.memory_space<vmem>>
    %dma_start3A_1220 = tpu.memref_squeeze %dma_start3A_1219 : memref<1x64x128xf32, #tpu.memory_space<vmem>> -> memref<64x128xf32, #tpu.memory_space<vmem>>
    %dma_start3A_1221 = arith.constant 0 : i32
    %dma_start3A_1222 = tpu.memref_slice %arg5[%dma_start3A_1215, %dma_start3A_1221] : memref<32x64xi32, #tpu.memory_space<vmem>> -> memref<1x64xi32, #tpu.memory_space<vmem>>
    %dma_start3A_1223 = tpu.memref_squeeze %dma_start3A_1222 : memref<1x64xi32, #tpu.memory_space<vmem>> -> memref<64xi32, #tpu.memory_space<vmem>>
    %dma_start3A_1224 = arith.constant 0 : i32
    %dma_start3A_1225 = arith.constant 0 : i32
    %dma_start3A_1226 = tpu.memref_slice %arg7[%dma_start3A_1224, %dma_start3A_1225] : memref<4224x128xf32, #tpu.memory_space<vmem_shared>> -> memref<4224x128xf32, #tpu.memory_space<vmem_shared>>
    tpu.enqueue_indirect_dma source(%dma_start3A_1226 : memref<4224x128xf32, #tpu.memory_space<vmem_shared>>) target(%dma_start3A_1220 : memref<64x128xf32, #tpu.memory_space<vmem>>) offsets(%dma_start3A_1223 : memref<64xi32, #tpu.memory_space<vmem>>) semaphore(%arg8 : memref<!tpu.dma_semaphore, #tpu.memory_space<semaphore_mem>>)
    %dma_start3A_1227 = arith.constant 26 : i32
    %dma_start3A_1228 = arith.constant 2 : i32
    %dma_start3A_1229 = arith.constant 0 : i32
    %dma_start3A_1230 = arith.constant 0 : i32
    %dma_start3A_1231 = tpu.memref_slice %arg6[%dma_start3A_1228, %dma_start3A_1229, %dma_start3A_1230] : memref<8x64x128xf32, #tpu.memory_space<vmem>> -> memref<1x64x128xf32, #tpu.memory_space<vmem>>
    %dma_start3A_1232 = tpu.memref_squeeze %dma_start3A_1231 : memref<1x64x128xf32, #tpu.memory_space<vmem>> -> memref<64x128xf32, #tpu.memory_space<vmem>>
    %dma_start3A_1233 = arith.constant 0 : i32
    %dma_start3A_1234 = tpu.memref_slice %arg5[%dma_start3A_1227, %dma_start3A_1233] : memref<32x64xi32, #tpu.memory_space<vmem>> -> memref<1x64xi32, #tpu.memory_space<vmem>>
    %dma_start3A_1235 = tpu.memref_squeeze %dma_start3A_1234 : memref<1x64xi32, #tpu.memory_space<vmem>> -> memref<64xi32, #tpu.memory_space<vmem>>
    %dma_start3A_1236 = arith.constant 0 : i32
    %dma_start3A_1237 = arith.constant 0 : i32
    %dma_start3A_1238 = tpu.memref_slice %arg7[%dma_start3A_1236, %dma_start3A_1237] : memref<4224x128xf32, #tpu.memory_space<vmem_shared>> -> memref<4224x128xf32, #tpu.memory_space<vmem_shared>>
    tpu.enqueue_indirect_dma source(%dma_start3A_1238 : memref<4224x128xf32, #tpu.memory_space<vmem_shared>>) target(%dma_start3A_1232 : memref<64x128xf32, #tpu.memory_space<vmem>>) offsets(%dma_start3A_1235 : memref<64xi32, #tpu.memory_space<vmem>>) semaphore(%arg8 : memref<!tpu.dma_semaphore, #tpu.memory_space<semaphore_mem>>)
    %dma_start3A_1239 = arith.constant 27 : i32
    %dma_start3A_1240 = arith.constant 3 : i32
    %dma_start3A_1241 = arith.constant 0 : i32
    %dma_start3A_1242 = arith.constant 0 : i32
    %dma_start3A_1243 = tpu.memref_slice %arg6[%dma_start3A_1240, %dma_start3A_1241, %dma_start3A_1242] : memref<8x64x128xf32, #tpu.memory_space<vmem>> -> memref<1x64x128xf32, #tpu.memory_space<vmem>>
    %dma_start3A_1244 = tpu.memref_squeeze %dma_start3A_1243 : memref<1x64x128xf32, #tpu.memory_space<vmem>> -> memref<64x128xf32, #tpu.memory_space<vmem>>
    %dma_start3A_1245 = arith.constant 0 : i32
    %dma_start3A_1246 = tpu.memref_slice %arg5[%dma_start3A_1239, %dma_start3A_1245] : memref<32x64xi32, #tpu.memory_space<vmem>> -> memref<1x64xi32, #tpu.memory_space<vmem>>
    %dma_start3A_1247 = tpu.memref_squeeze %dma_start3A_1246 : memref<1x64xi32, #tpu.memory_space<vmem>> -> memref<64xi32, #tpu.memory_space<vmem>>
    %dma_start3A_1248 = arith.constant 0 : i32
    %dma_start3A_1249 = arith.constant 0 : i32
    %dma_start3A_1250 = tpu.memref_slice %arg7[%dma_start3A_1248, %dma_start3A_1249] : memref<4224x128xf32, #tpu.memory_space<vmem_shared>> -> memref<4224x128xf32, #tpu.memory_space<vmem_shared>>
    tpu.enqueue_indirect_dma source(%dma_start3A_1250 : memref<4224x128xf32, #tpu.memory_space<vmem_shared>>) target(%dma_start3A_1244 : memref<64x128xf32, #tpu.memory_space<vmem>>) offsets(%dma_start3A_1247 : memref<64xi32, #tpu.memory_space<vmem>>) semaphore(%arg8 : memref<!tpu.dma_semaphore, #tpu.memory_space<semaphore_mem>>)
    %dma_wait3A_1251 = arith.constant 24 : i32
    %dma_wait3A_1252 = arith.constant 0 : i32
    %dma_wait3A_1253 = arith.constant 0 : i32
    %dma_wait3A_1254 = arith.constant 0 : i32
    %dma_wait3A_1255 = tpu.memref_slice %arg6[%dma_wait3A_1252, %dma_wait3A_1253, %dma_wait3A_1254] : memref<8x64x128xf32, #tpu.memory_space<vmem>> -> memref<1x64x128xf32, #tpu.memory_space<vmem>>
    %dma_wait3A_1256 = tpu.memref_squeeze %dma_wait3A_1255 : memref<1x64x128xf32, #tpu.memory_space<vmem>> -> memref<64x128xf32, #tpu.memory_space<vmem>>
    %dma_wait3A_1257 = arith.constant 0 : i32
    %dma_wait3A_1258 = tpu.memref_slice %arg5[%dma_wait3A_1251, %dma_wait3A_1257] : memref<32x64xi32, #tpu.memory_space<vmem>> -> memref<1x64xi32, #tpu.memory_space<vmem>>
    %dma_wait3A_1259 = tpu.memref_squeeze %dma_wait3A_1258 : memref<1x64xi32, #tpu.memory_space<vmem>> -> memref<64xi32, #tpu.memory_space<vmem>>
    %dma_wait3A_1260 = arith.constant 0 : i32
    %dma_wait3A_1261 = arith.constant 0 : i32
    %dma_wait3A_1262 = tpu.memref_slice %arg7[%dma_wait3A_1260, %dma_wait3A_1261] : memref<4224x128xf32, #tpu.memory_space<vmem_shared>> -> memref<4224x128xf32, #tpu.memory_space<vmem_shared>>
    tpu.wait_indirect_dma semaphore(%arg8 : memref<!tpu.dma_semaphore, #tpu.memory_space<semaphore_mem>>) src(%dma_wait3A_1262 : memref<4224x128xf32, #tpu.memory_space<vmem_shared>>) dst(%dma_wait3A_1256 : memref<64x128xf32, #tpu.memory_space<vmem>>)
    %add3A_1263 = arith.constant 1536 : i32
    %add3A_1264 = arith.addi %mul3A_2, %add3A_1263 : i32
    %dma_start3A_1265 = arith.constant 0 : i32
    %dma_start3A_1266 = arith.constant 0 : i32
    %dma_start3A_1267 = arith.constant 0 : i32
    %dma_start3A_1268 = tpu.memref_slice %arg6[%dma_start3A_1265, %dma_start3A_1266, %dma_start3A_1267] : memref<8x64x128xf32, #tpu.memory_space<vmem>> -> memref<1x64x128xf32, #tpu.memory_space<vmem>>
    %dma_start3A_1269 = tpu.memref_squeeze %dma_start3A_1268 : memref<1x64x128xf32, #tpu.memory_space<vmem>> -> memref<64x128xf32, #tpu.memory_space<vmem>>
    %dma_start3A_1270 = arith.constant 0 : i32
    %dma_start3A_1271 = tpu.memref_slice %arg4[%add3A_1264, %dma_start3A_1270] : memref<65536x128xf32, #tpu.memory_space<hbm>> -> memref<64x128xf32, #tpu.memory_space<hbm>>
    %dma_start3A_1272 = arith.constant 0 : i32
    %dma_start3A_1273 = tpu.memref_slice %arg4[%add3A_1264, %dma_start3A_1272] : memref<65536x128xf32, #tpu.memory_space<hbm>> -> memref<64x128xf32, #tpu.memory_space<hbm>>
    %dma_start3A_1274 = arith.constant 0 : i32
    %dma_start3A_1275 = arith.constant 0 : i32
    %dma_start3A_1276 = tpu.memref_slice %arg6[%dma_start3A_1265, %dma_start3A_1274, %dma_start3A_1275] : memref<8x64x128xf32, #tpu.memory_space<vmem>> -> memref<1x64x128xf32, #tpu.memory_space<vmem>>
    %dma_start3A_1277 = tpu.memref_squeeze %dma_start3A_1276 : memref<1x64x128xf32, #tpu.memory_space<vmem>> -> memref<64x128xf32, #tpu.memory_space<vmem>>
    tpu.enqueue_dma source(%dma_start3A_1277 : memref<64x128xf32, #tpu.memory_space<vmem>>) target(%dma_start3A_1273 : memref<64x128xf32, #tpu.memory_space<hbm>>) target_semaphore(%arg9 : memref<!tpu.dma_semaphore, #tpu.memory_space<semaphore_mem>>)
    %dma_wait3A_1278 = arith.constant 25 : i32
    %dma_wait3A_1279 = arith.constant 1 : i32
    %dma_wait3A_1280 = arith.constant 0 : i32
    %dma_wait3A_1281 = arith.constant 0 : i32
    %dma_wait3A_1282 = tpu.memref_slice %arg6[%dma_wait3A_1279, %dma_wait3A_1280, %dma_wait3A_1281] : memref<8x64x128xf32, #tpu.memory_space<vmem>> -> memref<1x64x128xf32, #tpu.memory_space<vmem>>
    %dma_wait3A_1283 = tpu.memref_squeeze %dma_wait3A_1282 : memref<1x64x128xf32, #tpu.memory_space<vmem>> -> memref<64x128xf32, #tpu.memory_space<vmem>>
    %dma_wait3A_1284 = arith.constant 0 : i32
    %dma_wait3A_1285 = tpu.memref_slice %arg5[%dma_wait3A_1278, %dma_wait3A_1284] : memref<32x64xi32, #tpu.memory_space<vmem>> -> memref<1x64xi32, #tpu.memory_space<vmem>>
    %dma_wait3A_1286 = tpu.memref_squeeze %dma_wait3A_1285 : memref<1x64xi32, #tpu.memory_space<vmem>> -> memref<64xi32, #tpu.memory_space<vmem>>
    %dma_wait3A_1287 = arith.constant 0 : i32
    %dma_wait3A_1288 = arith.constant 0 : i32
    %dma_wait3A_1289 = tpu.memref_slice %arg7[%dma_wait3A_1287, %dma_wait3A_1288] : memref<4224x128xf32, #tpu.memory_space<vmem_shared>> -> memref<4224x128xf32, #tpu.memory_space<vmem_shared>>
    tpu.wait_indirect_dma semaphore(%arg8 : memref<!tpu.dma_semaphore, #tpu.memory_space<semaphore_mem>>) src(%dma_wait3A_1289 : memref<4224x128xf32, #tpu.memory_space<vmem_shared>>) dst(%dma_wait3A_1283 : memref<64x128xf32, #tpu.memory_space<vmem>>)
    %add3A_1290 = arith.constant 1600 : i32
    %add3A_1291 = arith.addi %mul3A_2, %add3A_1290 : i32
    %dma_start3A_1292 = arith.constant 1 : i32
    %dma_start3A_1293 = arith.constant 0 : i32
    %dma_start3A_1294 = arith.constant 0 : i32
    %dma_start3A_1295 = tpu.memref_slice %arg6[%dma_start3A_1292, %dma_start3A_1293, %dma_start3A_1294] : memref<8x64x128xf32, #tpu.memory_space<vmem>> -> memref<1x64x128xf32, #tpu.memory_space<vmem>>
    %dma_start3A_1296 = tpu.memref_squeeze %dma_start3A_1295 : memref<1x64x128xf32, #tpu.memory_space<vmem>> -> memref<64x128xf32, #tpu.memory_space<vmem>>
    %dma_start3A_1297 = arith.constant 0 : i32
    %dma_start3A_1298 = tpu.memref_slice %arg4[%add3A_1291, %dma_start3A_1297] : memref<65536x128xf32, #tpu.memory_space<hbm>> -> memref<64x128xf32, #tpu.memory_space<hbm>>
    %dma_start3A_1299 = arith.constant 0 : i32
    %dma_start3A_1300 = tpu.memref_slice %arg4[%add3A_1291, %dma_start3A_1299] : memref<65536x128xf32, #tpu.memory_space<hbm>> -> memref<64x128xf32, #tpu.memory_space<hbm>>
    %dma_start3A_1301 = arith.constant 0 : i32
    %dma_start3A_1302 = arith.constant 0 : i32
    %dma_start3A_1303 = tpu.memref_slice %arg6[%dma_start3A_1292, %dma_start3A_1301, %dma_start3A_1302] : memref<8x64x128xf32, #tpu.memory_space<vmem>> -> memref<1x64x128xf32, #tpu.memory_space<vmem>>
    %dma_start3A_1304 = tpu.memref_squeeze %dma_start3A_1303 : memref<1x64x128xf32, #tpu.memory_space<vmem>> -> memref<64x128xf32, #tpu.memory_space<vmem>>
    tpu.enqueue_dma source(%dma_start3A_1304 : memref<64x128xf32, #tpu.memory_space<vmem>>) target(%dma_start3A_1300 : memref<64x128xf32, #tpu.memory_space<hbm>>) target_semaphore(%arg9 : memref<!tpu.dma_semaphore, #tpu.memory_space<semaphore_mem>>)
    %dma_wait3A_1305 = arith.constant 26 : i32
    %dma_wait3A_1306 = arith.constant 2 : i32
    %dma_wait3A_1307 = arith.constant 0 : i32
    %dma_wait3A_1308 = arith.constant 0 : i32
    %dma_wait3A_1309 = tpu.memref_slice %arg6[%dma_wait3A_1306, %dma_wait3A_1307, %dma_wait3A_1308] : memref<8x64x128xf32, #tpu.memory_space<vmem>> -> memref<1x64x128xf32, #tpu.memory_space<vmem>>
    %dma_wait3A_1310 = tpu.memref_squeeze %dma_wait3A_1309 : memref<1x64x128xf32, #tpu.memory_space<vmem>> -> memref<64x128xf32, #tpu.memory_space<vmem>>
    %dma_wait3A_1311 = arith.constant 0 : i32
    %dma_wait3A_1312 = tpu.memref_slice %arg5[%dma_wait3A_1305, %dma_wait3A_1311] : memref<32x64xi32, #tpu.memory_space<vmem>> -> memref<1x64xi32, #tpu.memory_space<vmem>>
    %dma_wait3A_1313 = tpu.memref_squeeze %dma_wait3A_1312 : memref<1x64xi32, #tpu.memory_space<vmem>> -> memref<64xi32, #tpu.memory_space<vmem>>
    %dma_wait3A_1314 = arith.constant 0 : i32
    %dma_wait3A_1315 = arith.constant 0 : i32
    %dma_wait3A_1316 = tpu.memref_slice %arg7[%dma_wait3A_1314, %dma_wait3A_1315] : memref<4224x128xf32, #tpu.memory_space<vmem_shared>> -> memref<4224x128xf32, #tpu.memory_space<vmem_shared>>
    tpu.wait_indirect_dma semaphore(%arg8 : memref<!tpu.dma_semaphore, #tpu.memory_space<semaphore_mem>>) src(%dma_wait3A_1316 : memref<4224x128xf32, #tpu.memory_space<vmem_shared>>) dst(%dma_wait3A_1310 : memref<64x128xf32, #tpu.memory_space<vmem>>)
    %add3A_1317 = arith.constant 1664 : i32
    %add3A_1318 = arith.addi %mul3A_2, %add3A_1317 : i32
    %dma_start3A_1319 = arith.constant 2 : i32
    %dma_start3A_1320 = arith.constant 0 : i32
    %dma_start3A_1321 = arith.constant 0 : i32
    %dma_start3A_1322 = tpu.memref_slice %arg6[%dma_start3A_1319, %dma_start3A_1320, %dma_start3A_1321] : memref<8x64x128xf32, #tpu.memory_space<vmem>> -> memref<1x64x128xf32, #tpu.memory_space<vmem>>
    %dma_start3A_1323 = tpu.memref_squeeze %dma_start3A_1322 : memref<1x64x128xf32, #tpu.memory_space<vmem>> -> memref<64x128xf32, #tpu.memory_space<vmem>>
    %dma_start3A_1324 = arith.constant 0 : i32
    %dma_start3A_1325 = tpu.memref_slice %arg4[%add3A_1318, %dma_start3A_1324] : memref<65536x128xf32, #tpu.memory_space<hbm>> -> memref<64x128xf32, #tpu.memory_space<hbm>>
    %dma_start3A_1326 = arith.constant 0 : i32
    %dma_start3A_1327 = tpu.memref_slice %arg4[%add3A_1318, %dma_start3A_1326] : memref<65536x128xf32, #tpu.memory_space<hbm>> -> memref<64x128xf32, #tpu.memory_space<hbm>>
    %dma_start3A_1328 = arith.constant 0 : i32
    %dma_start3A_1329 = arith.constant 0 : i32
    %dma_start3A_1330 = tpu.memref_slice %arg6[%dma_start3A_1319, %dma_start3A_1328, %dma_start3A_1329] : memref<8x64x128xf32, #tpu.memory_space<vmem>> -> memref<1x64x128xf32, #tpu.memory_space<vmem>>
    %dma_start3A_1331 = tpu.memref_squeeze %dma_start3A_1330 : memref<1x64x128xf32, #tpu.memory_space<vmem>> -> memref<64x128xf32, #tpu.memory_space<vmem>>
    tpu.enqueue_dma source(%dma_start3A_1331 : memref<64x128xf32, #tpu.memory_space<vmem>>) target(%dma_start3A_1327 : memref<64x128xf32, #tpu.memory_space<hbm>>) target_semaphore(%arg9 : memref<!tpu.dma_semaphore, #tpu.memory_space<semaphore_mem>>)
    %dma_wait3A_1332 = arith.constant 27 : i32
    %dma_wait3A_1333 = arith.constant 3 : i32
    %dma_wait3A_1334 = arith.constant 0 : i32
    %dma_wait3A_1335 = arith.constant 0 : i32
    %dma_wait3A_1336 = tpu.memref_slice %arg6[%dma_wait3A_1333, %dma_wait3A_1334, %dma_wait3A_1335] : memref<8x64x128xf32, #tpu.memory_space<vmem>> -> memref<1x64x128xf32, #tpu.memory_space<vmem>>
    %dma_wait3A_1337 = tpu.memref_squeeze %dma_wait3A_1336 : memref<1x64x128xf32, #tpu.memory_space<vmem>> -> memref<64x128xf32, #tpu.memory_space<vmem>>
    %dma_wait3A_1338 = arith.constant 0 : i32
    %dma_wait3A_1339 = tpu.memref_slice %arg5[%dma_wait3A_1332, %dma_wait3A_1338] : memref<32x64xi32, #tpu.memory_space<vmem>> -> memref<1x64xi32, #tpu.memory_space<vmem>>
    %dma_wait3A_1340 = tpu.memref_squeeze %dma_wait3A_1339 : memref<1x64xi32, #tpu.memory_space<vmem>> -> memref<64xi32, #tpu.memory_space<vmem>>
    %dma_wait3A_1341 = arith.constant 0 : i32
    %dma_wait3A_1342 = arith.constant 0 : i32
    %dma_wait3A_1343 = tpu.memref_slice %arg7[%dma_wait3A_1341, %dma_wait3A_1342] : memref<4224x128xf32, #tpu.memory_space<vmem_shared>> -> memref<4224x128xf32, #tpu.memory_space<vmem_shared>>
    tpu.wait_indirect_dma semaphore(%arg8 : memref<!tpu.dma_semaphore, #tpu.memory_space<semaphore_mem>>) src(%dma_wait3A_1343 : memref<4224x128xf32, #tpu.memory_space<vmem_shared>>) dst(%dma_wait3A_1337 : memref<64x128xf32, #tpu.memory_space<vmem>>)
    %add3A_1344 = arith.constant 1728 : i32
    %add3A_1345 = arith.addi %mul3A_2, %add3A_1344 : i32
    %dma_start3A_1346 = arith.constant 3 : i32
    %dma_start3A_1347 = arith.constant 0 : i32
    %dma_start3A_1348 = arith.constant 0 : i32
    %dma_start3A_1349 = tpu.memref_slice %arg6[%dma_start3A_1346, %dma_start3A_1347, %dma_start3A_1348] : memref<8x64x128xf32, #tpu.memory_space<vmem>> -> memref<1x64x128xf32, #tpu.memory_space<vmem>>
    %dma_start3A_1350 = tpu.memref_squeeze %dma_start3A_1349 : memref<1x64x128xf32, #tpu.memory_space<vmem>> -> memref<64x128xf32, #tpu.memory_space<vmem>>
    %dma_start3A_1351 = arith.constant 0 : i32
    %dma_start3A_1352 = tpu.memref_slice %arg4[%add3A_1345, %dma_start3A_1351] : memref<65536x128xf32, #tpu.memory_space<hbm>> -> memref<64x128xf32, #tpu.memory_space<hbm>>
    %dma_start3A_1353 = arith.constant 0 : i32
    %dma_start3A_1354 = tpu.memref_slice %arg4[%add3A_1345, %dma_start3A_1353] : memref<65536x128xf32, #tpu.memory_space<hbm>> -> memref<64x128xf32, #tpu.memory_space<hbm>>
    %dma_start3A_1355 = arith.constant 0 : i32
    %dma_start3A_1356 = arith.constant 0 : i32
    %dma_start3A_1357 = tpu.memref_slice %arg6[%dma_start3A_1346, %dma_start3A_1355, %dma_start3A_1356] : memref<8x64x128xf32, #tpu.memory_space<vmem>> -> memref<1x64x128xf32, #tpu.memory_space<vmem>>
    %dma_start3A_1358 = tpu.memref_squeeze %dma_start3A_1357 : memref<1x64x128xf32, #tpu.memory_space<vmem>> -> memref<64x128xf32, #tpu.memory_space<vmem>>
    tpu.enqueue_dma source(%dma_start3A_1358 : memref<64x128xf32, #tpu.memory_space<vmem>>) target(%dma_start3A_1354 : memref<64x128xf32, #tpu.memory_space<hbm>>) target_semaphore(%arg9 : memref<!tpu.dma_semaphore, #tpu.memory_space<semaphore_mem>>)
    %dma_wait3A_1359 = arith.constant 4 : i32
    %dma_wait3A_1360 = arith.constant 0 : i32
    %dma_wait3A_1361 = arith.constant 0 : i32
    %dma_wait3A_1362 = tpu.memref_slice %arg6[%dma_wait3A_1359, %dma_wait3A_1360, %dma_wait3A_1361] : memref<8x64x128xf32, #tpu.memory_space<vmem>> -> memref<1x64x128xf32, #tpu.memory_space<vmem>>
    %dma_wait3A_1363 = tpu.memref_squeeze %dma_wait3A_1362 : memref<1x64x128xf32, #tpu.memory_space<vmem>> -> memref<64x128xf32, #tpu.memory_space<vmem>>
    %dma_wait3A_1364 = arith.constant 0 : i32
    %dma_wait3A_1365 = tpu.memref_slice %arg4[%add3A_1056, %dma_wait3A_1364] : memref<65536x128xf32, #tpu.memory_space<hbm>> -> memref<64x128xf32, #tpu.memory_space<hbm>>
    %dma_wait3A_1366 = arith.constant 0 : i32
    %dma_wait3A_1367 = tpu.memref_slice %arg4[%add3A_1056, %dma_wait3A_1366] : memref<65536x128xf32, #tpu.memory_space<hbm>> -> memref<64x128xf32, #tpu.memory_space<hbm>>
    %dma_wait3A_1368 = arith.constant 0 : i32
    %dma_wait3A_1369 = arith.constant 0 : i32
    %dma_wait3A_1370 = tpu.memref_slice %arg6[%dma_wait3A_1359, %dma_wait3A_1368, %dma_wait3A_1369] : memref<8x64x128xf32, #tpu.memory_space<vmem>> -> memref<1x64x128xf32, #tpu.memory_space<vmem>>
    %dma_wait3A_1371 = tpu.memref_squeeze %dma_wait3A_1370 : memref<1x64x128xf32, #tpu.memory_space<vmem>> -> memref<64x128xf32, #tpu.memory_space<vmem>>
    tpu.wait_dma2 semaphore(%arg9 : memref<!tpu.dma_semaphore, #tpu.memory_space<semaphore_mem>>) src(%dma_wait3A_1371 : memref<64x128xf32, #tpu.memory_space<vmem>>) dst(%dma_wait3A_1367 : memref<64x128xf32, #tpu.memory_space<hbm>>)
    %dma_wait3A_1372 = arith.constant 5 : i32
    %dma_wait3A_1373 = arith.constant 0 : i32
    %dma_wait3A_1374 = arith.constant 0 : i32
    %dma_wait3A_1375 = tpu.memref_slice %arg6[%dma_wait3A_1372, %dma_wait3A_1373, %dma_wait3A_1374] : memref<8x64x128xf32, #tpu.memory_space<vmem>> -> memref<1x64x128xf32, #tpu.memory_space<vmem>>
    %dma_wait3A_1376 = tpu.memref_squeeze %dma_wait3A_1375 : memref<1x64x128xf32, #tpu.memory_space<vmem>> -> memref<64x128xf32, #tpu.memory_space<vmem>>
    %dma_wait3A_1377 = arith.constant 0 : i32
    %dma_wait3A_1378 = tpu.memref_slice %arg4[%add3A_1083, %dma_wait3A_1377] : memref<65536x128xf32, #tpu.memory_space<hbm>> -> memref<64x128xf32, #tpu.memory_space<hbm>>
    %dma_wait3A_1379 = arith.constant 0 : i32
    %dma_wait3A_1380 = tpu.memref_slice %arg4[%add3A_1083, %dma_wait3A_1379] : memref<65536x128xf32, #tpu.memory_space<hbm>> -> memref<64x128xf32, #tpu.memory_space<hbm>>
    %dma_wait3A_1381 = arith.constant 0 : i32
    %dma_wait3A_1382 = arith.constant 0 : i32
    %dma_wait3A_1383 = tpu.memref_slice %arg6[%dma_wait3A_1372, %dma_wait3A_1381, %dma_wait3A_1382] : memref<8x64x128xf32, #tpu.memory_space<vmem>> -> memref<1x64x128xf32, #tpu.memory_space<vmem>>
    %dma_wait3A_1384 = tpu.memref_squeeze %dma_wait3A_1383 : memref<1x64x128xf32, #tpu.memory_space<vmem>> -> memref<64x128xf32, #tpu.memory_space<vmem>>
    tpu.wait_dma2 semaphore(%arg9 : memref<!tpu.dma_semaphore, #tpu.memory_space<semaphore_mem>>) src(%dma_wait3A_1384 : memref<64x128xf32, #tpu.memory_space<vmem>>) dst(%dma_wait3A_1380 : memref<64x128xf32, #tpu.memory_space<hbm>>)
    %dma_wait3A_1385 = arith.constant 6 : i32
    %dma_wait3A_1386 = arith.constant 0 : i32
    %dma_wait3A_1387 = arith.constant 0 : i32
    %dma_wait3A_1388 = tpu.memref_slice %arg6[%dma_wait3A_1385, %dma_wait3A_1386, %dma_wait3A_1387] : memref<8x64x128xf32, #tpu.memory_space<vmem>> -> memref<1x64x128xf32, #tpu.memory_space<vmem>>
    %dma_wait3A_1389 = tpu.memref_squeeze %dma_wait3A_1388 : memref<1x64x128xf32, #tpu.memory_space<vmem>> -> memref<64x128xf32, #tpu.memory_space<vmem>>
    %dma_wait3A_1390 = arith.constant 0 : i32
    %dma_wait3A_1391 = tpu.memref_slice %arg4[%add3A_1110, %dma_wait3A_1390] : memref<65536x128xf32, #tpu.memory_space<hbm>> -> memref<64x128xf32, #tpu.memory_space<hbm>>
    %dma_wait3A_1392 = arith.constant 0 : i32
    %dma_wait3A_1393 = tpu.memref_slice %arg4[%add3A_1110, %dma_wait3A_1392] : memref<65536x128xf32, #tpu.memory_space<hbm>> -> memref<64x128xf32, #tpu.memory_space<hbm>>
    %dma_wait3A_1394 = arith.constant 0 : i32
    %dma_wait3A_1395 = arith.constant 0 : i32
    %dma_wait3A_1396 = tpu.memref_slice %arg6[%dma_wait3A_1385, %dma_wait3A_1394, %dma_wait3A_1395] : memref<8x64x128xf32, #tpu.memory_space<vmem>> -> memref<1x64x128xf32, #tpu.memory_space<vmem>>
    %dma_wait3A_1397 = tpu.memref_squeeze %dma_wait3A_1396 : memref<1x64x128xf32, #tpu.memory_space<vmem>> -> memref<64x128xf32, #tpu.memory_space<vmem>>
    tpu.wait_dma2 semaphore(%arg9 : memref<!tpu.dma_semaphore, #tpu.memory_space<semaphore_mem>>) src(%dma_wait3A_1397 : memref<64x128xf32, #tpu.memory_space<vmem>>) dst(%dma_wait3A_1393 : memref<64x128xf32, #tpu.memory_space<hbm>>)
    %dma_wait3A_1398 = arith.constant 7 : i32
    %dma_wait3A_1399 = arith.constant 0 : i32
    %dma_wait3A_1400 = arith.constant 0 : i32
    %dma_wait3A_1401 = tpu.memref_slice %arg6[%dma_wait3A_1398, %dma_wait3A_1399, %dma_wait3A_1400] : memref<8x64x128xf32, #tpu.memory_space<vmem>> -> memref<1x64x128xf32, #tpu.memory_space<vmem>>
    %dma_wait3A_1402 = tpu.memref_squeeze %dma_wait3A_1401 : memref<1x64x128xf32, #tpu.memory_space<vmem>> -> memref<64x128xf32, #tpu.memory_space<vmem>>
    %dma_wait3A_1403 = arith.constant 0 : i32
    %dma_wait3A_1404 = tpu.memref_slice %arg4[%add3A_1137, %dma_wait3A_1403] : memref<65536x128xf32, #tpu.memory_space<hbm>> -> memref<64x128xf32, #tpu.memory_space<hbm>>
    %dma_wait3A_1405 = arith.constant 0 : i32
    %dma_wait3A_1406 = tpu.memref_slice %arg4[%add3A_1137, %dma_wait3A_1405] : memref<65536x128xf32, #tpu.memory_space<hbm>> -> memref<64x128xf32, #tpu.memory_space<hbm>>
    %dma_wait3A_1407 = arith.constant 0 : i32
    %dma_wait3A_1408 = arith.constant 0 : i32
    %dma_wait3A_1409 = tpu.memref_slice %arg6[%dma_wait3A_1398, %dma_wait3A_1407, %dma_wait3A_1408] : memref<8x64x128xf32, #tpu.memory_space<vmem>> -> memref<1x64x128xf32, #tpu.memory_space<vmem>>
    %dma_wait3A_1410 = tpu.memref_squeeze %dma_wait3A_1409 : memref<1x64x128xf32, #tpu.memory_space<vmem>> -> memref<64x128xf32, #tpu.memory_space<vmem>>
    tpu.wait_dma2 semaphore(%arg9 : memref<!tpu.dma_semaphore, #tpu.memory_space<semaphore_mem>>) src(%dma_wait3A_1410 : memref<64x128xf32, #tpu.memory_space<vmem>>) dst(%dma_wait3A_1406 : memref<64x128xf32, #tpu.memory_space<hbm>>)
    %dma_start3A_1411 = arith.constant 28 : i32
    %dma_start3A_1412 = arith.constant 4 : i32
    %dma_start3A_1413 = arith.constant 0 : i32
    %dma_start3A_1414 = arith.constant 0 : i32
    %dma_start3A_1415 = tpu.memref_slice %arg6[%dma_start3A_1412, %dma_start3A_1413, %dma_start3A_1414] : memref<8x64x128xf32, #tpu.memory_space<vmem>> -> memref<1x64x128xf32, #tpu.memory_space<vmem>>
    %dma_start3A_1416 = tpu.memref_squeeze %dma_start3A_1415 : memref<1x64x128xf32, #tpu.memory_space<vmem>> -> memref<64x128xf32, #tpu.memory_space<vmem>>
    %dma_start3A_1417 = arith.constant 0 : i32
    %dma_start3A_1418 = tpu.memref_slice %arg5[%dma_start3A_1411, %dma_start3A_1417] : memref<32x64xi32, #tpu.memory_space<vmem>> -> memref<1x64xi32, #tpu.memory_space<vmem>>
    %dma_start3A_1419 = tpu.memref_squeeze %dma_start3A_1418 : memref<1x64xi32, #tpu.memory_space<vmem>> -> memref<64xi32, #tpu.memory_space<vmem>>
    %dma_start3A_1420 = arith.constant 0 : i32
    %dma_start3A_1421 = arith.constant 0 : i32
    %dma_start3A_1422 = tpu.memref_slice %arg7[%dma_start3A_1420, %dma_start3A_1421] : memref<4224x128xf32, #tpu.memory_space<vmem_shared>> -> memref<4224x128xf32, #tpu.memory_space<vmem_shared>>
    tpu.enqueue_indirect_dma source(%dma_start3A_1422 : memref<4224x128xf32, #tpu.memory_space<vmem_shared>>) target(%dma_start3A_1416 : memref<64x128xf32, #tpu.memory_space<vmem>>) offsets(%dma_start3A_1419 : memref<64xi32, #tpu.memory_space<vmem>>) semaphore(%arg8 : memref<!tpu.dma_semaphore, #tpu.memory_space<semaphore_mem>>)
    %dma_start3A_1423 = arith.constant 29 : i32
    %dma_start3A_1424 = arith.constant 5 : i32
    %dma_start3A_1425 = arith.constant 0 : i32
    %dma_start3A_1426 = arith.constant 0 : i32
    %dma_start3A_1427 = tpu.memref_slice %arg6[%dma_start3A_1424, %dma_start3A_1425, %dma_start3A_1426] : memref<8x64x128xf32, #tpu.memory_space<vmem>> -> memref<1x64x128xf32, #tpu.memory_space<vmem>>
    %dma_start3A_1428 = tpu.memref_squeeze %dma_start3A_1427 : memref<1x64x128xf32, #tpu.memory_space<vmem>> -> memref<64x128xf32, #tpu.memory_space<vmem>>
    %dma_start3A_1429 = arith.constant 0 : i32
    %dma_start3A_1430 = tpu.memref_slice %arg5[%dma_start3A_1423, %dma_start3A_1429] : memref<32x64xi32, #tpu.memory_space<vmem>> -> memref<1x64xi32, #tpu.memory_space<vmem>>
    %dma_start3A_1431 = tpu.memref_squeeze %dma_start3A_1430 : memref<1x64xi32, #tpu.memory_space<vmem>> -> memref<64xi32, #tpu.memory_space<vmem>>
    %dma_start3A_1432 = arith.constant 0 : i32
    %dma_start3A_1433 = arith.constant 0 : i32
    %dma_start3A_1434 = tpu.memref_slice %arg7[%dma_start3A_1432, %dma_start3A_1433] : memref<4224x128xf32, #tpu.memory_space<vmem_shared>> -> memref<4224x128xf32, #tpu.memory_space<vmem_shared>>
    tpu.enqueue_indirect_dma source(%dma_start3A_1434 : memref<4224x128xf32, #tpu.memory_space<vmem_shared>>) target(%dma_start3A_1428 : memref<64x128xf32, #tpu.memory_space<vmem>>) offsets(%dma_start3A_1431 : memref<64xi32, #tpu.memory_space<vmem>>) semaphore(%arg8 : memref<!tpu.dma_semaphore, #tpu.memory_space<semaphore_mem>>)
    %dma_start3A_1435 = arith.constant 30 : i32
    %dma_start3A_1436 = arith.constant 6 : i32
    %dma_start3A_1437 = arith.constant 0 : i32
    %dma_start3A_1438 = arith.constant 0 : i32
    %dma_start3A_1439 = tpu.memref_slice %arg6[%dma_start3A_1436, %dma_start3A_1437, %dma_start3A_1438] : memref<8x64x128xf32, #tpu.memory_space<vmem>> -> memref<1x64x128xf32, #tpu.memory_space<vmem>>
    %dma_start3A_1440 = tpu.memref_squeeze %dma_start3A_1439 : memref<1x64x128xf32, #tpu.memory_space<vmem>> -> memref<64x128xf32, #tpu.memory_space<vmem>>
    %dma_start3A_1441 = arith.constant 0 : i32
    %dma_start3A_1442 = tpu.memref_slice %arg5[%dma_start3A_1435, %dma_start3A_1441] : memref<32x64xi32, #tpu.memory_space<vmem>> -> memref<1x64xi32, #tpu.memory_space<vmem>>
    %dma_start3A_1443 = tpu.memref_squeeze %dma_start3A_1442 : memref<1x64xi32, #tpu.memory_space<vmem>> -> memref<64xi32, #tpu.memory_space<vmem>>
    %dma_start3A_1444 = arith.constant 0 : i32
    %dma_start3A_1445 = arith.constant 0 : i32
    %dma_start3A_1446 = tpu.memref_slice %arg7[%dma_start3A_1444, %dma_start3A_1445] : memref<4224x128xf32, #tpu.memory_space<vmem_shared>> -> memref<4224x128xf32, #tpu.memory_space<vmem_shared>>
    tpu.enqueue_indirect_dma source(%dma_start3A_1446 : memref<4224x128xf32, #tpu.memory_space<vmem_shared>>) target(%dma_start3A_1440 : memref<64x128xf32, #tpu.memory_space<vmem>>) offsets(%dma_start3A_1443 : memref<64xi32, #tpu.memory_space<vmem>>) semaphore(%arg8 : memref<!tpu.dma_semaphore, #tpu.memory_space<semaphore_mem>>)
    %dma_start3A_1447 = arith.constant 31 : i32
    %dma_start3A_1448 = arith.constant 7 : i32
    %dma_start3A_1449 = arith.constant 0 : i32
    %dma_start3A_1450 = arith.constant 0 : i32
    %dma_start3A_1451 = tpu.memref_slice %arg6[%dma_start3A_1448, %dma_start3A_1449, %dma_start3A_1450] : memref<8x64x128xf32, #tpu.memory_space<vmem>> -> memref<1x64x128xf32, #tpu.memory_space<vmem>>
    %dma_start3A_1452 = tpu.memref_squeeze %dma_start3A_1451 : memref<1x64x128xf32, #tpu.memory_space<vmem>> -> memref<64x128xf32, #tpu.memory_space<vmem>>
    %dma_start3A_1453 = arith.constant 0 : i32
    %dma_start3A_1454 = tpu.memref_slice %arg5[%dma_start3A_1447, %dma_start3A_1453] : memref<32x64xi32, #tpu.memory_space<vmem>> -> memref<1x64xi32, #tpu.memory_space<vmem>>
    %dma_start3A_1455 = tpu.memref_squeeze %dma_start3A_1454 : memref<1x64xi32, #tpu.memory_space<vmem>> -> memref<64xi32, #tpu.memory_space<vmem>>
    %dma_start3A_1456 = arith.constant 0 : i32
    %dma_start3A_1457 = arith.constant 0 : i32
    %dma_start3A_1458 = tpu.memref_slice %arg7[%dma_start3A_1456, %dma_start3A_1457] : memref<4224x128xf32, #tpu.memory_space<vmem_shared>> -> memref<4224x128xf32, #tpu.memory_space<vmem_shared>>
    tpu.enqueue_indirect_dma source(%dma_start3A_1458 : memref<4224x128xf32, #tpu.memory_space<vmem_shared>>) target(%dma_start3A_1452 : memref<64x128xf32, #tpu.memory_space<vmem>>) offsets(%dma_start3A_1455 : memref<64xi32, #tpu.memory_space<vmem>>) semaphore(%arg8 : memref<!tpu.dma_semaphore, #tpu.memory_space<semaphore_mem>>)
    %dma_wait3A_1459 = arith.constant 28 : i32
    %dma_wait3A_1460 = arith.constant 4 : i32
    %dma_wait3A_1461 = arith.constant 0 : i32
    %dma_wait3A_1462 = arith.constant 0 : i32
    %dma_wait3A_1463 = tpu.memref_slice %arg6[%dma_wait3A_1460, %dma_wait3A_1461, %dma_wait3A_1462] : memref<8x64x128xf32, #tpu.memory_space<vmem>> -> memref<1x64x128xf32, #tpu.memory_space<vmem>>
    %dma_wait3A_1464 = tpu.memref_squeeze %dma_wait3A_1463 : memref<1x64x128xf32, #tpu.memory_space<vmem>> -> memref<64x128xf32, #tpu.memory_space<vmem>>
    %dma_wait3A_1465 = arith.constant 0 : i32
    %dma_wait3A_1466 = tpu.memref_slice %arg5[%dma_wait3A_1459, %dma_wait3A_1465] : memref<32x64xi32, #tpu.memory_space<vmem>> -> memref<1x64xi32, #tpu.memory_space<vmem>>
    %dma_wait3A_1467 = tpu.memref_squeeze %dma_wait3A_1466 : memref<1x64xi32, #tpu.memory_space<vmem>> -> memref<64xi32, #tpu.memory_space<vmem>>
    %dma_wait3A_1468 = arith.constant 0 : i32
    %dma_wait3A_1469 = arith.constant 0 : i32
    %dma_wait3A_1470 = tpu.memref_slice %arg7[%dma_wait3A_1468, %dma_wait3A_1469] : memref<4224x128xf32, #tpu.memory_space<vmem_shared>> -> memref<4224x128xf32, #tpu.memory_space<vmem_shared>>
    tpu.wait_indirect_dma semaphore(%arg8 : memref<!tpu.dma_semaphore, #tpu.memory_space<semaphore_mem>>) src(%dma_wait3A_1470 : memref<4224x128xf32, #tpu.memory_space<vmem_shared>>) dst(%dma_wait3A_1464 : memref<64x128xf32, #tpu.memory_space<vmem>>)
    %add3A_1471 = arith.constant 1792 : i32
    %add3A_1472 = arith.addi %mul3A_2, %add3A_1471 : i32
    %dma_start3A_1473 = arith.constant 4 : i32
    %dma_start3A_1474 = arith.constant 0 : i32
    %dma_start3A_1475 = arith.constant 0 : i32
    %dma_start3A_1476 = tpu.memref_slice %arg6[%dma_start3A_1473, %dma_start3A_1474, %dma_start3A_1475] : memref<8x64x128xf32, #tpu.memory_space<vmem>> -> memref<1x64x128xf32, #tpu.memory_space<vmem>>
    %dma_start3A_1477 = tpu.memref_squeeze %dma_start3A_1476 : memref<1x64x128xf32, #tpu.memory_space<vmem>> -> memref<64x128xf32, #tpu.memory_space<vmem>>
    %dma_start3A_1478 = arith.constant 0 : i32
    %dma_start3A_1479 = tpu.memref_slice %arg4[%add3A_1472, %dma_start3A_1478] : memref<65536x128xf32, #tpu.memory_space<hbm>> -> memref<64x128xf32, #tpu.memory_space<hbm>>
    %dma_start3A_1480 = arith.constant 0 : i32
    %dma_start3A_1481 = tpu.memref_slice %arg4[%add3A_1472, %dma_start3A_1480] : memref<65536x128xf32, #tpu.memory_space<hbm>> -> memref<64x128xf32, #tpu.memory_space<hbm>>
    %dma_start3A_1482 = arith.constant 0 : i32
    %dma_start3A_1483 = arith.constant 0 : i32
    %dma_start3A_1484 = tpu.memref_slice %arg6[%dma_start3A_1473, %dma_start3A_1482, %dma_start3A_1483] : memref<8x64x128xf32, #tpu.memory_space<vmem>> -> memref<1x64x128xf32, #tpu.memory_space<vmem>>
    %dma_start3A_1485 = tpu.memref_squeeze %dma_start3A_1484 : memref<1x64x128xf32, #tpu.memory_space<vmem>> -> memref<64x128xf32, #tpu.memory_space<vmem>>
    tpu.enqueue_dma source(%dma_start3A_1485 : memref<64x128xf32, #tpu.memory_space<vmem>>) target(%dma_start3A_1481 : memref<64x128xf32, #tpu.memory_space<hbm>>) target_semaphore(%arg9 : memref<!tpu.dma_semaphore, #tpu.memory_space<semaphore_mem>>)
    %dma_wait3A_1486 = arith.constant 29 : i32
    %dma_wait3A_1487 = arith.constant 5 : i32
    %dma_wait3A_1488 = arith.constant 0 : i32
    %dma_wait3A_1489 = arith.constant 0 : i32
    %dma_wait3A_1490 = tpu.memref_slice %arg6[%dma_wait3A_1487, %dma_wait3A_1488, %dma_wait3A_1489] : memref<8x64x128xf32, #tpu.memory_space<vmem>> -> memref<1x64x128xf32, #tpu.memory_space<vmem>>
    %dma_wait3A_1491 = tpu.memref_squeeze %dma_wait3A_1490 : memref<1x64x128xf32, #tpu.memory_space<vmem>> -> memref<64x128xf32, #tpu.memory_space<vmem>>
    %dma_wait3A_1492 = arith.constant 0 : i32
    %dma_wait3A_1493 = tpu.memref_slice %arg5[%dma_wait3A_1486, %dma_wait3A_1492] : memref<32x64xi32, #tpu.memory_space<vmem>> -> memref<1x64xi32, #tpu.memory_space<vmem>>
    %dma_wait3A_1494 = tpu.memref_squeeze %dma_wait3A_1493 : memref<1x64xi32, #tpu.memory_space<vmem>> -> memref<64xi32, #tpu.memory_space<vmem>>
    %dma_wait3A_1495 = arith.constant 0 : i32
    %dma_wait3A_1496 = arith.constant 0 : i32
    %dma_wait3A_1497 = tpu.memref_slice %arg7[%dma_wait3A_1495, %dma_wait3A_1496] : memref<4224x128xf32, #tpu.memory_space<vmem_shared>> -> memref<4224x128xf32, #tpu.memory_space<vmem_shared>>
    tpu.wait_indirect_dma semaphore(%arg8 : memref<!tpu.dma_semaphore, #tpu.memory_space<semaphore_mem>>) src(%dma_wait3A_1497 : memref<4224x128xf32, #tpu.memory_space<vmem_shared>>) dst(%dma_wait3A_1491 : memref<64x128xf32, #tpu.memory_space<vmem>>)
    %add3A_1498 = arith.constant 1856 : i32
    %add3A_1499 = arith.addi %mul3A_2, %add3A_1498 : i32
    %dma_start3A_1500 = arith.constant 5 : i32
    %dma_start3A_1501 = arith.constant 0 : i32
    %dma_start3A_1502 = arith.constant 0 : i32
    %dma_start3A_1503 = tpu.memref_slice %arg6[%dma_start3A_1500, %dma_start3A_1501, %dma_start3A_1502] : memref<8x64x128xf32, #tpu.memory_space<vmem>> -> memref<1x64x128xf32, #tpu.memory_space<vmem>>
    %dma_start3A_1504 = tpu.memref_squeeze %dma_start3A_1503 : memref<1x64x128xf32, #tpu.memory_space<vmem>> -> memref<64x128xf32, #tpu.memory_space<vmem>>
    %dma_start3A_1505 = arith.constant 0 : i32
    %dma_start3A_1506 = tpu.memref_slice %arg4[%add3A_1499, %dma_start3A_1505] : memref<65536x128xf32, #tpu.memory_space<hbm>> -> memref<64x128xf32, #tpu.memory_space<hbm>>
    %dma_start3A_1507 = arith.constant 0 : i32
    %dma_start3A_1508 = tpu.memref_slice %arg4[%add3A_1499, %dma_start3A_1507] : memref<65536x128xf32, #tpu.memory_space<hbm>> -> memref<64x128xf32, #tpu.memory_space<hbm>>
    %dma_start3A_1509 = arith.constant 0 : i32
    %dma_start3A_1510 = arith.constant 0 : i32
    %dma_start3A_1511 = tpu.memref_slice %arg6[%dma_start3A_1500, %dma_start3A_1509, %dma_start3A_1510] : memref<8x64x128xf32, #tpu.memory_space<vmem>> -> memref<1x64x128xf32, #tpu.memory_space<vmem>>
    %dma_start3A_1512 = tpu.memref_squeeze %dma_start3A_1511 : memref<1x64x128xf32, #tpu.memory_space<vmem>> -> memref<64x128xf32, #tpu.memory_space<vmem>>
    tpu.enqueue_dma source(%dma_start3A_1512 : memref<64x128xf32, #tpu.memory_space<vmem>>) target(%dma_start3A_1508 : memref<64x128xf32, #tpu.memory_space<hbm>>) target_semaphore(%arg9 : memref<!tpu.dma_semaphore, #tpu.memory_space<semaphore_mem>>)
    %dma_wait3A_1513 = arith.constant 30 : i32
    %dma_wait3A_1514 = arith.constant 6 : i32
    %dma_wait3A_1515 = arith.constant 0 : i32
    %dma_wait3A_1516 = arith.constant 0 : i32
    %dma_wait3A_1517 = tpu.memref_slice %arg6[%dma_wait3A_1514, %dma_wait3A_1515, %dma_wait3A_1516] : memref<8x64x128xf32, #tpu.memory_space<vmem>> -> memref<1x64x128xf32, #tpu.memory_space<vmem>>
    %dma_wait3A_1518 = tpu.memref_squeeze %dma_wait3A_1517 : memref<1x64x128xf32, #tpu.memory_space<vmem>> -> memref<64x128xf32, #tpu.memory_space<vmem>>
    %dma_wait3A_1519 = arith.constant 0 : i32
    %dma_wait3A_1520 = tpu.memref_slice %arg5[%dma_wait3A_1513, %dma_wait3A_1519] : memref<32x64xi32, #tpu.memory_space<vmem>> -> memref<1x64xi32, #tpu.memory_space<vmem>>
    %dma_wait3A_1521 = tpu.memref_squeeze %dma_wait3A_1520 : memref<1x64xi32, #tpu.memory_space<vmem>> -> memref<64xi32, #tpu.memory_space<vmem>>
    %dma_wait3A_1522 = arith.constant 0 : i32
    %dma_wait3A_1523 = arith.constant 0 : i32
    %dma_wait3A_1524 = tpu.memref_slice %arg7[%dma_wait3A_1522, %dma_wait3A_1523] : memref<4224x128xf32, #tpu.memory_space<vmem_shared>> -> memref<4224x128xf32, #tpu.memory_space<vmem_shared>>
    tpu.wait_indirect_dma semaphore(%arg8 : memref<!tpu.dma_semaphore, #tpu.memory_space<semaphore_mem>>) src(%dma_wait3A_1524 : memref<4224x128xf32, #tpu.memory_space<vmem_shared>>) dst(%dma_wait3A_1518 : memref<64x128xf32, #tpu.memory_space<vmem>>)
    %add3A_1525 = arith.constant 1920 : i32
    %add3A_1526 = arith.addi %mul3A_2, %add3A_1525 : i32
    %dma_start3A_1527 = arith.constant 6 : i32
    %dma_start3A_1528 = arith.constant 0 : i32
    %dma_start3A_1529 = arith.constant 0 : i32
    %dma_start3A_1530 = tpu.memref_slice %arg6[%dma_start3A_1527, %dma_start3A_1528, %dma_start3A_1529] : memref<8x64x128xf32, #tpu.memory_space<vmem>> -> memref<1x64x128xf32, #tpu.memory_space<vmem>>
    %dma_start3A_1531 = tpu.memref_squeeze %dma_start3A_1530 : memref<1x64x128xf32, #tpu.memory_space<vmem>> -> memref<64x128xf32, #tpu.memory_space<vmem>>
    %dma_start3A_1532 = arith.constant 0 : i32
    %dma_start3A_1533 = tpu.memref_slice %arg4[%add3A_1526, %dma_start3A_1532] : memref<65536x128xf32, #tpu.memory_space<hbm>> -> memref<64x128xf32, #tpu.memory_space<hbm>>
    %dma_start3A_1534 = arith.constant 0 : i32
    %dma_start3A_1535 = tpu.memref_slice %arg4[%add3A_1526, %dma_start3A_1534] : memref<65536x128xf32, #tpu.memory_space<hbm>> -> memref<64x128xf32, #tpu.memory_space<hbm>>
    %dma_start3A_1536 = arith.constant 0 : i32
    %dma_start3A_1537 = arith.constant 0 : i32
    %dma_start3A_1538 = tpu.memref_slice %arg6[%dma_start3A_1527, %dma_start3A_1536, %dma_start3A_1537] : memref<8x64x128xf32, #tpu.memory_space<vmem>> -> memref<1x64x128xf32, #tpu.memory_space<vmem>>
    %dma_start3A_1539 = tpu.memref_squeeze %dma_start3A_1538 : memref<1x64x128xf32, #tpu.memory_space<vmem>> -> memref<64x128xf32, #tpu.memory_space<vmem>>
    tpu.enqueue_dma source(%dma_start3A_1539 : memref<64x128xf32, #tpu.memory_space<vmem>>) target(%dma_start3A_1535 : memref<64x128xf32, #tpu.memory_space<hbm>>) target_semaphore(%arg9 : memref<!tpu.dma_semaphore, #tpu.memory_space<semaphore_mem>>)
    %dma_wait3A_1540 = arith.constant 31 : i32
    %dma_wait3A_1541 = arith.constant 7 : i32
    %dma_wait3A_1542 = arith.constant 0 : i32
    %dma_wait3A_1543 = arith.constant 0 : i32
    %dma_wait3A_1544 = tpu.memref_slice %arg6[%dma_wait3A_1541, %dma_wait3A_1542, %dma_wait3A_1543] : memref<8x64x128xf32, #tpu.memory_space<vmem>> -> memref<1x64x128xf32, #tpu.memory_space<vmem>>
    %dma_wait3A_1545 = tpu.memref_squeeze %dma_wait3A_1544 : memref<1x64x128xf32, #tpu.memory_space<vmem>> -> memref<64x128xf32, #tpu.memory_space<vmem>>
    %dma_wait3A_1546 = arith.constant 0 : i32
    %dma_wait3A_1547 = tpu.memref_slice %arg5[%dma_wait3A_1540, %dma_wait3A_1546] : memref<32x64xi32, #tpu.memory_space<vmem>> -> memref<1x64xi32, #tpu.memory_space<vmem>>
    %dma_wait3A_1548 = tpu.memref_squeeze %dma_wait3A_1547 : memref<1x64xi32, #tpu.memory_space<vmem>> -> memref<64xi32, #tpu.memory_space<vmem>>
    %dma_wait3A_1549 = arith.constant 0 : i32
    %dma_wait3A_1550 = arith.constant 0 : i32
    %dma_wait3A_1551 = tpu.memref_slice %arg7[%dma_wait3A_1549, %dma_wait3A_1550] : memref<4224x128xf32, #tpu.memory_space<vmem_shared>> -> memref<4224x128xf32, #tpu.memory_space<vmem_shared>>
    tpu.wait_indirect_dma semaphore(%arg8 : memref<!tpu.dma_semaphore, #tpu.memory_space<semaphore_mem>>) src(%dma_wait3A_1551 : memref<4224x128xf32, #tpu.memory_space<vmem_shared>>) dst(%dma_wait3A_1545 : memref<64x128xf32, #tpu.memory_space<vmem>>)
    %add3A_1552 = arith.constant 1984 : i32
    %add3A_1553 = arith.addi %mul3A_2, %add3A_1552 : i32
    %dma_start3A_1554 = arith.constant 7 : i32
    %dma_start3A_1555 = arith.constant 0 : i32
    %dma_start3A_1556 = arith.constant 0 : i32
    %dma_start3A_1557 = tpu.memref_slice %arg6[%dma_start3A_1554, %dma_start3A_1555, %dma_start3A_1556] : memref<8x64x128xf32, #tpu.memory_space<vmem>> -> memref<1x64x128xf32, #tpu.memory_space<vmem>>
    %dma_start3A_1558 = tpu.memref_squeeze %dma_start3A_1557 : memref<1x64x128xf32, #tpu.memory_space<vmem>> -> memref<64x128xf32, #tpu.memory_space<vmem>>
    %dma_start3A_1559 = arith.constant 0 : i32
    %dma_start3A_1560 = tpu.memref_slice %arg4[%add3A_1553, %dma_start3A_1559] : memref<65536x128xf32, #tpu.memory_space<hbm>> -> memref<64x128xf32, #tpu.memory_space<hbm>>
    %dma_start3A_1561 = arith.constant 0 : i32
    %dma_start3A_1562 = tpu.memref_slice %arg4[%add3A_1553, %dma_start3A_1561] : memref<65536x128xf32, #tpu.memory_space<hbm>> -> memref<64x128xf32, #tpu.memory_space<hbm>>
    %dma_start3A_1563 = arith.constant 0 : i32
    %dma_start3A_1564 = arith.constant 0 : i32
    %dma_start3A_1565 = tpu.memref_slice %arg6[%dma_start3A_1554, %dma_start3A_1563, %dma_start3A_1564] : memref<8x64x128xf32, #tpu.memory_space<vmem>> -> memref<1x64x128xf32, #tpu.memory_space<vmem>>
    %dma_start3A_1566 = tpu.memref_squeeze %dma_start3A_1565 : memref<1x64x128xf32, #tpu.memory_space<vmem>> -> memref<64x128xf32, #tpu.memory_space<vmem>>
    tpu.enqueue_dma source(%dma_start3A_1566 : memref<64x128xf32, #tpu.memory_space<vmem>>) target(%dma_start3A_1562 : memref<64x128xf32, #tpu.memory_space<hbm>>) target_semaphore(%arg9 : memref<!tpu.dma_semaphore, #tpu.memory_space<semaphore_mem>>)
    %dma_wait3A_1567 = arith.constant 0 : i32
    %dma_wait3A_1568 = arith.constant 0 : i32
    %dma_wait3A_1569 = arith.constant 0 : i32
    %dma_wait3A_1570 = tpu.memref_slice %arg6[%dma_wait3A_1567, %dma_wait3A_1568, %dma_wait3A_1569] : memref<8x64x128xf32, #tpu.memory_space<vmem>> -> memref<1x64x128xf32, #tpu.memory_space<vmem>>
    %dma_wait3A_1571 = tpu.memref_squeeze %dma_wait3A_1570 : memref<1x64x128xf32, #tpu.memory_space<vmem>> -> memref<64x128xf32, #tpu.memory_space<vmem>>
    %dma_wait3A_1572 = arith.constant 0 : i32
    %dma_wait3A_1573 = tpu.memref_slice %arg4[%add3A_1264, %dma_wait3A_1572] : memref<65536x128xf32, #tpu.memory_space<hbm>> -> memref<64x128xf32, #tpu.memory_space<hbm>>
    %dma_wait3A_1574 = arith.constant 0 : i32
    %dma_wait3A_1575 = tpu.memref_slice %arg4[%add3A_1264, %dma_wait3A_1574] : memref<65536x128xf32, #tpu.memory_space<hbm>> -> memref<64x128xf32, #tpu.memory_space<hbm>>
    %dma_wait3A_1576 = arith.constant 0 : i32
    %dma_wait3A_1577 = arith.constant 0 : i32
    %dma_wait3A_1578 = tpu.memref_slice %arg6[%dma_wait3A_1567, %dma_wait3A_1576, %dma_wait3A_1577] : memref<8x64x128xf32, #tpu.memory_space<vmem>> -> memref<1x64x128xf32, #tpu.memory_space<vmem>>
    %dma_wait3A_1579 = tpu.memref_squeeze %dma_wait3A_1578 : memref<1x64x128xf32, #tpu.memory_space<vmem>> -> memref<64x128xf32, #tpu.memory_space<vmem>>
    tpu.wait_dma2 semaphore(%arg9 : memref<!tpu.dma_semaphore, #tpu.memory_space<semaphore_mem>>) src(%dma_wait3A_1579 : memref<64x128xf32, #tpu.memory_space<vmem>>) dst(%dma_wait3A_1575 : memref<64x128xf32, #tpu.memory_space<hbm>>)
    %dma_wait3A_1580 = arith.constant 1 : i32
    %dma_wait3A_1581 = arith.constant 0 : i32
    %dma_wait3A_1582 = arith.constant 0 : i32
    %dma_wait3A_1583 = tpu.memref_slice %arg6[%dma_wait3A_1580, %dma_wait3A_1581, %dma_wait3A_1582] : memref<8x64x128xf32, #tpu.memory_space<vmem>> -> memref<1x64x128xf32, #tpu.memory_space<vmem>>
    %dma_wait3A_1584 = tpu.memref_squeeze %dma_wait3A_1583 : memref<1x64x128xf32, #tpu.memory_space<vmem>> -> memref<64x128xf32, #tpu.memory_space<vmem>>
    %dma_wait3A_1585 = arith.constant 0 : i32
    %dma_wait3A_1586 = tpu.memref_slice %arg4[%add3A_1291, %dma_wait3A_1585] : memref<65536x128xf32, #tpu.memory_space<hbm>> -> memref<64x128xf32, #tpu.memory_space<hbm>>
    %dma_wait3A_1587 = arith.constant 0 : i32
    %dma_wait3A_1588 = tpu.memref_slice %arg4[%add3A_1291, %dma_wait3A_1587] : memref<65536x128xf32, #tpu.memory_space<hbm>> -> memref<64x128xf32, #tpu.memory_space<hbm>>
    %dma_wait3A_1589 = arith.constant 0 : i32
    %dma_wait3A_1590 = arith.constant 0 : i32
    %dma_wait3A_1591 = tpu.memref_slice %arg6[%dma_wait3A_1580, %dma_wait3A_1589, %dma_wait3A_1590] : memref<8x64x128xf32, #tpu.memory_space<vmem>> -> memref<1x64x128xf32, #tpu.memory_space<vmem>>
    %dma_wait3A_1592 = tpu.memref_squeeze %dma_wait3A_1591 : memref<1x64x128xf32, #tpu.memory_space<vmem>> -> memref<64x128xf32, #tpu.memory_space<vmem>>
    tpu.wait_dma2 semaphore(%arg9 : memref<!tpu.dma_semaphore, #tpu.memory_space<semaphore_mem>>) src(%dma_wait3A_1592 : memref<64x128xf32, #tpu.memory_space<vmem>>) dst(%dma_wait3A_1588 : memref<64x128xf32, #tpu.memory_space<hbm>>)
    %dma_wait3A_1593 = arith.constant 2 : i32
    %dma_wait3A_1594 = arith.constant 0 : i32
    %dma_wait3A_1595 = arith.constant 0 : i32
    %dma_wait3A_1596 = tpu.memref_slice %arg6[%dma_wait3A_1593, %dma_wait3A_1594, %dma_wait3A_1595] : memref<8x64x128xf32, #tpu.memory_space<vmem>> -> memref<1x64x128xf32, #tpu.memory_space<vmem>>
    %dma_wait3A_1597 = tpu.memref_squeeze %dma_wait3A_1596 : memref<1x64x128xf32, #tpu.memory_space<vmem>> -> memref<64x128xf32, #tpu.memory_space<vmem>>
    %dma_wait3A_1598 = arith.constant 0 : i32
    %dma_wait3A_1599 = tpu.memref_slice %arg4[%add3A_1318, %dma_wait3A_1598] : memref<65536x128xf32, #tpu.memory_space<hbm>> -> memref<64x128xf32, #tpu.memory_space<hbm>>
    %dma_wait3A_1600 = arith.constant 0 : i32
    %dma_wait3A_1601 = tpu.memref_slice %arg4[%add3A_1318, %dma_wait3A_1600] : memref<65536x128xf32, #tpu.memory_space<hbm>> -> memref<64x128xf32, #tpu.memory_space<hbm>>
    %dma_wait3A_1602 = arith.constant 0 : i32
    %dma_wait3A_1603 = arith.constant 0 : i32
    %dma_wait3A_1604 = tpu.memref_slice %arg6[%dma_wait3A_1593, %dma_wait3A_1602, %dma_wait3A_1603] : memref<8x64x128xf32, #tpu.memory_space<vmem>> -> memref<1x64x128xf32, #tpu.memory_space<vmem>>
    %dma_wait3A_1605 = tpu.memref_squeeze %dma_wait3A_1604 : memref<1x64x128xf32, #tpu.memory_space<vmem>> -> memref<64x128xf32, #tpu.memory_space<vmem>>
    tpu.wait_dma2 semaphore(%arg9 : memref<!tpu.dma_semaphore, #tpu.memory_space<semaphore_mem>>) src(%dma_wait3A_1605 : memref<64x128xf32, #tpu.memory_space<vmem>>) dst(%dma_wait3A_1601 : memref<64x128xf32, #tpu.memory_space<hbm>>)
    %dma_wait3A_1606 = arith.constant 3 : i32
    %dma_wait3A_1607 = arith.constant 0 : i32
    %dma_wait3A_1608 = arith.constant 0 : i32
    %dma_wait3A_1609 = tpu.memref_slice %arg6[%dma_wait3A_1606, %dma_wait3A_1607, %dma_wait3A_1608] : memref<8x64x128xf32, #tpu.memory_space<vmem>> -> memref<1x64x128xf32, #tpu.memory_space<vmem>>
    %dma_wait3A_1610 = tpu.memref_squeeze %dma_wait3A_1609 : memref<1x64x128xf32, #tpu.memory_space<vmem>> -> memref<64x128xf32, #tpu.memory_space<vmem>>
    %dma_wait3A_1611 = arith.constant 0 : i32
    %dma_wait3A_1612 = tpu.memref_slice %arg4[%add3A_1345, %dma_wait3A_1611] : memref<65536x128xf32, #tpu.memory_space<hbm>> -> memref<64x128xf32, #tpu.memory_space<hbm>>
    %dma_wait3A_1613 = arith.constant 0 : i32
    %dma_wait3A_1614 = tpu.memref_slice %arg4[%add3A_1345, %dma_wait3A_1613] : memref<65536x128xf32, #tpu.memory_space<hbm>> -> memref<64x128xf32, #tpu.memory_space<hbm>>
    %dma_wait3A_1615 = arith.constant 0 : i32
    %dma_wait3A_1616 = arith.constant 0 : i32
    %dma_wait3A_1617 = tpu.memref_slice %arg6[%dma_wait3A_1606, %dma_wait3A_1615, %dma_wait3A_1616] : memref<8x64x128xf32, #tpu.memory_space<vmem>> -> memref<1x64x128xf32, #tpu.memory_space<vmem>>
    %dma_wait3A_1618 = tpu.memref_squeeze %dma_wait3A_1617 : memref<1x64x128xf32, #tpu.memory_space<vmem>> -> memref<64x128xf32, #tpu.memory_space<vmem>>
    tpu.wait_dma2 semaphore(%arg9 : memref<!tpu.dma_semaphore, #tpu.memory_space<semaphore_mem>>) src(%dma_wait3A_1618 : memref<64x128xf32, #tpu.memory_space<vmem>>) dst(%dma_wait3A_1614 : memref<64x128xf32, #tpu.memory_space<hbm>>)
    %dma_wait3A_1619 = arith.constant 4 : i32
    %dma_wait3A_1620 = arith.constant 0 : i32
    %dma_wait3A_1621 = arith.constant 0 : i32
    %dma_wait3A_1622 = tpu.memref_slice %arg6[%dma_wait3A_1619, %dma_wait3A_1620, %dma_wait3A_1621] : memref<8x64x128xf32, #tpu.memory_space<vmem>> -> memref<1x64x128xf32, #tpu.memory_space<vmem>>
    %dma_wait3A_1623 = tpu.memref_squeeze %dma_wait3A_1622 : memref<1x64x128xf32, #tpu.memory_space<vmem>> -> memref<64x128xf32, #tpu.memory_space<vmem>>
    %dma_wait3A_1624 = arith.constant 0 : i32
    %dma_wait3A_1625 = tpu.memref_slice %arg4[%add3A_1472, %dma_wait3A_1624] : memref<65536x128xf32, #tpu.memory_space<hbm>> -> memref<64x128xf32, #tpu.memory_space<hbm>>
    %dma_wait3A_1626 = arith.constant 0 : i32
    %dma_wait3A_1627 = tpu.memref_slice %arg4[%add3A_1472, %dma_wait3A_1626] : memref<65536x128xf32, #tpu.memory_space<hbm>> -> memref<64x128xf32, #tpu.memory_space<hbm>>
    %dma_wait3A_1628 = arith.constant 0 : i32
    %dma_wait3A_1629 = arith.constant 0 : i32
    %dma_wait3A_1630 = tpu.memref_slice %arg6[%dma_wait3A_1619, %dma_wait3A_1628, %dma_wait3A_1629] : memref<8x64x128xf32, #tpu.memory_space<vmem>> -> memref<1x64x128xf32, #tpu.memory_space<vmem>>
    %dma_wait3A_1631 = tpu.memref_squeeze %dma_wait3A_1630 : memref<1x64x128xf32, #tpu.memory_space<vmem>> -> memref<64x128xf32, #tpu.memory_space<vmem>>
    tpu.wait_dma2 semaphore(%arg9 : memref<!tpu.dma_semaphore, #tpu.memory_space<semaphore_mem>>) src(%dma_wait3A_1631 : memref<64x128xf32, #tpu.memory_space<vmem>>) dst(%dma_wait3A_1627 : memref<64x128xf32, #tpu.memory_space<hbm>>)
    %dma_wait3A_1632 = arith.constant 5 : i32
    %dma_wait3A_1633 = arith.constant 0 : i32
    %dma_wait3A_1634 = arith.constant 0 : i32
    %dma_wait3A_1635 = tpu.memref_slice %arg6[%dma_wait3A_1632, %dma_wait3A_1633, %dma_wait3A_1634] : memref<8x64x128xf32, #tpu.memory_space<vmem>> -> memref<1x64x128xf32, #tpu.memory_space<vmem>>
    %dma_wait3A_1636 = tpu.memref_squeeze %dma_wait3A_1635 : memref<1x64x128xf32, #tpu.memory_space<vmem>> -> memref<64x128xf32, #tpu.memory_space<vmem>>
    %dma_wait3A_1637 = arith.constant 0 : i32
    %dma_wait3A_1638 = tpu.memref_slice %arg4[%add3A_1499, %dma_wait3A_1637] : memref<65536x128xf32, #tpu.memory_space<hbm>> -> memref<64x128xf32, #tpu.memory_space<hbm>>
    %dma_wait3A_1639 = arith.constant 0 : i32
    %dma_wait3A_1640 = tpu.memref_slice %arg4[%add3A_1499, %dma_wait3A_1639] : memref<65536x128xf32, #tpu.memory_space<hbm>> -> memref<64x128xf32, #tpu.memory_space<hbm>>
    %dma_wait3A_1641 = arith.constant 0 : i32
    %dma_wait3A_1642 = arith.constant 0 : i32
    %dma_wait3A_1643 = tpu.memref_slice %arg6[%dma_wait3A_1632, %dma_wait3A_1641, %dma_wait3A_1642] : memref<8x64x128xf32, #tpu.memory_space<vmem>> -> memref<1x64x128xf32, #tpu.memory_space<vmem>>
    %dma_wait3A_1644 = tpu.memref_squeeze %dma_wait3A_1643 : memref<1x64x128xf32, #tpu.memory_space<vmem>> -> memref<64x128xf32, #tpu.memory_space<vmem>>
    tpu.wait_dma2 semaphore(%arg9 : memref<!tpu.dma_semaphore, #tpu.memory_space<semaphore_mem>>) src(%dma_wait3A_1644 : memref<64x128xf32, #tpu.memory_space<vmem>>) dst(%dma_wait3A_1640 : memref<64x128xf32, #tpu.memory_space<hbm>>)
    %dma_wait3A_1645 = arith.constant 6 : i32
    %dma_wait3A_1646 = arith.constant 0 : i32
    %dma_wait3A_1647 = arith.constant 0 : i32
    %dma_wait3A_1648 = tpu.memref_slice %arg6[%dma_wait3A_1645, %dma_wait3A_1646, %dma_wait3A_1647] : memref<8x64x128xf32, #tpu.memory_space<vmem>> -> memref<1x64x128xf32, #tpu.memory_space<vmem>>
    %dma_wait3A_1649 = tpu.memref_squeeze %dma_wait3A_1648 : memref<1x64x128xf32, #tpu.memory_space<vmem>> -> memref<64x128xf32, #tpu.memory_space<vmem>>
    %dma_wait3A_1650 = arith.constant 0 : i32
    %dma_wait3A_1651 = tpu.memref_slice %arg4[%add3A_1526, %dma_wait3A_1650] : memref<65536x128xf32, #tpu.memory_space<hbm>> -> memref<64x128xf32, #tpu.memory_space<hbm>>
    %dma_wait3A_1652 = arith.constant 0 : i32
    %dma_wait3A_1653 = tpu.memref_slice %arg4[%add3A_1526, %dma_wait3A_1652] : memref<65536x128xf32, #tpu.memory_space<hbm>> -> memref<64x128xf32, #tpu.memory_space<hbm>>
    %dma_wait3A_1654 = arith.constant 0 : i32
    %dma_wait3A_1655 = arith.constant 0 : i32
    %dma_wait3A_1656 = tpu.memref_slice %arg6[%dma_wait3A_1645, %dma_wait3A_1654, %dma_wait3A_1655] : memref<8x64x128xf32, #tpu.memory_space<vmem>> -> memref<1x64x128xf32, #tpu.memory_space<vmem>>
    %dma_wait3A_1657 = tpu.memref_squeeze %dma_wait3A_1656 : memref<1x64x128xf32, #tpu.memory_space<vmem>> -> memref<64x128xf32, #tpu.memory_space<vmem>>
    tpu.wait_dma2 semaphore(%arg9 : memref<!tpu.dma_semaphore, #tpu.memory_space<semaphore_mem>>) src(%dma_wait3A_1657 : memref<64x128xf32, #tpu.memory_space<vmem>>) dst(%dma_wait3A_1653 : memref<64x128xf32, #tpu.memory_space<hbm>>)
    %dma_wait3A_1658 = arith.constant 7 : i32
    %dma_wait3A_1659 = arith.constant 0 : i32
    %dma_wait3A_1660 = arith.constant 0 : i32
    %dma_wait3A_1661 = tpu.memref_slice %arg6[%dma_wait3A_1658, %dma_wait3A_1659, %dma_wait3A_1660] : memref<8x64x128xf32, #tpu.memory_space<vmem>> -> memref<1x64x128xf32, #tpu.memory_space<vmem>>
    %dma_wait3A_1662 = tpu.memref_squeeze %dma_wait3A_1661 : memref<1x64x128xf32, #tpu.memory_space<vmem>> -> memref<64x128xf32, #tpu.memory_space<vmem>>
    %dma_wait3A_1663 = arith.constant 0 : i32
    %dma_wait3A_1664 = tpu.memref_slice %arg4[%add3A_1553, %dma_wait3A_1663] : memref<65536x128xf32, #tpu.memory_space<hbm>> -> memref<64x128xf32, #tpu.memory_space<hbm>>
    %dma_wait3A_1665 = arith.constant 0 : i32
    %dma_wait3A_1666 = tpu.memref_slice %arg4[%add3A_1553, %dma_wait3A_1665] : memref<65536x128xf32, #tpu.memory_space<hbm>> -> memref<64x128xf32, #tpu.memory_space<hbm>>
    %dma_wait3A_1667 = arith.constant 0 : i32
    %dma_wait3A_1668 = arith.constant 0 : i32
    %dma_wait3A_1669 = tpu.memref_slice %arg6[%dma_wait3A_1658, %dma_wait3A_1667, %dma_wait3A_1668] : memref<8x64x128xf32, #tpu.memory_space<vmem>> -> memref<1x64x128xf32, #tpu.memory_space<vmem>>
    %dma_wait3A_1670 = tpu.memref_squeeze %dma_wait3A_1669 : memref<1x64x128xf32, #tpu.memory_space<vmem>> -> memref<64x128xf32, #tpu.memory_space<vmem>>
    tpu.wait_dma2 semaphore(%arg9 : memref<!tpu.dma_semaphore, #tpu.memory_space<semaphore_mem>>) src(%dma_wait3A_1670 : memref<64x128xf32, #tpu.memory_space<vmem>>) dst(%dma_wait3A_1666 : memref<64x128xf32, #tpu.memory_space<hbm>>)
    return
  }
}

module attributes {stable_mosaic.version = 14 : i64} {
  func.func @_topk_kernel(%arg0: i32, %arg1: memref<256x8xf32, #tpu.memory_space<vmem>>, %arg2: memref<8x4096xf32, #tpu.memory_space<vmem>>, %arg3: memref<4096x64xf32, #tpu.memory_space<vmem>>, %arg4: memref<4096x8xf32, #tpu.memory_space<vmem>>, %arg5: memref<64x128xf32, #tpu.memory_space<vmem>>, %arg6: memref<1x128xf32, #tpu.memory_space<vmem>>, %arg7: memref<8x64xf32, #tpu.memory_space<vmem>>, %arg8: memref<1x64xf32, #tpu.memory_space<vmem>>, %arg9: memref<64x128xf32, #tpu.memory_space<vmem>>, %arg10: memref<1x128xf32, #tpu.memory_space<vmem>>, %arg11: memref<16x256xi32, #tpu.memory_space<vmem>>, %arg12: memref<4224x128xf32, #tpu.memory_space<vmem>>) attributes {dimension_semantics = [#tpu.dimension_semantics<arbitrary>], iteration_bounds = array<i64: 16>, scalar_prefetch = 0 : i64, scratch_operands = 0 : i64, tpu.core_type = #tpu.core_type<tc>, window_params = [{transform_indices = @transform_0, window_bounds = array<i64: 256, 8>}, {pipeline_mode = #tpu.pipeline_mode<synchronous>, transform_indices = @transform_1, window_bounds = array<i64: 8, 4096>}, {pipeline_mode = #tpu.pipeline_mode<synchronous>, transform_indices = @transform_2, window_bounds = array<i64: 4096, 64>}, {pipeline_mode = #tpu.pipeline_mode<synchronous>, transform_indices = @transform_3, window_bounds = array<i64: 4096, 8>}, {pipeline_mode = #tpu.pipeline_mode<synchronous>, transform_indices = @transform_4, window_bounds = array<i64: 64, 128>}, {pipeline_mode = #tpu.pipeline_mode<synchronous>, transform_indices = @transform_5, window_bounds = array<i64: 1, 128>}, {pipeline_mode = #tpu.pipeline_mode<synchronous>, transform_indices = @transform_6, window_bounds = array<i64: 8, 64>}, {pipeline_mode = #tpu.pipeline_mode<synchronous>, transform_indices = @transform_7, window_bounds = array<i64: 1, 64>}, {pipeline_mode = #tpu.pipeline_mode<synchronous>, transform_indices = @transform_8, window_bounds = array<i64: 64, 128>}, {pipeline_mode = #tpu.pipeline_mode<synchronous>, transform_indices = @transform_9, window_bounds = array<i64: 1, 128>}, {transform_indices = @transform_10, window_bounds = array<i64: 16, 256>}, {pipeline_mode = #tpu.pipeline_mode<synchronous>, transform_indices = @transform_11, window_bounds = array<i64: 4224, 128>}]} {
    %eq3A = arith.constant 0 : i32
    %eq3A_0 = arith.cmpi eq, %arg0, %eq3A : i32
    %convert_element_type3A = arith.extui %eq3A_0 : i1 to i32
    %cond3A = arith.constant 0 : i32
    %cond3A_1 = arith.cmpi ne, %convert_element_type3A, %cond3A : i32
    scf.if %cond3A_1 {
      %get3A_333 = arith.constant 0 : index
      %get3A_334 = arith.constant 0 : index
      %get3A_335 = vector.load %arg3[%get3A_333, %get3A_334] : memref<4096x64xf32, #tpu.memory_space<vmem>>, vector<4096x64xf32>
      %get3A_336 = arith.constant 0 : index
      %get3A_337 = arith.constant 0 : index
      %get3A_338 = vector.load %arg5[%get3A_336, %get3A_337] : memref<64x128xf32, #tpu.memory_space<vmem>>, vector<64x128xf32>
      %dot_general3A = arith.constant dense<0.000000e+00> : vector<4096x128xf32>
      %dot_general3A_339 = tpu.matmul %get3A_335, %get3A_338, %dot_general3A {dimension_numbers = #tpu.dot_dimension_numbers<[1], [0], [0], [1], [0, 0, 1, 1], [], []>, transpose_lhs_hint = false} : vector<4096x64xf32>, vector<64x128xf32>, vector<4096x128xf32> -> vector<4096x128xf32>
      %get3A_340 = arith.constant 0 : index
      %get3A_341 = arith.constant 0 : index
      %get3A_342 = vector.load %arg6[%get3A_340, %get3A_341] : memref<1x128xf32, #tpu.memory_space<vmem>>, vector<1x128xf32>
      %add3A_343 = vector.broadcast %get3A_342 : vector<1x128xf32> to vector<4096x128xf32>
      %add3A_344 = arith.addf %dot_general3A_339, %add3A_343 : vector<4096x128xf32>
      %get3A_345 = arith.constant 0 : index
      %get3A_346 = arith.constant 0 : index
      %get3A_347 = vector.load %arg4[%get3A_345, %get3A_346] : memref<4096x8xf32, #tpu.memory_space<vmem>>, vector<4096x8xf32>
      %mul3A_348 = arith.constant 0.00787401571 : f32
      %mul3A_349 = vector.broadcast %mul3A_348 : f32 to vector<4096x8xf32>
      %mul3A_350 = arith.mulf %get3A_347, %mul3A_349 : vector<4096x8xf32>
      %get3A_351 = arith.constant 0 : index
      %get3A_352 = arith.constant 0 : index
      %get3A_353 = vector.load %arg7[%get3A_351, %get3A_352] : memref<8x64xf32, #tpu.memory_space<vmem>>, vector<8x64xf32>
      %dot_general3A_354 = arith.constant dense<0.000000e+00> : vector<4096x64xf32>
      %dot_general3A_355 = tpu.matmul %mul3A_350, %get3A_353, %dot_general3A_354 {dimension_numbers = #tpu.dot_dimension_numbers<[1], [0], [0], [1], [0, 0, 1, 1], [], []>, transpose_lhs_hint = false} : vector<4096x8xf32>, vector<8x64xf32>, vector<4096x64xf32> -> vector<4096x64xf32>
      %get3A_356 = arith.constant 0 : index
      %get3A_357 = arith.constant 0 : index
      %get3A_358 = vector.load %arg8[%get3A_356, %get3A_357] : memref<1x64xf32, #tpu.memory_space<vmem>>, vector<1x64xf32>
      %add3A_359 = vector.broadcast %get3A_358 : vector<1x64xf32> to vector<4096x64xf32>
      %add3A_360 = arith.addf %dot_general3A_355, %add3A_359 : vector<4096x64xf32>
      %max3A_361 = arith.constant 0.000000e+00 : f32
      %max3A_362 = vector.broadcast %max3A_361 : f32 to vector<4096x64xf32>
      %max3A_363 = arith.maximumf %add3A_360, %max3A_362 : vector<4096x64xf32>
      %get3A_364 = arith.constant 0 : index
      %get3A_365 = arith.constant 0 : index
      %get3A_366 = vector.load %arg9[%get3A_364, %get3A_365] : memref<64x128xf32, #tpu.memory_space<vmem>>, vector<64x128xf32>
      %dot_general3A_367 = arith.constant dense<0.000000e+00> : vector<4096x128xf32>
      %dot_general3A_368 = tpu.matmul %max3A_363, %get3A_366, %dot_general3A_367 {dimension_numbers = #tpu.dot_dimension_numbers<[1], [0], [0], [1], [0, 0, 1, 1], [], []>, transpose_lhs_hint = false} : vector<4096x64xf32>, vector<64x128xf32>, vector<4096x128xf32> -> vector<4096x128xf32>
      %get3A_369 = arith.constant 0 : index
      %get3A_370 = arith.constant 0 : index
      %get3A_371 = vector.load %arg10[%get3A_369, %get3A_370] : memref<1x128xf32, #tpu.memory_space<vmem>>, vector<1x128xf32>
      %add3A_372 = vector.broadcast %get3A_371 : vector<1x128xf32> to vector<4096x128xf32>
      %add3A_373 = arith.addf %dot_general3A_368, %add3A_372 : vector<4096x128xf32>
      %add3A_374 = arith.addf %add3A_344, %add3A_373 : vector<4096x128xf32>
      %swap3A_375 = arith.constant 0 : index
      %swap3A_376 = arith.constant 0 : index
      %swap3A_377 = vector.load %arg12[%swap3A_375, %swap3A_376] : memref<4224x128xf32, #tpu.memory_space<vmem>>, vector<4096x128xf32>
      tpu.vector_store %arg12[%swap3A_375, %swap3A_376], %add3A_374 {strides = array<i32>} : memref<4224x128xf32, #tpu.memory_space<vmem>>, vector<4096x128xf32>,
      %broadcast_in_dim3A_378 = arith.constant 0.000000e+00 : f32
      %broadcast_in_dim3A_379 = vector.broadcast %broadcast_in_dim3A_378 : f32 to vector<128x128xf32>
      %swap3A_380 = arith.constant 4096 : index
      %swap3A_381 = arith.constant 0 : index
      %swap3A_382 = vector.load %arg12[%swap3A_380, %swap3A_381] : memref<4224x128xf32, #tpu.memory_space<vmem>>, vector<128x128xf32>
      tpu.vector_store %arg12[%swap3A_380, %swap3A_381], %broadcast_in_dim3A_379 {strides = array<i32>} : memref<4224x128xf32, #tpu.memory_space<vmem>>, vector<128x128xf32>,
    } else {
    }
    %get3A = arith.constant 0 : index
    %get3A_2 = arith.constant 0 : index
    %get3A_3 = vector.load %arg1[%get3A, %get3A_2] : memref<256x8xf32, #tpu.memory_space<vmem>>, vector<256x1xf32>
    %get3A_4 = arith.constant 0 : index
    %get3A_5 = arith.constant 1 : index
    %get3A_6 = vector.load %arg1[%get3A_4, %get3A_5] : memref<256x8xf32, #tpu.memory_space<vmem>>, vector<256x1xf32>
    %get3A_7 = arith.constant 0 : index
    %get3A_8 = arith.constant 2 : index
    %get3A_9 = vector.load %arg1[%get3A_7, %get3A_8] : memref<256x8xf32, #tpu.memory_space<vmem>>, vector<256x1xf32>
    %get3A_10 = arith.constant 0 : index
    %get3A_11 = arith.constant 0 : index
    %get3A_12 = vector.load %arg2[%get3A_10, %get3A_11] : memref<8x4096xf32, #tpu.memory_space<vmem>>, vector<1x4096xf32>
    %get3A_13 = arith.constant 1 : index
    %get3A_14 = arith.constant 0 : index
    %get3A_15 = vector.load %arg2[%get3A_13, %get3A_14] : memref<8x4096xf32, #tpu.memory_space<vmem>>, vector<1x4096xf32>
    %get3A_16 = arith.constant 2 : index
    %get3A_17 = arith.constant 0 : index
    %get3A_18 = vector.load %arg2[%get3A_16, %get3A_17] : memref<8x4096xf32, #tpu.memory_space<vmem>>, vector<1x4096xf32>
    %sub3A = vector.broadcast %get3A_3 : vector<256x1xf32> to vector<256x4096xf32>
    %sub3A_19 = vector.broadcast %get3A_12 : vector<1x4096xf32> to vector<256x4096xf32>
    %sub3A_20 = arith.subf %sub3A, %sub3A_19 : vector<256x4096xf32>
    %abs3A = math.absf %sub3A_20 : vector<256x4096xf32>
    %sub3A_21 = vector.broadcast %get3A_6 : vector<256x1xf32> to vector<256x4096xf32>
    %sub3A_22 = vector.broadcast %get3A_15 : vector<1x4096xf32> to vector<256x4096xf32>
    %sub3A_23 = arith.subf %sub3A_21, %sub3A_22 : vector<256x4096xf32>
    %abs3A_24 = math.absf %sub3A_23 : vector<256x4096xf32>
    %add3A = arith.addf %abs3A, %abs3A_24 : vector<256x4096xf32>
    %sub3A_25 = vector.broadcast %get3A_9 : vector<256x1xf32> to vector<256x4096xf32>
    %sub3A_26 = vector.broadcast %get3A_18 : vector<1x4096xf32> to vector<256x4096xf32>
    %sub3A_27 = arith.subf %sub3A_25, %sub3A_26 : vector<256x4096xf32>
    %abs3A_28 = math.absf %sub3A_27 : vector<256x4096xf32>
    %add3A_29 = arith.addf %add3A, %abs3A_28 : vector<256x4096xf32>
    %iota3A = tpu.iota {dimensions = array<i32: 1>} : vector<256x4096xi32>
    %convert_element_type3A_30 = arith.sitofp %iota3A : vector<256x4096xi32> to vector<256x4096xf32>
    %le3A = arith.constant 2.000000e+01 : f32
    %le3A_31 = vector.broadcast %le3A : f32 to vector<256x4096xf32>
    %le3A_32 = arith.cmpf ole, %add3A_29, %le3A_31 : vector<256x4096xf32>
    %mul3A = arith.constant 4.096000e+03 : f32
    %mul3A_33 = vector.broadcast %mul3A : f32 to vector<256x4096xf32>
    %mul3A_34 = arith.mulf %add3A_29, %mul3A_33 : vector<256x4096xf32>
    %add3A_35 = arith.addf %mul3A_34, %convert_element_type3A_30 : vector<256x4096xf32>
    %jit3A = arith.constant 1.000000e+09 : f32
    %broadcast_in_dim3A = vector.broadcast %jit3A : f32 to vector<256x4096xf32>
    %select_n3A = arith.select %le3A_32, %add3A_35, %broadcast_in_dim3A : vector<256x4096xi1>, vector<256x4096xf32>
    %slice3A = vector.extract_strided_slice %select_n3A {offsets = [0, 0], sizes = [256, 2048], strides = [1, 1]} : vector<256x4096xf32> to vector<256x2048xf32>
    %slice3A_36 = vector.extract_strided_slice %select_n3A {offsets = [0, 2048], sizes = [256, 2048], strides = [1, 1]} : vector<256x4096xf32> to vector<256x2048xf32>
    %min3A = arith.minimumf %slice3A, %slice3A_36 : vector<256x2048xf32>
    %slice3A_37 = vector.extract_strided_slice %select_n3A {offsets = [0, 0], sizes = [256, 2048], strides = [1, 1]} : vector<256x4096xf32> to vector<256x2048xf32>
    %slice3A_38 = vector.extract_strided_slice %select_n3A {offsets = [0, 2048], sizes = [256, 2048], strides = [1, 1]} : vector<256x4096xf32> to vector<256x2048xf32>
    %max3A = arith.maximumf %slice3A_37, %slice3A_38 : vector<256x2048xf32>
    %reduce_min3A = arith.constant dense<0x7F800000> : vector<256xf32>
    %reduce_min3A_39 = vector.multi_reduction <minimumf>, %min3A, %reduce_min3A [1] : vector<256x2048xf32> to vector<256xf32>
    %broadcast_in_dim3A_40 = vector.shape_cast %reduce_min3A_39 : vector<256xf32> to vector<256x1xf32>
    %eq3A_41 = vector.broadcast %broadcast_in_dim3A_40 : vector<256x1xf32> to vector<256x2048xf32>
    %eq3A_42 = arith.cmpf oeq, %min3A, %eq3A_41 : vector<256x2048xf32>
    %select_n3A_43 = arith.select %eq3A_42, %max3A, %min3A : vector<256x2048xi1>, vector<256x2048xf32>
    %jit3A_44 = arith.constant 1.000000e+09 : f32
    %broadcast_in_dim3A_45 = vector.broadcast %jit3A_44 : f32 to vector<256x2048xf32>
    %select_n3A_46 = arith.select %eq3A_42, %broadcast_in_dim3A_45, %max3A : vector<256x2048xi1>, vector<256x2048xf32>
    %convert_element_type3A_47 = arith.fptosi %broadcast_in_dim3A_40 : vector<256x1xf32> to vector<256x1xi32>
    %lt3A = arith.constant 1.000000e+09 : f32
    %lt3A_48 = vector.broadcast %lt3A : f32 to vector<256x1xf32>
    %lt3A_49 = arith.cmpf olt, %broadcast_in_dim3A_40, %lt3A_48 : vector<256x1xf32>
    %and3A = arith.constant 4095 : i32
    %and3A_50 = vector.broadcast %and3A : i32 to vector<256x1xi32>
    %and3A_51 = arith.andi %convert_element_type3A_47, %and3A_50 : vector<256x1xi32>
    %jit3A_52 = arith.constant 4096 : i32
    %broadcast_in_dim3A_53 = vector.broadcast %jit3A_52 : i32 to vector<256x1xi32>
    %select_n3A_54 = arith.select %lt3A_49, %and3A_51, %broadcast_in_dim3A_53 : vector<256x1xi1>, vector<256x1xi32>
    %reduce_min3A_55 = arith.constant dense<0x7F800000> : vector<256xf32>
    %reduce_min3A_56 = vector.multi_reduction <minimumf>, %select_n3A_43, %reduce_min3A_55 [1] : vector<256x2048xf32> to vector<256xf32>
    %broadcast_in_dim3A_57 = vector.shape_cast %reduce_min3A_56 : vector<256xf32> to vector<256x1xf32>
    %eq3A_58 = vector.broadcast %broadcast_in_dim3A_57 : vector<256x1xf32> to vector<256x2048xf32>
    %eq3A_59 = arith.cmpf oeq, %select_n3A_43, %eq3A_58 : vector<256x2048xf32>
    %select_n3A_60 = arith.select %eq3A_59, %select_n3A_46, %select_n3A_43 : vector<256x2048xi1>, vector<256x2048xf32>
    %jit3A_61 = arith.constant 1.000000e+09 : f32
    %broadcast_in_dim3A_62 = vector.broadcast %jit3A_61 : f32 to vector<256x2048xf32>
    %select_n3A_63 = arith.select %eq3A_59, %broadcast_in_dim3A_62, %select_n3A_46 : vector<256x2048xi1>, vector<256x2048xf32>
    %convert_element_type3A_64 = arith.fptosi %broadcast_in_dim3A_57 : vector<256x1xf32> to vector<256x1xi32>
    %lt3A_65 = arith.constant 1.000000e+09 : f32
    %lt3A_66 = vector.broadcast %lt3A_65 : f32 to vector<256x1xf32>
    %lt3A_67 = arith.cmpf olt, %broadcast_in_dim3A_57, %lt3A_66 : vector<256x1xf32>
    %and3A_68 = arith.constant 4095 : i32
    %and3A_69 = vector.broadcast %and3A_68 : i32 to vector<256x1xi32>
    %and3A_70 = arith.andi %convert_element_type3A_64, %and3A_69 : vector<256x1xi32>
    %jit3A_71 = arith.constant 4096 : i32
    %broadcast_in_dim3A_72 = vector.broadcast %jit3A_71 : i32 to vector<256x1xi32>
    %select_n3A_73 = arith.select %lt3A_67, %and3A_70, %broadcast_in_dim3A_72 : vector<256x1xi1>, vector<256x1xi32>
    %reduce_min3A_74 = arith.constant dense<0x7F800000> : vector<256xf32>
    %reduce_min3A_75 = vector.multi_reduction <minimumf>, %select_n3A_60, %reduce_min3A_74 [1] : vector<256x2048xf32> to vector<256xf32>
    %broadcast_in_dim3A_76 = vector.shape_cast %reduce_min3A_75 : vector<256xf32> to vector<256x1xf32>
    %eq3A_77 = vector.broadcast %broadcast_in_dim3A_76 : vector<256x1xf32> to vector<256x2048xf32>
    %eq3A_78 = arith.cmpf oeq, %select_n3A_60, %eq3A_77 : vector<256x2048xf32>
    %select_n3A_79 = arith.select %eq3A_78, %select_n3A_63, %select_n3A_60 : vector<256x2048xi1>, vector<256x2048xf32>
    %jit3A_80 = arith.constant 1.000000e+09 : f32
    %broadcast_in_dim3A_81 = vector.broadcast %jit3A_80 : f32 to vector<256x2048xf32>
    %select_n3A_82 = arith.select %eq3A_78, %broadcast_in_dim3A_81, %select_n3A_63 : vector<256x2048xi1>, vector<256x2048xf32>
    %convert_element_type3A_83 = arith.fptosi %broadcast_in_dim3A_76 : vector<256x1xf32> to vector<256x1xi32>
    %lt3A_84 = arith.constant 1.000000e+09 : f32
    %lt3A_85 = vector.broadcast %lt3A_84 : f32 to vector<256x1xf32>
    %lt3A_86 = arith.cmpf olt, %broadcast_in_dim3A_76, %lt3A_85 : vector<256x1xf32>
    %and3A_87 = arith.constant 4095 : i32
    %and3A_88 = vector.broadcast %and3A_87 : i32 to vector<256x1xi32>
    %and3A_89 = arith.andi %convert_element_type3A_83, %and3A_88 : vector<256x1xi32>
    %jit3A_90 = arith.constant 4096 : i32
    %broadcast_in_dim3A_91 = vector.broadcast %jit3A_90 : i32 to vector<256x1xi32>
    %select_n3A_92 = arith.select %lt3A_86, %and3A_89, %broadcast_in_dim3A_91 : vector<256x1xi1>, vector<256x1xi32>
    %reduce_min3A_93 = arith.constant dense<0x7F800000> : vector<256xf32>
    %reduce_min3A_94 = vector.multi_reduction <minimumf>, %select_n3A_79, %reduce_min3A_93 [1] : vector<256x2048xf32> to vector<256xf32>
    %broadcast_in_dim3A_95 = vector.shape_cast %reduce_min3A_94 : vector<256xf32> to vector<256x1xf32>
    %eq3A_96 = vector.broadcast %broadcast_in_dim3A_95 : vector<256x1xf32> to vector<256x2048xf32>
    %eq3A_97 = arith.cmpf oeq, %select_n3A_79, %eq3A_96 : vector<256x2048xf32>
    %select_n3A_98 = arith.select %eq3A_97, %select_n3A_82, %select_n3A_79 : vector<256x2048xi1>, vector<256x2048xf32>
    %jit3A_99 = arith.constant 1.000000e+09 : f32
    %broadcast_in_dim3A_100 = vector.broadcast %jit3A_99 : f32 to vector<256x2048xf32>
    %select_n3A_101 = arith.select %eq3A_97, %broadcast_in_dim3A_100, %select_n3A_82 : vector<256x2048xi1>, vector<256x2048xf32>
    %convert_element_type3A_102 = arith.fptosi %broadcast_in_dim3A_95 : vector<256x1xf32> to vector<256x1xi32>
    %lt3A_103 = arith.constant 1.000000e+09 : f32
    %lt3A_104 = vector.broadcast %lt3A_103 : f32 to vector<256x1xf32>
    %lt3A_105 = arith.cmpf olt, %broadcast_in_dim3A_95, %lt3A_104 : vector<256x1xf32>
    %and3A_106 = arith.constant 4095 : i32
    %and3A_107 = vector.broadcast %and3A_106 : i32 to vector<256x1xi32>
    %and3A_108 = arith.andi %convert_element_type3A_102, %and3A_107 : vector<256x1xi32>
    %jit3A_109 = arith.constant 4096 : i32
    %broadcast_in_dim3A_110 = vector.broadcast %jit3A_109 : i32 to vector<256x1xi32>
    %select_n3A_111 = arith.select %lt3A_105, %and3A_108, %broadcast_in_dim3A_110 : vector<256x1xi1>, vector<256x1xi32>
    %reduce_min3A_112 = arith.constant dense<0x7F800000> : vector<256xf32>
    %reduce_min3A_113 = vector.multi_reduction <minimumf>, %select_n3A_98, %reduce_min3A_112 [1] : vector<256x2048xf32> to vector<256xf32>
    %broadcast_in_dim3A_114 = vector.shape_cast %reduce_min3A_113 : vector<256xf32> to vector<256x1xf32>
    %eq3A_115 = vector.broadcast %broadcast_in_dim3A_114 : vector<256x1xf32> to vector<256x2048xf32>
    %eq3A_116 = arith.cmpf oeq, %select_n3A_98, %eq3A_115 : vector<256x2048xf32>
    %select_n3A_117 = arith.select %eq3A_116, %select_n3A_101, %select_n3A_98 : vector<256x2048xi1>, vector<256x2048xf32>
    %jit3A_118 = arith.constant 1.000000e+09 : f32
    %broadcast_in_dim3A_119 = vector.broadcast %jit3A_118 : f32 to vector<256x2048xf32>
    %select_n3A_120 = arith.select %eq3A_116, %broadcast_in_dim3A_119, %select_n3A_101 : vector<256x2048xi1>, vector<256x2048xf32>
    %convert_element_type3A_121 = arith.fptosi %broadcast_in_dim3A_114 : vector<256x1xf32> to vector<256x1xi32>
    %lt3A_122 = arith.constant 1.000000e+09 : f32
    %lt3A_123 = vector.broadcast %lt3A_122 : f32 to vector<256x1xf32>
    %lt3A_124 = arith.cmpf olt, %broadcast_in_dim3A_114, %lt3A_123 : vector<256x1xf32>
    %and3A_125 = arith.constant 4095 : i32
    %and3A_126 = vector.broadcast %and3A_125 : i32 to vector<256x1xi32>
    %and3A_127 = arith.andi %convert_element_type3A_121, %and3A_126 : vector<256x1xi32>
    %jit3A_128 = arith.constant 4096 : i32
    %broadcast_in_dim3A_129 = vector.broadcast %jit3A_128 : i32 to vector<256x1xi32>
    %select_n3A_130 = arith.select %lt3A_124, %and3A_127, %broadcast_in_dim3A_129 : vector<256x1xi1>, vector<256x1xi32>
    %reduce_min3A_131 = arith.constant dense<0x7F800000> : vector<256xf32>
    %reduce_min3A_132 = vector.multi_reduction <minimumf>, %select_n3A_117, %reduce_min3A_131 [1] : vector<256x2048xf32> to vector<256xf32>
    %broadcast_in_dim3A_133 = vector.shape_cast %reduce_min3A_132 : vector<256xf32> to vector<256x1xf32>
    %eq3A_134 = vector.broadcast %broadcast_in_dim3A_133 : vector<256x1xf32> to vector<256x2048xf32>
    %eq3A_135 = arith.cmpf oeq, %select_n3A_117, %eq3A_134 : vector<256x2048xf32>
    %select_n3A_136 = arith.select %eq3A_135, %select_n3A_120, %select_n3A_117 : vector<256x2048xi1>, vector<256x2048xf32>
    %jit3A_137 = arith.constant 1.000000e+09 : f32
    %broadcast_in_dim3A_138 = vector.broadcast %jit3A_137 : f32 to vector<256x2048xf32>
    %select_n3A_139 = arith.select %eq3A_135, %broadcast_in_dim3A_138, %select_n3A_120 : vector<256x2048xi1>, vector<256x2048xf32>
    %convert_element_type3A_140 = arith.fptosi %broadcast_in_dim3A_133 : vector<256x1xf32> to vector<256x1xi32>
    %lt3A_141 = arith.constant 1.000000e+09 : f32
    %lt3A_142 = vector.broadcast %lt3A_141 : f32 to vector<256x1xf32>
    %lt3A_143 = arith.cmpf olt, %broadcast_in_dim3A_133, %lt3A_142 : vector<256x1xf32>
    %and3A_144 = arith.constant 4095 : i32
    %and3A_145 = vector.broadcast %and3A_144 : i32 to vector<256x1xi32>
    %and3A_146 = arith.andi %convert_element_type3A_140, %and3A_145 : vector<256x1xi32>
    %jit3A_147 = arith.constant 4096 : i32
    %broadcast_in_dim3A_148 = vector.broadcast %jit3A_147 : i32 to vector<256x1xi32>
    %select_n3A_149 = arith.select %lt3A_143, %and3A_146, %broadcast_in_dim3A_148 : vector<256x1xi1>, vector<256x1xi32>
    %reduce_min3A_150 = arith.constant dense<0x7F800000> : vector<256xf32>
    %reduce_min3A_151 = vector.multi_reduction <minimumf>, %select_n3A_136, %reduce_min3A_150 [1] : vector<256x2048xf32> to vector<256xf32>
    %broadcast_in_dim3A_152 = vector.shape_cast %reduce_min3A_151 : vector<256xf32> to vector<256x1xf32>
    %eq3A_153 = vector.broadcast %broadcast_in_dim3A_152 : vector<256x1xf32> to vector<256x2048xf32>
    %eq3A_154 = arith.cmpf oeq, %select_n3A_136, %eq3A_153 : vector<256x2048xf32>
    %select_n3A_155 = arith.select %eq3A_154, %select_n3A_139, %select_n3A_136 : vector<256x2048xi1>, vector<256x2048xf32>
    %jit3A_156 = arith.constant 1.000000e+09 : f32
    %broadcast_in_dim3A_157 = vector.broadcast %jit3A_156 : f32 to vector<256x2048xf32>
    %select_n3A_158 = arith.select %eq3A_154, %broadcast_in_dim3A_157, %select_n3A_139 : vector<256x2048xi1>, vector<256x2048xf32>
    %convert_element_type3A_159 = arith.fptosi %broadcast_in_dim3A_152 : vector<256x1xf32> to vector<256x1xi32>
    %lt3A_160 = arith.constant 1.000000e+09 : f32
    %lt3A_161 = vector.broadcast %lt3A_160 : f32 to vector<256x1xf32>
    %lt3A_162 = arith.cmpf olt, %broadcast_in_dim3A_152, %lt3A_161 : vector<256x1xf32>
    %and3A_163 = arith.constant 4095 : i32
    %and3A_164 = vector.broadcast %and3A_163 : i32 to vector<256x1xi32>
    %and3A_165 = arith.andi %convert_element_type3A_159, %and3A_164 : vector<256x1xi32>
    %jit3A_166 = arith.constant 4096 : i32
    %broadcast_in_dim3A_167 = vector.broadcast %jit3A_166 : i32 to vector<256x1xi32>
    %select_n3A_168 = arith.select %lt3A_162, %and3A_165, %broadcast_in_dim3A_167 : vector<256x1xi1>, vector<256x1xi32>
    %reduce_min3A_169 = arith.constant dense<0x7F800000> : vector<256xf32>
    %reduce_min3A_170 = vector.multi_reduction <minimumf>, %select_n3A_155, %reduce_min3A_169 [1] : vector<256x2048xf32> to vector<256xf32>
    %broadcast_in_dim3A_171 = vector.shape_cast %reduce_min3A_170 : vector<256xf32> to vector<256x1xf32>
    %eq3A_172 = vector.broadcast %broadcast_in_dim3A_171 : vector<256x1xf32> to vector<256x2048xf32>
    %eq3A_173 = arith.cmpf oeq, %select_n3A_155, %eq3A_172 : vector<256x2048xf32>
    %select_n3A_174 = arith.select %eq3A_173, %select_n3A_158, %select_n3A_155 : vector<256x2048xi1>, vector<256x2048xf32>
    %jit3A_175 = arith.constant 1.000000e+09 : f32
    %broadcast_in_dim3A_176 = vector.broadcast %jit3A_175 : f32 to vector<256x2048xf32>
    %select_n3A_177 = arith.select %eq3A_173, %broadcast_in_dim3A_176, %select_n3A_158 : vector<256x2048xi1>, vector<256x2048xf32>
    %convert_element_type3A_178 = arith.fptosi %broadcast_in_dim3A_171 : vector<256x1xf32> to vector<256x1xi32>
    %lt3A_179 = arith.constant 1.000000e+09 : f32
    %lt3A_180 = vector.broadcast %lt3A_179 : f32 to vector<256x1xf32>
    %lt3A_181 = arith.cmpf olt, %broadcast_in_dim3A_171, %lt3A_180 : vector<256x1xf32>
    %and3A_182 = arith.constant 4095 : i32
    %and3A_183 = vector.broadcast %and3A_182 : i32 to vector<256x1xi32>
    %and3A_184 = arith.andi %convert_element_type3A_178, %and3A_183 : vector<256x1xi32>
    %jit3A_185 = arith.constant 4096 : i32
    %broadcast_in_dim3A_186 = vector.broadcast %jit3A_185 : i32 to vector<256x1xi32>
    %select_n3A_187 = arith.select %lt3A_181, %and3A_184, %broadcast_in_dim3A_186 : vector<256x1xi1>, vector<256x1xi32>
    %reduce_min3A_188 = arith.constant dense<0x7F800000> : vector<256xf32>
    %reduce_min3A_189 = vector.multi_reduction <minimumf>, %select_n3A_174, %reduce_min3A_188 [1] : vector<256x2048xf32> to vector<256xf32>
    %broadcast_in_dim3A_190 = vector.shape_cast %reduce_min3A_189 : vector<256xf32> to vector<256x1xf32>
    %eq3A_191 = vector.broadcast %broadcast_in_dim3A_190 : vector<256x1xf32> to vector<256x2048xf32>
    %eq3A_192 = arith.cmpf oeq, %select_n3A_174, %eq3A_191 : vector<256x2048xf32>
    %select_n3A_193 = arith.select %eq3A_192, %select_n3A_177, %select_n3A_174 : vector<256x2048xi1>, vector<256x2048xf32>
    %jit3A_194 = arith.constant 1.000000e+09 : f32
    %broadcast_in_dim3A_195 = vector.broadcast %jit3A_194 : f32 to vector<256x2048xf32>
    %select_n3A_196 = arith.select %eq3A_192, %broadcast_in_dim3A_195, %select_n3A_177 : vector<256x2048xi1>, vector<256x2048xf32>
    %convert_element_type3A_197 = arith.fptosi %broadcast_in_dim3A_190 : vector<256x1xf32> to vector<256x1xi32>
    %lt3A_198 = arith.constant 1.000000e+09 : f32
    %lt3A_199 = vector.broadcast %lt3A_198 : f32 to vector<256x1xf32>
    %lt3A_200 = arith.cmpf olt, %broadcast_in_dim3A_190, %lt3A_199 : vector<256x1xf32>
    %and3A_201 = arith.constant 4095 : i32
    %and3A_202 = vector.broadcast %and3A_201 : i32 to vector<256x1xi32>
    %and3A_203 = arith.andi %convert_element_type3A_197, %and3A_202 : vector<256x1xi32>
    %jit3A_204 = arith.constant 4096 : i32
    %broadcast_in_dim3A_205 = vector.broadcast %jit3A_204 : i32 to vector<256x1xi32>
    %select_n3A_206 = arith.select %lt3A_200, %and3A_203, %broadcast_in_dim3A_205 : vector<256x1xi1>, vector<256x1xi32>
    %reduce_min3A_207 = arith.constant dense<0x7F800000> : vector<256xf32>
    %reduce_min3A_208 = vector.multi_reduction <minimumf>, %select_n3A_193, %reduce_min3A_207 [1] : vector<256x2048xf32> to vector<256xf32>
    %broadcast_in_dim3A_209 = vector.shape_cast %reduce_min3A_208 : vector<256xf32> to vector<256x1xf32>
    %eq3A_210 = vector.broadcast %broadcast_in_dim3A_209 : vector<256x1xf32> to vector<256x2048xf32>
    %eq3A_211 = arith.cmpf oeq, %select_n3A_193, %eq3A_210 : vector<256x2048xf32>
    %select_n3A_212 = arith.select %eq3A_211, %select_n3A_196, %select_n3A_193 : vector<256x2048xi1>, vector<256x2048xf32>
    %jit3A_213 = arith.constant 1.000000e+09 : f32
    %broadcast_in_dim3A_214 = vector.broadcast %jit3A_213 : f32 to vector<256x2048xf32>
    %select_n3A_215 = arith.select %eq3A_211, %broadcast_in_dim3A_214, %select_n3A_196 : vector<256x2048xi1>, vector<256x2048xf32>
    %convert_element_type3A_216 = arith.fptosi %broadcast_in_dim3A_209 : vector<256x1xf32> to vector<256x1xi32>
    %lt3A_217 = arith.constant 1.000000e+09 : f32
    %lt3A_218 = vector.broadcast %lt3A_217 : f32 to vector<256x1xf32>
    %lt3A_219 = arith.cmpf olt, %broadcast_in_dim3A_209, %lt3A_218 : vector<256x1xf32>
    %and3A_220 = arith.constant 4095 : i32
    %and3A_221 = vector.broadcast %and3A_220 : i32 to vector<256x1xi32>
    %and3A_222 = arith.andi %convert_element_type3A_216, %and3A_221 : vector<256x1xi32>
    %jit3A_223 = arith.constant 4096 : i32
    %broadcast_in_dim3A_224 = vector.broadcast %jit3A_223 : i32 to vector<256x1xi32>
    %select_n3A_225 = arith.select %lt3A_219, %and3A_222, %broadcast_in_dim3A_224 : vector<256x1xi1>, vector<256x1xi32>
    %reduce_min3A_226 = arith.constant dense<0x7F800000> : vector<256xf32>
    %reduce_min3A_227 = vector.multi_reduction <minimumf>, %select_n3A_212, %reduce_min3A_226 [1] : vector<256x2048xf32> to vector<256xf32>
    %broadcast_in_dim3A_228 = vector.shape_cast %reduce_min3A_227 : vector<256xf32> to vector<256x1xf32>
    %eq3A_229 = vector.broadcast %broadcast_in_dim3A_228 : vector<256x1xf32> to vector<256x2048xf32>
    %eq3A_230 = arith.cmpf oeq, %select_n3A_212, %eq3A_229 : vector<256x2048xf32>
    %select_n3A_231 = arith.select %eq3A_230, %select_n3A_215, %select_n3A_212 : vector<256x2048xi1>, vector<256x2048xf32>
    %jit3A_232 = arith.constant 1.000000e+09 : f32
    %broadcast_in_dim3A_233 = vector.broadcast %jit3A_232 : f32 to vector<256x2048xf32>
    %select_n3A_234 = arith.select %eq3A_230, %broadcast_in_dim3A_233, %select_n3A_215 : vector<256x2048xi1>, vector<256x2048xf32>
    %convert_element_type3A_235 = arith.fptosi %broadcast_in_dim3A_228 : vector<256x1xf32> to vector<256x1xi32>
    %lt3A_236 = arith.constant 1.000000e+09 : f32
    %lt3A_237 = vector.broadcast %lt3A_236 : f32 to vector<256x1xf32>
    %lt3A_238 = arith.cmpf olt, %broadcast_in_dim3A_228, %lt3A_237 : vector<256x1xf32>
    %and3A_239 = arith.constant 4095 : i32
    %and3A_240 = vector.broadcast %and3A_239 : i32 to vector<256x1xi32>
    %and3A_241 = arith.andi %convert_element_type3A_235, %and3A_240 : vector<256x1xi32>
    %jit3A_242 = arith.constant 4096 : i32
    %broadcast_in_dim3A_243 = vector.broadcast %jit3A_242 : i32 to vector<256x1xi32>
    %select_n3A_244 = arith.select %lt3A_238, %and3A_241, %broadcast_in_dim3A_243 : vector<256x1xi1>, vector<256x1xi32>
    %reduce_min3A_245 = arith.constant dense<0x7F800000> : vector<256xf32>
    %reduce_min3A_246 = vector.multi_reduction <minimumf>, %select_n3A_231, %reduce_min3A_245 [1] : vector<256x2048xf32> to vector<256xf32>
    %broadcast_in_dim3A_247 = vector.shape_cast %reduce_min3A_246 : vector<256xf32> to vector<256x1xf32>
    %eq3A_248 = vector.broadcast %broadcast_in_dim3A_247 : vector<256x1xf32> to vector<256x2048xf32>
    %eq3A_249 = arith.cmpf oeq, %select_n3A_231, %eq3A_248 : vector<256x2048xf32>
    %select_n3A_250 = arith.select %eq3A_249, %select_n3A_234, %select_n3A_231 : vector<256x2048xi1>, vector<256x2048xf32>
    %jit3A_251 = arith.constant 1.000000e+09 : f32
    %broadcast_in_dim3A_252 = vector.broadcast %jit3A_251 : f32 to vector<256x2048xf32>
    %select_n3A_253 = arith.select %eq3A_249, %broadcast_in_dim3A_252, %select_n3A_234 : vector<256x2048xi1>, vector<256x2048xf32>
    %convert_element_type3A_254 = arith.fptosi %broadcast_in_dim3A_247 : vector<256x1xf32> to vector<256x1xi32>
    %lt3A_255 = arith.constant 1.000000e+09 : f32
    %lt3A_256 = vector.broadcast %lt3A_255 : f32 to vector<256x1xf32>
    %lt3A_257 = arith.cmpf olt, %broadcast_in_dim3A_247, %lt3A_256 : vector<256x1xf32>
    %and3A_258 = arith.constant 4095 : i32
    %and3A_259 = vector.broadcast %and3A_258 : i32 to vector<256x1xi32>
    %and3A_260 = arith.andi %convert_element_type3A_254, %and3A_259 : vector<256x1xi32>
    %jit3A_261 = arith.constant 4096 : i32
    %broadcast_in_dim3A_262 = vector.broadcast %jit3A_261 : i32 to vector<256x1xi32>
    %select_n3A_263 = arith.select %lt3A_257, %and3A_260, %broadcast_in_dim3A_262 : vector<256x1xi1>, vector<256x1xi32>
    %reduce_min3A_264 = arith.constant dense<0x7F800000> : vector<256xf32>
    %reduce_min3A_265 = vector.multi_reduction <minimumf>, %select_n3A_250, %reduce_min3A_264 [1] : vector<256x2048xf32> to vector<256xf32>
    %broadcast_in_dim3A_266 = vector.shape_cast %reduce_min3A_265 : vector<256xf32> to vector<256x1xf32>
    %eq3A_267 = vector.broadcast %broadcast_in_dim3A_266 : vector<256x1xf32> to vector<256x2048xf32>
    %eq3A_268 = arith.cmpf oeq, %select_n3A_250, %eq3A_267 : vector<256x2048xf32>
    %select_n3A_269 = arith.select %eq3A_268, %select_n3A_253, %select_n3A_250 : vector<256x2048xi1>, vector<256x2048xf32>
    %jit3A_270 = arith.constant 1.000000e+09 : f32
    %broadcast_in_dim3A_271 = vector.broadcast %jit3A_270 : f32 to vector<256x2048xf32>
    %select_n3A_272 = arith.select %eq3A_268, %broadcast_in_dim3A_271, %select_n3A_253 : vector<256x2048xi1>, vector<256x2048xf32>
    %convert_element_type3A_273 = arith.fptosi %broadcast_in_dim3A_266 : vector<256x1xf32> to vector<256x1xi32>
    %lt3A_274 = arith.constant 1.000000e+09 : f32
    %lt3A_275 = vector.broadcast %lt3A_274 : f32 to vector<256x1xf32>
    %lt3A_276 = arith.cmpf olt, %broadcast_in_dim3A_266, %lt3A_275 : vector<256x1xf32>
    %and3A_277 = arith.constant 4095 : i32
    %and3A_278 = vector.broadcast %and3A_277 : i32 to vector<256x1xi32>
    %and3A_279 = arith.andi %convert_element_type3A_273, %and3A_278 : vector<256x1xi32>
    %jit3A_280 = arith.constant 4096 : i32
    %broadcast_in_dim3A_281 = vector.broadcast %jit3A_280 : i32 to vector<256x1xi32>
    %select_n3A_282 = arith.select %lt3A_276, %and3A_279, %broadcast_in_dim3A_281 : vector<256x1xi1>, vector<256x1xi32>
    %reduce_min3A_283 = arith.constant dense<0x7F800000> : vector<256xf32>
    %reduce_min3A_284 = vector.multi_reduction <minimumf>, %select_n3A_269, %reduce_min3A_283 [1] : vector<256x2048xf32> to vector<256xf32>
    %broadcast_in_dim3A_285 = vector.shape_cast %reduce_min3A_284 : vector<256xf32> to vector<256x1xf32>
    %eq3A_286 = vector.broadcast %broadcast_in_dim3A_285 : vector<256x1xf32> to vector<256x2048xf32>
    %eq3A_287 = arith.cmpf oeq, %select_n3A_269, %eq3A_286 : vector<256x2048xf32>
    %select_n3A_288 = arith.select %eq3A_287, %select_n3A_272, %select_n3A_269 : vector<256x2048xi1>, vector<256x2048xf32>
    %jit3A_289 = arith.constant 1.000000e+09 : f32
    %broadcast_in_dim3A_290 = vector.broadcast %jit3A_289 : f32 to vector<256x2048xf32>
    %select_n3A_291 = arith.select %eq3A_287, %broadcast_in_dim3A_290, %select_n3A_272 : vector<256x2048xi1>, vector<256x2048xf32>
    %convert_element_type3A_292 = arith.fptosi %broadcast_in_dim3A_285 : vector<256x1xf32> to vector<256x1xi32>
    %lt3A_293 = arith.constant 1.000000e+09 : f32
    %lt3A_294 = vector.broadcast %lt3A_293 : f32 to vector<256x1xf32>
    %lt3A_295 = arith.cmpf olt, %broadcast_in_dim3A_285, %lt3A_294 : vector<256x1xf32>
    %and3A_296 = arith.constant 4095 : i32
    %and3A_297 = vector.broadcast %and3A_296 : i32 to vector<256x1xi32>
    %and3A_298 = arith.andi %convert_element_type3A_292, %and3A_297 : vector<256x1xi32>
    %jit3A_299 = arith.constant 4096 : i32
    %broadcast_in_dim3A_300 = vector.broadcast %jit3A_299 : i32 to vector<256x1xi32>
    %select_n3A_301 = arith.select %lt3A_295, %and3A_298, %broadcast_in_dim3A_300 : vector<256x1xi1>, vector<256x1xi32>
    %reduce_min3A_302 = arith.constant dense<0x7F800000> : vector<256xf32>
    %reduce_min3A_303 = vector.multi_reduction <minimumf>, %select_n3A_288, %reduce_min3A_302 [1] : vector<256x2048xf32> to vector<256xf32>
    %broadcast_in_dim3A_304 = vector.shape_cast %reduce_min3A_303 : vector<256xf32> to vector<256x1xf32>
    %eq3A_305 = vector.broadcast %broadcast_in_dim3A_304 : vector<256x1xf32> to vector<256x2048xf32>
    %eq3A_306 = arith.cmpf oeq, %select_n3A_288, %eq3A_305 : vector<256x2048xf32>
    %select_n3A_307 = arith.select %eq3A_306, %select_n3A_291, %select_n3A_288 : vector<256x2048xi1>, vector<256x2048xf32>
    %convert_element_type3A_308 = arith.fptosi %broadcast_in_dim3A_304 : vector<256x1xf32> to vector<256x1xi32>
    %lt3A_309 = arith.constant 1.000000e+09 : f32
    %lt3A_310 = vector.broadcast %lt3A_309 : f32 to vector<256x1xf32>
    %lt3A_311 = arith.cmpf olt, %broadcast_in_dim3A_304, %lt3A_310 : vector<256x1xf32>
    %and3A_312 = arith.constant 4095 : i32
    %and3A_313 = vector.broadcast %and3A_312 : i32 to vector<256x1xi32>
    %and3A_314 = arith.andi %convert_element_type3A_308, %and3A_313 : vector<256x1xi32>
    %jit3A_315 = arith.constant 4096 : i32
    %broadcast_in_dim3A_316 = vector.broadcast %jit3A_315 : i32 to vector<256x1xi32>
    %select_n3A_317 = arith.select %lt3A_311, %and3A_314, %broadcast_in_dim3A_316 : vector<256x1xi1>, vector<256x1xi32>
    %reduce_min3A_318 = arith.constant dense<0x7F800000> : vector<256xf32>
    %reduce_min3A_319 = vector.multi_reduction <minimumf>, %select_n3A_307, %reduce_min3A_318 [1] : vector<256x2048xf32> to vector<256xf32>
    %broadcast_in_dim3A_320 = vector.shape_cast %reduce_min3A_319 : vector<256xf32> to vector<256x1xf32>
    %convert_element_type3A_321 = arith.fptosi %broadcast_in_dim3A_320 : vector<256x1xf32> to vector<256x1xi32>
    %lt3A_322 = arith.constant 1.000000e+09 : f32
    %lt3A_323 = vector.broadcast %lt3A_322 : f32 to vector<256x1xf32>
    %lt3A_324 = arith.cmpf olt, %broadcast_in_dim3A_320, %lt3A_323 : vector<256x1xf32>
    %and3A_325 = arith.constant 4095 : i32
    %and3A_326 = vector.broadcast %and3A_325 : i32 to vector<256x1xi32>
    %and3A_327 = arith.andi %convert_element_type3A_321, %and3A_326 : vector<256x1xi32>
    %jit3A_328 = arith.constant 4096 : i32
    %broadcast_in_dim3A_329 = vector.broadcast %jit3A_328 : i32 to vector<256x1xi32>
    %select_n3A_330 = arith.select %lt3A_324, %and3A_327, %broadcast_in_dim3A_329 : vector<256x1xi1>, vector<256x1xi32>
    %concatenate3A = tpu.concatenate %select_n3A_54, %select_n3A_73, %select_n3A_92, %select_n3A_111, %select_n3A_130, %select_n3A_149, %select_n3A_168, %select_n3A_187, %select_n3A_206, %select_n3A_225, %select_n3A_244, %select_n3A_263, %select_n3A_282, %select_n3A_301, %select_n3A_317, %select_n3A_330 in 1 : vector<256x1xi32>, vector<256x1xi32>, vector<256x1xi32>, vector<256x1xi32>, vector<256x1xi32>, vector<256x1xi32>, vector<256x1xi32>, vector<256x1xi32>, vector<256x1xi32>, vector<256x1xi32>, vector<256x1xi32>, vector<256x1xi32>, vector<256x1xi32>, vector<256x1xi32>, vector<256x1xi32>, vector<256x1xi32> -> vector<256x16xi32>
    %transpose3A = tpu.transpose %concatenate3A, [1, 0] : vector<256x16xi32> -> vector<16x256xi32>
    %swap3A = arith.constant 0 : index
    %swap3A_331 = arith.constant 0 : index
    %swap3A_332 = vector.load %arg11[%swap3A, %swap3A_331] : memref<16x256xi32, #tpu.memory_space<vmem>>, vector<16x256xi32>
    tpu.vector_store %arg11[%swap3A, %swap3A_331], %transpose3A {strides = array<i32>} : memref<16x256xi32, #tpu.memory_space<vmem>>, vector<16x256xi32>,
    return
  }
  func.func @transform_0(%arg0: i32) -> (i32, i32) {
    %c0_i32 = arith.constant 0 : i32
    %c0_i32_0 = arith.constant 0 : i32
    return %arg0, %c0_i32 : i32, i32
  }
  func.func @transform_1(%arg0: i32) -> (i32, i32) {
    %c0_i32 = arith.constant 0 : i32
    %c0_i32_0 = arith.constant 0 : i32
    %c0_i32_1 = arith.constant 0 : i32
    return %c0_i32, %c0_i32_0 : i32, i32
  }
  func.func @transform_2(%arg0: i32) -> (i32, i32) {
    %c0_i32 = arith.constant 0 : i32
    %c0_i32_0 = arith.constant 0 : i32
    %c0_i32_1 = arith.constant 0 : i32
    return %c0_i32, %c0_i32_0 : i32, i32
  }
  func.func @transform_3(%arg0: i32) -> (i32, i32) {
    %c0_i32 = arith.constant 0 : i32
    %c0_i32_0 = arith.constant 0 : i32
    %c0_i32_1 = arith.constant 0 : i32
    return %c0_i32, %c0_i32_0 : i32, i32
  }
  func.func @transform_4(%arg0: i32) -> (i32, i32) {
    %c0_i32 = arith.constant 0 : i32
    %c0_i32_0 = arith.constant 0 : i32
    %c0_i32_1 = arith.constant 0 : i32
    return %c0_i32, %c0_i32_0 : i32, i32
  }
  func.func @transform_5(%arg0: i32) -> (i32, i32) {
    %c0_i32 = arith.constant 0 : i32
    %c0_i32_0 = arith.constant 0 : i32
    %c0_i32_1 = arith.constant 0 : i32
    return %c0_i32, %c0_i32_0 : i32, i32
  }
  func.func @transform_6(%arg0: i32) -> (i32, i32) {
    %c0_i32 = arith.constant 0 : i32
    %c0_i32_0 = arith.constant 0 : i32
    %c0_i32_1 = arith.constant 0 : i32
    return %c0_i32, %c0_i32_0 : i32, i32
  }
  func.func @transform_7(%arg0: i32) -> (i32, i32) {
    %c0_i32 = arith.constant 0 : i32
    %c0_i32_0 = arith.constant 0 : i32
    %c0_i32_1 = arith.constant 0 : i32
    return %c0_i32, %c0_i32_0 : i32, i32
  }
  func.func @transform_8(%arg0: i32) -> (i32, i32) {
    %c0_i32 = arith.constant 0 : i32
    %c0_i32_0 = arith.constant 0 : i32
    %c0_i32_1 = arith.constant 0 : i32
    return %c0_i32, %c0_i32_0 : i32, i32
  }
  func.func @transform_9(%arg0: i32) -> (i32, i32) {
    %c0_i32 = arith.constant 0 : i32
    %c0_i32_0 = arith.constant 0 : i32
    %c0_i32_1 = arith.constant 0 : i32
    return %c0_i32, %c0_i32_0 : i32, i32
  }
  func.func @transform_10(%arg0: i32) -> (i32, i32) {
    %c0_i32 = arith.constant 0 : i32
    %c0_i32_0 = arith.constant 0 : i32
    return %c0_i32, %arg0 : i32, i32
  }
  func.func @transform_11(%arg0: i32) -> (i32, i32) {
    %c0_i32 = arith.constant 0 : i32
    %c0_i32_0 = arith.constant 0 : i32
    %c0_i32_1 = arith.constant 0 : i32
    return %c0_i32, %c0_i32_0 : i32, i32
  }
}

module attributes {stable_mosaic.version = 14 : i64} {
  func.func @_attn_kernel(%arg0: i32, %arg1: memref<16x512x128xf32, #tpu.memory_space<vmem>>, %arg2: memref<512x128xf32, #tpu.memory_space<vmem>>, %arg3: memref<512x64xf32, #tpu.memory_space<vmem>>, %arg4: memref<128x128xf32, #tpu.memory_space<vmem>>, %arg5: memref<1x128xf32, #tpu.memory_space<vmem>>, %arg6: memref<128x128xf32, #tpu.memory_space<vmem>>, %arg7: memref<1x128xf32, #tpu.memory_space<vmem>>, %arg8: memref<128x128xf32, #tpu.memory_space<vmem>>, %arg9: memref<1x128xf32, #tpu.memory_space<vmem>>, %arg10: memref<128x128xf32, #tpu.memory_space<vmem>>, %arg11: memref<1x128xf32, #tpu.memory_space<vmem>>, %arg12: memref<1x128xf32, #tpu.memory_space<vmem>>, %arg13: memref<1x128xf32, #tpu.memory_space<vmem>>, %arg14: memref<128x256xf32, #tpu.memory_space<vmem>>, %arg15: memref<1x256xf32, #tpu.memory_space<vmem>>, %arg16: memref<256x128xf32, #tpu.memory_space<vmem>>, %arg17: memref<1x128xf32, #tpu.memory_space<vmem>>, %arg18: memref<1x128xf32, #tpu.memory_space<vmem>>, %arg19: memref<1x128xf32, #tpu.memory_space<vmem>>, %arg20: memref<192x64xf32, #tpu.memory_space<vmem>>, %arg21: memref<1x64xf32, #tpu.memory_space<vmem>>, %arg22: memref<1x64xf32, #tpu.memory_space<vmem>>, %arg23: memref<1x64xf32, #tpu.memory_space<vmem>>, %arg24: memref<4096x64xf32, #tpu.memory_space<vmem>>) attributes {dimension_semantics = [#tpu.dimension_semantics<arbitrary>], iteration_bounds = array<i64: 8>, scalar_prefetch = 0 : i64, scratch_operands = 0 : i64, tpu.core_type = #tpu.core_type<tc>, window_params = [{transform_indices = @transform_0, window_bounds = array<i64: 16, 512, 128>}, {transform_indices = @transform_1, window_bounds = array<i64: 512, 128>}, {transform_indices = @transform_2, window_bounds = array<i64: 512, 64>}, {pipeline_mode = #tpu.pipeline_mode<synchronous>, transform_indices = @transform_3, window_bounds = array<i64: 128, 128>}, {pipeline_mode = #tpu.pipeline_mode<synchronous>, transform_indices = @transform_4, window_bounds = array<i64: 1, 128>}, {pipeline_mode = #tpu.pipeline_mode<synchronous>, transform_indices = @transform_5, window_bounds = array<i64: 128, 128>}, {pipeline_mode = #tpu.pipeline_mode<synchronous>, transform_indices = @transform_6, window_bounds = array<i64: 1, 128>}, {pipeline_mode = #tpu.pipeline_mode<synchronous>, transform_indices = @transform_7, window_bounds = array<i64: 128, 128>}, {pipeline_mode = #tpu.pipeline_mode<synchronous>, transform_indices = @transform_8, window_bounds = array<i64: 1, 128>}, {pipeline_mode = #tpu.pipeline_mode<synchronous>, transform_indices = @transform_9, window_bounds = array<i64: 128, 128>}, {pipeline_mode = #tpu.pipeline_mode<synchronous>, transform_indices = @transform_10, window_bounds = array<i64: 1, 128>}, {pipeline_mode = #tpu.pipeline_mode<synchronous>, transform_indices = @transform_11, window_bounds = array<i64: 1, 128>}, {pipeline_mode = #tpu.pipeline_mode<synchronous>, transform_indices = @transform_12, window_bounds = array<i64: 1, 128>}, {pipeline_mode = #tpu.pipeline_mode<synchronous>, transform_indices = @transform_13, window_bounds = array<i64: 128, 256>}, {pipeline_mode = #tpu.pipeline_mode<synchronous>, transform_indices = @transform_14, window_bounds = array<i64: 1, 256>}, {pipeline_mode = #tpu.pipeline_mode<synchronous>, transform_indices = @transform_15, window_bounds = array<i64: 256, 128>}, {pipeline_mode = #tpu.pipeline_mode<synchronous>, transform_indices = @transform_16, window_bounds = array<i64: 1, 128>}, {pipeline_mode = #tpu.pipeline_mode<synchronous>, transform_indices = @transform_17, window_bounds = array<i64: 1, 128>}, {pipeline_mode = #tpu.pipeline_mode<synchronous>, transform_indices = @transform_18, window_bounds = array<i64: 1, 128>}, {pipeline_mode = #tpu.pipeline_mode<synchronous>, transform_indices = @transform_19, window_bounds = array<i64: 192, 64>}, {pipeline_mode = #tpu.pipeline_mode<synchronous>, transform_indices = @transform_20, window_bounds = array<i64: 1, 64>}, {pipeline_mode = #tpu.pipeline_mode<synchronous>, transform_indices = @transform_21, window_bounds = array<i64: 1, 64>}, {pipeline_mode = #tpu.pipeline_mode<synchronous>, transform_indices = @transform_22, window_bounds = array<i64: 1, 64>}, {pipeline_mode = #tpu.pipeline_mode<synchronous>, transform_indices = @transform_23, window_bounds = array<i64: 4096, 64>}]} {
    %get3A = arith.constant 0 : index
    %get3A_0 = arith.constant 0 : index
    %get3A_1 = arith.constant 0 : index
    %get3A_2 = vector.load %arg1[%get3A, %get3A_0, %get3A_1] : memref<16x512x128xf32, #tpu.memory_space<vmem>>, vector<1x512x128xf32>
    %get3A_3 = vector.shape_cast %get3A_2 : vector<1x512x128xf32> to vector<512x128xf32>
    %get3A_4 = arith.constant 1 : index
    %get3A_5 = arith.constant 0 : index
    %get3A_6 = arith.constant 0 : index
    %get3A_7 = vector.load %arg1[%get3A_4, %get3A_5, %get3A_6] : memref<16x512x128xf32, #tpu.memory_space<vmem>>, vector<1x512x128xf32>
    %get3A_8 = vector.shape_cast %get3A_7 : vector<1x512x128xf32> to vector<512x128xf32>
    %get3A_9 = arith.constant 2 : index
    %get3A_10 = arith.constant 0 : index
    %get3A_11 = arith.constant 0 : index
    %get3A_12 = vector.load %arg1[%get3A_9, %get3A_10, %get3A_11] : memref<16x512x128xf32, #tpu.memory_space<vmem>>, vector<1x512x128xf32>
    %get3A_13 = vector.shape_cast %get3A_12 : vector<1x512x128xf32> to vector<512x128xf32>
    %get3A_14 = arith.constant 3 : index
    %get3A_15 = arith.constant 0 : index
    %get3A_16 = arith.constant 0 : index
    %get3A_17 = vector.load %arg1[%get3A_14, %get3A_15, %get3A_16] : memref<16x512x128xf32, #tpu.memory_space<vmem>>, vector<1x512x128xf32>
    %get3A_18 = vector.shape_cast %get3A_17 : vector<1x512x128xf32> to vector<512x128xf32>
    %get3A_19 = arith.constant 4 : index
    %get3A_20 = arith.constant 0 : index
    %get3A_21 = arith.constant 0 : index
    %get3A_22 = vector.load %arg1[%get3A_19, %get3A_20, %get3A_21] : memref<16x512x128xf32, #tpu.memory_space<vmem>>, vector<1x512x128xf32>
    %get3A_23 = vector.shape_cast %get3A_22 : vector<1x512x128xf32> to vector<512x128xf32>
    %get3A_24 = arith.constant 5 : index
    %get3A_25 = arith.constant 0 : index
    %get3A_26 = arith.constant 0 : index
    %get3A_27 = vector.load %arg1[%get3A_24, %get3A_25, %get3A_26] : memref<16x512x128xf32, #tpu.memory_space<vmem>>, vector<1x512x128xf32>
    %get3A_28 = vector.shape_cast %get3A_27 : vector<1x512x128xf32> to vector<512x128xf32>
    %get3A_29 = arith.constant 6 : index
    %get3A_30 = arith.constant 0 : index
    %get3A_31 = arith.constant 0 : index
    %get3A_32 = vector.load %arg1[%get3A_29, %get3A_30, %get3A_31] : memref<16x512x128xf32, #tpu.memory_space<vmem>>, vector<1x512x128xf32>
    %get3A_33 = vector.shape_cast %get3A_32 : vector<1x512x128xf32> to vector<512x128xf32>
    %get3A_34 = arith.constant 7 : index
    %get3A_35 = arith.constant 0 : index
    %get3A_36 = arith.constant 0 : index
    %get3A_37 = vector.load %arg1[%get3A_34, %get3A_35, %get3A_36] : memref<16x512x128xf32, #tpu.memory_space<vmem>>, vector<1x512x128xf32>
    %get3A_38 = vector.shape_cast %get3A_37 : vector<1x512x128xf32> to vector<512x128xf32>
    %get3A_39 = arith.constant 8 : index
    %get3A_40 = arith.constant 0 : index
    %get3A_41 = arith.constant 0 : index
    %get3A_42 = vector.load %arg1[%get3A_39, %get3A_40, %get3A_41] : memref<16x512x128xf32, #tpu.memory_space<vmem>>, vector<1x512x128xf32>
    %get3A_43 = vector.shape_cast %get3A_42 : vector<1x512x128xf32> to vector<512x128xf32>
    %get3A_44 = arith.constant 9 : index
    %get3A_45 = arith.constant 0 : index
    %get3A_46 = arith.constant 0 : index
    %get3A_47 = vector.load %arg1[%get3A_44, %get3A_45, %get3A_46] : memref<16x512x128xf32, #tpu.memory_space<vmem>>, vector<1x512x128xf32>
    %get3A_48 = vector.shape_cast %get3A_47 : vector<1x512x128xf32> to vector<512x128xf32>
    %get3A_49 = arith.constant 10 : index
    %get3A_50 = arith.constant 0 : index
    %get3A_51 = arith.constant 0 : index
    %get3A_52 = vector.load %arg1[%get3A_49, %get3A_50, %get3A_51] : memref<16x512x128xf32, #tpu.memory_space<vmem>>, vector<1x512x128xf32>
    %get3A_53 = vector.shape_cast %get3A_52 : vector<1x512x128xf32> to vector<512x128xf32>
    %get3A_54 = arith.constant 11 : index
    %get3A_55 = arith.constant 0 : index
    %get3A_56 = arith.constant 0 : index
    %get3A_57 = vector.load %arg1[%get3A_54, %get3A_55, %get3A_56] : memref<16x512x128xf32, #tpu.memory_space<vmem>>, vector<1x512x128xf32>
    %get3A_58 = vector.shape_cast %get3A_57 : vector<1x512x128xf32> to vector<512x128xf32>
    %get3A_59 = arith.constant 12 : index
    %get3A_60 = arith.constant 0 : index
    %get3A_61 = arith.constant 0 : index
    %get3A_62 = vector.load %arg1[%get3A_59, %get3A_60, %get3A_61] : memref<16x512x128xf32, #tpu.memory_space<vmem>>, vector<1x512x128xf32>
    %get3A_63 = vector.shape_cast %get3A_62 : vector<1x512x128xf32> to vector<512x128xf32>
    %get3A_64 = arith.constant 13 : index
    %get3A_65 = arith.constant 0 : index
    %get3A_66 = arith.constant 0 : index
    %get3A_67 = vector.load %arg1[%get3A_64, %get3A_65, %get3A_66] : memref<16x512x128xf32, #tpu.memory_space<vmem>>, vector<1x512x128xf32>
    %get3A_68 = vector.shape_cast %get3A_67 : vector<1x512x128xf32> to vector<512x128xf32>
    %get3A_69 = arith.constant 14 : index
    %get3A_70 = arith.constant 0 : index
    %get3A_71 = arith.constant 0 : index
    %get3A_72 = vector.load %arg1[%get3A_69, %get3A_70, %get3A_71] : memref<16x512x128xf32, #tpu.memory_space<vmem>>, vector<1x512x128xf32>
    %get3A_73 = vector.shape_cast %get3A_72 : vector<1x512x128xf32> to vector<512x128xf32>
    %get3A_74 = arith.constant 15 : index
    %get3A_75 = arith.constant 0 : index
    %get3A_76 = arith.constant 0 : index
    %get3A_77 = vector.load %arg1[%get3A_74, %get3A_75, %get3A_76] : memref<16x512x128xf32, #tpu.memory_space<vmem>>, vector<1x512x128xf32>
    %get3A_78 = vector.shape_cast %get3A_77 : vector<1x512x128xf32> to vector<512x128xf32>
    %concatenate3A = tpu.concatenate %get3A_3, %get3A_8, %get3A_13, %get3A_18, %get3A_23, %get3A_28, %get3A_33, %get3A_38, %get3A_43, %get3A_48, %get3A_53, %get3A_58, %get3A_63, %get3A_68, %get3A_73, %get3A_78 in 0 : vector<512x128xf32>, vector<512x128xf32>, vector<512x128xf32>, vector<512x128xf32>, vector<512x128xf32>, vector<512x128xf32>, vector<512x128xf32>, vector<512x128xf32>, vector<512x128xf32>, vector<512x128xf32>, vector<512x128xf32>, vector<512x128xf32>, vector<512x128xf32>, vector<512x128xf32>, vector<512x128xf32>, vector<512x128xf32> -> vector<8192x128xf32>
    %get3A_79 = arith.constant 0 : index
    %get3A_80 = arith.constant 0 : index
    %get3A_81 = vector.load %arg4[%get3A_79, %get3A_80] : memref<128x128xf32, #tpu.memory_space<vmem>>, vector<128x128xf32>
    %dot_general3A = arith.constant dense<0.000000e+00> : vector<512x128xf32>
    %dot_general3A_82 = tpu.matmul %get3A_3, %get3A_81, %dot_general3A {dimension_numbers = #tpu.dot_dimension_numbers<[1], [0], [0], [1], [0, 0, 1, 1], [], []>, transpose_lhs_hint = false} : vector<512x128xf32>, vector<128x128xf32>, vector<512x128xf32> -> vector<512x128xf32>
    %get3A_83 = arith.constant 0 : index
    %get3A_84 = arith.constant 0 : index
    %get3A_85 = vector.load %arg5[%get3A_83, %get3A_84] : memref<1x128xf32, #tpu.memory_space<vmem>>, vector<1x128xf32>
    %add3A = vector.broadcast %get3A_85 : vector<1x128xf32> to vector<512x128xf32>
    %add3A_86 = arith.addf %dot_general3A_82, %add3A : vector<512x128xf32>
    %get3A_87 = arith.constant 0 : index
    %get3A_88 = arith.constant 0 : index
    %get3A_89 = vector.load %arg6[%get3A_87, %get3A_88] : memref<128x128xf32, #tpu.memory_space<vmem>>, vector<128x128xf32>
    %dot_general3A_90 = arith.constant dense<0.000000e+00> : vector<8192x128xf32>
    %dot_general3A_91 = tpu.matmul %concatenate3A, %get3A_89, %dot_general3A_90 {dimension_numbers = #tpu.dot_dimension_numbers<[1], [0], [0], [1], [0, 0, 1, 1], [], []>, transpose_lhs_hint = false} : vector<8192x128xf32>, vector<128x128xf32>, vector<8192x128xf32> -> vector<8192x128xf32>
    %get3A_92 = arith.constant 0 : index
    %get3A_93 = arith.constant 0 : index
    %get3A_94 = vector.load %arg7[%get3A_92, %get3A_93] : memref<1x128xf32, #tpu.memory_space<vmem>>, vector<1x128xf32>
    %add3A_95 = vector.broadcast %get3A_94 : vector<1x128xf32> to vector<8192x128xf32>
    %add3A_96 = arith.addf %dot_general3A_91, %add3A_95 : vector<8192x128xf32>
    %get3A_97 = arith.constant 0 : index
    %get3A_98 = arith.constant 0 : index
    %get3A_99 = vector.load %arg8[%get3A_97, %get3A_98] : memref<128x128xf32, #tpu.memory_space<vmem>>, vector<128x128xf32>
    %dot_general3A_100 = arith.constant dense<0.000000e+00> : vector<8192x128xf32>
    %dot_general3A_101 = tpu.matmul %concatenate3A, %get3A_99, %dot_general3A_100 {dimension_numbers = #tpu.dot_dimension_numbers<[1], [0], [0], [1], [0, 0, 1, 1], [], []>, transpose_lhs_hint = false} : vector<8192x128xf32>, vector<128x128xf32>, vector<8192x128xf32> -> vector<8192x128xf32>
    %get3A_102 = arith.constant 0 : index
    %get3A_103 = arith.constant 0 : index
    %get3A_104 = vector.load %arg9[%get3A_102, %get3A_103] : memref<1x128xf32, #tpu.memory_space<vmem>>, vector<1x128xf32>
    %add3A_105 = vector.broadcast %get3A_104 : vector<1x128xf32> to vector<8192x128xf32>
    %add3A_106 = arith.addf %dot_general3A_101, %add3A_105 : vector<8192x128xf32>
    %mul3A = arith.constant 0.0883883461 : f32
    %mul3A_107 = vector.broadcast %mul3A : f32 to vector<512x128xf32>
    %mul3A_108 = arith.mulf %add3A_86, %mul3A_107 : vector<512x128xf32>
    %slice3A = vector.extract_strided_slice %mul3A_108 {offsets = [0, 0], sizes = [512, 32], strides = [1, 1]} : vector<512x128xf32> to vector<512x32xf32>
    %concatenate3A_109 = tpu.concatenate %slice3A, %slice3A, %slice3A, %slice3A in 1 : vector<512x32xf32>, vector<512x32xf32>, vector<512x32xf32>, vector<512x32xf32> -> vector<512x128xf32>
    %slice3A_110 = vector.extract_strided_slice %mul3A_108 {offsets = [0, 32], sizes = [512, 32], strides = [1, 1]} : vector<512x128xf32> to vector<512x32xf32>
    %concatenate3A_111 = tpu.concatenate %slice3A_110, %slice3A_110, %slice3A_110, %slice3A_110 in 1 : vector<512x32xf32>, vector<512x32xf32>, vector<512x32xf32>, vector<512x32xf32> -> vector<512x128xf32>
    %slice3A_112 = vector.extract_strided_slice %mul3A_108 {offsets = [0, 64], sizes = [512, 32], strides = [1, 1]} : vector<512x128xf32> to vector<512x32xf32>
    %concatenate3A_113 = tpu.concatenate %slice3A_112, %slice3A_112, %slice3A_112, %slice3A_112 in 1 : vector<512x32xf32>, vector<512x32xf32>, vector<512x32xf32>, vector<512x32xf32> -> vector<512x128xf32>
    %slice3A_114 = vector.extract_strided_slice %mul3A_108 {offsets = [0, 96], sizes = [512, 32], strides = [1, 1]} : vector<512x128xf32> to vector<512x32xf32>
    %concatenate3A_115 = tpu.concatenate %slice3A_114, %slice3A_114, %slice3A_114, %slice3A_114 in 1 : vector<512x32xf32>, vector<512x32xf32>, vector<512x32xf32>, vector<512x32xf32> -> vector<512x128xf32>
    %slice3A_116 = vector.extract_strided_slice %add3A_96 {offsets = [0, 0], sizes = [512, 128], strides = [1, 1]} : vector<8192x128xf32> to vector<512x128xf32>
    %mul3A_117 = arith.mulf %slice3A_116, %concatenate3A_109 : vector<512x128xf32>
    %slice3A_118 = vector.extract_strided_slice %add3A_96 {offsets = [512, 0], sizes = [512, 128], strides = [1, 1]} : vector<8192x128xf32> to vector<512x128xf32>
    %mul3A_119 = arith.mulf %slice3A_118, %concatenate3A_109 : vector<512x128xf32>
    %slice3A_120 = vector.extract_strided_slice %add3A_96 {offsets = [1024, 0], sizes = [512, 128], strides = [1, 1]} : vector<8192x128xf32> to vector<512x128xf32>
    %mul3A_121 = arith.mulf %slice3A_120, %concatenate3A_109 : vector<512x128xf32>
    %slice3A_122 = vector.extract_strided_slice %add3A_96 {offsets = [1536, 0], sizes = [512, 128], strides = [1, 1]} : vector<8192x128xf32> to vector<512x128xf32>
    %mul3A_123 = arith.mulf %slice3A_122, %concatenate3A_109 : vector<512x128xf32>
    %slice3A_124 = vector.extract_strided_slice %add3A_96 {offsets = [2048, 0], sizes = [512, 128], strides = [1, 1]} : vector<8192x128xf32> to vector<512x128xf32>
    %mul3A_125 = arith.mulf %slice3A_124, %concatenate3A_111 : vector<512x128xf32>
    %slice3A_126 = vector.extract_strided_slice %add3A_96 {offsets = [2560, 0], sizes = [512, 128], strides = [1, 1]} : vector<8192x128xf32> to vector<512x128xf32>
    %mul3A_127 = arith.mulf %slice3A_126, %concatenate3A_111 : vector<512x128xf32>
    %slice3A_128 = vector.extract_strided_slice %add3A_96 {offsets = [3072, 0], sizes = [512, 128], strides = [1, 1]} : vector<8192x128xf32> to vector<512x128xf32>
    %mul3A_129 = arith.mulf %slice3A_128, %concatenate3A_111 : vector<512x128xf32>
    %slice3A_130 = vector.extract_strided_slice %add3A_96 {offsets = [3584, 0], sizes = [512, 128], strides = [1, 1]} : vector<8192x128xf32> to vector<512x128xf32>
    %mul3A_131 = arith.mulf %slice3A_130, %concatenate3A_111 : vector<512x128xf32>
    %slice3A_132 = vector.extract_strided_slice %add3A_96 {offsets = [4096, 0], sizes = [512, 128], strides = [1, 1]} : vector<8192x128xf32> to vector<512x128xf32>
    %mul3A_133 = arith.mulf %slice3A_132, %concatenate3A_113 : vector<512x128xf32>
    %slice3A_134 = vector.extract_strided_slice %add3A_96 {offsets = [4608, 0], sizes = [512, 128], strides = [1, 1]} : vector<8192x128xf32> to vector<512x128xf32>
    %mul3A_135 = arith.mulf %slice3A_134, %concatenate3A_113 : vector<512x128xf32>
    %slice3A_136 = vector.extract_strided_slice %add3A_96 {offsets = [5120, 0], sizes = [512, 128], strides = [1, 1]} : vector<8192x128xf32> to vector<512x128xf32>
    %mul3A_137 = arith.mulf %slice3A_136, %concatenate3A_113 : vector<512x128xf32>
    %slice3A_138 = vector.extract_strided_slice %add3A_96 {offsets = [5632, 0], sizes = [512, 128], strides = [1, 1]} : vector<8192x128xf32> to vector<512x128xf32>
    %mul3A_139 = arith.mulf %slice3A_138, %concatenate3A_113 : vector<512x128xf32>
    %slice3A_140 = vector.extract_strided_slice %add3A_96 {offsets = [6144, 0], sizes = [512, 128], strides = [1, 1]} : vector<8192x128xf32> to vector<512x128xf32>
    %mul3A_141 = arith.mulf %slice3A_140, %concatenate3A_115 : vector<512x128xf32>
    %slice3A_142 = vector.extract_strided_slice %add3A_96 {offsets = [6656, 0], sizes = [512, 128], strides = [1, 1]} : vector<8192x128xf32> to vector<512x128xf32>
    %mul3A_143 = arith.mulf %slice3A_142, %concatenate3A_115 : vector<512x128xf32>
    %slice3A_144 = vector.extract_strided_slice %add3A_96 {offsets = [7168, 0], sizes = [512, 128], strides = [1, 1]} : vector<8192x128xf32> to vector<512x128xf32>
    %mul3A_145 = arith.mulf %slice3A_144, %concatenate3A_115 : vector<512x128xf32>
    %slice3A_146 = vector.extract_strided_slice %add3A_96 {offsets = [7680, 0], sizes = [512, 128], strides = [1, 1]} : vector<8192x128xf32> to vector<512x128xf32>
    %mul3A_147 = arith.mulf %slice3A_146, %concatenate3A_115 : vector<512x128xf32>
    %concatenate3A_148 = tpu.concatenate %mul3A_117, %mul3A_119, %mul3A_121, %mul3A_123, %mul3A_125, %mul3A_127, %mul3A_129, %mul3A_131, %mul3A_133, %mul3A_135, %mul3A_137, %mul3A_139, %mul3A_141, %mul3A_143, %mul3A_145, %mul3A_147 in 0 : vector<512x128xf32>, vector<512x128xf32>, vector<512x128xf32>, vector<512x128xf32>, vector<512x128xf32>, vector<512x128xf32>, vector<512x128xf32>, vector<512x128xf32>, vector<512x128xf32>, vector<512x128xf32>, vector<512x128xf32>, vector<512x128xf32>, vector<512x128xf32>, vector<512x128xf32>, vector<512x128xf32>, vector<512x128xf32> -> vector<8192x128xf32>
    %iota3A = tpu.iota {dimensions = array<i32: 0>} : vector<128x128xi32>
    %iota3A_149 = tpu.iota {dimensions = array<i32: 1>} : vector<128x128xi32>
    %shift_right_arithmetic3A = arith.constant 5 : i32
    %shift_right_arithmetic3A_150 = vector.broadcast %shift_right_arithmetic3A : i32 to vector<128x128xi32>
    %shift_right_arithmetic3A_151 = arith.shrsi %iota3A, %shift_right_arithmetic3A_150 : vector<128x128xi32>
    %shift_right_arithmetic3A_152 = arith.constant 5 : i32
    %shift_right_arithmetic3A_153 = vector.broadcast %shift_right_arithmetic3A_152 : i32 to vector<128x128xi32>
    %shift_right_arithmetic3A_154 = arith.shrsi %iota3A_149, %shift_right_arithmetic3A_153 : vector<128x128xi32>
    %eq3A = arith.cmpi eq, %shift_right_arithmetic3A_151, %shift_right_arithmetic3A_154 : vector<128x128xi32>
    %convert_element_type3A = arith.extui %eq3A : vector<128x128xi1> to vector<128x128xi32>
    %convert_element_type3A_155 = arith.sitofp %convert_element_type3A : vector<128x128xi32> to vector<128x128xf32>
    %dot_general3A_156 = arith.constant dense<0.000000e+00> : vector<8192x128xf32>
    %dot_general3A_157 = tpu.matmul %concatenate3A_148, %convert_element_type3A_155, %dot_general3A_156 {dimension_numbers = #tpu.dot_dimension_numbers<[1], [0], [0], [1], [0, 0, 1, 1], [], []>, transpose_lhs_hint = false} : vector<8192x128xf32>, vector<128x128xf32>, vector<8192x128xf32> -> vector<8192x128xf32>
    %slice3A_158 = vector.extract_strided_slice %dot_general3A_157 {offsets = [0, 0], sizes = [512, 128], strides = [1, 1]} : vector<8192x128xf32> to vector<512x128xf32>
    %slice3A_159 = vector.extract_strided_slice %dot_general3A_157 {offsets = [512, 0], sizes = [512, 128], strides = [1, 1]} : vector<8192x128xf32> to vector<512x128xf32>
    %slice3A_160 = vector.extract_strided_slice %dot_general3A_157 {offsets = [1024, 0], sizes = [512, 128], strides = [1, 1]} : vector<8192x128xf32> to vector<512x128xf32>
    %slice3A_161 = vector.extract_strided_slice %dot_general3A_157 {offsets = [1536, 0], sizes = [512, 128], strides = [1, 1]} : vector<8192x128xf32> to vector<512x128xf32>
    %slice3A_162 = vector.extract_strided_slice %dot_general3A_157 {offsets = [2048, 0], sizes = [512, 128], strides = [1, 1]} : vector<8192x128xf32> to vector<512x128xf32>
    %slice3A_163 = vector.extract_strided_slice %dot_general3A_157 {offsets = [2560, 0], sizes = [512, 128], strides = [1, 1]} : vector<8192x128xf32> to vector<512x128xf32>
    %slice3A_164 = vector.extract_strided_slice %dot_general3A_157 {offsets = [3072, 0], sizes = [512, 128], strides = [1, 1]} : vector<8192x128xf32> to vector<512x128xf32>
    %slice3A_165 = vector.extract_strided_slice %dot_general3A_157 {offsets = [3584, 0], sizes = [512, 128], strides = [1, 1]} : vector<8192x128xf32> to vector<512x128xf32>
    %slice3A_166 = vector.extract_strided_slice %dot_general3A_157 {offsets = [4096, 0], sizes = [512, 128], strides = [1, 1]} : vector<8192x128xf32> to vector<512x128xf32>
    %slice3A_167 = vector.extract_strided_slice %dot_general3A_157 {offsets = [4608, 0], sizes = [512, 128], strides = [1, 1]} : vector<8192x128xf32> to vector<512x128xf32>
    %slice3A_168 = vector.extract_strided_slice %dot_general3A_157 {offsets = [5120, 0], sizes = [512, 128], strides = [1, 1]} : vector<8192x128xf32> to vector<512x128xf32>
    %slice3A_169 = vector.extract_strided_slice %dot_general3A_157 {offsets = [5632, 0], sizes = [512, 128], strides = [1, 1]} : vector<8192x128xf32> to vector<512x128xf32>
    %slice3A_170 = vector.extract_strided_slice %dot_general3A_157 {offsets = [6144, 0], sizes = [512, 128], strides = [1, 1]} : vector<8192x128xf32> to vector<512x128xf32>
    %slice3A_171 = vector.extract_strided_slice %dot_general3A_157 {offsets = [6656, 0], sizes = [512, 128], strides = [1, 1]} : vector<8192x128xf32> to vector<512x128xf32>
    %slice3A_172 = vector.extract_strided_slice %dot_general3A_157 {offsets = [7168, 0], sizes = [512, 128], strides = [1, 1]} : vector<8192x128xf32> to vector<512x128xf32>
    %slice3A_173 = vector.extract_strided_slice %dot_general3A_157 {offsets = [7680, 0], sizes = [512, 128], strides = [1, 1]} : vector<8192x128xf32> to vector<512x128xf32>
    %max3A = arith.maximumf %slice3A_158, %slice3A_159 : vector<512x128xf32>
    %max3A_174 = arith.maximumf %slice3A_160, %slice3A_161 : vector<512x128xf32>
    %max3A_175 = arith.maximumf %max3A, %max3A_174 : vector<512x128xf32>
    %slice3A_176 = vector.extract_strided_slice %max3A_175 {offsets = [0, 0], sizes = [512, 32], strides = [1, 1]} : vector<512x128xf32> to vector<512x32xf32>
    %slice3A_177 = vector.extract_strided_slice %max3A_175 {offsets = [0, 32], sizes = [512, 32], strides = [1, 1]} : vector<512x128xf32> to vector<512x32xf32>
    %max3A_178 = arith.maximumf %slice3A_176, %slice3A_177 : vector<512x32xf32>
    %slice3A_179 = vector.extract_strided_slice %max3A_175 {offsets = [0, 64], sizes = [512, 32], strides = [1, 1]} : vector<512x128xf32> to vector<512x32xf32>
    %slice3A_180 = vector.extract_strided_slice %max3A_175 {offsets = [0, 96], sizes = [512, 32], strides = [1, 1]} : vector<512x128xf32> to vector<512x32xf32>
    %max3A_181 = arith.maximumf %slice3A_179, %slice3A_180 : vector<512x32xf32>
    %max3A_182 = arith.maximumf %max3A_178, %max3A_181 : vector<512x32xf32>
    %concatenate3A_183 = tpu.concatenate %max3A_182, %max3A_182, %max3A_182, %max3A_182 in 1 : vector<512x32xf32>, vector<512x32xf32>, vector<512x32xf32>, vector<512x32xf32> -> vector<512x128xf32>
    %sub3A = arith.subf %slice3A_158, %concatenate3A_183 : vector<512x128xf32>
    %exp3A = math.exp %sub3A : vector<512x128xf32>
    %sub3A_184 = arith.subf %slice3A_159, %concatenate3A_183 : vector<512x128xf32>
    %exp3A_185 = math.exp %sub3A_184 : vector<512x128xf32>
    %sub3A_186 = arith.subf %slice3A_160, %concatenate3A_183 : vector<512x128xf32>
    %exp3A_187 = math.exp %sub3A_186 : vector<512x128xf32>
    %sub3A_188 = arith.subf %slice3A_161, %concatenate3A_183 : vector<512x128xf32>
    %exp3A_189 = math.exp %sub3A_188 : vector<512x128xf32>
    %add3A_190 = arith.addf %exp3A, %exp3A_185 : vector<512x128xf32>
    %add3A_191 = arith.addf %exp3A_187, %exp3A_189 : vector<512x128xf32>
    %add3A_192 = arith.addf %add3A_190, %add3A_191 : vector<512x128xf32>
    %slice3A_193 = vector.extract_strided_slice %add3A_192 {offsets = [0, 0], sizes = [512, 32], strides = [1, 1]} : vector<512x128xf32> to vector<512x32xf32>
    %slice3A_194 = vector.extract_strided_slice %add3A_192 {offsets = [0, 32], sizes = [512, 32], strides = [1, 1]} : vector<512x128xf32> to vector<512x32xf32>
    %add3A_195 = arith.addf %slice3A_193, %slice3A_194 : vector<512x32xf32>
    %slice3A_196 = vector.extract_strided_slice %add3A_192 {offsets = [0, 64], sizes = [512, 32], strides = [1, 1]} : vector<512x128xf32> to vector<512x32xf32>
    %add3A_197 = arith.addf %add3A_195, %slice3A_196 : vector<512x32xf32>
    %slice3A_198 = vector.extract_strided_slice %add3A_192 {offsets = [0, 96], sizes = [512, 32], strides = [1, 1]} : vector<512x128xf32> to vector<512x32xf32>
    %add3A_199 = arith.addf %add3A_197, %slice3A_198 : vector<512x32xf32>
    %div3A = arith.constant 1.000000e+00 : f32
    %div3A_200 = vector.broadcast %div3A : f32 to vector<512x32xf32>
    %div3A_201 = arith.divf %div3A_200, %add3A_199 : vector<512x32xf32>
    %concatenate3A_202 = tpu.concatenate %div3A_201, %div3A_201, %div3A_201, %div3A_201 in 1 : vector<512x32xf32>, vector<512x32xf32>, vector<512x32xf32>, vector<512x32xf32> -> vector<512x128xf32>
    %mul3A_203 = arith.mulf %exp3A, %concatenate3A_202 : vector<512x128xf32>
    %slice3A_204 = vector.extract_strided_slice %add3A_106 {offsets = [0, 0], sizes = [512, 128], strides = [1, 1]} : vector<8192x128xf32> to vector<512x128xf32>
    %mul3A_205 = arith.mulf %mul3A_203, %slice3A_204 : vector<512x128xf32>
    %mul3A_206 = arith.mulf %exp3A_185, %concatenate3A_202 : vector<512x128xf32>
    %slice3A_207 = vector.extract_strided_slice %add3A_106 {offsets = [512, 0], sizes = [512, 128], strides = [1, 1]} : vector<8192x128xf32> to vector<512x128xf32>
    %mul3A_208 = arith.mulf %mul3A_206, %slice3A_207 : vector<512x128xf32>
    %add3A_209 = arith.addf %mul3A_205, %mul3A_208 : vector<512x128xf32>
    %mul3A_210 = arith.mulf %exp3A_187, %concatenate3A_202 : vector<512x128xf32>
    %slice3A_211 = vector.extract_strided_slice %add3A_106 {offsets = [1024, 0], sizes = [512, 128], strides = [1, 1]} : vector<8192x128xf32> to vector<512x128xf32>
    %mul3A_212 = arith.mulf %mul3A_210, %slice3A_211 : vector<512x128xf32>
    %add3A_213 = arith.addf %add3A_209, %mul3A_212 : vector<512x128xf32>
    %mul3A_214 = arith.mulf %exp3A_189, %concatenate3A_202 : vector<512x128xf32>
    %slice3A_215 = vector.extract_strided_slice %add3A_106 {offsets = [1536, 0], sizes = [512, 128], strides = [1, 1]} : vector<8192x128xf32> to vector<512x128xf32>
    %mul3A_216 = arith.mulf %mul3A_214, %slice3A_215 : vector<512x128xf32>
    %add3A_217 = arith.addf %add3A_213, %mul3A_216 : vector<512x128xf32>
    %slice3A_218 = vector.extract_strided_slice %add3A_217 {offsets = [0, 0], sizes = [512, 32], strides = [1, 1]} : vector<512x128xf32> to vector<512x32xf32>
    %slice3A_219 = vector.extract_strided_slice %add3A_217 {offsets = [0, 32], sizes = [512, 32], strides = [1, 1]} : vector<512x128xf32> to vector<512x32xf32>
    %add3A_220 = arith.addf %slice3A_218, %slice3A_219 : vector<512x32xf32>
    %slice3A_221 = vector.extract_strided_slice %add3A_217 {offsets = [0, 64], sizes = [512, 32], strides = [1, 1]} : vector<512x128xf32> to vector<512x32xf32>
    %add3A_222 = arith.addf %add3A_220, %slice3A_221 : vector<512x32xf32>
    %slice3A_223 = vector.extract_strided_slice %add3A_217 {offsets = [0, 96], sizes = [512, 32], strides = [1, 1]} : vector<512x128xf32> to vector<512x32xf32>
    %add3A_224 = arith.addf %add3A_222, %slice3A_223 : vector<512x32xf32>
    %max3A_225 = arith.maximumf %slice3A_162, %slice3A_163 : vector<512x128xf32>
    %max3A_226 = arith.maximumf %slice3A_164, %slice3A_165 : vector<512x128xf32>
    %max3A_227 = arith.maximumf %max3A_225, %max3A_226 : vector<512x128xf32>
    %slice3A_228 = vector.extract_strided_slice %max3A_227 {offsets = [0, 0], sizes = [512, 32], strides = [1, 1]} : vector<512x128xf32> to vector<512x32xf32>
    %slice3A_229 = vector.extract_strided_slice %max3A_227 {offsets = [0, 32], sizes = [512, 32], strides = [1, 1]} : vector<512x128xf32> to vector<512x32xf32>
    %max3A_230 = arith.maximumf %slice3A_228, %slice3A_229 : vector<512x32xf32>
    %slice3A_231 = vector.extract_strided_slice %max3A_227 {offsets = [0, 64], sizes = [512, 32], strides = [1, 1]} : vector<512x128xf32> to vector<512x32xf32>
    %slice3A_232 = vector.extract_strided_slice %max3A_227 {offsets = [0, 96], sizes = [512, 32], strides = [1, 1]} : vector<512x128xf32> to vector<512x32xf32>
    %max3A_233 = arith.maximumf %slice3A_231, %slice3A_232 : vector<512x32xf32>
    %max3A_234 = arith.maximumf %max3A_230, %max3A_233 : vector<512x32xf32>
    %concatenate3A_235 = tpu.concatenate %max3A_234, %max3A_234, %max3A_234, %max3A_234 in 1 : vector<512x32xf32>, vector<512x32xf32>, vector<512x32xf32>, vector<512x32xf32> -> vector<512x128xf32>
    %sub3A_236 = arith.subf %slice3A_162, %concatenate3A_235 : vector<512x128xf32>
    %exp3A_237 = math.exp %sub3A_236 : vector<512x128xf32>
    %sub3A_238 = arith.subf %slice3A_163, %concatenate3A_235 : vector<512x128xf32>
    %exp3A_239 = math.exp %sub3A_238 : vector<512x128xf32>
    %sub3A_240 = arith.subf %slice3A_164, %concatenate3A_235 : vector<512x128xf32>
    %exp3A_241 = math.exp %sub3A_240 : vector<512x128xf32>
    %sub3A_242 = arith.subf %slice3A_165, %concatenate3A_235 : vector<512x128xf32>
    %exp3A_243 = math.exp %sub3A_242 : vector<512x128xf32>
    %add3A_244 = arith.addf %exp3A_237, %exp3A_239 : vector<512x128xf32>
    %add3A_245 = arith.addf %exp3A_241, %exp3A_243 : vector<512x128xf32>
    %add3A_246 = arith.addf %add3A_244, %add3A_245 : vector<512x128xf32>
    %slice3A_247 = vector.extract_strided_slice %add3A_246 {offsets = [0, 0], sizes = [512, 32], strides = [1, 1]} : vector<512x128xf32> to vector<512x32xf32>
    %slice3A_248 = vector.extract_strided_slice %add3A_246 {offsets = [0, 32], sizes = [512, 32], strides = [1, 1]} : vector<512x128xf32> to vector<512x32xf32>
    %add3A_249 = arith.addf %slice3A_247, %slice3A_248 : vector<512x32xf32>
    %slice3A_250 = vector.extract_strided_slice %add3A_246 {offsets = [0, 64], sizes = [512, 32], strides = [1, 1]} : vector<512x128xf32> to vector<512x32xf32>
    %add3A_251 = arith.addf %add3A_249, %slice3A_250 : vector<512x32xf32>
    %slice3A_252 = vector.extract_strided_slice %add3A_246 {offsets = [0, 96], sizes = [512, 32], strides = [1, 1]} : vector<512x128xf32> to vector<512x32xf32>
    %add3A_253 = arith.addf %add3A_251, %slice3A_252 : vector<512x32xf32>
    %div3A_254 = arith.constant 1.000000e+00 : f32
    %div3A_255 = vector.broadcast %div3A_254 : f32 to vector<512x32xf32>
    %div3A_256 = arith.divf %div3A_255, %add3A_253 : vector<512x32xf32>
    %concatenate3A_257 = tpu.concatenate %div3A_256, %div3A_256, %div3A_256, %div3A_256 in 1 : vector<512x32xf32>, vector<512x32xf32>, vector<512x32xf32>, vector<512x32xf32> -> vector<512x128xf32>
    %mul3A_258 = arith.mulf %exp3A_237, %concatenate3A_257 : vector<512x128xf32>
    %slice3A_259 = vector.extract_strided_slice %add3A_106 {offsets = [2048, 0], sizes = [512, 128], strides = [1, 1]} : vector<8192x128xf32> to vector<512x128xf32>
    %mul3A_260 = arith.mulf %mul3A_258, %slice3A_259 : vector<512x128xf32>
    %mul3A_261 = arith.mulf %exp3A_239, %concatenate3A_257 : vector<512x128xf32>
    %slice3A_262 = vector.extract_strided_slice %add3A_106 {offsets = [2560, 0], sizes = [512, 128], strides = [1, 1]} : vector<8192x128xf32> to vector<512x128xf32>
    %mul3A_263 = arith.mulf %mul3A_261, %slice3A_262 : vector<512x128xf32>
    %add3A_264 = arith.addf %mul3A_260, %mul3A_263 : vector<512x128xf32>
    %mul3A_265 = arith.mulf %exp3A_241, %concatenate3A_257 : vector<512x128xf32>
    %slice3A_266 = vector.extract_strided_slice %add3A_106 {offsets = [3072, 0], sizes = [512, 128], strides = [1, 1]} : vector<8192x128xf32> to vector<512x128xf32>
    %mul3A_267 = arith.mulf %mul3A_265, %slice3A_266 : vector<512x128xf32>
    %add3A_268 = arith.addf %add3A_264, %mul3A_267 : vector<512x128xf32>
    %mul3A_269 = arith.mulf %exp3A_243, %concatenate3A_257 : vector<512x128xf32>
    %slice3A_270 = vector.extract_strided_slice %add3A_106 {offsets = [3584, 0], sizes = [512, 128], strides = [1, 1]} : vector<8192x128xf32> to vector<512x128xf32>
    %mul3A_271 = arith.mulf %mul3A_269, %slice3A_270 : vector<512x128xf32>
    %add3A_272 = arith.addf %add3A_268, %mul3A_271 : vector<512x128xf32>
    %slice3A_273 = vector.extract_strided_slice %add3A_272 {offsets = [0, 0], sizes = [512, 32], strides = [1, 1]} : vector<512x128xf32> to vector<512x32xf32>
    %slice3A_274 = vector.extract_strided_slice %add3A_272 {offsets = [0, 32], sizes = [512, 32], strides = [1, 1]} : vector<512x128xf32> to vector<512x32xf32>
    %add3A_275 = arith.addf %slice3A_273, %slice3A_274 : vector<512x32xf32>
    %slice3A_276 = vector.extract_strided_slice %add3A_272 {offsets = [0, 64], sizes = [512, 32], strides = [1, 1]} : vector<512x128xf32> to vector<512x32xf32>
    %add3A_277 = arith.addf %add3A_275, %slice3A_276 : vector<512x32xf32>
    %slice3A_278 = vector.extract_strided_slice %add3A_272 {offsets = [0, 96], sizes = [512, 32], strides = [1, 1]} : vector<512x128xf32> to vector<512x32xf32>
    %add3A_279 = arith.addf %add3A_277, %slice3A_278 : vector<512x32xf32>
    %max3A_280 = arith.maximumf %slice3A_166, %slice3A_167 : vector<512x128xf32>
    %max3A_281 = arith.maximumf %slice3A_168, %slice3A_169 : vector<512x128xf32>
    %max3A_282 = arith.maximumf %max3A_280, %max3A_281 : vector<512x128xf32>
    %slice3A_283 = vector.extract_strided_slice %max3A_282 {offsets = [0, 0], sizes = [512, 32], strides = [1, 1]} : vector<512x128xf32> to vector<512x32xf32>
    %slice3A_284 = vector.extract_strided_slice %max3A_282 {offsets = [0, 32], sizes = [512, 32], strides = [1, 1]} : vector<512x128xf32> to vector<512x32xf32>
    %max3A_285 = arith.maximumf %slice3A_283, %slice3A_284 : vector<512x32xf32>
    %slice3A_286 = vector.extract_strided_slice %max3A_282 {offsets = [0, 64], sizes = [512, 32], strides = [1, 1]} : vector<512x128xf32> to vector<512x32xf32>
    %slice3A_287 = vector.extract_strided_slice %max3A_282 {offsets = [0, 96], sizes = [512, 32], strides = [1, 1]} : vector<512x128xf32> to vector<512x32xf32>
    %max3A_288 = arith.maximumf %slice3A_286, %slice3A_287 : vector<512x32xf32>
    %max3A_289 = arith.maximumf %max3A_285, %max3A_288 : vector<512x32xf32>
    %concatenate3A_290 = tpu.concatenate %max3A_289, %max3A_289, %max3A_289, %max3A_289 in 1 : vector<512x32xf32>, vector<512x32xf32>, vector<512x32xf32>, vector<512x32xf32> -> vector<512x128xf32>
    %sub3A_291 = arith.subf %slice3A_166, %concatenate3A_290 : vector<512x128xf32>
    %exp3A_292 = math.exp %sub3A_291 : vector<512x128xf32>
    %sub3A_293 = arith.subf %slice3A_167, %concatenate3A_290 : vector<512x128xf32>
    %exp3A_294 = math.exp %sub3A_293 : vector<512x128xf32>
    %sub3A_295 = arith.subf %slice3A_168, %concatenate3A_290 : vector<512x128xf32>
    %exp3A_296 = math.exp %sub3A_295 : vector<512x128xf32>
    %sub3A_297 = arith.subf %slice3A_169, %concatenate3A_290 : vector<512x128xf32>
    %exp3A_298 = math.exp %sub3A_297 : vector<512x128xf32>
    %add3A_299 = arith.addf %exp3A_292, %exp3A_294 : vector<512x128xf32>
    %add3A_300 = arith.addf %exp3A_296, %exp3A_298 : vector<512x128xf32>
    %add3A_301 = arith.addf %add3A_299, %add3A_300 : vector<512x128xf32>
    %slice3A_302 = vector.extract_strided_slice %add3A_301 {offsets = [0, 0], sizes = [512, 32], strides = [1, 1]} : vector<512x128xf32> to vector<512x32xf32>
    %slice3A_303 = vector.extract_strided_slice %add3A_301 {offsets = [0, 32], sizes = [512, 32], strides = [1, 1]} : vector<512x128xf32> to vector<512x32xf32>
    %add3A_304 = arith.addf %slice3A_302, %slice3A_303 : vector<512x32xf32>
    %slice3A_305 = vector.extract_strided_slice %add3A_301 {offsets = [0, 64], sizes = [512, 32], strides = [1, 1]} : vector<512x128xf32> to vector<512x32xf32>
    %add3A_306 = arith.addf %add3A_304, %slice3A_305 : vector<512x32xf32>
    %slice3A_307 = vector.extract_strided_slice %add3A_301 {offsets = [0, 96], sizes = [512, 32], strides = [1, 1]} : vector<512x128xf32> to vector<512x32xf32>
    %add3A_308 = arith.addf %add3A_306, %slice3A_307 : vector<512x32xf32>
    %div3A_309 = arith.constant 1.000000e+00 : f32
    %div3A_310 = vector.broadcast %div3A_309 : f32 to vector<512x32xf32>
    %div3A_311 = arith.divf %div3A_310, %add3A_308 : vector<512x32xf32>
    %concatenate3A_312 = tpu.concatenate %div3A_311, %div3A_311, %div3A_311, %div3A_311 in 1 : vector<512x32xf32>, vector<512x32xf32>, vector<512x32xf32>, vector<512x32xf32> -> vector<512x128xf32>
    %mul3A_313 = arith.mulf %exp3A_292, %concatenate3A_312 : vector<512x128xf32>
    %slice3A_314 = vector.extract_strided_slice %add3A_106 {offsets = [4096, 0], sizes = [512, 128], strides = [1, 1]} : vector<8192x128xf32> to vector<512x128xf32>
    %mul3A_315 = arith.mulf %mul3A_313, %slice3A_314 : vector<512x128xf32>
    %mul3A_316 = arith.mulf %exp3A_294, %concatenate3A_312 : vector<512x128xf32>
    %slice3A_317 = vector.extract_strided_slice %add3A_106 {offsets = [4608, 0], sizes = [512, 128], strides = [1, 1]} : vector<8192x128xf32> to vector<512x128xf32>
    %mul3A_318 = arith.mulf %mul3A_316, %slice3A_317 : vector<512x128xf32>
    %add3A_319 = arith.addf %mul3A_315, %mul3A_318 : vector<512x128xf32>
    %mul3A_320 = arith.mulf %exp3A_296, %concatenate3A_312 : vector<512x128xf32>
    %slice3A_321 = vector.extract_strided_slice %add3A_106 {offsets = [5120, 0], sizes = [512, 128], strides = [1, 1]} : vector<8192x128xf32> to vector<512x128xf32>
    %mul3A_322 = arith.mulf %mul3A_320, %slice3A_321 : vector<512x128xf32>
    %add3A_323 = arith.addf %add3A_319, %mul3A_322 : vector<512x128xf32>
    %mul3A_324 = arith.mulf %exp3A_298, %concatenate3A_312 : vector<512x128xf32>
    %slice3A_325 = vector.extract_strided_slice %add3A_106 {offsets = [5632, 0], sizes = [512, 128], strides = [1, 1]} : vector<8192x128xf32> to vector<512x128xf32>
    %mul3A_326 = arith.mulf %mul3A_324, %slice3A_325 : vector<512x128xf32>
    %add3A_327 = arith.addf %add3A_323, %mul3A_326 : vector<512x128xf32>
    %slice3A_328 = vector.extract_strided_slice %add3A_327 {offsets = [0, 0], sizes = [512, 32], strides = [1, 1]} : vector<512x128xf32> to vector<512x32xf32>
    %slice3A_329 = vector.extract_strided_slice %add3A_327 {offsets = [0, 32], sizes = [512, 32], strides = [1, 1]} : vector<512x128xf32> to vector<512x32xf32>
    %add3A_330 = arith.addf %slice3A_328, %slice3A_329 : vector<512x32xf32>
    %slice3A_331 = vector.extract_strided_slice %add3A_327 {offsets = [0, 64], sizes = [512, 32], strides = [1, 1]} : vector<512x128xf32> to vector<512x32xf32>
    %add3A_332 = arith.addf %add3A_330, %slice3A_331 : vector<512x32xf32>
    %slice3A_333 = vector.extract_strided_slice %add3A_327 {offsets = [0, 96], sizes = [512, 32], strides = [1, 1]} : vector<512x128xf32> to vector<512x32xf32>
    %add3A_334 = arith.addf %add3A_332, %slice3A_333 : vector<512x32xf32>
    %max3A_335 = arith.maximumf %slice3A_170, %slice3A_171 : vector<512x128xf32>
    %max3A_336 = arith.maximumf %slice3A_172, %slice3A_173 : vector<512x128xf32>
    %max3A_337 = arith.maximumf %max3A_335, %max3A_336 : vector<512x128xf32>
    %slice3A_338 = vector.extract_strided_slice %max3A_337 {offsets = [0, 0], sizes = [512, 32], strides = [1, 1]} : vector<512x128xf32> to vector<512x32xf32>
    %slice3A_339 = vector.extract_strided_slice %max3A_337 {offsets = [0, 32], sizes = [512, 32], strides = [1, 1]} : vector<512x128xf32> to vector<512x32xf32>
    %max3A_340 = arith.maximumf %slice3A_338, %slice3A_339 : vector<512x32xf32>
    %slice3A_341 = vector.extract_strided_slice %max3A_337 {offsets = [0, 64], sizes = [512, 32], strides = [1, 1]} : vector<512x128xf32> to vector<512x32xf32>
    %slice3A_342 = vector.extract_strided_slice %max3A_337 {offsets = [0, 96], sizes = [512, 32], strides = [1, 1]} : vector<512x128xf32> to vector<512x32xf32>
    %max3A_343 = arith.maximumf %slice3A_341, %slice3A_342 : vector<512x32xf32>
    %max3A_344 = arith.maximumf %max3A_340, %max3A_343 : vector<512x32xf32>
    %concatenate3A_345 = tpu.concatenate %max3A_344, %max3A_344, %max3A_344, %max3A_344 in 1 : vector<512x32xf32>, vector<512x32xf32>, vector<512x32xf32>, vector<512x32xf32> -> vector<512x128xf32>
    %sub3A_346 = arith.subf %slice3A_170, %concatenate3A_345 : vector<512x128xf32>
    %exp3A_347 = math.exp %sub3A_346 : vector<512x128xf32>
    %sub3A_348 = arith.subf %slice3A_171, %concatenate3A_345 : vector<512x128xf32>
    %exp3A_349 = math.exp %sub3A_348 : vector<512x128xf32>
    %sub3A_350 = arith.subf %slice3A_172, %concatenate3A_345 : vector<512x128xf32>
    %exp3A_351 = math.exp %sub3A_350 : vector<512x128xf32>
    %sub3A_352 = arith.subf %slice3A_173, %concatenate3A_345 : vector<512x128xf32>
    %exp3A_353 = math.exp %sub3A_352 : vector<512x128xf32>
    %add3A_354 = arith.addf %exp3A_347, %exp3A_349 : vector<512x128xf32>
    %add3A_355 = arith.addf %exp3A_351, %exp3A_353 : vector<512x128xf32>
    %add3A_356 = arith.addf %add3A_354, %add3A_355 : vector<512x128xf32>
    %slice3A_357 = vector.extract_strided_slice %add3A_356 {offsets = [0, 0], sizes = [512, 32], strides = [1, 1]} : vector<512x128xf32> to vector<512x32xf32>
    %slice3A_358 = vector.extract_strided_slice %add3A_356 {offsets = [0, 32], sizes = [512, 32], strides = [1, 1]} : vector<512x128xf32> to vector<512x32xf32>
    %add3A_359 = arith.addf %slice3A_357, %slice3A_358 : vector<512x32xf32>
    %slice3A_360 = vector.extract_strided_slice %add3A_356 {offsets = [0, 64], sizes = [512, 32], strides = [1, 1]} : vector<512x128xf32> to vector<512x32xf32>
    %add3A_361 = arith.addf %add3A_359, %slice3A_360 : vector<512x32xf32>
    %slice3A_362 = vector.extract_strided_slice %add3A_356 {offsets = [0, 96], sizes = [512, 32], strides = [1, 1]} : vector<512x128xf32> to vector<512x32xf32>
    %add3A_363 = arith.addf %add3A_361, %slice3A_362 : vector<512x32xf32>
    %div3A_364 = arith.constant 1.000000e+00 : f32
    %div3A_365 = vector.broadcast %div3A_364 : f32 to vector<512x32xf32>
    %div3A_366 = arith.divf %div3A_365, %add3A_363 : vector<512x32xf32>
    %concatenate3A_367 = tpu.concatenate %div3A_366, %div3A_366, %div3A_366, %div3A_366 in 1 : vector<512x32xf32>, vector<512x32xf32>, vector<512x32xf32>, vector<512x32xf32> -> vector<512x128xf32>
    %mul3A_368 = arith.mulf %exp3A_347, %concatenate3A_367 : vector<512x128xf32>
    %slice3A_369 = vector.extract_strided_slice %add3A_106 {offsets = [6144, 0], sizes = [512, 128], strides = [1, 1]} : vector<8192x128xf32> to vector<512x128xf32>
    %mul3A_370 = arith.mulf %mul3A_368, %slice3A_369 : vector<512x128xf32>
    %mul3A_371 = arith.mulf %exp3A_349, %concatenate3A_367 : vector<512x128xf32>
    %slice3A_372 = vector.extract_strided_slice %add3A_106 {offsets = [6656, 0], sizes = [512, 128], strides = [1, 1]} : vector<8192x128xf32> to vector<512x128xf32>
    %mul3A_373 = arith.mulf %mul3A_371, %slice3A_372 : vector<512x128xf32>
    %add3A_374 = arith.addf %mul3A_370, %mul3A_373 : vector<512x128xf32>
    %mul3A_375 = arith.mulf %exp3A_351, %concatenate3A_367 : vector<512x128xf32>
    %slice3A_376 = vector.extract_strided_slice %add3A_106 {offsets = [7168, 0], sizes = [512, 128], strides = [1, 1]} : vector<8192x128xf32> to vector<512x128xf32>
    %mul3A_377 = arith.mulf %mul3A_375, %slice3A_376 : vector<512x128xf32>
    %add3A_378 = arith.addf %add3A_374, %mul3A_377 : vector<512x128xf32>
    %mul3A_379 = arith.mulf %exp3A_353, %concatenate3A_367 : vector<512x128xf32>
    %slice3A_380 = vector.extract_strided_slice %add3A_106 {offsets = [7680, 0], sizes = [512, 128], strides = [1, 1]} : vector<8192x128xf32> to vector<512x128xf32>
    %mul3A_381 = arith.mulf %mul3A_379, %slice3A_380 : vector<512x128xf32>
    %add3A_382 = arith.addf %add3A_378, %mul3A_381 : vector<512x128xf32>
    %slice3A_383 = vector.extract_strided_slice %add3A_382 {offsets = [0, 0], sizes = [512, 32], strides = [1, 1]} : vector<512x128xf32> to vector<512x32xf32>
    %slice3A_384 = vector.extract_strided_slice %add3A_382 {offsets = [0, 32], sizes = [512, 32], strides = [1, 1]} : vector<512x128xf32> to vector<512x32xf32>
    %add3A_385 = arith.addf %slice3A_383, %slice3A_384 : vector<512x32xf32>
    %slice3A_386 = vector.extract_strided_slice %add3A_382 {offsets = [0, 64], sizes = [512, 32], strides = [1, 1]} : vector<512x128xf32> to vector<512x32xf32>
    %add3A_387 = arith.addf %add3A_385, %slice3A_386 : vector<512x32xf32>
    %slice3A_388 = vector.extract_strided_slice %add3A_382 {offsets = [0, 96], sizes = [512, 32], strides = [1, 1]} : vector<512x128xf32> to vector<512x32xf32>
    %add3A_389 = arith.addf %add3A_387, %slice3A_388 : vector<512x32xf32>
    %concatenate3A_390 = tpu.concatenate %add3A_224, %add3A_279, %add3A_334, %add3A_389 in 1 : vector<512x32xf32>, vector<512x32xf32>, vector<512x32xf32>, vector<512x32xf32> -> vector<512x128xf32>
    %get3A_391 = arith.constant 0 : index
    %get3A_392 = arith.constant 0 : index
    %get3A_393 = vector.load %arg10[%get3A_391, %get3A_392] : memref<128x128xf32, #tpu.memory_space<vmem>>, vector<128x128xf32>
    %dot_general3A_394 = arith.constant dense<0.000000e+00> : vector<512x128xf32>
    %dot_general3A_395 = tpu.matmul %concatenate3A_390, %get3A_393, %dot_general3A_394 {dimension_numbers = #tpu.dot_dimension_numbers<[1], [0], [0], [1], [0, 0, 1, 1], [], []>, transpose_lhs_hint = false} : vector<512x128xf32>, vector<128x128xf32>, vector<512x128xf32> -> vector<512x128xf32>
    %get3A_396 = arith.constant 0 : index
    %get3A_397 = arith.constant 0 : index
    %get3A_398 = vector.load %arg11[%get3A_396, %get3A_397] : memref<1x128xf32, #tpu.memory_space<vmem>>, vector<1x128xf32>
    %add3A_399 = vector.broadcast %get3A_398 : vector<1x128xf32> to vector<512x128xf32>
    %add3A_400 = arith.addf %dot_general3A_395, %add3A_399 : vector<512x128xf32>
    %get3A_401 = arith.constant 0 : index
    %get3A_402 = arith.constant 0 : index
    %get3A_403 = vector.load %arg2[%get3A_401, %get3A_402] : memref<512x128xf32, #tpu.memory_space<vmem>>, vector<512x128xf32>
    %add3A_404 = arith.addf %get3A_403, %add3A_400 : vector<512x128xf32>
    %get3A_405 = arith.constant 0 : index
    %get3A_406 = arith.constant 0 : index
    %get3A_407 = vector.load %arg12[%get3A_405, %get3A_406] : memref<1x128xf32, #tpu.memory_space<vmem>>, vector<1x128xf32>
    %get3A_408 = arith.constant 0 : index
    %get3A_409 = arith.constant 0 : index
    %get3A_410 = vector.load %arg13[%get3A_408, %get3A_409] : memref<1x128xf32, #tpu.memory_space<vmem>>, vector<1x128xf32>
    %reduce_sum3A = arith.constant dense<0.000000e+00> : vector<512xf32>
    %reduce_sum3A_411 = vector.multi_reduction <add>, %add3A_404, %reduce_sum3A [1] : vector<512x128xf32> to vector<512xf32>
    %broadcast_in_dim3A = vector.shape_cast %reduce_sum3A_411 : vector<512xf32> to vector<512x1xf32>
    %div3A_412 = arith.constant 1.280000e+02 : f32
    %div3A_413 = vector.broadcast %div3A_412 : f32 to vector<512x1xf32>
    %div3A_414 = arith.divf %broadcast_in_dim3A, %div3A_413 : vector<512x1xf32>
    %sub3A_415 = vector.broadcast %div3A_414 : vector<512x1xf32> to vector<512x128xf32>
    %sub3A_416 = arith.subf %add3A_404, %sub3A_415 : vector<512x128xf32>
    %sub3A_417 = vector.broadcast %div3A_414 : vector<512x1xf32> to vector<512x128xf32>
    %sub3A_418 = arith.subf %add3A_404, %sub3A_417 : vector<512x128xf32>
    %mul3A_419 = arith.mulf %sub3A_416, %sub3A_418 : vector<512x128xf32>
    %reduce_sum3A_420 = arith.constant dense<0.000000e+00> : vector<512xf32>
    %reduce_sum3A_421 = vector.multi_reduction <add>, %mul3A_419, %reduce_sum3A_420 [1] : vector<512x128xf32> to vector<512xf32>
    %broadcast_in_dim3A_422 = vector.shape_cast %reduce_sum3A_421 : vector<512xf32> to vector<512x1xf32>
    %div3A_423 = arith.constant 1.280000e+02 : f32
    %div3A_424 = vector.broadcast %div3A_423 : f32 to vector<512x1xf32>
    %div3A_425 = arith.divf %broadcast_in_dim3A_422, %div3A_424 : vector<512x1xf32>
    %sub3A_426 = vector.broadcast %div3A_414 : vector<512x1xf32> to vector<512x128xf32>
    %sub3A_427 = arith.subf %add3A_404, %sub3A_426 : vector<512x128xf32>
    %add3A_428 = arith.constant 9.99999974E-6 : f32
    %add3A_429 = vector.broadcast %add3A_428 : f32 to vector<512x1xf32>
    %add3A_430 = arith.addf %div3A_425, %add3A_429 : vector<512x1xf32>
    %rsqrt3A = math.rsqrt %add3A_430 : vector<512x1xf32>
    %mul3A_431 = vector.broadcast %rsqrt3A : vector<512x1xf32> to vector<512x128xf32>
    %mul3A_432 = arith.mulf %sub3A_427, %mul3A_431 : vector<512x128xf32>
    %mul3A_433 = vector.broadcast %get3A_407 : vector<1x128xf32> to vector<512x128xf32>
    %mul3A_434 = arith.mulf %mul3A_432, %mul3A_433 : vector<512x128xf32>
    %add3A_435 = vector.broadcast %get3A_410 : vector<1x128xf32> to vector<512x128xf32>
    %add3A_436 = arith.addf %mul3A_434, %add3A_435 : vector<512x128xf32>
    %get3A_437 = arith.constant 0 : index
    %get3A_438 = arith.constant 0 : index
    %get3A_439 = vector.load %arg14[%get3A_437, %get3A_438] : memref<128x256xf32, #tpu.memory_space<vmem>>, vector<128x256xf32>
    %dot_general3A_440 = arith.constant dense<0.000000e+00> : vector<512x256xf32>
    %dot_general3A_441 = tpu.matmul %add3A_436, %get3A_439, %dot_general3A_440 {dimension_numbers = #tpu.dot_dimension_numbers<[1], [0], [0], [1], [0, 0, 1, 1], [], []>, transpose_lhs_hint = false} : vector<512x128xf32>, vector<128x256xf32>, vector<512x256xf32> -> vector<512x256xf32>
    %get3A_442 = arith.constant 0 : index
    %get3A_443 = arith.constant 0 : index
    %get3A_444 = vector.load %arg15[%get3A_442, %get3A_443] : memref<1x256xf32, #tpu.memory_space<vmem>>, vector<1x256xf32>
    %add3A_445 = vector.broadcast %get3A_444 : vector<1x256xf32> to vector<512x256xf32>
    %add3A_446 = arith.addf %dot_general3A_441, %add3A_445 : vector<512x256xf32>
    %max3A_447 = arith.constant 0.000000e+00 : f32
    %max3A_448 = vector.broadcast %max3A_447 : f32 to vector<512x256xf32>
    %max3A_449 = arith.maximumf %add3A_446, %max3A_448 : vector<512x256xf32>
    %get3A_450 = arith.constant 0 : index
    %get3A_451 = arith.constant 0 : index
    %get3A_452 = vector.load %arg16[%get3A_450, %get3A_451] : memref<256x128xf32, #tpu.memory_space<vmem>>, vector<256x128xf32>
    %dot_general3A_453 = arith.constant dense<0.000000e+00> : vector<512x128xf32>
    %dot_general3A_454 = tpu.matmul %max3A_449, %get3A_452, %dot_general3A_453 {dimension_numbers = #tpu.dot_dimension_numbers<[1], [0], [0], [1], [0, 0, 1, 1], [], []>, transpose_lhs_hint = false} : vector<512x256xf32>, vector<256x128xf32>, vector<512x128xf32> -> vector<512x128xf32>
    %get3A_455 = arith.constant 0 : index
    %get3A_456 = arith.constant 0 : index
    %get3A_457 = vector.load %arg17[%get3A_455, %get3A_456] : memref<1x128xf32, #tpu.memory_space<vmem>>, vector<1x128xf32>
    %add3A_458 = vector.broadcast %get3A_457 : vector<1x128xf32> to vector<512x128xf32>
    %add3A_459 = arith.addf %dot_general3A_454, %add3A_458 : vector<512x128xf32>
    %add3A_460 = arith.addf %add3A_436, %add3A_459 : vector<512x128xf32>
    %get3A_461 = arith.constant 0 : index
    %get3A_462 = arith.constant 0 : index
    %get3A_463 = vector.load %arg18[%get3A_461, %get3A_462] : memref<1x128xf32, #tpu.memory_space<vmem>>, vector<1x128xf32>
    %get3A_464 = arith.constant 0 : index
    %get3A_465 = arith.constant 0 : index
    %get3A_466 = vector.load %arg19[%get3A_464, %get3A_465] : memref<1x128xf32, #tpu.memory_space<vmem>>, vector<1x128xf32>
    %reduce_sum3A_467 = arith.constant dense<0.000000e+00> : vector<512xf32>
    %reduce_sum3A_468 = vector.multi_reduction <add>, %add3A_460, %reduce_sum3A_467 [1] : vector<512x128xf32> to vector<512xf32>
    %broadcast_in_dim3A_469 = vector.shape_cast %reduce_sum3A_468 : vector<512xf32> to vector<512x1xf32>
    %div3A_470 = arith.constant 1.280000e+02 : f32
    %div3A_471 = vector.broadcast %div3A_470 : f32 to vector<512x1xf32>
    %div3A_472 = arith.divf %broadcast_in_dim3A_469, %div3A_471 : vector<512x1xf32>
    %sub3A_473 = vector.broadcast %div3A_472 : vector<512x1xf32> to vector<512x128xf32>
    %sub3A_474 = arith.subf %add3A_460, %sub3A_473 : vector<512x128xf32>
    %sub3A_475 = vector.broadcast %div3A_472 : vector<512x1xf32> to vector<512x128xf32>
    %sub3A_476 = arith.subf %add3A_460, %sub3A_475 : vector<512x128xf32>
    %mul3A_477 = arith.mulf %sub3A_474, %sub3A_476 : vector<512x128xf32>
    %reduce_sum3A_478 = arith.constant dense<0.000000e+00> : vector<512xf32>
    %reduce_sum3A_479 = vector.multi_reduction <add>, %mul3A_477, %reduce_sum3A_478 [1] : vector<512x128xf32> to vector<512xf32>
    %broadcast_in_dim3A_480 = vector.shape_cast %reduce_sum3A_479 : vector<512xf32> to vector<512x1xf32>
    %div3A_481 = arith.constant 1.280000e+02 : f32
    %div3A_482 = vector.broadcast %div3A_481 : f32 to vector<512x1xf32>
    %div3A_483 = arith.divf %broadcast_in_dim3A_480, %div3A_482 : vector<512x1xf32>
    %sub3A_484 = vector.broadcast %div3A_472 : vector<512x1xf32> to vector<512x128xf32>
    %sub3A_485 = arith.subf %add3A_460, %sub3A_484 : vector<512x128xf32>
    %add3A_486 = arith.constant 9.99999974E-6 : f32
    %add3A_487 = vector.broadcast %add3A_486 : f32 to vector<512x1xf32>
    %add3A_488 = arith.addf %div3A_483, %add3A_487 : vector<512x1xf32>
    %rsqrt3A_489 = math.rsqrt %add3A_488 : vector<512x1xf32>
    %mul3A_490 = vector.broadcast %rsqrt3A_489 : vector<512x1xf32> to vector<512x128xf32>
    %mul3A_491 = arith.mulf %sub3A_485, %mul3A_490 : vector<512x128xf32>
    %mul3A_492 = vector.broadcast %get3A_463 : vector<1x128xf32> to vector<512x128xf32>
    %mul3A_493 = arith.mulf %mul3A_491, %mul3A_492 : vector<512x128xf32>
    %add3A_494 = vector.broadcast %get3A_466 : vector<1x128xf32> to vector<512x128xf32>
    %add3A_495 = arith.addf %mul3A_493, %add3A_494 : vector<512x128xf32>
    %get3A_496 = arith.constant 0 : index
    %get3A_497 = arith.constant 0 : index
    %get3A_498 = vector.load %arg3[%get3A_496, %get3A_497] : memref<512x64xf32, #tpu.memory_space<vmem>>, vector<512x64xf32>
    %get3A_499 = arith.constant 0 : index
    %get3A_500 = arith.constant 0 : index
    %get3A_501 = vector.load %arg20[%get3A_499, %get3A_500] : memref<192x64xf32, #tpu.memory_space<vmem>>, vector<64x64xf32>
    %dot_general3A_502 = arith.constant dense<0.000000e+00> : vector<512x64xf32>
    %dot_general3A_503 = tpu.matmul %get3A_498, %get3A_501, %dot_general3A_502 {dimension_numbers = #tpu.dot_dimension_numbers<[1], [0], [0], [1], [0, 0, 1, 1], [], []>, transpose_lhs_hint = false} : vector<512x64xf32>, vector<64x64xf32>, vector<512x64xf32> -> vector<512x64xf32>
    %get3A_504 = arith.constant 64 : index
    %get3A_505 = arith.constant 0 : index
    %get3A_506 = vector.load %arg20[%get3A_504, %get3A_505] : memref<192x64xf32, #tpu.memory_space<vmem>>, vector<128x64xf32>
    %dot_general3A_507 = arith.constant dense<0.000000e+00> : vector<512x64xf32>
    %dot_general3A_508 = tpu.matmul %add3A_495, %get3A_506, %dot_general3A_507 {dimension_numbers = #tpu.dot_dimension_numbers<[1], [0], [0], [1], [0, 0, 1, 1], [], []>, transpose_lhs_hint = false} : vector<512x128xf32>, vector<128x64xf32>, vector<512x64xf32> -> vector<512x64xf32>
    %add3A_509 = arith.addf %dot_general3A_503, %dot_general3A_508 : vector<512x64xf32>
    %get3A_510 = arith.constant 0 : index
    %get3A_511 = arith.constant 0 : index
    %get3A_512 = vector.load %arg21[%get3A_510, %get3A_511] : memref<1x64xf32, #tpu.memory_space<vmem>>, vector<1x64xf32>
    %add3A_513 = vector.broadcast %get3A_512 : vector<1x64xf32> to vector<512x64xf32>
    %add3A_514 = arith.addf %add3A_509, %add3A_513 : vector<512x64xf32>
    %mul3A_515 = arith.constant 512 : i32
    %mul3A_516 = arith.muli %arg0, %mul3A_515 : i32
    %swap3A = arith.index_cast %mul3A_516 : i32 to index
    %swap3A_517 = arith.constant 0 : index
    %swap3A_518 = vector.load %arg24[%swap3A, %swap3A_517] : memref<4096x64xf32, #tpu.memory_space<vmem>>, vector<512x64xf32>
    tpu.vector_store %arg24[%swap3A, %swap3A_517], %add3A_514 {strides = array<i32>} : memref<4096x64xf32, #tpu.memory_space<vmem>>, vector<512x64xf32>,
    %eq3A_519 = arith.constant 7 : i32
    %eq3A_520 = arith.cmpi eq, %arg0, %eq3A_519 : i32
    %convert_element_type3A_521 = arith.extui %eq3A_520 : i1 to i32
    %cond3A = arith.constant 0 : i32
    %cond3A_522 = arith.cmpi ne, %convert_element_type3A_521, %cond3A : i32
    scf.if %cond3A_522 {
      %get3A_523 = arith.constant 0 : index
      %get3A_524 = arith.constant 0 : index
      %get3A_525 = vector.load %arg24[%get3A_523, %get3A_524] : memref<4096x64xf32, #tpu.memory_space<vmem>>, vector<4096x64xf32>
      %reduce_sum3A_526 = arith.constant dense<0.000000e+00> : vector<64xf32>
      %reduce_sum3A_527 = vector.multi_reduction <add>, %get3A_525, %reduce_sum3A_526 [0] : vector<4096x64xf32> to vector<64xf32>
      %broadcast_in_dim3A_528 = vector.shape_cast %reduce_sum3A_527 : vector<64xf32> to vector<1x64xf32>
      %div3A_529 = arith.constant 4.096000e+03 : f32
      %div3A_530 = vector.broadcast %div3A_529 : f32 to vector<1x64xf32>
      %div3A_531 = arith.divf %broadcast_in_dim3A_528, %div3A_530 : vector<1x64xf32>
      %sub3A_532 = vector.broadcast %div3A_531 : vector<1x64xf32> to vector<4096x64xf32>
      %sub3A_533 = arith.subf %get3A_525, %sub3A_532 : vector<4096x64xf32>
      %sub3A_534 = vector.broadcast %div3A_531 : vector<1x64xf32> to vector<4096x64xf32>
      %sub3A_535 = arith.subf %get3A_525, %sub3A_534 : vector<4096x64xf32>
      %mul3A_536 = arith.mulf %sub3A_533, %sub3A_535 : vector<4096x64xf32>
      %reduce_sum3A_537 = arith.constant dense<0.000000e+00> : vector<64xf32>
      %reduce_sum3A_538 = vector.multi_reduction <add>, %mul3A_536, %reduce_sum3A_537 [0] : vector<4096x64xf32> to vector<64xf32>
      %broadcast_in_dim3A_539 = vector.shape_cast %reduce_sum3A_538 : vector<64xf32> to vector<1x64xf32>
      %div3A_540 = arith.constant 4.096000e+03 : f32
      %div3A_541 = vector.broadcast %div3A_540 : f32 to vector<1x64xf32>
      %div3A_542 = arith.divf %broadcast_in_dim3A_539, %div3A_541 : vector<1x64xf32>
      %sub3A_543 = vector.broadcast %div3A_531 : vector<1x64xf32> to vector<4096x64xf32>
      %sub3A_544 = arith.subf %get3A_525, %sub3A_543 : vector<4096x64xf32>
      %add3A_545 = arith.constant 9.99999974E-6 : f32
      %add3A_546 = vector.broadcast %add3A_545 : f32 to vector<1x64xf32>
      %add3A_547 = arith.addf %div3A_542, %add3A_546 : vector<1x64xf32>
      %rsqrt3A_548 = math.rsqrt %add3A_547 : vector<1x64xf32>
      %mul3A_549 = vector.broadcast %rsqrt3A_548 : vector<1x64xf32> to vector<4096x64xf32>
      %mul3A_550 = arith.mulf %sub3A_544, %mul3A_549 : vector<4096x64xf32>
      %get3A_551 = arith.constant 0 : index
      %get3A_552 = arith.constant 0 : index
      %get3A_553 = vector.load %arg22[%get3A_551, %get3A_552] : memref<1x64xf32, #tpu.memory_space<vmem>>, vector<1x64xf32>
      %mul3A_554 = vector.broadcast %get3A_553 : vector<1x64xf32> to vector<4096x64xf32>
      %mul3A_555 = arith.mulf %mul3A_550, %mul3A_554 : vector<4096x64xf32>
      %get3A_556 = arith.constant 0 : index
      %get3A_557 = arith.constant 0 : index
      %get3A_558 = vector.load %arg23[%get3A_556, %get3A_557] : memref<1x64xf32, #tpu.memory_space<vmem>>, vector<1x64xf32>
      %add3A_559 = vector.broadcast %get3A_558 : vector<1x64xf32> to vector<4096x64xf32>
      %add3A_560 = arith.addf %mul3A_555, %add3A_559 : vector<4096x64xf32>
      %max3A_561 = arith.constant 0.000000e+00 : f32
      %max3A_562 = vector.broadcast %max3A_561 : f32 to vector<4096x64xf32>
      %max3A_563 = arith.maximumf %add3A_560, %max3A_562 : vector<4096x64xf32>
      %swap3A_564 = arith.constant 0 : index
      %swap3A_565 = arith.constant 0 : index
      %swap3A_566 = vector.load %arg24[%swap3A_564, %swap3A_565] : memref<4096x64xf32, #tpu.memory_space<vmem>>, vector<4096x64xf32>
      tpu.vector_store %arg24[%swap3A_564, %swap3A_565], %max3A_563 {strides = array<i32>} : memref<4096x64xf32, #tpu.memory_space<vmem>>, vector<4096x64xf32>,
    } else {
    }
    return
  }
  func.func @transform_0(%arg0: i32) -> (i32, i32, i32) {
    %c0_i32 = arith.constant 0 : i32
    %c0_i32_0 = arith.constant 0 : i32
    %c0_i32_1 = arith.constant 0 : i32
    return %c0_i32, %arg0, %c0_i32_0 : i32, i32, i32
  }
  func.func @transform_1(%arg0: i32) -> (i32, i32) {
    %c0_i32 = arith.constant 0 : i32
    %c0_i32_0 = arith.constant 0 : i32
    return %arg0, %c0_i32 : i32, i32
  }
  func.func @transform_2(%arg0: i32) -> (i32, i32) {
    %c0_i32 = arith.constant 0 : i32
    %c0_i32_0 = arith.constant 0 : i32
    return %arg0, %c0_i32 : i32, i32
  }
  func.func @transform_3(%arg0: i32) -> (i32, i32) {
    %c0_i32 = arith.constant 0 : i32
    %c0_i32_0 = arith.constant 0 : i32
    %c0_i32_1 = arith.constant 0 : i32
    return %c0_i32, %c0_i32_0 : i32, i32
  }
  func.func @transform_4(%arg0: i32) -> (i32, i32) {
    %c0_i32 = arith.constant 0 : i32
    %c0_i32_0 = arith.constant 0 : i32
    %c0_i32_1 = arith.constant 0 : i32
    return %c0_i32, %c0_i32_0 : i32, i32
  }
  func.func @transform_5(%arg0: i32) -> (i32, i32) {
    %c0_i32 = arith.constant 0 : i32
    %c0_i32_0 = arith.constant 0 : i32
    %c0_i32_1 = arith.constant 0 : i32
    return %c0_i32, %c0_i32_0 : i32, i32
  }
  func.func @transform_6(%arg0: i32) -> (i32, i32) {
    %c0_i32 = arith.constant 0 : i32
    %c0_i32_0 = arith.constant 0 : i32
    %c0_i32_1 = arith.constant 0 : i32
    return %c0_i32, %c0_i32_0 : i32, i32
  }
  func.func @transform_7(%arg0: i32) -> (i32, i32) {
    %c0_i32 = arith.constant 0 : i32
    %c0_i32_0 = arith.constant 0 : i32
    %c0_i32_1 = arith.constant 0 : i32
    return %c0_i32, %c0_i32_0 : i32, i32
  }
  func.func @transform_8(%arg0: i32) -> (i32, i32) {
    %c0_i32 = arith.constant 0 : i32
    %c0_i32_0 = arith.constant 0 : i32
    %c0_i32_1 = arith.constant 0 : i32
    return %c0_i32, %c0_i32_0 : i32, i32
  }
  func.func @transform_9(%arg0: i32) -> (i32, i32) {
    %c0_i32 = arith.constant 0 : i32
    %c0_i32_0 = arith.constant 0 : i32
    %c0_i32_1 = arith.constant 0 : i32
    return %c0_i32, %c0_i32_0 : i32, i32
  }
  func.func @transform_10(%arg0: i32) -> (i32, i32) {
    %c0_i32 = arith.constant 0 : i32
    %c0_i32_0 = arith.constant 0 : i32
    %c0_i32_1 = arith.constant 0 : i32
    return %c0_i32, %c0_i32_0 : i32, i32
  }
  func.func @transform_11(%arg0: i32) -> (i32, i32) {
    %c0_i32 = arith.constant 0 : i32
    %c0_i32_0 = arith.constant 0 : i32
    %c0_i32_1 = arith.constant 0 : i32
    return %c0_i32, %c0_i32_0 : i32, i32
  }
  func.func @transform_12(%arg0: i32) -> (i32, i32) {
    %c0_i32 = arith.constant 0 : i32
    %c0_i32_0 = arith.constant 0 : i32
    %c0_i32_1 = arith.constant 0 : i32
    return %c0_i32, %c0_i32_0 : i32, i32
  }
  func.func @transform_13(%arg0: i32) -> (i32, i32) {
    %c0_i32 = arith.constant 0 : i32
    %c0_i32_0 = arith.constant 0 : i32
    %c0_i32_1 = arith.constant 0 : i32
    return %c0_i32, %c0_i32_0 : i32, i32
  }
  func.func @transform_14(%arg0: i32) -> (i32, i32) {
    %c0_i32 = arith.constant 0 : i32
    %c0_i32_0 = arith.constant 0 : i32
    %c0_i32_1 = arith.constant 0 : i32
    return %c0_i32, %c0_i32_0 : i32, i32
  }
  func.func @transform_15(%arg0: i32) -> (i32, i32) {
    %c0_i32 = arith.constant 0 : i32
    %c0_i32_0 = arith.constant 0 : i32
    %c0_i32_1 = arith.constant 0 : i32
    return %c0_i32, %c0_i32_0 : i32, i32
  }
  func.func @transform_16(%arg0: i32) -> (i32, i32) {
    %c0_i32 = arith.constant 0 : i32
    %c0_i32_0 = arith.constant 0 : i32
    %c0_i32_1 = arith.constant 0 : i32
    return %c0_i32, %c0_i32_0 : i32, i32
  }
  func.func @transform_17(%arg0: i32) -> (i32, i32) {
    %c0_i32 = arith.constant 0 : i32
    %c0_i32_0 = arith.constant 0 : i32
    %c0_i32_1 = arith.constant 0 : i32
    return %c0_i32, %c0_i32_0 : i32, i32
  }
  func.func @transform_18(%arg0: i32) -> (i32, i32) {
    %c0_i32 = arith.constant 0 : i32
    %c0_i32_0 = arith.constant 0 : i32
    %c0_i32_1 = arith.constant 0 : i32
    return %c0_i32, %c0_i32_0 : i32, i32
  }
  func.func @transform_19(%arg0: i32) -> (i32, i32) {
    %c0_i32 = arith.constant 0 : i32
    %c0_i32_0 = arith.constant 0 : i32
    %c0_i32_1 = arith.constant 0 : i32
    return %c0_i32, %c0_i32_0 : i32, i32
  }
  func.func @transform_20(%arg0: i32) -> (i32, i32) {
    %c0_i32 = arith.constant 0 : i32
    %c0_i32_0 = arith.constant 0 : i32
    %c0_i32_1 = arith.constant 0 : i32
    return %c0_i32, %c0_i32_0 : i32, i32
  }
  func.func @transform_21(%arg0: i32) -> (i32, i32) {
    %c0_i32 = arith.constant 0 : i32
    %c0_i32_0 = arith.constant 0 : i32
    %c0_i32_1 = arith.constant 0 : i32
    return %c0_i32, %c0_i32_0 : i32, i32
  }
  func.func @transform_22(%arg0: i32) -> (i32, i32) {
    %c0_i32 = arith.constant 0 : i32
    %c0_i32_0 = arith.constant 0 : i32
    %c0_i32_1 = arith.constant 0 : i32
    return %c0_i32, %c0_i32_0 : i32, i32
  }
  func.func @transform_23(%arg0: i32) -> (i32, i32) {
    %c0_i32 = arith.constant 0 : i32
    %c0_i32_0 = arith.constant 0 : i32
    %c0_i32_1 = arith.constant 0 : i32
    return %c0_i32, %c0_i32_0 : i32, i32
  }
}

</mosaic_0001>

<sc_bundles>
// kernel: kernel.5.cloned.1.call-start
scs
__scs_entry_jumppad:
0x0: {  	(pc) =	sbr.rel $0x88, $3  }
0x1: {  	(tag) =	ssettag $0x0;
	lr =	simm.s32 $0x1  }
0x2: {  	[smem:$0x3F85] =	sst lr;
	_ =	strace $0xD0000000  }
0x3: {  	_ = 	snop  }
0x4: {  	_ = 	snop  }
0x5: {  	_ = 	snop  }
0x6: {  	_ = 	snop  }
0x7: {  	_ = 	snop  }
__scs_overlays_trampoline_lowered:
0x8: {  	[smem:$0x3F94] =	sst s0  }
0x9: {  	[smem:$0x3F95] =	sst s1  }
0xa: {  	[smem:$0x3F96] =	sst s2  }
0xb: {  	[smem:$0x3F97] =	sst s3  }
0xc: {  	[smem:$0x3F98] =	sst s4  }
0xd: {  	[smem:$0x3F99] =	sst s5  }
0xe: {  	[smem:$0x3F9A] =	sst s6  }
0xf: {  	[smem:$0x3F9B] =	sst s7  }
0x10: {  	[smem:$0x3F9C] =	sst s8  }
0x11: {  	[smem:$0x3F9D] =	sst s9;
	s0 =	simm.s32 @!p0 $0x0  }
0x12: {  	s1 =	sld [smem:$0x3F83];
	s0 =	simm.s32 @p0 $0x1  }
0x13: {  	[smem:$0x3F9E] =	sst s0;
	s0 =	simm.s32 @!p1 $0x0  }
0x14: {  	s2 =	sld [smem:$0x3F82];
	s0 =	simm.s32 @p1 $0x1  }
0x15: {  	[smem:$0x3F9F] =	sst s0;
	s0 =	simm.s32 @!p2 $0x0  }
0x16: {  	s3 =	sld [smem:$0x3FDB];
	s0 =	simm.s32 @p2 $0x1  }
0x17: {  	s4 =	simm.s32 $0x1BF5;
	[smem:$0x3FA1] =	sst s0  }
0x18: {  	s0 =	sld [smem:$0x3F84];
	_ =	swait.ge [sflag:s4], $0x0  }
0x19: {  	s7 =	sld [smem:$0x3F85]  }
0x1a: {  	s8 =	sadd.s32 $0xFFFFE003, lr  }
0x1b: {  	s9 =	sadd.s32 $0xFFFFFEF7, lr;
	s5 =	simm.s32 $0xFFFFFFFF;
	p2 =	slt.u32 s8, $0xFFFFF086  }
0x1c: {  	p1 =	slt.u32 s9, $0xF7A;
	s5 =	simm.s32 @!p2 $0x0  }
0x1d: {  	s5 =	simm.s32 @p1 $0x1;
	p0 =	seq.s32 s7, s2  }
0x1e: {  	s7 =	smul.u32 @!p0 $0xF7A, s2;
	p2 =	seq.s32 @!p0 s5, $0x0  }
0x1f: {  	s9 =	smul.u32 $0xF7A, s1;
	s8 =	simm.s32 @!p0 $0x1BF5;
	p2 =	por !p2, p0  }
0x20: {  	[sflag:s8] =	ssyncset.s32 @!p0 $0xFFFFF086;
	s6 =	sadd.s32 @!p0 s3, s7;
	s7 =	simm.s32 @!p0 $0x108  }
0x21: {  	s3 =	sadd.s32 s3, s9;
	s6 =	sadd.s32 @!p0 $0x88, s6;
	s7 =	simm.s32 @p2 $0x1082  }
0x22: {  	[simem:s7], [sflag:s8] =	dma.local @!p0 [hbm:s6], $0xF7A  }
0x23: {  	s9 =	sor.u32 $0xD0000000, s2;
	s6 =	simm.s32 $0x108;
	_ =	swait.ge @!p0 [sflag:s8], $0x0  }
0x24: {  	s3 =	sadd.s32 $0x88, s3;
	s6 =	simm.s32 @!p1 $0x1082;
	[sflag:s4] =	ssyncset.s32 $0xFFFFF086  }
0x25: {  	[simem:s6], [sflag:s4] =	dma.local [hbm:s3], $0xF7A  }
0x26: {  	[smem:$0x3F85] =	sst s1;
	(tag) =	ssettag s2;
	_ =	strace s9  }
0x27: {  	s1 =	sld [smem:$0x3F95]  }
0x28: {  	s2 =	sld [smem:$0x3F96]  }
0x29: {  	s4 =	sld [smem:$0x3F98]  }
0x2a: {  	p0 =	seq.s32 s5, $0x0;
	s5 =	sld [smem:$0x3F99]  }
0x2b: {  	s6 =	sld [smem:$0x3F9A]  }
0x2c: {  	s7 =	sld [smem:$0x3F9B]  }
0x2d: {  	s3 =	simm.s32 $0x108;
	s8 =	sld [smem:$0x3F9C]  }
0x2e: {  	s3 =	simm.s32 @!p0 $0x1082;
	s9 =	sld [smem:$0x3F9D]  }
0x2f: {  	lr =	sadd.s32 s0, s3;
	s0 =	sld [smem:$0x3F94]  }
0x30: {  	s3 =	sld [smem:$0x3F97]  }
0x31: {  	[smem:$0x3FA0] =	sst s10  }
0x32: {  	s10 =	sld [smem:$0x3F9E];
	_ =	sdelay $0x3  }
0x33: {  	p0 =	seq.s32 s10, $0x1;
	s10 =	sld [smem:$0x3FA0];
	_ =	sdelay $0x3  }
0x34: {  	[smem:$0x3FA0] =	sst s10  }
0x35: {  	s10 =	sld [smem:$0x3F9F];
	_ =	sdelay $0x3  }
0x36: {  	p1 =	seq.s32 s10, $0x1;
	s10 =	sld [smem:$0x3FA0];
	_ =	sdelay $0x3  }
0x37: {  	[smem:$0x3FA0] =	sst s10  }
0x38: {  	s10 =	sld [smem:$0x3FA1]  }
0x39: {  	_ = 	snop;
	(pc) =	sbr.ind lr, $3  }
0x3a: {  	_ = 	snop  }
0x3b: {  	_ = 	snop  }
0x3c: {  	p2 =	seq.s32 s10, $0x1;
	s10 =	sld [smem:$0x3FA0]  }
0x3d: {  	_ =	shalt  }
0x3e: {  	_ =	shalt  }
0x3f: {  	_ =	shalt  }
0x40: {  	_ =	shalt  }
0x41: {  	_ =	shalt  }
0x42: {  	_ =	shalt  }
0x43: {  	_ =	shalt  }
0x44: {  	_ =	shalt  }
0x45: {  	_ =	shalt  }
0x46: {  	_ =	shalt  }
0x47: {  	_ =	shalt  }
0x48: {  	_ =	shalt  }
0x49: {  	_ =	shalt  }
0x4a: {  	_ =	shalt  }
0x4b: {  	_ =	shalt  }
0x4c: {  	_ =	shalt  }
0x4d: {  	_ =	shalt  }
0x4e: {  	_ =	shalt  }
0x4f: {  	_ =	shalt  }
0x50: {  	_ =	shalt  }
0x51: {  	_ =	shalt  }
0x52: {  	_ =	shalt  }
0x53: {  	_ =	shalt  }
0x54: {  	_ =	shalt  }
0x55: {  	_ =	shalt  }
0x56: {  	_ =	shalt  }
0x57: {  	_ =	shalt  }
0x58: {  	_ =	shalt  }
0x59: {  	_ =	shalt  }
0x5a: {  	_ =	shalt  }
0x5b: {  	_ =	shalt  }
0x5c: {  	_ =	shalt  }
0x5d: {  	_ =	shalt  }
0x5e: {  	_ =	shalt  }
0x5f: {  	_ =	shalt  }
0x60: {  	_ =	shalt  }
0x61: {  	_ =	shalt  }
0x62: {  	_ =	shalt  }
0x63: {  	_ =	shalt  }
0x64: {  	_ =	shalt  }
0x65: {  	_ =	shalt  }
0x66: {  	_ =	shalt  }
0x67: {  	_ =	shalt  }
0x68: {  	_ =	shalt  }
0x69: {  	_ =	shalt  }
0x6a: {  	_ =	shalt  }
0x6b: {  	_ =	shalt  }
0x6c: {  	_ =	shalt  }
0x6d: {  	_ =	shalt  }
0x6e: {  	_ =	shalt  }
0x6f: {  	_ =	shalt  }
0x70: {  	_ =	shalt  }
0x71: {  	_ =	shalt  }
0x72: {  	_ =	shalt  }
0x73: {  	_ =	shalt  }
0x74: {  	_ =	shalt  }
0x75: {  	_ =	shalt  }
0x76: {  	_ =	shalt  }
0x77: {  	_ =	shalt  }
0x78: {  	_ =	shalt  }
0x79: {  	_ =	shalt  }
0x7a: {  	_ =	shalt  }
0x7b: {  	_ =	shalt  }
0x7c: {  	_ =	shalt  }
0x7d: {  	_ =	shalt  }
0x7e: {  	_ =	shalt  }
0x7f: {  	_ =	shalt  }
0x80: {  	_ =	shalt  }
0x81: {  	_ =	shalt  }
0x82: {  	_ =	shalt  }
0x83: {  	_ =	shalt  }
0x84: {  	_ =	shalt  }
0x85: {  	_ =	shalt  }
0x86: {  	_ =	shalt  }
0x87: {  	_ =	shalt  }
.Lfunc_end0:
.L_simem_size_0:
called_computation_lowered:
.L_overlay_start_0:
0x88: {  	s2 =	sld [smem:$0x3FD9]  }
0x89: {  	s3 =	sld [smem:$0x3FFE];
	_ =	sdelay $0x1  }
0x8a: {  	s1 =	srdreg.scid  }
0x8b: {  	s0 =	sand.u32 $0x1, s1  }
0x8c: {  	s17 =	sshll.u32 s0, $0xA;
	s2 =	sadd.s32 s3, s2  }
0x8d: {  	s2 =	sadd.s32 s2, s17  }
0x8e: {  	[smem:$0x3FAC] =	sst s2  }
0x8f: {  	_ = 	snop  }
0x90: {  	s2 =	sld [smem:$0x3FD0];
	(tm) =	ssettm $0x1  }
0x91: {  	s18 =	sld [smem:$0x3FFB];
	_ =	sdelay $0x3  }
0x92: {  	_ =	strace s18  }
0x93: {  	s3 =	sld [smem:$0x3FFC];
	_ =	sdelay $0x3  }
0x94: {  	_ =	strace s3  }
0x95: {  	s3 =	sld [smem:$0x3FFD];
	_ =	sdelay $0x3  }
0x96: {  	_ =	strace s3  }
0x97: {  	_ =	strace $0x8FFFFFFF  }
0x98: {  	s19 =	sld [smem:$0x3FDB];
	_ =	sdelay $0x1  }
0x99: {  	s4 =	simm.s32 $_scs_section_size  }
0x9a: {  	s5 =	simm.s32 $_size__tile_overlayer_lowered;
	s6 =	simm.s32 $_tile_overlayer_lowered  }
0x9b: {  	s22 =	simm.s32 $0x1BFF;
	s21 =	sshll.u32 s6, $0x1;
	s3 =	sadd.s32 s4, s19  }
0x9c: {  	s7 =	simm.s32 $0x0;
	s20 =	sshll.u32 s5, $0x1;
	s5 =	sadd.s32 s21, s3  }
0x9d: {  	[timem:s7], [sflag:s22] =	dma.local [hbm:s5], s20  }
0x9e: {  	_ =	swait.ge [sflag:s22], s20  }
0x9f: {  	s4 =	ssub.s32 $0x0, s20;
	[sflag:s22] =	ssyncset.done $0x0  }
0xa0: {  	[sflag:s22] =	ssyncadd.s32 s4;
	_ =	sdelay $0x1  }
0xa1: {  	s23 =	simm.s32 $0x1B8B  }
0xa2: {  	_ =	swait.ge [sflag:s23], $0x1  }
0xa3: {  	[sflag:s23] =	ssyncset.done $0x0  }
0xa4: {  	s25 =	simm.s32 $0x1B8E;
	s24 =	sld [smem:$0x3FFE];
	[sflag:s23] =	ssyncadd.s32 $0xFFFFFFFF  }
0xa5: {  	s26 =	simm.s32 $execute0_lowered;
	[smem:$0x3FD2] =	sst s25  }
0xa6: {  	s5 =	sshll.u32 s26, $0x1;
	_ =	strace $0x80000046;
	[dreg:$0x1] =	wrdreg $0xFFFFFFFF  }
0xa7: {  	s28 =	simm.s32 $_size_execute0_lowered;
	s3 =	sadd.s32 s3, s5;
	[dreg:$0x0] =	wrdreg $0x0  }
0xa8: {  	s5 =	sshll.u32 s28, $0x1;
	[dreg:$0x2] =	wrdreg s3  }
0xa9: {  	[dreg:$0x3] =	wrdreg s5  }
0xaa: {  	[dreg:$0x4] =	wrdreg $0xC0  }
0xab: {  	_ =	task [dreg:s7], $0x5FFFF  }
0xac: {  	[dreg:$0x1] =	wrdreg $0xFFFFFFFF  }
0xad: {  	[dreg:$0x0] =	wrdreg $0x60  }
0xae: {  	[dreg:$0x2] =	wrdreg s24  }
0xaf: {  	[dreg:$0x3] =	wrdreg s2  }
0xb0: {  	[dreg:$0x4] =	wrdreg $0x110000  }
0xb1: {  	[dreg:$0x5] =	wrdreg $0x9  }
0xb2: {  	_ =	task.clear_ibuf [dreg:s7], $0x6FFFF;
	_ =	strace $0x90000046  }
0xb3: {  	s29 =	simm.s32 $0x9;
	_ =	strace $0x80000048  }
0xb4: {  	_ =	swait.ge [sflag:s29], $0x1  }
0xb5: {  	[sflag:s29] =	ssyncadd.s32 $0xFFFFFFFF  }
0xb6: {  	_ =	strace $0x90000048  }
0xb7: {  	_ =	sfence  }
0xb8: {  	s30 =	sld [smem:$0x0];
	_ =	sdelay $0x2  }
0xb9: {  	s31 =	sshll.u32 s1, $0xD;
	s1 =	sshrl.u32 s1, $0x2  }
0xba: {  	s3 =	sand.u32 $0x4000, s31;
	s1 =	sadd.s32 s1, s30  }
0xbb: {  	s0 =	sor.u32 s3, s0;
	s1 =	sshll.u32 s1, $0x11  }
0xbc: {  	s0 =	sor.u32 s1, s0  }
0xbd: {  	s0 =	sadd.s32 $0x8F2B, s0  }
0xbe: {  	[sflag:s0] =	ssyncadd.remote.s32 $0x1  }
0xbf: {  	_ =	sfence.sel $0xFFFF  }
0xc0: {  	[dreg:$0x0] =	wrdreg $0xFFFFFFFF;
	(pc) =	sbr.abs _section_cstart, $3  }
0xc1: {  	[dreg:$0x1] =	wrdreg $0xFFFFFFFF  }
0xc2: {  	_ =	task.clear_ibuf [dreg:s7], $0x2FFFF;
	_ =	strace $0x9FFFFFFF  }
0xc3: {  	(tm) =	ssettm $0x7FFFFFFF  }
tec
execute0_lowered:
.L_overlay_start_1:
0x0: {  	(tag) =	ssettag $0x1  }
0x1: {  	s4 =	rddreg [dreg:$0x0]  }
0x2: {  	s5 =	rddreg [dreg:$0x1]  }
0x3: {  	s2 =	rddreg [dreg:$0x2];
	s1 =	stileid.u32  }
0x4: {  	s3 =	simm.s32 $0x0;
	s0 =	srdreg.scid;
	s6 =	smul.u32 $0x1080, s1  }
0x5: {  	[smem:$0x7FF] =	sst s3;
	s0 =	sand.u32 $0x1, s0;
	s7 =	sshll.u32 s1, $0x1  }
0x6: {  	s9 =	sshll.u32 s1, $0x6;
	_ =	strace $0x80000047;
	s7 =	sor.u32 s0, s7  }
0x7: {  	s26 =	sor.u32 $0x1C03, s9;
	s6 =	sadd.s32 s6, s4;
	s8 =	sshll.u32 s7, $0xF  }
0x8: {  	s7 =	sshll.u32 s7, $0x9;
	[dreg:$0x5] =	wrdreg s26;
	s6 =	sadd.s32 $0x4200, s6  }
0x9: {  	s4 =	sadd.s32 s8, s4;
	s5 =	sadd.s32 s5, s7;
	[dreg:$0x4] =	wrdreg s6  }
0xa: {  	[dreg:$0x6] =	wrdreg s5;
	s8 =	sadd.s32 $0x14A00, s4  }
0xb: {  	s9 =	sadd.s32 $0x14E00, s4;
	[dreg:$0x7] =	wrdreg s8  }
0xc: {  	s10 =	sadd.s32 $0x15200, s4;
	[dreg:$0x8] =	wrdreg s9  }
0xd: {  	s11 =	sadd.s32 $0x15600, s4;
	[dreg:$0x9] =	wrdreg s10  }
0xe: {  	s12 =	sadd.s32 $0x15A00, s4;
	[dreg:$0xa] =	wrdreg s11  }
0xf: {  	s13 =	sadd.s32 $0x15E00, s4;
	[dreg:$0xb] =	wrdreg s12  }
0x10: {  	s14 =	sadd.s32 $0x16200, s4;
	[dreg:$0xc] =	wrdreg s13  }
0x11: {  	s15 =	sadd.s32 $0x16600, s4;
	[dreg:$0xd] =	wrdreg s14  }
0x12: {  	s16 =	sadd.s32 $0x16A00, s4;
	[dreg:$0xe] =	wrdreg s15  }
0x13: {  	s17 =	sadd.s32 $0x16E00, s4;
	[dreg:$0xf] =	wrdreg s16  }
0x14: {  	s18 =	sadd.s32 $0x17200, s4;
	[dreg:$0x10] =	wrdreg s17  }
0x15: {  	s19 =	sadd.s32 $0x17600, s4;
	[dreg:$0x11] =	wrdreg s18  }
0x16: {  	s20 =	sadd.s32 $0x17A00, s4;
	[dreg:$0x12] =	wrdreg s19  }
0x17: {  	s21 =	sadd.s32 $0x17E00, s4;
	[dreg:$0x13] =	wrdreg s20  }
0x18: {  	s22 =	sadd.s32 $0x18200, s4;
	[dreg:$0x14] =	wrdreg s21  }
0x19: {  	s23 =	sadd.s32 $0x18600, s4;
	[dreg:$0x15] =	wrdreg s22  }
0x1a: {  	s24 =	sadd.s32 $0x18A00, s4;
	[dreg:$0x16] =	wrdreg s23  }
0x1b: {  	s25 =	sadd.s32 $0x18E00, s4;
	[dreg:$0x17] =	wrdreg s24  }
0x1c: {  	s26 =	sadd.s32 $0x19200, s4;
	[dreg:$0x18] =	wrdreg s25  }
0x1d: {  	s6 =	sadd.s32 $0x19600, s4;
	[dreg:$0x19] =	wrdreg s26  }
0x1e: {  	s7 =	sadd.s32 $0x19A00, s4;
	[dreg:$0x1a] =	wrdreg s6  }
0x1f: {  	s5 =	simm.s32 $0x480;
	[dreg:$0x1b] =	wrdreg s7  }
0x20: {  	s8 =	sadd.s32 $0x19E00, s4;
	[smem:$0x7EF] =	sst s5  }
0x21: {  	s9 =	sadd.s32 $0x1A200, s4;
	[dreg:$0x1c] =	wrdreg s8  }
0x22: {  	s10 =	sadd.s32 $0x1A600, s4;
	[dreg:$0x1d] =	wrdreg s9  }
0x23: {  	s11 =	sadd.s32 $0x1AA00, s4;
	[dreg:$0x1e] =	wrdreg s10  }
0x24: {  	s12 =	sadd.s32 $0x1AE00, s4;
	[dreg:$0x1f] =	wrdreg s11  }
0x25: {  	s13 =	sadd.s32 $0x1B200, s4;
	[smem:$0x7F7] =	sst s12  }
0x26: {  	s14 =	sadd.s32 $0x1B600, s4;
	[smem:$0x7F8] =	sst s13  }
0x27: {  	s16 =	sadd.s32 $0x1BA00, s4;
	[smem:$0x7F9] =	sst s14  }
0x28: {  	s17 =	sadd.s32 $0x1BE00, s4;
	[smem:$0x7FA] =	sst s16  }
0x29: {  	s18 =	sadd.s32 $0x1C200, s4;
	[smem:$0x7FB] =	sst s17  }
0x2a: {  	s4 =	sadd.s32 $0x1C600, s4;
	[smem:$0x7FC] =	sst s18  }
0x2b: {  	s20 =	simm.s32 $0x80;
	[smem:$0x7FD] =	sst s4  }
0x2c: {  	s21 =	simm.s32 $0x100;
	[smem:$0x7E7] =	sst s20  }
0x2d: {  	s22 =	simm.s32 $0x180;
	[smem:$0x7E8] =	sst s21  }
0x2e: {  	s23 =	simm.s32 $0x200;
	[smem:$0x7E9] =	sst s22  }
0x2f: {  	s24 =	simm.s32 $0x280;
	[smem:$0x7EA] =	sst s23  }
0x30: {  	s25 =	simm.s32 $0x300;
	[smem:$0x7EB] =	sst s24  }
0x31: {  	s26 =	simm.s32 $0x380;
	[smem:$0x7EC] =	sst s25  }
0x32: {  	s15 =	smul.u32 $0x21000, s1;
	s1 =	simm.s32 $0x400;
	[smem:$0x7ED] =	sst s26  }
0x33: {  	s7 =	simm.s32 $0x580;
	[smem:$0x7EE] =	sst s1  }
0x34: {  	[smem:$0x7F1] =	sst s7  }
0x35: {  	s12 =	rddreg [dreg:$0x5]  }
0x36: {  	s8 =	simm.s32 $0x600;
	s14 =	rddreg [dreg:$0x4]  }
0x37: {  	s9 =	simm.s32 $0x680;
	[smem:$0x7F2] =	sst s8  }
0x38: {  	s10 =	simm.s32 $0x700;
	s6 =	sshrl.u32 s15, $0x2;
	[smem:$0x7F3] =	sst s9  }
0x39: {  	s13 =	simm.s32 $0x780;
	[smem:$0x7F4] =	sst s10;
	s6 =	sadd.s32 s6, s2  }
0x3a: {  	[smem:$0x7F5] =	sst s13;
	s19 =	sshrl.u32 s6, $0x3  }
0x3b: {  	[smem:$0x7E6] =	sst s19  }
0x3c: {  	s15 =	simm.s32 $0x800;
	s11 =	sld [smem:$0x7E6]  }
0x3d: {  	[smem:$0x7F6] =	sst s15;
	s6 =	simm.s32 $0x500  }
0x3e: {  	s4 =	simm.s32 $0x3;
	[smem:$0x7F0] =	sst s6  }
0x3f: {  	[spmem:s11], [sflag:s12] =	dma.local [hbm:s14], $0x1080  }
0x40: {  	_ =	swait.ge [sflag:s4], $0x1080  }
0x41: {  	[sflag:s4] =	ssyncset.done $0x0  }
0x42: {  	s16 =	rddreg [dreg:$0x6];
	[sflag:s4] =	ssyncadd.s32 $0xFFFFEF80  }
0x43: {  	[tilespmem:s3], [sflag:$0x3] =	stream.linear.gather [hbm4b:s16+s3], $0x1000, $0x38;
	[tilespmem:$0x19400] =	vst v63  }
0x44: {  	_ =	swait.ge [sflag:s4], $0x1000  }
0x45: {  	[sflag:s4] =	ssyncset.done $0x0  }
0x46: {  	[sflag:s4] =	ssyncadd.s32 $0xFFFFF000  }
0x47: {  	[bflag:$0x0] =	sbarrier.arrive $0xFFFF  }
0x48: {  	s5 =	simm.s32 $0x40;
	s6 =	simm.s32 $0x1000;
	s17 =	sld [smem:$0x7E7]  }
0x49: {  	[tilespmem:s6], [sflag:$0x1] =	stream.indirect.gather [spmem:s2], $0x80, s3, s5, $0xb8;
	[tilespmem:$0x19400] =	vst v63  }
0x4a: {  	s7 =	simm.s32 $0x3000;
	s18 =	sld [smem:$0x7E8]  }
0x4b: {  	[tilespmem:s7], [sflag:$0x1] =	stream.indirect.gather [spmem:s2], $0x80, s17, s5, $0xb8;
	[tilespmem:$0x19400] =	vst v63  }
0x4c: {  	s8 =	simm.s32 $0x5000;
	s11 =	sld [smem:$0x7E9]  }
0x4d: {  	[tilespmem:s8], [sflag:$0x1] =	stream.indirect.gather [spmem:s2], $0x80, s18, s5, $0xb8;
	[tilespmem:$0x19400] =	vst v63  }
0x4e: {  	s9 =	simm.s32 $0x7000;
	s10 =	simm.s32 $0x1  }
0x4f: {  	[tilespmem:s9], [sflag:$0x1] =	stream.indirect.gather [spmem:s2], $0x80, s11, s5, $0xb8;
	[tilespmem:$0x19400] =	vst v63  }
0x50: {  	_ =	swait.ge [sflag:s10], $0x2000  }
0x51: {  	[sflag:s10] =	ssyncset.done $0x0  }
0x52: {  	s19 =	rddreg [dreg:$0x7];
	[sflag:s10] =	ssyncadd.s32 $0xFFFFE000  }
0x53: {  	[hbm4b:s19+s3] =	stream.linear.scatter [tilespmem:s6], [sflag:$0x2], $0x2000, $0x38;
	[tilespmem:$0x19400] =	vst v63  }
0x54: {  	_ =	swait.ge [sflag:s10], $0x2000  }
0x55: {  	[sflag:s10] =	ssyncset.done $0x0  }
0x56: {  	s20 =	rddreg [dreg:$0x8];
	[sflag:s10] =	ssyncadd.s32 $0xFFFFE000  }
0x57: {  	[hbm4b:s20+s3] =	stream.linear.scatter [tilespmem:s7], [sflag:$0x2], $0x2000, $0x38;
	[tilespmem:$0x19400] =	vst v63  }
0x58: {  	_ =	swait.ge [sflag:s10], $0x2000  }
0x59: {  	[sflag:s10] =	ssyncset.done $0x0  }
0x5a: {  	s21 =	rddreg [dreg:$0x9];
	[sflag:s10] =	ssyncadd.s32 $0xFFFFE000  }
0x5b: {  	[hbm4b:s21+s3] =	stream.linear.scatter [tilespmem:s8], [sflag:$0x2], $0x2000, $0x38;
	[tilespmem:$0x19400] =	vst v63  }
0x5c: {  	_ =	swait.ge [sflag:s10], $0x2000  }
0x5d: {  	s22 =	rddreg [dreg:$0xa];
	[sflag:s10] =	ssyncset.done $0x0  }
0x5e: {  	s12 =	sld [smem:$0x7EA];
	[sflag:s10] =	ssyncadd.s32 $0xFFFFE000  }
0x5f: {  	[hbm4b:s22+s3] =	stream.linear.scatter [tilespmem:s9], [sflag:$0x2], $0x2000, $0x38;
	[tilespmem:$0x19400] =	vst v63  }
0x60: {  	s11 =	simm.s32 $0x9000;
	s13 =	sld [smem:$0x7EB]  }
0x61: {  	[tilespmem:s11], [sflag:$0x1] =	stream.indirect.gather [spmem:s2], $0x80, s12, s5, $0xb8;
	[tilespmem:$0x19400] =	vst v63  }
0x62: {  	s14 =	sld [smem:$0x7EC];
	s12 =	simm.s32 $0xB000  }
0x63: {  	[tilespmem:s12], [sflag:$0x1] =	stream.indirect.gather [spmem:s2], $0x80, s13, s5, $0xb8;
	[tilespmem:$0x19400] =	vst v63  }
0x64: {  	s15 =	sld [smem:$0x7ED];
	s13 =	simm.s32 $0xD000  }
0x65: {  	[tilespmem:s13], [sflag:$0x1] =	stream.indirect.gather [spmem:s2], $0x80, s14, s5, $0xb8;
	[tilespmem:$0x19400] =	vst v63  }
0x66: {  	s14 =	simm.s32 $0xF000  }
0x67: {  	[tilespmem:s14], [sflag:$0x1] =	stream.indirect.gather [spmem:s2], $0x80, s15, s5, $0xb8;
	[tilespmem:$0x19400] =	vst v63  }
0x68: {  	_ =	swait.ge [sflag:s10], $0x2000  }
0x69: {  	[sflag:s10] =	ssyncset.done $0x0  }
0x6a: {  	s23 =	rddreg [dreg:$0xb];
	[sflag:s10] =	ssyncadd.s32 $0xFFFFE000  }
0x6b: {  	[hbm4b:s23+s3] =	stream.linear.scatter [tilespmem:s11], [sflag:$0x2], $0x2000, $0x38;
	[tilespmem:$0x19400] =	vst v63  }
0x6c: {  	_ =	swait.ge [sflag:s10], $0x2000  }
0x6d: {  	[sflag:s10] =	ssyncset.done $0x0  }
0x6e: {  	s24 =	rddreg [dreg:$0xc];
	[sflag:s10] =	ssyncadd.s32 $0xFFFFE000  }
0x6f: {  	[hbm4b:s24+s3] =	stream.linear.scatter [tilespmem:s12], [sflag:$0x2], $0x2000, $0x38;
	[tilespmem:$0x19400] =	vst v63  }
0x70: {  	_ =	swait.ge [sflag:s10], $0x2000  }
0x71: {  	[sflag:s10] =	ssyncset.done $0x0  }
0x72: {  	s25 =	rddreg [dreg:$0xd];
	[sflag:s10] =	ssyncadd.s32 $0xFFFFE000  }
0x73: {  	[hbm4b:s25+s3] =	stream.linear.scatter [tilespmem:s13], [sflag:$0x2], $0x2000, $0x38;
	[tilespmem:$0x19400] =	vst v63  }
0x74: {  	_ =	swait.ge [sflag:s10], $0x2000  }
0x75: {  	[sflag:s10] =	ssyncset.done $0x0  }
0x76: {  	s15 =	simm.s32 $0x2;
	s16 =	rddreg [dreg:$0xe];
	[sflag:s10] =	ssyncadd.s32 $0xFFFFE000  }
0x77: {  	[hbm4b:s16+s3] =	stream.linear.scatter [tilespmem:s14], [sflag:$0x2], $0x2000, $0x38;
	[tilespmem:$0x19400] =	vst v63  }
0x78: {  	_ =	swait.ge [sflag:s15], $0x2000  }
0x79: {  	[sflag:s15] =	ssyncset.done $0x0  }
0x7a: {  	[sflag:s15] =	ssyncadd.s32 $0xFFFFE000  }
0x7b: {  	_ =	swait.ge [sflag:s15], $0x2000  }
0x7c: {  	[sflag:s15] =	ssyncset.done $0x0  }
0x7d: {  	[sflag:s15] =	ssyncadd.s32 $0xFFFFE000  }
0x7e: {  	_ =	swait.ge [sflag:s15], $0x2000  }
0x7f: {  	[sflag:s15] =	ssyncset.done $0x0  }
0x80: {  	[sflag:s15] =	ssyncadd.s32 $0xFFFFE000  }
0x81: {  	_ =	swait.ge [sflag:s15], $0x2000  }
0x82: {  	s26 =	sld [smem:$0x7EE]  }
0x83: {  	[sflag:s15] =	ssyncset.done $0x0  }
0x84: {  	s17 =	sld [smem:$0x7EF];
	[sflag:s15] =	ssyncadd.s32 $0xFFFFE000  }
0x85: {  	[tilespmem:s6], [sflag:$0x1] =	stream.indirect.gather [spmem:s2], $0x80, s26, s5, $0xb8;
	[tilespmem:$0x19400] =	vst v63  }
0x86: {  	s1 =	sld [smem:$0x7F0]  }
0x87: {  	[tilespmem:s7], [sflag:$0x1] =	stream.indirect.gather [spmem:s2], $0x80, s17, s5, $0xb8;
	[tilespmem:$0x19400] =	vst v63  }
0x88: {  	s18 =	sld [smem:$0x7F1]  }
0x89: {  	[tilespmem:s8], [sflag:$0x1] =	stream.indirect.gather [spmem:s2], $0x80, s1, s5, $0xb8;
	[tilespmem:$0x19400] =	vst v63  }
0x8a: {  	_ = 	snop  }
0x8b: {  	[tilespmem:s9], [sflag:$0x1] =	stream.indirect.gather [spmem:s2], $0x80, s18, s5, $0xb8;
	[tilespmem:$0x19400] =	vst v63  }
0x8c: {  	_ =	swait.ge [sflag:s10], $0x2000  }
0x8d: {  	[sflag:s10] =	ssyncset.done $0x0  }
0x8e: {  	s19 =	rddreg [dreg:$0xf];
	[sflag:s10] =	ssyncadd.s32 $0xFFFFE000  }
0x8f: {  	[hbm4b:s19+s3] =	stream.linear.scatter [tilespmem:s6], [sflag:$0x2], $0x2000, $0x38;
	[tilespmem:$0x19400] =	vst v63  }
0x90: {  	_ =	swait.ge [sflag:s10], $0x2000  }
0x91: {  	[sflag:s10] =	ssyncset.done $0x0  }
0x92: {  	s20 =	rddreg [dreg:$0x10];
	[sflag:s10] =	ssyncadd.s32 $0xFFFFE000  }
0x93: {  	[hbm4b:s20+s3] =	stream.linear.scatter [tilespmem:s7], [sflag:$0x2], $0x2000, $0x38;
	[tilespmem:$0x19400] =	vst v63  }
0x94: {  	_ =	swait.ge [sflag:s10], $0x2000  }
0x95: {  	[sflag:s10] =	ssyncset.done $0x0  }
0x96: {  	s21 =	rddreg [dreg:$0x11];
	[sflag:s10] =	ssyncadd.s32 $0xFFFFE000  }
0x97: {  	[hbm4b:s21+s3] =	stream.linear.scatter [tilespmem:s8], [sflag:$0x2], $0x2000, $0x38;
	[tilespmem:$0x19400] =	vst v63  }
0x98: {  	_ =	swait.ge [sflag:s10], $0x2000  }
0x99: {  	[sflag:s10] =	ssyncset.done $0x0  }
0x9a: {  	s22 =	rddreg [dreg:$0x12];
	[sflag:s10] =	ssyncadd.s32 $0xFFFFE000  }
0x9b: {  	[hbm4b:s22+s3] =	stream.linear.scatter [tilespmem:s9], [sflag:$0x2], $0x2000, $0x38;
	[tilespmem:$0x19400] =	vst v63  }
0x9c: {  	_ =	swait.ge [sflag:s15], $0x2000  }
0x9d: {  	[sflag:s15] =	ssyncset.done $0x0  }
0x9e: {  	[sflag:s15] =	ssyncadd.s32 $0xFFFFE000  }
0x9f: {  	_ =	swait.ge [sflag:s15], $0x2000  }
0xa0: {  	[sflag:s15] =	ssyncset.done $0x0  }
0xa1: {  	[sflag:s15] =	ssyncadd.s32 $0xFFFFE000  }
0xa2: {  	_ =	swait.ge [sflag:s15], $0x2000  }
0xa3: {  	[sflag:s15] =	ssyncset.done $0x0  }
0xa4: {  	[sflag:s15] =	ssyncadd.s32 $0xFFFFE000  }
0xa5: {  	_ =	swait.ge [sflag:s15], $0x2000  }
0xa6: {  	s23 =	sld [smem:$0x7F2]  }
0xa7: {  	[sflag:s15] =	ssyncset.done $0x0  }
0xa8: {  	s24 =	sld [smem:$0x7F3];
	[sflag:s15] =	ssyncadd.s32 $0xFFFFE000  }
0xa9: {  	[tilespmem:s11], [sflag:$0x1] =	stream.indirect.gather [spmem:s2], $0x80, s23, s5, $0xb8;
	[tilespmem:$0x19400] =	vst v63  }
0xaa: {  	s25 =	sld [smem:$0x7F4]  }
0xab: {  	[tilespmem:s12], [sflag:$0x1] =	stream.indirect.gather [spmem:s2], $0x80, s24, s5, $0xb8;
	[tilespmem:$0x19400] =	vst v63  }
0xac: {  	s26 =	sld [smem:$0x7F5]  }
0xad: {  	[tilespmem:s13], [sflag:$0x1] =	stream.indirect.gather [spmem:s2], $0x80, s25, s5, $0xb8;
	[tilespmem:$0x19400] =	vst v63  }
0xae: {  	_ = 	snop  }
0xaf: {  	[tilespmem:s14], [sflag:$0x1] =	stream.indirect.gather [spmem:s2], $0x80, s26, s5, $0xb8;
	[tilespmem:$0x19400] =	vst v63  }
0xb0: {  	_ =	swait.ge [sflag:s10], $0x2000  }
0xb1: {  	[sflag:s10] =	ssyncset.done $0x0  }
0xb2: {  	s1 =	rddreg [dreg:$0x13];
	[sflag:s10] =	ssyncadd.s32 $0xFFFFE000  }
0xb3: {  	[hbm4b:s1+s3] =	stream.linear.scatter [tilespmem:s11], [sflag:$0x2], $0x2000, $0x38;
	[tilespmem:$0x19400] =	vst v63  }
0xb4: {  	_ =	swait.ge [sflag:s10], $0x2000  }
0xb5: {  	[sflag:s10] =	ssyncset.done $0x0  }
0xb6: {  	s17 =	rddreg [dreg:$0x14];
	[sflag:s10] =	ssyncadd.s32 $0xFFFFE000  }
0xb7: {  	[hbm4b:s17+s3] =	stream.linear.scatter [tilespmem:s12], [sflag:$0x2], $0x2000, $0x38;
	[tilespmem:$0x19400] =	vst v63  }
0xb8: {  	_ =	swait.ge [sflag:s10], $0x2000  }
0xb9: {  	[sflag:s10] =	ssyncset.done $0x0  }
0xba: {  	s18 =	rddreg [dreg:$0x15];
	[sflag:s10] =	ssyncadd.s32 $0xFFFFE000  }
0xbb: {  	[hbm4b:s18+s3] =	stream.linear.scatter [tilespmem:s13], [sflag:$0x2], $0x2000, $0x38;
	[tilespmem:$0x19400] =	vst v63  }
0xbc: {  	_ =	swait.ge [sflag:s10], $0x2000  }
0xbd: {  	[sflag:s10] =	ssyncset.done $0x0  }
0xbe: {  	s19 =	rddreg [dreg:$0x16];
	[sflag:s10] =	ssyncadd.s32 $0xFFFFE000  }
0xbf: {  	[hbm4b:s19+s3] =	stream.linear.scatter [tilespmem:s14], [sflag:$0x2], $0x2000, $0x38;
	[tilespmem:$0x19400] =	vst v63  }
0xc0: {  	_ =	swait.ge [sflag:s15], $0x2000  }
0xc1: {  	[sflag:s15] =	ssyncset.done $0x0  }
0xc2: {  	[sflag:s15] =	ssyncadd.s32 $0xFFFFE000  }
0xc3: {  	_ =	swait.ge [sflag:s15], $0x2000  }
0xc4: {  	[sflag:s15] =	ssyncset.done $0x0  }
0xc5: {  	[sflag:s15] =	ssyncadd.s32 $0xFFFFE000  }
0xc6: {  	_ =	swait.ge [sflag:s15], $0x2000  }
0xc7: {  	[sflag:s15] =	ssyncset.done $0x0  }
0xc8: {  	[sflag:s15] =	ssyncadd.s32 $0xFFFFE000  }
0xc9: {  	_ =	swait.ge [sflag:s15], $0x2000  }
0xca: {  	s20 =	sld [smem:$0x7F6]  }
0xcb: {  	[sflag:s15] =	ssyncset.done $0x0  }
0xcc: {  	[sflag:s15] =	ssyncadd.s32 $0xFFFFE000  }
0xcd: {  	[tilespmem:s6], [sflag:$0x1] =	stream.indirect.gather [spmem:s2], $0x80, s20, s5, $0xb8;
	[tilespmem:$0x19400] =	vst v63  }
0xce: {  	s21 =	simm.s32 $0x880  }
0xcf: {  	[tilespmem:s7], [sflag:$0x1] =	stream.indirect.gather [spmem:s2], $0x80, s21, s5, $0xb8;
	[tilespmem:$0x19400] =	vst v63  }
0xd0: {  	s22 =	simm.s32 $0x900  }
0xd1: {  	[tilespmem:s8], [sflag:$0x1] =	stream.indirect.gather [spmem:s2], $0x80, s22, s5, $0xb8;
	[tilespmem:$0x19400] =	vst v63  }
0xd2: {  	s18 =	simm.s32 $0x980  }
0xd3: {  	[tilespmem:s9], [sflag:$0x1] =	stream.indirect.gather [spmem:s2], $0x80, s18, s5, $0xb8;
	[tilespmem:$0x19400] =	vst v63  }
0xd4: {  	_ =	swait.ge [sflag:s10], $0x2000  }
0xd5: {  	[sflag:s10] =	ssyncset.done $0x0  }
0xd6: {  	s19 =	rddreg [dreg:$0x17];
	[sflag:s10] =	ssyncadd.s32 $0xFFFFE000  }
0xd7: {  	[hbm4b:s19+s3] =	stream.linear.scatter [tilespmem:s6], [sflag:$0x2], $0x2000, $0x38;
	[tilespmem:$0x19400] =	vst v63  }
0xd8: {  	_ =	swait.ge [sflag:s10], $0x2000  }
0xd9: {  	[sflag:s10] =	ssyncset.done $0x0  }
0xda: {  	s23 =	rddreg [dreg:$0x18];
	[sflag:s10] =	ssyncadd.s32 $0xFFFFE000  }
0xdb: {  	[hbm4b:s23+s3] =	stream.linear.scatter [tilespmem:s7], [sflag:$0x2], $0x2000, $0x38;
	[tilespmem:$0x19400] =	vst v63  }
0xdc: {  	_ =	swait.ge [sflag:s10], $0x2000  }
0xdd: {  	[sflag:s10] =	ssyncset.done $0x0  }
0xde: {  	s24 =	rddreg [dreg:$0x19];
	[sflag:s10] =	ssyncadd.s32 $0xFFFFE000  }
0xdf: {  	[hbm4b:s24+s3] =	stream.linear.scatter [tilespmem:s8], [sflag:$0x2], $0x2000, $0x38;
	[tilespmem:$0x19400] =	vst v63  }
0xe0: {  	_ =	swait.ge [sflag:s10], $0x2000  }
0xe1: {  	[sflag:s10] =	ssyncset.done $0x0  }
0xe2: {  	s25 =	rddreg [dreg:$0x1a];
	[sflag:s10] =	ssyncadd.s32 $0xFFFFE000  }
0xe3: {  	[hbm4b:s25+s3] =	stream.linear.scatter [tilespmem:s9], [sflag:$0x2], $0x2000, $0x38;
	[tilespmem:$0x19400] =	vst v63  }
0xe4: {  	_ =	swait.ge [sflag:s15], $0x2000  }
0xe5: {  	[sflag:s15] =	ssyncset.done $0x0  }
0xe6: {  	[sflag:s15] =	ssyncadd.s32 $0xFFFFE000  }
0xe7: {  	_ =	swait.ge [sflag:s15], $0x2000  }
0xe8: {  	[sflag:s15] =	ssyncset.done $0x0  }
0xe9: {  	[sflag:s15] =	ssyncadd.s32 $0xFFFFE000  }
0xea: {  	_ =	swait.ge [sflag:s15], $0x2000  }
0xeb: {  	[sflag:s15] =	ssyncset.done $0x0  }
0xec: {  	[sflag:s15] =	ssyncadd.s32 $0xFFFFE000  }
0xed: {  	_ =	swait.ge [sflag:s15], $0x2000  }
0xee: {  	[sflag:s15] =	ssyncset.done $0x0  }
0xef: {  	s19 =	simm.s32 $0xA00;
	[sflag:s15] =	ssyncadd.s32 $0xFFFFE000  }
0xf0: {  	[tilespmem:s11], [sflag:$0x1] =	stream.indirect.gather [spmem:s2], $0x80, s19, s5, $0xb8;
	[tilespmem:$0x19400] =	vst v63  }
0xf1: {  	s20 =	simm.s32 $0xA80  }
0xf2: {  	[tilespmem:s12], [sflag:$0x1] =	stream.indirect.gather [spmem:s2], $0x80, s20, s5, $0xb8;
	[tilespmem:$0x19400] =	vst v63  }
0xf3: {  	s21 =	simm.s32 $0xB00  }
0xf4: {  	[tilespmem:s13], [sflag:$0x1] =	stream.indirect.gather [spmem:s2], $0x80, s21, s5, $0xb8;
	[tilespmem:$0x19400] =	vst v63  }
0xf5: {  	s22 =	simm.s32 $0xB80  }
0xf6: {  	[tilespmem:s14], [sflag:$0x1] =	stream.indirect.gather [spmem:s2], $0x80, s22, s5, $0xb8;
	[tilespmem:$0x19400] =	vst v63  }
0xf7: {  	_ =	swait.ge [sflag:s10], $0x2000  }
0xf8: {  	[sflag:s10] =	ssyncset.done $0x0  }
0xf9: {  	s23 =	rddreg [dreg:$0x1b];
	[sflag:s10] =	ssyncadd.s32 $0xFFFFE000  }
0xfa: {  	[hbm4b:s23+s3] =	stream.linear.scatter [tilespmem:s11], [sflag:$0x2], $0x2000, $0x38;
	[tilespmem:$0x19400] =	vst v63  }
0xfb: {  	_ =	swait.ge [sflag:s10], $0x2000  }
0xfc: {  	[sflag:s10] =	ssyncset.done $0x0  }
0xfd: {  	s26 =	rddreg [dreg:$0x1c];
	[sflag:s10] =	ssyncadd.s32 $0xFFFFE000  }
0xfe: {  	[hbm4b:s26+s3] =	stream.linear.scatter [tilespmem:s12], [sflag:$0x2], $0x2000, $0x38;
	[tilespmem:$0x19400] =	vst v63  }
0xff: {  	_ =	swait.ge [sflag:s10], $0x2000  }
0x100: {  	[sflag:s10] =	ssyncset.done $0x0  }
0x101: {  	s1 =	rddreg [dreg:$0x1d];
	[sflag:s10] =	ssyncadd.s32 $0xFFFFE000  }
0x102: {  	[hbm4b:s1+s3] =	stream.linear.scatter [tilespmem:s13], [sflag:$0x2], $0x2000, $0x38;
	[tilespmem:$0x19400] =	vst v63  }
0x103: {  	_ =	swait.ge [sflag:s10], $0x2000  }
0x104: {  	[sflag:s10] =	ssyncset.done $0x0  }
0x105: {  	s16 =	rddreg [dreg:$0x1e];
	[sflag:s10] =	ssyncadd.s32 $0xFFFFE000  }
0x106: {  	[hbm4b:s16+s3] =	stream.linear.scatter [tilespmem:s14], [sflag:$0x2], $0x2000, $0x38;
	[tilespmem:$0x19400] =	vst v63  }
0x107: {  	_ =	swait.ge [sflag:s15], $0x2000  }
0x108: {  	[sflag:s15] =	ssyncset.done $0x0  }
0x109: {  	[sflag:s15] =	ssyncadd.s32 $0xFFFFE000  }
0x10a: {  	_ =	swait.ge [sflag:s15], $0x2000  }
0x10b: {  	[sflag:s15] =	ssyncset.done $0x0  }
0x10c: {  	[sflag:s15] =	ssyncadd.s32 $0xFFFFE000  }
0x10d: {  	_ =	swait.ge [sflag:s15], $0x2000  }
0x10e: {  	[sflag:s15] =	ssyncset.done $0x0  }
0x10f: {  	[sflag:s15] =	ssyncadd.s32 $0xFFFFE000  }
0x110: {  	_ =	swait.ge [sflag:s15], $0x2000  }
0x111: {  	[sflag:s15] =	ssyncset.done $0x0  }
0x112: {  	s23 =	simm.s32 $0xC00;
	[sflag:s15] =	ssyncadd.s32 $0xFFFFE000  }
0x113: {  	[tilespmem:s6], [sflag:$0x1] =	stream.indirect.gather [spmem:s2], $0x80, s23, s5, $0xb8;
	[tilespmem:$0x19400] =	vst v63  }
0x114: {  	s24 =	simm.s32 $0xC80  }
0x115: {  	[tilespmem:s7], [sflag:$0x1] =	stream.indirect.gather [spmem:s2], $0x80, s24, s5, $0xb8;
	[tilespmem:$0x19400] =	vst v63  }
0x116: {  	s25 =	simm.s32 $0xD00  }
0x117: {  	[tilespmem:s8], [sflag:$0x1] =	stream.indirect.gather [spmem:s2], $0x80, s25, s5, $0xb8;
	[tilespmem:$0x19400] =	vst v63  }
0x118: {  	s26 =	simm.s32 $0xD80  }
0x119: {  	[tilespmem:s9], [sflag:$0x1] =	stream.indirect.gather [spmem:s2], $0x80, s26, s5, $0xb8;
	[tilespmem:$0x19400] =	vst v63  }
0x11a: {  	_ =	swait.ge [sflag:s10], $0x2000  }
0x11b: {  	[sflag:s10] =	ssyncset.done $0x0  }
0x11c: {  	s28 =	rddreg [dreg:$0x1f];
	[sflag:s10] =	ssyncadd.s32 $0xFFFFE000  }
0x11d: {  	[hbm4b:s28+s3] =	stream.linear.scatter [tilespmem:s6], [sflag:$0x2], $0x2000, $0x38;
	[tilespmem:$0x19400] =	vst v63  }
0x11e: {  	_ =	swait.ge [sflag:s10], $0x2000  }
0x11f: {  	s28 =	sld [smem:$0x7F7]  }
0x120: {  	[sflag:s10] =	ssyncset.done $0x0  }
0x121: {  	[sflag:s10] =	ssyncadd.s32 $0xFFFFE000  }
0x122: {  	[hbm4b:s28+s3] =	stream.linear.scatter [tilespmem:s7], [sflag:$0x2], $0x2000, $0x38;
	[tilespmem:$0x19400] =	vst v63  }
0x123: {  	_ =	swait.ge [sflag:s10], $0x2000  }
0x124: {  	s28 =	sld [smem:$0x7F8]  }
0x125: {  	[sflag:s10] =	ssyncset.done $0x0  }
0x126: {  	[sflag:s10] =	ssyncadd.s32 $0xFFFFE000  }
0x127: {  	[hbm4b:s28+s3] =	stream.linear.scatter [tilespmem:s8], [sflag:$0x2], $0x2000, $0x38;
	[tilespmem:$0x19400] =	vst v63  }
0x128: {  	_ =	swait.ge [sflag:s10], $0x2000  }
0x129: {  	s28 =	sld [smem:$0x7F9]  }
0x12a: {  	[sflag:s10] =	ssyncset.done $0x0  }
0x12b: {  	[sflag:s10] =	ssyncadd.s32 $0xFFFFE000  }
0x12c: {  	[hbm4b:s28+s3] =	stream.linear.scatter [tilespmem:s9], [sflag:$0x2], $0x2000, $0x38;
	[tilespmem:$0x19400] =	vst v63  }
0x12d: {  	_ =	swait.ge [sflag:s15], $0x2000  }
0x12e: {  	[sflag:s15] =	ssyncset.done $0x0  }
0x12f: {  	[sflag:s15] =	ssyncadd.s32 $0xFFFFE000  }
0x130: {  	_ =	swait.ge [sflag:s15], $0x2000  }
0x131: {  	[sflag:s15] =	ssyncset.done $0x0  }
0x132: {  	[sflag:s15] =	ssyncadd.s32 $0xFFFFE000  }
0x133: {  	_ =	swait.ge [sflag:s15], $0x2000  }
0x134: {  	[sflag:s15] =	ssyncset.done $0x0  }
0x135: {  	[sflag:s15] =	ssyncadd.s32 $0xFFFFE000  }
0x136: {  	_ =	swait.ge [sflag:s15], $0x2000  }
0x137: {  	[sflag:s15] =	ssyncset.done $0x0  }
0x138: {  	s28 =	simm.s32 $0xE00;
	[sflag:s15] =	ssyncadd.s32 $0xFFFFE000  }
0x139: {  	[tilespmem:s11], [sflag:$0x1] =	stream.indirect.gather [spmem:s2], $0x80, s28, s5, $0xb8;
	[tilespmem:$0x19400] =	vst v63  }
0x13a: {  	s29 =	simm.s32 $0xE80  }
0x13b: {  	[tilespmem:s12], [sflag:$0x1] =	stream.indirect.gather [spmem:s2], $0x80, s29, s5, $0xb8;
	[tilespmem:$0x19400] =	vst v63  }
0x13c: {  	s30 =	simm.s32 $0xF00  }
0x13d: {  	[tilespmem:s13], [sflag:$0x1] =	stream.indirect.gather [spmem:s2], $0x80, s30, s5, $0xb8;
	[tilespmem:$0x19400] =	vst v63  }
0x13e: {  	s31 =	simm.s32 $0xF80  }
0x13f: {  	[tilespmem:s14], [sflag:$0x1] =	stream.indirect.gather [spmem:s2], $0x80, s31, s5, $0xb8;
	[tilespmem:$0x19400] =	vst v63  }
0x140: {  	_ =	swait.ge [sflag:s10], $0x2000  }
0x141: {  	s17 =	sld [smem:$0x7FA]  }
0x142: {  	[sflag:s10] =	ssyncset.done $0x0  }
0x143: {  	[sflag:s10] =	ssyncadd.s32 $0xFFFFE000  }
0x144: {  	[hbm4b:s17+s3] =	stream.linear.scatter [tilespmem:s11], [sflag:$0x2], $0x2000, $0x38;
	[tilespmem:$0x19400] =	vst v63  }
0x145: {  	_ =	swait.ge [sflag:s10], $0x2000  }
0x146: {  	s16 =	sld [smem:$0x7FB]  }
0x147: {  	[sflag:s10] =	ssyncset.done $0x0  }
0x148: {  	[sflag:s10] =	ssyncadd.s32 $0xFFFFE000  }
0x149: {  	[hbm4b:s16+s3] =	stream.linear.scatter [tilespmem:s12], [sflag:$0x2], $0x2000, $0x38;
	[tilespmem:$0x19400] =	vst v63  }
0x14a: {  	_ =	swait.ge [sflag:s10], $0x2000  }
0x14b: {  	s17 =	sld [smem:$0x7FC]  }
0x14c: {  	[sflag:s10] =	ssyncset.done $0x0  }
0x14d: {  	[sflag:s10] =	ssyncadd.s32 $0xFFFFE000  }
0x14e: {  	[hbm4b:s17+s3] =	stream.linear.scatter [tilespmem:s13], [sflag:$0x2], $0x2000, $0x38;
	[tilespmem:$0x19400] =	vst v63  }
0x14f: {  	_ =	swait.ge [sflag:s10], $0x2000  }
0x150: {  	s16 =	sld [smem:$0x7FD]  }
0x151: {  	[sflag:s10] =	ssyncset.done $0x0  }
0x152: {  	[sflag:s10] =	ssyncadd.s32 $0xFFFFE000  }
0x153: {  	[hbm4b:s16+s3] =	stream.linear.scatter [tilespmem:s14], [sflag:$0x2], $0x2000, $0x38;
	[tilespmem:$0x19400] =	vst v63  }
0x154: {  	_ =	swait.ge [sflag:s15], $0x2000  }
0x155: {  	[sflag:s15] =	ssyncset.done $0x0  }
0x156: {  	[sflag:s15] =	ssyncadd.s32 $0xFFFFE000  }
0x157: {  	_ =	swait.ge [sflag:s15], $0x2000  }
0x158: {  	[sflag:s15] =	ssyncset.done $0x0  }
0x159: {  	[sflag:s15] =	ssyncadd.s32 $0xFFFFE000  }
0x15a: {  	_ =	swait.ge [sflag:s15], $0x2000  }
0x15b: {  	[sflag:s15] =	ssyncset.done $0x0  }
0x15c: {  	[sflag:s15] =	ssyncadd.s32 $0xFFFFE000  }
0x15d: {  	_ =	swait.ge [sflag:s15], $0x2000  }
0x15e: {  	[sflag:s15] =	ssyncset.done $0x0  }
0x15f: {  	s0 =	ssub.s32 $0x2, s0;
	[sflag:s15] =	ssyncadd.s32 $0xFFFFE000  }
0x160: {  	s17 =	sshrl.u32 s0, $0x1;
	_ =	swait.ge [sflag:s15], $0x2000  }
0x161: {  	s0 =	ssub.s32 s0, s17;
	[sflag:s15] =	ssyncset.done $0x0  }
0x162: {  	s0 =	smax.u32 s0, $0x1;
	[sflag:s15] =	ssyncadd.s32 $0xFFFFE000  }
0x163: {  	p0 =	sne.s32 s0, $0x1;
	_ =	swait.ge [sflag:s15], $0x2000  }
.Ltmp0:
0x164: {  	[sflag:s15] =	ssyncset.done $0x0;
	(pc) =	sbr.rel @!p0 .LBB2_2-.Ltmp0, $4  }
0x165: {  	[sflag:s15] =	ssyncadd.s32 $0xFFFFE000  }
0x166: {  	_ =	swait.ge [sflag:s15], $0x2000  }
0x167: {  	[sflag:s15] =	ssyncset.done $0x0  }
0x168: {  	s0 =	sadd.s32 $0xFFFFFFFF, s0;
	[sflag:s15] =	ssyncadd.s32 $0xFFFFE000  }
.LBB2_1:
0x169: {  	_ =	swait.ge [sflag:s15], $0x2000  }
0x16a: {  	s1 =	sld [smem:$0x7E6]  }
0x16b: {  	[sflag:s15] =	ssyncset.done $0x0;
	s16 =	rddreg [dreg:$0x5]  }
0x16c: {  	s17 =	rddreg [dreg:$0x4];
	[sflag:s15] =	ssyncadd.s32 $0xFFFFE000  }
0x16d: {  	[spmem:s1], [sflag:s16] =	dma.local [hbm:s17], $0x1080  }
0x16e: {  	_ =	swait.ge [sflag:s4], $0x1080  }
0x16f: {  	[sflag:s4] =	ssyncset.done $0x0  }
0x170: {  	s16 =	rddreg [dreg:$0x6];
	[sflag:s4] =	ssyncadd.s32 $0xFFFFEF80  }
0x171: {  	[tilespmem:s3], [sflag:$0x3] =	stream.linear.gather [hbm4b:s16+s3], $0x1000, $0x38;
	[tilespmem:$0x19400] =	vst v63  }
0x172: {  	_ =	swait.ge [sflag:s4], $0x1000  }
0x173: {  	[sflag:s4] =	ssyncset.done $0x0  }
0x174: {  	[sflag:s4] =	ssyncadd.s32 $0xFFFFF000  }
0x175: {  	[bflag:$0x0] =	sbarrier.arrive $0xFFFF  }
0x176: {  	s17 =	sld [smem:$0x7E7]  }
0x177: {  	[tilespmem:s6], [sflag:$0x1] =	stream.indirect.gather [spmem:s2], $0x80, s3, s5, $0xb8;
	[tilespmem:$0x19400] =	vst v63  }
0x178: {  	s16 =	sld [smem:$0x7E8]  }
0x179: {  	[tilespmem:s7], [sflag:$0x1] =	stream.indirect.gather [spmem:s2], $0x80, s17, s5, $0xb8;
	[tilespmem:$0x19400] =	vst v63  }
0x17a: {  	s17 =	sld [smem:$0x7E9]  }
0x17b: {  	[tilespmem:s8], [sflag:$0x1] =	stream.indirect.gather [spmem:s2], $0x80, s16, s5, $0xb8;
	[tilespmem:$0x19400] =	vst v63  }
0x17c: {  	_ = 	snop  }
0x17d: {  	[tilespmem:s9], [sflag:$0x1] =	stream.indirect.gather [spmem:s2], $0x80, s17, s5, $0xb8;
	[tilespmem:$0x19400] =	vst v63  }
0x17e: {  	_ =	swait.ge [sflag:s10], $0x2000  }
0x17f: {  	[sflag:s10] =	ssyncset.done $0x0  }
0x180: {  	s16 =	rddreg [dreg:$0x7];
	[sflag:s10] =	ssyncadd.s32 $0xFFFFE000  }
0x181: {  	[hbm4b:s16+s3] =	stream.linear.scatter [tilespmem:s6], [sflag:$0x2], $0x2000, $0x38;
	[tilespmem:$0x19400] =	vst v63  }
0x182: {  	_ =	swait.ge [sflag:s10], $0x2000  }
0x183: {  	[sflag:s10] =	ssyncset.done $0x0  }
0x184: {  	s17 =	rddreg [dreg:$0x8];
	[sflag:s10] =	ssyncadd.s32 $0xFFFFE000  }
0x185: {  	[hbm4b:s17+s3] =	stream.linear.scatter [tilespmem:s7], [sflag:$0x2], $0x2000, $0x38;
	[tilespmem:$0x19400] =	vst v63  }
0x186: {  	_ =	swait.ge [sflag:s10], $0x2000  }
0x187: {  	[sflag:s10] =	ssyncset.done $0x0  }
0x188: {  	s16 =	rddreg [dreg:$0x9];
	[sflag:s10] =	ssyncadd.s32 $0xFFFFE000  }
0x189: {  	[hbm4b:s16+s3] =	stream.linear.scatter [tilespmem:s8], [sflag:$0x2], $0x2000, $0x38;
	[tilespmem:$0x19400] =	vst v63  }
0x18a: {  	_ =	swait.ge [sflag:s10], $0x2000  }
0x18b: {  	s17 =	rddreg [dreg:$0xa];
	[sflag:s10] =	ssyncset.done $0x0  }
0x18c: {  	s16 =	sld [smem:$0x7EA];
	[sflag:s10] =	ssyncadd.s32 $0xFFFFE000  }
0x18d: {  	[hbm4b:s17+s3] =	stream.linear.scatter [tilespmem:s9], [sflag:$0x2], $0x2000, $0x38;
	[tilespmem:$0x19400] =	vst v63  }
0x18e: {  	s17 =	sld [smem:$0x7EB]  }
0x18f: {  	[tilespmem:s11], [sflag:$0x1] =	stream.indirect.gather [spmem:s2], $0x80, s16, s5, $0xb8;
	[tilespmem:$0x19400] =	vst v63  }
0x190: {  	s16 =	sld [smem:$0x7EC]  }
0x191: {  	[tilespmem:s12], [sflag:$0x1] =	stream.indirect.gather [spmem:s2], $0x80, s17, s5, $0xb8;
	[tilespmem:$0x19400] =	vst v63  }
0x192: {  	s17 =	sld [smem:$0x7ED]  }
0x193: {  	[tilespmem:s13], [sflag:$0x1] =	stream.indirect.gather [spmem:s2], $0x80, s16, s5, $0xb8;
	[tilespmem:$0x19400] =	vst v63  }
0x194: {  	_ = 	snop  }
0x195: {  	[tilespmem:s14], [sflag:$0x1] =	stream.indirect.gather [spmem:s2], $0x80, s17, s5, $0xb8;
	[tilespmem:$0x19400] =	vst v63  }
0x196: {  	_ =	swait.ge [sflag:s10], $0x2000  }
0x197: {  	[sflag:s10] =	ssyncset.done $0x0  }
0x198: {  	s16 =	rddreg [dreg:$0xb];
	[sflag:s10] =	ssyncadd.s32 $0xFFFFE000  }
0x199: {  	[hbm4b:s16+s3] =	stream.linear.scatter [tilespmem:s11], [sflag:$0x2], $0x2000, $0x38;
	[tilespmem:$0x19400] =	vst v63  }
0x19a: {  	_ =	swait.ge [sflag:s10], $0x2000  }
0x19b: {  	[sflag:s10] =	ssyncset.done $0x0  }
0x19c: {  	s17 =	rddreg [dreg:$0xc];
	[sflag:s10] =	ssyncadd.s32 $0xFFFFE000  }
0x19d: {  	[hbm4b:s17+s3] =	stream.linear.scatter [tilespmem:s12], [sflag:$0x2], $0x2000, $0x38;
	[tilespmem:$0x19400] =	vst v63  }
0x19e: {  	_ =	swait.ge [sflag:s10], $0x2000  }
0x19f: {  	[sflag:s10] =	ssyncset.done $0x0  }
0x1a0: {  	s16 =	rddreg [dreg:$0xd];
	[sflag:s10] =	ssyncadd.s32 $0xFFFFE000  }
0x1a1: {  	[hbm4b:s16+s3] =	stream.linear.scatter [tilespmem:s13], [sflag:$0x2], $0x2000, $0x38;
	[tilespmem:$0x19400] =	vst v63  }
0x1a2: {  	_ =	swait.ge [sflag:s10], $0x2000  }
0x1a3: {  	[sflag:s10] =	ssyncset.done $0x0  }
0x1a4: {  	s17 =	rddreg [dreg:$0xe];
	[sflag:s10] =	ssyncadd.s32 $0xFFFFE000  }
0x1a5: {  	[hbm4b:s17+s3] =	stream.linear.scatter [tilespmem:s14], [sflag:$0x2], $0x2000, $0x38;
	[tilespmem:$0x19400] =	vst v63  }
0x1a6: {  	_ =	swait.ge [sflag:s15], $0x2000  }
0x1a7: {  	[sflag:s15] =	ssyncset.done $0x0  }
0x1a8: {  	[sflag:s15] =	ssyncadd.s32 $0xFFFFE000  }
0x1a9: {  	_ =	swait.ge [sflag:s15], $0x2000  }
0x1aa: {  	[sflag:s15] =	ssyncset.done $0x0  }
0x1ab: {  	[sflag:s15] =	ssyncadd.s32 $0xFFFFE000  }
0x1ac: {  	_ =	swait.ge [sflag:s15], $0x2000  }
0x1ad: {  	[sflag:s15] =	ssyncset.done $0x0  }
0x1ae: {  	[sflag:s15] =	ssyncadd.s32 $0xFFFFE000  }
0x1af: {  	_ =	swait.ge [sflag:s15], $0x2000  }
0x1b0: {  	s16 =	sld [smem:$0x7EE]  }
0x1b1: {  	[sflag:s15] =	ssyncset.done $0x0  }
0x1b2: {  	s17 =	sld [smem:$0x7EF];
	[sflag:s15] =	ssyncadd.s32 $0xFFFFE000  }
0x1b3: {  	[tilespmem:s6], [sflag:$0x1] =	stream.indirect.gather [spmem:s2], $0x80, s16, s5, $0xb8;
	[tilespmem:$0x19400] =	vst v63  }
0x1b4: {  	s1 =	sld [smem:$0x7F0]  }
0x1b5: {  	[tilespmem:s7], [sflag:$0x1] =	stream.indirect.gather [spmem:s2], $0x80, s17, s5, $0xb8;
	[tilespmem:$0x19400] =	vst v63  }
0x1b6: {  	s17 =	sld [smem:$0x7F1]  }
0x1b7: {  	[tilespmem:s8], [sflag:$0x1] =	stream.indirect.gather [spmem:s2], $0x80, s1, s5, $0xb8;
	[tilespmem:$0x19400] =	vst v63  }
0x1b8: {  	_ = 	snop  }
0x1b9: {  	[tilespmem:s9], [sflag:$0x1] =	stream.indirect.gather [spmem:s2], $0x80, s17, s5, $0xb8;
	[tilespmem:$0x19400] =	vst v63  }
0x1ba: {  	_ =	swait.ge [sflag:s10], $0x2000  }
0x1bb: {  	[sflag:s10] =	ssyncset.done $0x0  }
0x1bc: {  	s16 =	rddreg [dreg:$0xf];
	[sflag:s10] =	ssyncadd.s32 $0xFFFFE000  }
0x1bd: {  	[hbm4b:s16+s3] =	stream.linear.scatter [tilespmem:s6], [sflag:$0x2], $0x2000, $0x38;
	[tilespmem:$0x19400] =	vst v63  }
0x1be: {  	_ =	swait.ge [sflag:s10], $0x2000  }
0x1bf: {  	[sflag:s10] =	ssyncset.done $0x0  }
0x1c0: {  	s17 =	rddreg [dreg:$0x10];
	[sflag:s10] =	ssyncadd.s32 $0xFFFFE000  }
0x1c1: {  	[hbm4b:s17+s3] =	stream.linear.scatter [tilespmem:s7], [sflag:$0x2], $0x2000, $0x38;
	[tilespmem:$0x19400] =	vst v63  }
0x1c2: {  	_ =	swait.ge [sflag:s10], $0x2000  }
0x1c3: {  	[sflag:s10] =	ssyncset.done $0x0  }
0x1c4: {  	s16 =	rddreg [dreg:$0x11];
	[sflag:s10] =	ssyncadd.s32 $0xFFFFE000  }
0x1c5: {  	[hbm4b:s16+s3] =	stream.linear.scatter [tilespmem:s8], [sflag:$0x2], $0x2000, $0x38;
	[tilespmem:$0x19400] =	vst v63  }
0x1c6: {  	_ =	swait.ge [sflag:s10], $0x2000  }
0x1c7: {  	[sflag:s10] =	ssyncset.done $0x0  }
0x1c8: {  	s17 =	rddreg [dreg:$0x12];
	[sflag:s10] =	ssyncadd.s32 $0xFFFFE000  }
0x1c9: {  	[hbm4b:s17+s3] =	stream.linear.scatter [tilespmem:s9], [sflag:$0x2], $0x2000, $0x38;
	[tilespmem:$0x19400] =	vst v63  }
0x1ca: {  	_ =	swait.ge [sflag:s15], $0x2000  }
0x1cb: {  	[sflag:s15] =	ssyncset.done $0x0  }
0x1cc: {  	[sflag:s15] =	ssyncadd.s32 $0xFFFFE000  }
0x1cd: {  	_ =	swait.ge [sflag:s15], $0x2000  }
0x1ce: {  	[sflag:s15] =	ssyncset.done $0x0  }
0x1cf: {  	[sflag:s15] =	ssyncadd.s32 $0xFFFFE000  }
0x1d0: {  	_ =	swait.ge [sflag:s15], $0x2000  }
0x1d1: {  	[sflag:s15] =	ssyncset.done $0x0  }
0x1d2: {  	[sflag:s15] =	ssyncadd.s32 $0xFFFFE000  }
0x1d3: {  	_ =	swait.ge [sflag:s15], $0x2000  }
0x1d4: {  	s16 =	sld [smem:$0x7F2]  }
0x1d5: {  	[sflag:s15] =	ssyncset.done $0x0  }
0x1d6: {  	s17 =	sld [smem:$0x7F3];
	[sflag:s15] =	ssyncadd.s32 $0xFFFFE000  }
0x1d7: {  	[tilespmem:s11], [sflag:$0x1] =	stream.indirect.gather [spmem:s2], $0x80, s16, s5, $0xb8;
	[tilespmem:$0x19400] =	vst v63  }
0x1d8: {  	s1 =	sld [smem:$0x7F4]  }
0x1d9: {  	[tilespmem:s12], [sflag:$0x1] =	stream.indirect.gather [spmem:s2], $0x80, s17, s5, $0xb8;
	[tilespmem:$0x19400] =	vst v63  }
0x1da: {  	s17 =	sld [smem:$0x7F5]  }
0x1db: {  	[tilespmem:s13], [sflag:$0x1] =	stream.indirect.gather [spmem:s2], $0x80, s1, s5, $0xb8;
	[tilespmem:$0x19400] =	vst v63  }
0x1dc: {  	_ = 	snop  }
0x1dd: {  	[tilespmem:s14], [sflag:$0x1] =	stream.indirect.gather [spmem:s2], $0x80, s17, s5, $0xb8;
	[tilespmem:$0x19400] =	vst v63  }
0x1de: {  	_ =	swait.ge [sflag:s10], $0x2000  }
0x1df: {  	[sflag:s10] =	ssyncset.done $0x0  }
0x1e0: {  	s17 =	rddreg [dreg:$0x13];
	[sflag:s10] =	ssyncadd.s32 $0xFFFFE000  }
0x1e1: {  	[hbm4b:s17+s3] =	stream.linear.scatter [tilespmem:s11], [sflag:$0x2], $0x2000, $0x38;
	[tilespmem:$0x19400] =	vst v63  }
0x1e2: {  	_ =	swait.ge [sflag:s10], $0x2000  }
0x1e3: {  	[sflag:s10] =	ssyncset.done $0x0  }
0x1e4: {  	s16 =	rddreg [dreg:$0x14];
	[sflag:s10] =	ssyncadd.s32 $0xFFFFE000  }
0x1e5: {  	[hbm4b:s16+s3] =	stream.linear.scatter [tilespmem:s12], [sflag:$0x2], $0x2000, $0x38;
	[tilespmem:$0x19400] =	vst v63  }
0x1e6: {  	_ =	swait.ge [sflag:s10], $0x2000  }
0x1e7: {  	[sflag:s10] =	ssyncset.done $0x0  }
0x1e8: {  	s17 =	rddreg [dreg:$0x15];
	[sflag:s10] =	ssyncadd.s32 $0xFFFFE000  }
0x1e9: {  	[hbm4b:s17+s3] =	stream.linear.scatter [tilespmem:s13], [sflag:$0x2], $0x2000, $0x38;
	[tilespmem:$0x19400] =	vst v63  }
0x1ea: {  	_ =	swait.ge [sflag:s10], $0x2000  }
0x1eb: {  	[sflag:s10] =	ssyncset.done $0x0  }
0x1ec: {  	s16 =	rddreg [dreg:$0x16];
	[sflag:s10] =	ssyncadd.s32 $0xFFFFE000  }
0x1ed: {  	[hbm4b:s16+s3] =	stream.linear.scatter [tilespmem:s14], [sflag:$0x2], $0x2000, $0x38;
	[tilespmem:$0x19400] =	vst v63  }
0x1ee: {  	_ =	swait.ge [sflag:s15], $0x2000  }
0x1ef: {  	[sflag:s15] =	ssyncset.done $0x0  }
0x1f0: {  	[sflag:s15] =	ssyncadd.s32 $0xFFFFE000  }
0x1f1: {  	_ =	swait.ge [sflag:s15], $0x2000  }
0x1f2: {  	[sflag:s15] =	ssyncset.done $0x0  }
0x1f3: {  	[sflag:s15] =	ssyncadd.s32 $0xFFFFE000  }
0x1f4: {  	_ =	swait.ge [sflag:s15], $0x2000  }
0x1f5: {  	[sflag:s15] =	ssyncset.done $0x0  }
0x1f6: {  	[sflag:s15] =	ssyncadd.s32 $0xFFFFE000  }
0x1f7: {  	_ =	swait.ge [sflag:s15], $0x2000  }
0x1f8: {  	s17 =	sld [smem:$0x7F6]  }
0x1f9: {  	[sflag:s15] =	ssyncset.done $0x0  }
0x1fa: {  	[sflag:s15] =	ssyncadd.s32 $0xFFFFE000  }
0x1fb: {  	[tilespmem:s6], [sflag:$0x1] =	stream.indirect.gather [spmem:s2], $0x80, s17, s5, $0xb8;
	[tilespmem:$0x19400] =	vst v63  }
0x1fc: {  	s16 =	simm.s32 $0x880  }
0x1fd: {  	[tilespmem:s7], [sflag:$0x1] =	stream.indirect.gather [spmem:s2], $0x80, s16, s5, $0xb8;
	[tilespmem:$0x19400] =	vst v63  }
0x1fe: {  	s17 =	simm.s32 $0x900  }
0x1ff: {  	[tilespmem:s8], [sflag:$0x1] =	stream.indirect.gather [spmem:s2], $0x80, s17, s5, $0xb8;
	[tilespmem:$0x19400] =	vst v63  }
0x200: {  	_ = 	snop  }
0x201: {  	[tilespmem:s9], [sflag:$0x1] =	stream.indirect.gather [spmem:s2], $0x80, s18, s5, $0xb8;
	[tilespmem:$0x19400] =	vst v63  }
0x202: {  	_ =	swait.ge [sflag:s10], $0x2000  }
0x203: {  	[sflag:s10] =	ssyncset.done $0x0  }
0x204: {  	s16 =	rddreg [dreg:$0x17];
	[sflag:s10] =	ssyncadd.s32 $0xFFFFE000  }
0x205: {  	[hbm4b:s16+s3] =	stream.linear.scatter [tilespmem:s6], [sflag:$0x2], $0x2000, $0x38;
	[tilespmem:$0x19400] =	vst v63  }
0x206: {  	_ =	swait.ge [sflag:s10], $0x2000  }
0x207: {  	[sflag:s10] =	ssyncset.done $0x0  }
0x208: {  	s17 =	rddreg [dreg:$0x18];
	[sflag:s10] =	ssyncadd.s32 $0xFFFFE000  }
0x209: {  	[hbm4b:s17+s3] =	stream.linear.scatter [tilespmem:s7], [sflag:$0x2], $0x2000, $0x38;
	[tilespmem:$0x19400] =	vst v63  }
0x20a: {  	_ =	swait.ge [sflag:s10], $0x2000  }
0x20b: {  	[sflag:s10] =	ssyncset.done $0x0  }
0x20c: {  	s16 =	rddreg [dreg:$0x19];
	[sflag:s10] =	ssyncadd.s32 $0xFFFFE000  }
0x20d: {  	[hbm4b:s16+s3] =	stream.linear.scatter [tilespmem:s8], [sflag:$0x2], $0x2000, $0x38;
	[tilespmem:$0x19400] =	vst v63  }
0x20e: {  	_ =	swait.ge [sflag:s10], $0x2000  }
0x20f: {  	[sflag:s10] =	ssyncset.done $0x0  }
0x210: {  	s17 =	rddreg [dreg:$0x1a];
	[sflag:s10] =	ssyncadd.s32 $0xFFFFE000  }
0x211: {  	[hbm4b:s17+s3] =	stream.linear.scatter [tilespmem:s9], [sflag:$0x2], $0x2000, $0x38;
	[tilespmem:$0x19400] =	vst v63  }
0x212: {  	_ =	swait.ge [sflag:s15], $0x2000  }
0x213: {  	[sflag:s15] =	ssyncset.done $0x0  }
0x214: {  	[sflag:s15] =	ssyncadd.s32 $0xFFFFE000  }
0x215: {  	_ =	swait.ge [sflag:s15], $0x2000  }
0x216: {  	[sflag:s15] =	ssyncset.done $0x0  }
0x217: {  	[sflag:s15] =	ssyncadd.s32 $0xFFFFE000  }
0x218: {  	_ =	swait.ge [sflag:s15], $0x2000  }
0x219: {  	[sflag:s15] =	ssyncset.done $0x0  }
0x21a: {  	[sflag:s15] =	ssyncadd.s32 $0xFFFFE000  }
0x21b: {  	_ =	swait.ge [sflag:s15], $0x2000  }
0x21c: {  	[sflag:s15] =	ssyncset.done $0x0  }
0x21d: {  	[sflag:s15] =	ssyncadd.s32 $0xFFFFE000  }
0x21e: {  	[tilespmem:s11], [sflag:$0x1] =	stream.indirect.gather [spmem:s2], $0x80, s19, s5, $0xb8;
	[tilespmem:$0x19400] =	vst v63  }
0x21f: {  	_ = 	snop  }
0x220: {  	[tilespmem:s12], [sflag:$0x1] =	stream.indirect.gather [spmem:s2], $0x80, s20, s5, $0xb8;
	[tilespmem:$0x19400] =	vst v63  }
0x221: {  	_ = 	snop  }
0x222: {  	[tilespmem:s13], [sflag:$0x1] =	stream.indirect.gather [spmem:s2], $0x80, s21, s5, $0xb8;
	[tilespmem:$0x19400] =	vst v63  }
0x223: {  	_ = 	snop  }
0x224: {  	[tilespmem:s14], [sflag:$0x1] =	stream.indirect.gather [spmem:s2], $0x80, s22, s5, $0xb8;
	[tilespmem:$0x19400] =	vst v63  }
0x225: {  	_ =	swait.ge [sflag:s10], $0x2000  }
0x226: {  	[sflag:s10] =	ssyncset.done $0x0  }
0x227: {  	s16 =	rddreg [dreg:$0x1b];
	[sflag:s10] =	ssyncadd.s32 $0xFFFFE000  }
0x228: {  	[hbm4b:s16+s3] =	stream.linear.scatter [tilespmem:s11], [sflag:$0x2], $0x2000, $0x38;
	[tilespmem:$0x19400] =	vst v63  }
0x229: {  	_ =	swait.ge [sflag:s10], $0x2000  }
0x22a: {  	[sflag:s10] =	ssyncset.done $0x0  }
0x22b: {  	s17 =	rddreg [dreg:$0x1c];
	[sflag:s10] =	ssyncadd.s32 $0xFFFFE000  }
0x22c: {  	[hbm4b:s17+s3] =	stream.linear.scatter [tilespmem:s12], [sflag:$0x2], $0x2000, $0x38;
	[tilespmem:$0x19400] =	vst v63  }
0x22d: {  	_ =	swait.ge [sflag:s10], $0x2000  }
0x22e: {  	[sflag:s10] =	ssyncset.done $0x0  }
0x22f: {  	s16 =	rddreg [dreg:$0x1d];
	[sflag:s10] =	ssyncadd.s32 $0xFFFFE000  }
0x230: {  	[hbm4b:s16+s3] =	stream.linear.scatter [tilespmem:s13], [sflag:$0x2], $0x2000, $0x38;
	[tilespmem:$0x19400] =	vst v63  }
0x231: {  	_ =	swait.ge [sflag:s10], $0x2000  }
0x232: {  	[sflag:s10] =	ssyncset.done $0x0  }
0x233: {  	s17 =	rddreg [dreg:$0x1e];
	[sflag:s10] =	ssyncadd.s32 $0xFFFFE000  }
0x234: {  	[hbm4b:s17+s3] =	stream.linear.scatter [tilespmem:s14], [sflag:$0x2], $0x2000, $0x38;
	[tilespmem:$0x19400] =	vst v63  }
0x235: {  	_ =	swait.ge [sflag:s15], $0x2000  }
0x236: {  	[sflag:s15] =	ssyncset.done $0x0  }
0x237: {  	[sflag:s15] =	ssyncadd.s32 $0xFFFFE000  }
0x238: {  	_ =	swait.ge [sflag:s15], $0x2000  }
0x239: {  	[sflag:s15] =	ssyncset.done $0x0  }
0x23a: {  	[sflag:s15] =	ssyncadd.s32 $0xFFFFE000  }
0x23b: {  	_ =	swait.ge [sflag:s15], $0x2000  }
0x23c: {  	[sflag:s15] =	ssyncset.done $0x0  }
0x23d: {  	[sflag:s15] =	ssyncadd.s32 $0xFFFFE000  }
0x23e: {  	_ =	swait.ge [sflag:s15], $0x2000  }
0x23f: {  	[sflag:s15] =	ssyncset.done $0x0  }
0x240: {  	[sflag:s15] =	ssyncadd.s32 $0xFFFFE000  }
0x241: {  	[tilespmem:s6], [sflag:$0x1] =	stream.indirect.gather [spmem:s2], $0x80, s23, s5, $0xb8;
	[tilespmem:$0x19400] =	vst v63  }
0x242: {  	_ = 	snop  }
0x243: {  	[tilespmem:s7], [sflag:$0x1] =	stream.indirect.gather [spmem:s2], $0x80, s24, s5, $0xb8;
	[tilespmem:$0x19400] =	vst v63  }
0x244: {  	_ = 	snop  }
0x245: {  	[tilespmem:s8], [sflag:$0x1] =	stream.indirect.gather [spmem:s2], $0x80, s25, s5, $0xb8;
	[tilespmem:$0x19400] =	vst v63  }
0x246: {  	_ = 	snop  }
0x247: {  	[tilespmem:s9], [sflag:$0x1] =	stream.indirect.gather [spmem:s2], $0x80, s26, s5, $0xb8;
	[tilespmem:$0x19400] =	vst v63  }
0x248: {  	_ =	swait.ge [sflag:s10], $0x2000  }
0x249: {  	[sflag:s10] =	ssyncset.done $0x0  }
0x24a: {  	s16 =	rddreg [dreg:$0x1f];
	[sflag:s10] =	ssyncadd.s32 $0xFFFFE000  }
0x24b: {  	[hbm4b:s16+s3] =	stream.linear.scatter [tilespmem:s6], [sflag:$0x2], $0x2000, $0x38;
	[tilespmem:$0x19400] =	vst v63  }
0x24c: {  	_ =	swait.ge [sflag:s10], $0x2000  }
0x24d: {  	s17 =	sld [smem:$0x7F7]  }
0x24e: {  	[sflag:s10] =	ssyncset.done $0x0  }
0x24f: {  	[sflag:s10] =	ssyncadd.s32 $0xFFFFE000  }
0x250: {  	[hbm4b:s17+s3] =	stream.linear.scatter [tilespmem:s7], [sflag:$0x2], $0x2000, $0x38;
	[tilespmem:$0x19400] =	vst v63  }
0x251: {  	_ =	swait.ge [sflag:s10], $0x2000  }
0x252: {  	s16 =	sld [smem:$0x7F8]  }
0x253: {  	[sflag:s10] =	ssyncset.done $0x0  }
0x254: {  	[sflag:s10] =	ssyncadd.s32 $0xFFFFE000  }
0x255: {  	[hbm4b:s16+s3] =	stream.linear.scatter [tilespmem:s8], [sflag:$0x2], $0x2000, $0x38;
	[tilespmem:$0x19400] =	vst v63  }
0x256: {  	_ =	swait.ge [sflag:s10], $0x2000  }
0x257: {  	s17 =	sld [smem:$0x7F9]  }
0x258: {  	[sflag:s10] =	ssyncset.done $0x0  }
0x259: {  	[sflag:s10] =	ssyncadd.s32 $0xFFFFE000  }
0x25a: {  	[hbm4b:s17+s3] =	stream.linear.scatter [tilespmem:s9], [sflag:$0x2], $0x2000, $0x38;
	[tilespmem:$0x19400] =	vst v63  }
0x25b: {  	_ =	swait.ge [sflag:s15], $0x2000  }
0x25c: {  	[sflag:s15] =	ssyncset.done $0x0  }
0x25d: {  	[sflag:s15] =	ssyncadd.s32 $0xFFFFE000  }
0x25e: {  	_ =	swait.ge [sflag:s15], $0x2000  }
0x25f: {  	[sflag:s15] =	ssyncset.done $0x0  }
0x260: {  	[sflag:s15] =	ssyncadd.s32 $0xFFFFE000  }
0x261: {  	_ =	swait.ge [sflag:s15], $0x2000  }
0x262: {  	[sflag:s15] =	ssyncset.done $0x0  }
0x263: {  	[sflag:s15] =	ssyncadd.s32 $0xFFFFE000  }
0x264: {  	_ =	swait.ge [sflag:s15], $0x2000  }
0x265: {  	[sflag:s15] =	ssyncset.done $0x0  }
0x266: {  	[sflag:s15] =	ssyncadd.s32 $0xFFFFE000  }
0x267: {  	[tilespmem:s11], [sflag:$0x1] =	stream.indirect.gather [spmem:s2], $0x80, s28, s5, $0xb8;
	[tilespmem:$0x19400] =	vst v63  }
0x268: {  	_ = 	snop  }
0x269: {  	[tilespmem:s12], [sflag:$0x1] =	stream.indirect.gather [spmem:s2], $0x80, s29, s5, $0xb8;
	[tilespmem:$0x19400] =	vst v63  }
0x26a: {  	_ = 	snop  }
0x26b: {  	[tilespmem:s13], [sflag:$0x1] =	stream.indirect.gather [spmem:s2], $0x80, s30, s5, $0xb8;
	[tilespmem:$0x19400] =	vst v63  }
0x26c: {  	_ = 	snop  }
0x26d: {  	[tilespmem:s14], [sflag:$0x1] =	stream.indirect.gather [spmem:s2], $0x80, s31, s5, $0xb8;
	[tilespmem:$0x19400] =	vst v63  }
0x26e: {  	_ =	swait.ge [sflag:s10], $0x2000  }
0x26f: {  	s16 =	sld [smem:$0x7FA]  }
0x270: {  	[sflag:s10] =	ssyncset.done $0x0  }
0x271: {  	[sflag:s10] =	ssyncadd.s32 $0xFFFFE000  }
0x272: {  	[hbm4b:s16+s3] =	stream.linear.scatter [tilespmem:s11], [sflag:$0x2], $0x2000, $0x38;
	[tilespmem:$0x19400] =	vst v63  }
0x273: {  	_ =	swait.ge [sflag:s10], $0x2000  }
0x274: {  	s17 =	sld [smem:$0x7FB]  }
0x275: {  	[sflag:s10] =	ssyncset.done $0x0  }
0x276: {  	[sflag:s10] =	ssyncadd.s32 $0xFFFFE000  }
0x277: {  	[hbm4b:s17+s3] =	stream.linear.scatter [tilespmem:s12], [sflag:$0x2], $0x2000, $0x38;
	[tilespmem:$0x19400] =	vst v63  }
0x278: {  	_ =	swait.ge [sflag:s10], $0x2000  }
0x279: {  	s16 =	sld [smem:$0x7FC]  }
0x27a: {  	[sflag:s10] =	ssyncset.done $0x0  }
0x27b: {  	[sflag:s10] =	ssyncadd.s32 $0xFFFFE000  }
0x27c: {  	[hbm4b:s16+s3] =	stream.linear.scatter [tilespmem:s13], [sflag:$0x2], $0x2000, $0x38;
	[tilespmem:$0x19400] =	vst v63  }
0x27d: {  	_ =	swait.ge [sflag:s10], $0x2000  }
0x27e: {  	s17 =	sld [smem:$0x7FD]  }
0x27f: {  	[sflag:s10] =	ssyncset.done $0x0  }
0x280: {  	[sflag:s10] =	ssyncadd.s32 $0xFFFFE000  }
0x281: {  	[hbm4b:s17+s3] =	stream.linear.scatter [tilespmem:s14], [sflag:$0x2], $0x2000, $0x38;
	[tilespmem:$0x19400] =	vst v63  }
0x282: {  	_ =	swait.ge [sflag:s15], $0x2000  }
0x283: {  	[sflag:s15] =	ssyncset.done $0x0  }
0x284: {  	[sflag:s15] =	ssyncadd.s32 $0xFFFFE000  }
0x285: {  	_ =	swait.ge [sflag:s15], $0x2000  }
0x286: {  	[sflag:s15] =	ssyncset.done $0x0  }
0x287: {  	[sflag:s15] =	ssyncadd.s32 $0xFFFFE000  }
0x288: {  	_ =	swait.ge [sflag:s15], $0x2000  }
0x289: {  	[sflag:s15] =	ssyncset.done $0x0  }
0x28a: {  	[sflag:s15] =	ssyncadd.s32 $0xFFFFE000  }
0x28b: {  	_ =	swait.ge [sflag:s15], $0x2000  }
0x28c: {  	[sflag:s15] =	ssyncset.done $0x0  }
0x28d: {  	[sflag:s15] =	ssyncadd.s32 $0xFFFFE000  }
0x28e: {  	_ =	swait.ge [sflag:s15], $0x2000  }
0x28f: {  	[sflag:s15] =	ssyncset.done $0x0  }
0x290: {  	[sflag:s15] =	ssyncadd.s32 $0xFFFFE000  }
0x291: {  	p0 =	sne.s32 s0, $0x1;
	_ =	swait.ge [sflag:s15], $0x2000  }
.Ltmp1:
0x292: {  	[sflag:s15] =	ssyncset.done $0x0;
	(pc) =	sbr.rel @p0 .LBB2_1-.Ltmp1, $4  }
0x293: {  	[sflag:s15] =	ssyncadd.s32 $0xFFFFE000  }
0x294: {  	_ =	swait.ge [sflag:s15], $0x2000  }
0x295: {  	[sflag:s15] =	ssyncset.done $0x0  }
0x296: {  	s0 =	sadd.s32 $0xFFFFFFFF, s0;
	[sflag:s15] =	ssyncadd.s32 $0xFFFFE000  }
.LBB2_2:
0x297: {  	_ =	swait.ge [sflag:s15], $0x2000  }
0x298: {  	[sflag:s15] =	ssyncset.done $0x0  }
0x299: {  	[sflag:s15] =	ssyncadd.s32 $0xFFFFE000  }
0x29a: {  	_ =	sfence.sel $0x180000  }
0x29b: {  	[bflag:$0x0] =	sbarrier.arrive $0xFFFF  }
0x29c: {  	_ =	strace $0x90000047  }
0x29d: {  	s0 =	stileid.u32;
	[bflag:$0x2] =	sbarrier.arrive $0xFFFF  }
0x29e: {  	p0 =	sne.s32 s0, $0x0;
	s0 =	rddreg [dreg:$0x3]  }
0x29f: {  	s0 =	sadd.s32 @!p0 $0x100000, s0  }
0x2a0: {  	[sflag:s0] =	ssyncadd.tile.s32 @!p0 $0x1;
	_ =	shalt  }
.Lfunc_end2:
_tile_overlayer_lowered:
.L_overlay_start_2:
0x2a1: {  	(tag) =	ssettag $0x2  }
0x2a2: {  	s0 =	rddreg [dreg:$0x0];
	s2 =	stileid.u32  }
0x2a3: {  	s1 =	rddreg [dreg:$0x1];
	p0 =	sne.s32 s2, $0x0  }
0x2a4: {  	s3 =	rddreg [dreg:$0x2];
	[bflag:$0x3] =	sbarrier.arrive $0xFFFF;
	s2 =	simm.s32 @!p0 $0x1C03  }
0x2a5: {  	[timem:s3], [sflag:s2] =	dma.local @!p0 [hbm:s0], s1  }
0x2a6: {  	s0 =	simm.s32 @!p0 $0x3  }
0x2a7: {  	_ =	swait.ge @!p0 [sflag:s0], s1  }
0x2a8: {  	s1 =	ssub.s32 @!p0 $0x0, s1;
	[sflag:s0] =	ssyncset.done @!p0 $0x0  }
0x2a9: {  	[sflag:s0] =	ssyncadd.s32 @!p0 s1  }
0x2aa: {  	[bflag:$0x3] =	sbarrier.arrive $0xFFFF  }
0x2ab: {  	_ =	shalt  }

</sc_bundles>
